<compile_context>
chip_gen: v7x
topology: tpu7x:2x2x1
jax: 0.10.2.dev20260603
libtpu: 0.0.44.dev20260713+nightly
codegen_flags: <defaults>
</compile_context>

<pallas_src>
import functools

import jax
import jax.numpy as jnp
from jax import lax
from jax.experimental import pallas as pl
from jax.experimental.pallas import tpu as pltpu
from jax.experimental.pallas import tpu_sc as plsc

_B, _C, _H, _W, _K = 64, 2, 512, 512, 500
_NW = 32
_BPW = _B // _NW
_ELEMS = _BPW * _K * _C
_NCHUNK = _ELEMS // 16
_ROWS = _BPW * _C * _H
_PROWS = 64
_NPASS = _ROWS // _PROWS
_KPAD = 512


def _sc_partials(out4, ind, mask):
  mesh = plsc.VectorSubcoreMesh(core_axis_name="c", subcore_axis_name="s")

  @functools.partial(
      pl.kernel,
      out_type=(jax.ShapeDtypeStruct((_NW, _ELEMS), jnp.float32),
                jax.ShapeDtypeStruct((_NW, _ELEMS), jnp.float32)),
      mesh=mesh,
      compiler_params=pltpu.CompilerParams(needs_layout_passes=False),
      scratch_types=[
          pltpu.VMEM((_BPW * _K,), jnp.int32),
          pltpu.VMEM((_BPW * _K,), jnp.int32),
          pltpu.VMEM((_ELEMS,), jnp.float32),
          pltpu.VMEM((_ELEMS,), jnp.float32),
          pltpu.VMEM((_ELEMS,), jnp.int32),
          pltpu.VMEM((_ELEMS + 48,), jnp.int32),
          pltpu.VMEM((_NPASS,), jnp.int32),
          pltpu.VMEM((_NPASS,), jnp.int32),
          pltpu.VMEM((_PROWS, _W), jnp.float32),
          pltpu.VMEM((_PROWS, _W), jnp.float32),
          pltpu.SemaphoreType.DMA,
          pltpu.SemaphoreType.DMA,
      ],
  )
  def k(out4_hbm, ind_hbm, mask_hbm, predm_hbm, mexp_hbm,
        ind_v, mask_v, pred_v, mgx_v, pid_v, bidx_v, counts_v, ptr_v,
        buf0, buf1, sem0, sem1):
    out2 = out4_hbm.reshape(_B * _C * _H, _W)
    wid = lax.axis_index("c") * 16 + lax.axis_index("s")
    pltpu.sync_copy(ind_hbm.at[wid], ind_v)
    pltpu.sync_copy(mask_hbm.at[wid], mask_v)

    iota = lax.iota(jnp.int32, 16)
    zero = jnp.zeros((16,), jnp.float32)
    izero = jnp.zeros((16,), jnp.int32)
    counts_v[pl.ds(0, 16)] = izero
    counts_v[pl.ds(16, 16)] = izero

    def elem_fields(j):
      p = j >> 1
      ch = j & 1
      bl = (j * 33555) >> 25
      return p, ch, bl

    def build(i, _):
      j = i * 16 + iota
      p2, ch, bl = elem_fields(j)
      hw = plsc.load_gather(ind_v, [p2])
      mg = plsc.load_gather(mask_v, [p2]).astype(jnp.float32)
      lr = ((bl * _C + ch) << 9) + (hw >> 9)
      pid = lr >> 6
      pid_v[pl.ds(i * 16, 16)] = pid
      mgx_v[pl.ds(i * 16, 16)] = mg
      cnt, last = plsc.scan_count(pid)
      plsc.addupdate_scatter(counts_v, [pid], cnt, mask=last)
      return 0

    lax.fori_loop(0, _NCHUNK, build, 0)

    c0 = counts_v[pl.ds(0, 16)]
    c1 = counts_v[pl.ds(16, 16)]
    incl0 = plsc.cumsum(c0)
    incl1 = plsc.cumsum(c1)
    excl0 = incl0 - c0
    tot0 = incl0[15]
    g1 = (incl1 - c1) + tot0
    h1 = incl1 + tot0
    ptr_v[pl.ds(0, 16)] = excl0
    ptr_v[pl.ds(16, 16)] = g1

    def place(i, _):
      j = i * 16 + iota
      pid = pid_v[pl.ds(i * 16, 16)]
      cnt, last = plsc.scan_count(pid)
      base = plsc.load_gather(ptr_v, [pid])
      plsc.store_scatter(bidx_v, [base + cnt - 1], j)
      plsc.store_scatter(ptr_v, [pid], base + cnt, mask=last)
      return 0

    lax.fori_loop(0, _NCHUNK, place, 0)

    def launch(pss, buf, sem):
      base = pl.multiple_of(wid * _ROWS + pss * _PROWS, _PROWS)
      return pltpu.async_copy(out2.at[pl.ds(base, _PROWS)], buf, sem)

    bufs = (buf0, buf1)
    sems = (sem0, sem1)
    cps = [launch(0, buf0, sem0), None]

    def sweep(buf, start, end):
      def body(c, _):
        j16 = start + c * 16 + iota
        valid = j16 < end
        eid = plsc.load_gather(bidx_v, [j16 & 2047])
        eid = jnp.minimum(eid & 2047, _ELEMS - 1)
        p2, ch, bl = elem_fields(eid)
        hw = plsc.load_gather(ind_v, [p2])
        mg = plsc.load_gather(mask_v, [p2]).astype(jnp.float32)
        lrow = (((bl * _C + ch) << 9) + (hw >> 9)) & (_PROWS - 1)
        val = plsc.load_gather(buf, [lrow, hw & (_W - 1)])
        plsc.store_scatter(pred_v, [eid], val * mg, mask=valid)
        return 0
      return body

    for pss in range(_NPASS):
      cur = pss & 1
      cps[cur].wait()
      if pss + 1 < _NPASS:
        nxt = (pss + 1) & 1
        cps[nxt] = launch(pss + 1, bufs[nxt], sems[nxt])
      start = excl0[pss] if pss < 16 else g1[pss - 16]
      end = incl0[pss] if pss < 16 else h1[pss - 16]
      nch = (end - start + 15) >> 4
      lax.fori_loop(0, nch, sweep(bufs[cur], start, end), 0)

    pltpu.sync_copy(pred_v, predm_hbm.at[wid])
    pltpu.sync_copy(mgx_v, mexp_hbm.at[wid])

  return k(out4, ind, mask)


def _finalize(predm, mexp, tgt2):
  def body(pm_ref, mx_ref, tg_ref, o_ref):
    pm = pm_ref[...]
    mx = mx_ref[...]
    tg = tg_ref[...]
    o_ref[0, 0] = jnp.sum(jnp.abs(pm - tg * mx)) / (jnp.sum(mx) + 0.0001)

  return pl.pallas_call(
      body,
      out_shape=jax.ShapeDtypeStruct((1, 1), jnp.float32),
      out_specs=pl.BlockSpec(memory_space=pltpu.SMEM),
  )(predm, mexp, tgt2)


def kernel(output, mask, ind, target):
  ind2 = ind.reshape(_NW, _BPW * _K)
  mask2 = mask.reshape(_NW, _BPW * _K)
  tgt2 = target.reshape(_NW, _ELEMS)
  predm, mexp = _sc_partials(output, ind2, mask2)
  return _finalize(predm, mexp, tgt2)[0, 0]

# --- scband reference (transcript-rebuilt; emitter-appended) ---
"""Pipeline reference for scband-reg-l1-loss-76905684402612 (READ-ONLY COPY).

The authoritative reference and input builder live on the scoring server;
editing this copy changes nothing except your own understanding.
"""

import jax, jax.numpy as jnp
import numpy as np


def setup_inputs(seed: int = 0) -> dict:
    key = jax.random.key(seed)
    k1, k2, k3, k4 = jax.random.split(key, 4)
    B, C, H, W, K = 64, 2, 512, 512, 500
    output = jax.random.normal(k1, (B, C, H, W), dtype=jnp.float32)
    mask = jax.random.randint(k2, (B, K), 0, 2, dtype=jnp.int32)
    ind = jax.random.randint(k3, (B, K), 0, H * W, dtype=jnp.int32)
    target = jax.random.normal(k4, (B, K, C), dtype=jnp.float32)
    return {"output": output, "mask": mask, "ind": ind, "target": target}


def reference(output, mask, ind, target):
    B, C, H, W = output.shape
    K = ind.shape[1]
    # _transpose_and_gather_feat: [B,C,H,W] -> [B,H*W,C] -> gather at ind -> [B,K,C]
    feat = jnp.transpose(output, (0, 2, 3, 1)).reshape(B, H * W, C)
    idx = jnp.broadcast_to(ind[:, :, None], (B, K, C))
    pred = jnp.take_along_axis(feat, idx, axis=1)
    m = jnp.broadcast_to(mask.astype(jnp.float32)[:, :, None], pred.shape)
    loss = jnp.sum(jnp.abs(pred * m - target * m))
    loss = loss / (jnp.sum(m) + 0.0001)
    return loss

if __name__ == "__main__":
    import jax
    _d = setup_inputs()
    print(jax.jit(kernel)(*tuple(_d.values())))

</pallas_src>

<mosaic_0001>
#map = affine_map<(d0, d1) -> (0, 0, 0, 0)>
#map1 = affine_map<(d0, d1) -> (0, 0)>
module attributes {stable_mosaic.version = 14 : i64} {
  func.func @k(%arg0: i32, %arg1: i32, %arg2: memref<64x2x512x512xf32, #tpu.memory_space<hbm>>, %arg3: memref<32x1000xi32, #tpu.memory_space<hbm>>, %arg4: memref<32x1000xi32, #tpu.memory_space<hbm>>, %arg5: memref<32x2000xf32, #tpu.memory_space<hbm>>, %arg6: memref<32x2000xf32, #tpu.memory_space<hbm>>, %arg7: memref<1000xi32, #tpu.memory_space<vmem>>, %arg8: memref<1000xi32, #tpu.memory_space<vmem>>, %arg9: memref<2000xf32, #tpu.memory_space<vmem>>, %arg10: memref<2000xf32, #tpu.memory_space<vmem>>, %arg11: memref<2000xi32, #tpu.memory_space<vmem>>, %arg12: memref<2048xi32, #tpu.memory_space<vmem>>, %arg13: memref<32xi32, #tpu.memory_space<vmem>>, %arg14: memref<32xi32, #tpu.memory_space<vmem>>, %arg15: memref<64x512xf32, #tpu.memory_space<vmem>>, %arg16: memref<64x512xf32, #tpu.memory_space<vmem>>, %arg17: memref<!tpu.dma_semaphore, #tpu.memory_space<semaphore_mem>>, %arg18: memref<!tpu.dma_semaphore, #tpu.memory_space<semaphore_mem>>) attributes {dimension_semantics = [#tpu.dimension_semantics<core_parallel>, #tpu.dimension_semantics<subcore_parallel>], iteration_bounds = array<i64: 2, 16>, scalar_prefetch = 0 : i64, scratch_operands = 12 : i64, tpu.core_type = #tpu.core_type<sc_vector_subcore>, window_params = [{transform_indices = #map}, {transform_indices = #map1}, {transform_indices = #map1}, {transform_indices = #map1}, {transform_indices = #map1}]} {
    %mul3A = arith.constant 16 : i32
    %mul3A_0 = arith.muli %arg0, %mul3A : i32
    %add3A = arith.addi %mul3A_0, %arg1 : i32
    "tpu.region"() ({
      %run_scoped3A = tpu.sem_alloc : memref<!tpu.dma_semaphore, #tpu.memory_space<semaphore_mem>>
      %dma_start3A_1248 = arith.constant 0 : i32
      %dma_start3A_1249 = tpu.memref_slice %arg3[%add3A, %dma_start3A_1248] : memref<32x1000xi32, #tpu.memory_space<hbm>> -> memref<1x1000xi32, #tpu.memory_space<hbm>>
      %dma_start3A_1250 = tpu.memref_squeeze %dma_start3A_1249 : memref<1x1000xi32, #tpu.memory_space<hbm>> -> memref<1000xi32, #tpu.memory_space<hbm>>
      %dma_start3A_1251 = arith.constant 0 : i32
      %dma_start3A_1252 = tpu.memref_slice %arg3[%add3A, %dma_start3A_1251] : memref<32x1000xi32, #tpu.memory_space<hbm>> -> memref<1x1000xi32, #tpu.memory_space<hbm>>
      %dma_start3A_1253 = tpu.memref_squeeze %dma_start3A_1252 : memref<1x1000xi32, #tpu.memory_space<hbm>> -> memref<1000xi32, #tpu.memory_space<hbm>>
      tpu.enqueue_dma source(%dma_start3A_1253 : memref<1000xi32, #tpu.memory_space<hbm>>) target(%arg7 : memref<1000xi32, #tpu.memory_space<vmem>>) target_semaphore(%run_scoped3A : memref<!tpu.dma_semaphore, #tpu.memory_space<semaphore_mem>>)
      %dma_wait3A_1254 = arith.constant 0 : i32
      %dma_wait3A_1255 = tpu.memref_slice %arg3[%add3A, %dma_wait3A_1254] : memref<32x1000xi32, #tpu.memory_space<hbm>> -> memref<1x1000xi32, #tpu.memory_space<hbm>>
      %dma_wait3A_1256 = tpu.memref_squeeze %dma_wait3A_1255 : memref<1x1000xi32, #tpu.memory_space<hbm>> -> memref<1000xi32, #tpu.memory_space<hbm>>
      %dma_wait3A_1257 = arith.constant 0 : i32
      %dma_wait3A_1258 = tpu.memref_slice %arg3[%add3A, %dma_wait3A_1257] : memref<32x1000xi32, #tpu.memory_space<hbm>> -> memref<1x1000xi32, #tpu.memory_space<hbm>>
      %dma_wait3A_1259 = tpu.memref_squeeze %dma_wait3A_1258 : memref<1x1000xi32, #tpu.memory_space<hbm>> -> memref<1000xi32, #tpu.memory_space<hbm>>
      tpu.wait_dma2 semaphore(%run_scoped3A : memref<!tpu.dma_semaphore, #tpu.memory_space<semaphore_mem>>) src(%dma_wait3A_1259 : memref<1000xi32, #tpu.memory_space<hbm>>) dst(%arg7 : memref<1000xi32, #tpu.memory_space<vmem>>)
      tpu.yield
    }) : () -> ()
    "tpu.region"() ({
      %run_scoped3A = tpu.sem_alloc : memref<!tpu.dma_semaphore, #tpu.memory_space<semaphore_mem>>
      %dma_start3A_1248 = arith.constant 0 : i32
      %dma_start3A_1249 = tpu.memref_slice %arg4[%add3A, %dma_start3A_1248] : memref<32x1000xi32, #tpu.memory_space<hbm>> -> memref<1x1000xi32, #tpu.memory_space<hbm>>
      %dma_start3A_1250 = tpu.memref_squeeze %dma_start3A_1249 : memref<1x1000xi32, #tpu.memory_space<hbm>> -> memref<1000xi32, #tpu.memory_space<hbm>>
      %dma_start3A_1251 = arith.constant 0 : i32
      %dma_start3A_1252 = tpu.memref_slice %arg4[%add3A, %dma_start3A_1251] : memref<32x1000xi32, #tpu.memory_space<hbm>> -> memref<1x1000xi32, #tpu.memory_space<hbm>>
      %dma_start3A_1253 = tpu.memref_squeeze %dma_start3A_1252 : memref<1x1000xi32, #tpu.memory_space<hbm>> -> memref<1000xi32, #tpu.memory_space<hbm>>
      tpu.enqueue_dma source(%dma_start3A_1253 : memref<1000xi32, #tpu.memory_space<hbm>>) target(%arg8 : memref<1000xi32, #tpu.memory_space<vmem>>) target_semaphore(%run_scoped3A : memref<!tpu.dma_semaphore, #tpu.memory_space<semaphore_mem>>)
      %dma_wait3A_1254 = arith.constant 0 : i32
      %dma_wait3A_1255 = tpu.memref_slice %arg4[%add3A, %dma_wait3A_1254] : memref<32x1000xi32, #tpu.memory_space<hbm>> -> memref<1x1000xi32, #tpu.memory_space<hbm>>
      %dma_wait3A_1256 = tpu.memref_squeeze %dma_wait3A_1255 : memref<1x1000xi32, #tpu.memory_space<hbm>> -> memref<1000xi32, #tpu.memory_space<hbm>>
      %dma_wait3A_1257 = arith.constant 0 : i32
      %dma_wait3A_1258 = tpu.memref_slice %arg4[%add3A, %dma_wait3A_1257] : memref<32x1000xi32, #tpu.memory_space<hbm>> -> memref<1x1000xi32, #tpu.memory_space<hbm>>
      %dma_wait3A_1259 = tpu.memref_squeeze %dma_wait3A_1258 : memref<1x1000xi32, #tpu.memory_space<hbm>> -> memref<1000xi32, #tpu.memory_space<hbm>>
      tpu.wait_dma2 semaphore(%run_scoped3A : memref<!tpu.dma_semaphore, #tpu.memory_space<semaphore_mem>>) src(%dma_wait3A_1259 : memref<1000xi32, #tpu.memory_space<hbm>>) dst(%arg8 : memref<1000xi32, #tpu.memory_space<vmem>>)
      tpu.yield
    }) : () -> ()
    %iota3A = tpu.iota {dimensions = array<i32: 0>} : vector<16xi32>
    %broadcast_in_dim3A = arith.constant 0.000000e+00 : f32
    %broadcast_in_dim3A_1 = vector.broadcast %broadcast_in_dim3A : f32 to vector<16xf32>
    %broadcast_in_dim3A_2 = arith.constant 0 : i32
    %broadcast_in_dim3A_3 = vector.broadcast %broadcast_in_dim3A_2 : i32 to vector<16xi32>
    %swap3A = arith.constant 0 : index
    %swap3A_4 = tpu.vector_load %arg13[%swap3A] {strides = array<i32>} : memref<32xi32, #tpu.memory_space<vmem>>, vector<16xi32>,
    tpu.vector_store %arg13[%swap3A], %broadcast_in_dim3A_3 {strides = array<i32>} : memref<32xi32, #tpu.memory_space<vmem>>, vector<16xi32>,
    %swap3A_5 = arith.constant 16 : index
    %swap3A_6 = tpu.vector_load %arg13[%swap3A_5] {strides = array<i32>} : memref<32xi32, #tpu.memory_space<vmem>>, vector<16xi32>,
    tpu.vector_store %arg13[%swap3A_5], %broadcast_in_dim3A_3 {strides = array<i32>} : memref<32xi32, #tpu.memory_space<vmem>>, vector<16xi32>,
    %scan3A = arith.constant 0 : i32
    %scan3A_7 = arith.constant 0 : i32
    %scan3A_8 = arith.constant 125 : i32
    %scan3A_9 = arith.addi %scan3A_7, %scan3A_8 : i32
    %scan3A_10 = arith.constant 1 : i32
    %scan3A_11 = scf.for %scan3A_1248 = %scan3A_7 to %scan3A_9 step %scan3A_10 iter_args(%scan3A_1249 = %scan3A) -> (i32)  : i32 {
      %mul3A_1250 = arith.constant 16 : i32
      %mul3A_1251 = arith.muli %scan3A_1248, %mul3A_1250 : i32
      %add3A_1252 = vector.broadcast %mul3A_1251 : i32 to vector<16xi32>
      %add3A_1253 = arith.addi %add3A_1252, %iota3A : vector<16xi32>
      %shift_right_arithmetic3A_1254 = arith.constant 1 : i32
      %shift_right_arithmetic3A_1255 = vector.broadcast %shift_right_arithmetic3A_1254 : i32 to vector<16xi32>
      %shift_right_arithmetic3A_1256 = arith.shrsi %add3A_1253, %shift_right_arithmetic3A_1255 : vector<16xi32>
      %and3A = arith.constant 1 : i32
      %and3A_1257 = vector.broadcast %and3A : i32 to vector<16xi32>
      %and3A_1258 = arith.andi %add3A_1253, %and3A_1257 : vector<16xi32>
      %mul3A_1259 = arith.constant 33555 : i32
      %mul3A_1260 = vector.broadcast %mul3A_1259 : i32 to vector<16xi32>
      %mul3A_1261 = arith.muli %add3A_1253, %mul3A_1260 : vector<16xi32>
      %shift_right_arithmetic3A_1262 = arith.constant 25 : i32
      %shift_right_arithmetic3A_1263 = vector.broadcast %shift_right_arithmetic3A_1262 : i32 to vector<16xi32>
      %shift_right_arithmetic3A_1264 = arith.shrsi %mul3A_1261, %shift_right_arithmetic3A_1263 : vector<16xi32>
      %gather3A = tpu.vector_load_idx %arg7[%shift_right_arithmetic3A_1256] : memref<1000xi32, #tpu.memory_space<vmem>>[vector<16xi32>], vector<16xi32>,
      %gather3A_1265 = tpu.vector_load_idx %arg8[%shift_right_arithmetic3A_1256] : memref<1000xi32, #tpu.memory_space<vmem>>[vector<16xi32>], vector<16xi32>,
      %convert_element_type3A = arith.sitofp %gather3A_1265 : vector<16xi32> to vector<16xf32>
      %mul3A_1266 = arith.constant 2 : i32
      %mul3A_1267 = vector.broadcast %mul3A_1266 : i32 to vector<16xi32>
      %mul3A_1268 = arith.muli %shift_right_arithmetic3A_1264, %mul3A_1267 : vector<16xi32>
      %add3A_1269 = arith.addi %mul3A_1268, %and3A_1258 : vector<16xi32>
      %shift_left3A = arith.constant 9 : i32
      %shift_left3A_1270 = vector.broadcast %shift_left3A : i32 to vector<16xi32>
      %shift_left3A_1271 = arith.shli %add3A_1269, %shift_left3A_1270 : vector<16xi32>
      %shift_right_arithmetic3A_1272 = arith.constant 9 : i32
      %shift_right_arithmetic3A_1273 = vector.broadcast %shift_right_arithmetic3A_1272 : i32 to vector<16xi32>
      %shift_right_arithmetic3A_1274 = arith.shrsi %gather3A, %shift_right_arithmetic3A_1273 : vector<16xi32>
      %add3A_1275 = arith.addi %shift_left3A_1271, %shift_right_arithmetic3A_1274 : vector<16xi32>
      %shift_right_arithmetic3A_1276 = arith.constant 6 : i32
      %shift_right_arithmetic3A_1277 = vector.broadcast %shift_right_arithmetic3A_1276 : i32 to vector<16xi32>
      %shift_right_arithmetic3A_1278 = arith.shrsi %add3A_1275, %shift_right_arithmetic3A_1277 : vector<16xi32>
      %mul3A_1279 = arith.constant 16 : i32
      %mul3A_1280 = arith.muli %scan3A_1248, %mul3A_1279 : i32
      %swap3A_1281 = arith.index_cast %mul3A_1280 : i32 to index
      %swap3A_1282 = tpu.vector_load %arg11[%swap3A_1281] {strides = array<i32>} : memref<2000xi32, #tpu.memory_space<vmem>>, vector<16xi32>,
      tpu.vector_store %arg11[%swap3A_1281], %shift_right_arithmetic3A_1278 {strides = array<i32>} : memref<2000xi32, #tpu.memory_space<vmem>>, vector<16xi32>,
      %mul3A_1283 = arith.constant 16 : i32
      %mul3A_1284 = arith.muli %scan3A_1248, %mul3A_1283 : i32
      %swap3A_1285 = arith.index_cast %mul3A_1284 : i32 to index
      %swap3A_1286 = tpu.vector_load %arg10[%swap3A_1285] {strides = array<i32>} : memref<2000xf32, #tpu.memory_space<vmem>>, vector<16xf32>,
      tpu.vector_store %arg10[%swap3A_1285], %convert_element_type3A {strides = array<i32>} : memref<2000xf32, #tpu.memory_space<vmem>>, vector<16xf32>,
      %broadcast_in_dim3A_1287 = arith.constant true
      %broadcast_in_dim3A_1288 = vector.broadcast %broadcast_in_dim3A_1287 : i1 to vector<16xi1>
      %unique3A, %unique3A_1289 = tpu.scan_count mask(%broadcast_in_dim3A_1288 : vector<16xi1>) value(%shift_right_arithmetic3A_1278 : vector<16xi32>) : vector<16xi1>, vector<16xi32>
      tpu.vector_store_idx %arg13[%shift_right_arithmetic3A_1278], %unique3A_1289 masked %unique3A {add = true} : memref<32xi32, #tpu.memory_space<vmem>>[vector<16xi32>], vector<16xi32>, vector<16xi1>
      %scan3A_1290 = arith.constant 0 : i32
      scf.yield %scan3A_1290 : i32
    }
    %scan3A_12 = arith.constant 125 : i32
    %get3A = arith.constant 0 : index
    %get3A_13 = tpu.vector_load %arg13[%get3A] {strides = array<i32>} : memref<32xi32, #tpu.memory_space<vmem>>, vector<16xi32>,
    %get3A_14 = arith.constant 16 : index
    %get3A_15 = tpu.vector_load %arg13[%get3A_14] {strides = array<i32>} : memref<32xi32, #tpu.memory_space<vmem>>, vector<16xi32>,
    %broadcast_in_dim3A_16 = arith.constant true
    %broadcast_in_dim3A_17 = vector.broadcast %broadcast_in_dim3A_16 : i1 to vector<16xi1>
    %masked_cumsum3A = tpu.scan <sum>, %get3A_13 masked %broadcast_in_dim3A_17 : vector<16xi32>, vector<16xi1> -> vector<16xi32>
    %broadcast_in_dim3A_18 = arith.constant true
    %broadcast_in_dim3A_19 = vector.broadcast %broadcast_in_dim3A_18 : i1 to vector<16xi1>
    %masked_cumsum3A_20 = tpu.scan <sum>, %get3A_15 masked %broadcast_in_dim3A_19 : vector<16xi32>, vector<16xi1> -> vector<16xi32>
    %sub3A = arith.subi %masked_cumsum3A, %get3A_13 : vector<16xi32>
    %slice3A = vector.extract_strided_slice %masked_cumsum3A {offsets = [15], sizes = [1], strides = [1]} : vector<16xi32> to vector<1xi32>
    %squeeze3A = vector.extract %slice3A[0] : i32 from vector<1xi32>
    %sub3A_21 = arith.subi %masked_cumsum3A_20, %get3A_15 : vector<16xi32>
    %add3A_22 = vector.broadcast %squeeze3A : i32 to vector<16xi32>
    %add3A_23 = arith.addi %sub3A_21, %add3A_22 : vector<16xi32>
    %add3A_24 = vector.broadcast %squeeze3A : i32 to vector<16xi32>
    %add3A_25 = arith.addi %masked_cumsum3A_20, %add3A_24 : vector<16xi32>
    %swap3A_26 = arith.constant 0 : index
    %swap3A_27 = tpu.vector_load %arg14[%swap3A_26] {strides = array<i32>} : memref<32xi32, #tpu.memory_space<vmem>>, vector<16xi32>,
    tpu.vector_store %arg14[%swap3A_26], %sub3A {strides = array<i32>} : memref<32xi32, #tpu.memory_space<vmem>>, vector<16xi32>,
    %swap3A_28 = arith.constant 16 : index
    %swap3A_29 = tpu.vector_load %arg14[%swap3A_28] {strides = array<i32>} : memref<32xi32, #tpu.memory_space<vmem>>, vector<16xi32>,
    tpu.vector_store %arg14[%swap3A_28], %add3A_23 {strides = array<i32>} : memref<32xi32, #tpu.memory_space<vmem>>, vector<16xi32>,
    %scan3A_30 = arith.constant 0 : i32
    %scan3A_31 = arith.constant 0 : i32
    %scan3A_32 = arith.constant 125 : i32
    %scan3A_33 = arith.addi %scan3A_31, %scan3A_32 : i32
    %scan3A_34 = arith.constant 1 : i32
    %scan3A_35 = scf.for %scan3A_1248 = %scan3A_31 to %scan3A_33 step %scan3A_34 iter_args(%scan3A_1249 = %scan3A_30) -> (i32)  : i32 {
      %mul3A_1250 = arith.constant 16 : i32
      %mul3A_1251 = arith.muli %scan3A_1248, %mul3A_1250 : i32
      %add3A_1252 = vector.broadcast %mul3A_1251 : i32 to vector<16xi32>
      %add3A_1253 = arith.addi %add3A_1252, %iota3A : vector<16xi32>
      %mul3A_1254 = arith.constant 16 : i32
      %mul3A_1255 = arith.muli %scan3A_1248, %mul3A_1254 : i32
      %get3A_1256 = arith.index_cast %mul3A_1255 : i32 to index
      %get3A_1257 = tpu.vector_load %arg11[%get3A_1256] {strides = array<i32>} : memref<2000xi32, #tpu.memory_space<vmem>>, vector<16xi32>,
      %broadcast_in_dim3A_1258 = arith.constant true
      %broadcast_in_dim3A_1259 = vector.broadcast %broadcast_in_dim3A_1258 : i1 to vector<16xi1>
      %unique3A, %unique3A_1260 = tpu.scan_count mask(%broadcast_in_dim3A_1259 : vector<16xi1>) value(%get3A_1257 : vector<16xi32>) : vector<16xi1>, vector<16xi32>
      %gather3A = tpu.vector_load_idx %arg14[%get3A_1257] : memref<32xi32, #tpu.memory_space<vmem>>[vector<16xi32>], vector<16xi32>,
      %add3A_1261 = arith.addi %gather3A, %unique3A_1260 : vector<16xi32>
      %sub3A_1262 = arith.constant 1 : i32
      %sub3A_1263 = vector.broadcast %sub3A_1262 : i32 to vector<16xi32>
      %sub3A_1264 = arith.subi %add3A_1261, %sub3A_1263 : vector<16xi32>
      tpu.vector_store_idx %arg12[%sub3A_1264], %add3A_1253 : memref<2048xi32, #tpu.memory_space<vmem>>[vector<16xi32>], vector<16xi32>,
      %add3A_1265 = arith.addi %gather3A, %unique3A_1260 : vector<16xi32>
      tpu.vector_store_idx %arg14[%get3A_1257], %add3A_1265 masked %unique3A : memref<32xi32, #tpu.memory_space<vmem>>[vector<16xi32>], vector<16xi32>, vector<16xi1>
      %scan3A_1266 = arith.constant 0 : i32
      scf.yield %scan3A_1266 : i32
    }
    %scan3A_36 = arith.constant 125 : i32
    %mul3A_37 = arith.constant 2048 : i32
    %mul3A_38 = arith.muli %add3A, %mul3A_37 : i32
    %add3A_39 = arith.constant 0 : i32
    %add3A_40 = arith.addi %mul3A_38, %add3A_39 : i32
    %multiple_of3A = tpu.assume_multiple %add3A_40, 64 : i32
    %dma_start3A = tpu.memref_reshape %arg2 : memref<64x2x512x512xf32, #tpu.memory_space<hbm>> -> memref<65536x512xf32, #tpu.memory_space<hbm>>
    %dma_start3A_41 = arith.constant 0 : i32
    %dma_start3A_42 = tpu.memref_slice %dma_start3A[%multiple_of3A, %dma_start3A_41] : memref<65536x512xf32, #tpu.memory_space<hbm>> -> memref<64x512xf32, #tpu.memory_space<hbm>>
    %dma_start3A_43 = tpu.memref_reshape %arg2 : memref<64x2x512x512xf32, #tpu.memory_space<hbm>> -> memref<65536x512xf32, #tpu.memory_space<hbm>>
    %dma_start3A_44 = arith.constant 0 : i32
    %dma_start3A_45 = tpu.memref_slice %dma_start3A_43[%multiple_of3A, %dma_start3A_44] : memref<65536x512xf32, #tpu.memory_space<hbm>> -> memref<64x512xf32, #tpu.memory_space<hbm>>
    tpu.enqueue_dma source(%dma_start3A_45 : memref<64x512xf32, #tpu.memory_space<hbm>>) target(%arg15 : memref<64x512xf32, #tpu.memory_space<vmem>>) target_semaphore(%arg17 : memref<!tpu.dma_semaphore, #tpu.memory_space<semaphore_mem>>)
    %dma_wait3A = tpu.memref_reshape %arg2 : memref<64x2x512x512xf32, #tpu.memory_space<hbm>> -> memref<65536x512xf32, #tpu.memory_space<hbm>>
    %dma_wait3A_46 = arith.constant 0 : i32
    %dma_wait3A_47 = tpu.memref_slice %dma_wait3A[%multiple_of3A, %dma_wait3A_46] : memref<65536x512xf32, #tpu.memory_space<hbm>> -> memref<64x512xf32, #tpu.memory_space<hbm>>
    %dma_wait3A_48 = tpu.memref_reshape %arg2 : memref<64x2x512x512xf32, #tpu.memory_space<hbm>> -> memref<65536x512xf32, #tpu.memory_space<hbm>>
    %dma_wait3A_49 = arith.constant 0 : i32
    %dma_wait3A_50 = tpu.memref_slice %dma_wait3A_48[%multiple_of3A, %dma_wait3A_49] : memref<65536x512xf32, #tpu.memory_space<hbm>> -> memref<64x512xf32, #tpu.memory_space<hbm>>
    tpu.wait_dma2 semaphore(%arg17 : memref<!tpu.dma_semaphore, #tpu.memory_space<semaphore_mem>>) src(%dma_wait3A_50 : memref<64x512xf32, #tpu.memory_space<hbm>>) dst(%arg15 : memref<64x512xf32, #tpu.memory_space<vmem>>)
    %mul3A_51 = arith.constant 2048 : i32
    %mul3A_52 = arith.muli %add3A, %mul3A_51 : i32
    %add3A_53 = arith.constant 64 : i32
    %add3A_54 = arith.addi %mul3A_52, %add3A_53 : i32
    %multiple_of3A_55 = tpu.assume_multiple %add3A_54, 64 : i32
    %dma_start3A_56 = tpu.memref_reshape %arg2 : memref<64x2x512x512xf32, #tpu.memory_space<hbm>> -> memref<65536x512xf32, #tpu.memory_space<hbm>>
    %dma_start3A_57 = arith.constant 0 : i32
    %dma_start3A_58 = tpu.memref_slice %dma_start3A_56[%multiple_of3A_55, %dma_start3A_57] : memref<65536x512xf32, #tpu.memory_space<hbm>> -> memref<64x512xf32, #tpu.memory_space<hbm>>
    %dma_start3A_59 = tpu.memref_reshape %arg2 : memref<64x2x512x512xf32, #tpu.memory_space<hbm>> -> memref<65536x512xf32, #tpu.memory_space<hbm>>
    %dma_start3A_60 = arith.constant 0 : i32
    %dma_start3A_61 = tpu.memref_slice %dma_start3A_59[%multiple_of3A_55, %dma_start3A_60] : memref<65536x512xf32, #tpu.memory_space<hbm>> -> memref<64x512xf32, #tpu.memory_space<hbm>>
    tpu.enqueue_dma source(%dma_start3A_61 : memref<64x512xf32, #tpu.memory_space<hbm>>) target(%arg16 : memref<64x512xf32, #tpu.memory_space<vmem>>) target_semaphore(%arg18 : memref<!tpu.dma_semaphore, #tpu.memory_space<semaphore_mem>>)
    %slice3A_62 = vector.extract_strided_slice %sub3A {offsets = [0], sizes = [1], strides = [1]} : vector<16xi32> to vector<1xi32>
    %squeeze3A_63 = vector.extract %slice3A_62[0] : i32 from vector<1xi32>
    %slice3A_64 = vector.extract_strided_slice %masked_cumsum3A {offsets = [0], sizes = [1], strides = [1]} : vector<16xi32> to vector<1xi32>
    %squeeze3A_65 = vector.extract %slice3A_64[0] : i32 from vector<1xi32>
    %sub3A_66 = arith.subi %squeeze3A_65, %squeeze3A_63 : i32
    %add3A_67 = arith.constant 15 : i32
    %add3A_68 = arith.addi %sub3A_66, %add3A_67 : i32
    %shift_right_arithmetic3A = arith.constant 4 : i32
    %shift_right_arithmetic3A_69 = arith.shrsi %add3A_68, %shift_right_arithmetic3A : i32
    %while3A = arith.constant 0 : i32
    %while3A_70 = arith.constant 0 : i32
    %while3A_71 = arith.subi %shift_right_arithmetic3A_69, %while3A : i32
    %while3A_72 = arith.addi %while3A, %while3A_71 : i32
    %while3A_73 = arith.constant 1 : i32
    %while3A_74 = arith.divsi %while3A_71, %while3A_73 : i32
    %while3A_75 = arith.muli %while3A_74, %while3A_73 : i32
    %while3A_76 = arith.addi %while3A, %while3A_75 : i32
    %while3A_77 = arith.constant 1 : i32
    %while3A_78 = scf.for %while3A_1248 = %while3A to %while3A_76 step %while3A_77 iter_args(%while3A_1249 = %while3A_70) -> (i32)  : i32 {
      %mul3A_1250 = arith.constant 16 : i32
      %mul3A_1251 = arith.muli %while3A_1248, %mul3A_1250 : i32
      %add3A_1252 = arith.addi %squeeze3A_63, %mul3A_1251 : i32
      %add3A_1253 = vector.broadcast %add3A_1252 : i32 to vector<16xi32>
      %add3A_1254 = arith.addi %add3A_1253, %iota3A : vector<16xi32>
      %lt3A = vector.broadcast %squeeze3A_65 : i32 to vector<16xi32>
      %lt3A_1255 = arith.cmpi slt, %add3A_1254, %lt3A : vector<16xi32>
      %and3A = arith.constant 2047 : i32
      %and3A_1256 = vector.broadcast %and3A : i32 to vector<16xi32>
      %and3A_1257 = arith.andi %add3A_1254, %and3A_1256 : vector<16xi32>
      %gather3A = tpu.vector_load_idx %arg12[%and3A_1257] : memref<2048xi32, #tpu.memory_space<vmem>>[vector<16xi32>], vector<16xi32>,
      %and3A_1258 = arith.constant 2047 : i32
      %and3A_1259 = vector.broadcast %and3A_1258 : i32 to vector<16xi32>
      %and3A_1260 = arith.andi %gather3A, %and3A_1259 : vector<16xi32>
      %min3A = arith.constant 1999 : i32
      %min3A_1261 = vector.broadcast %min3A : i32 to vector<16xi32>
      %min3A_1262 = arith.minsi %and3A_1260, %min3A_1261 : vector<16xi32>
      %shift_right_arithmetic3A_1263 = arith.constant 1 : i32
      %shift_right_arithmetic3A_1264 = vector.broadcast %shift_right_arithmetic3A_1263 : i32 to vector<16xi32>
      %shift_right_arithmetic3A_1265 = arith.shrsi %min3A_1262, %shift_right_arithmetic3A_1264 : vector<16xi32>
      %and3A_1266 = arith.constant 1 : i32
      %and3A_1267 = vector.broadcast %and3A_1266 : i32 to vector<16xi32>
      %and3A_1268 = arith.andi %min3A_1262, %and3A_1267 : vector<16xi32>
      %mul3A_1269 = arith.constant 33555 : i32
      %mul3A_1270 = vector.broadcast %mul3A_1269 : i32 to vector<16xi32>
      %mul3A_1271 = arith.muli %min3A_1262, %mul3A_1270 : vector<16xi32>
      %shift_right_arithmetic3A_1272 = arith.constant 25 : i32
      %shift_right_arithmetic3A_1273 = vector.broadcast %shift_right_arithmetic3A_1272 : i32 to vector<16xi32>
      %shift_right_arithmetic3A_1274 = arith.shrsi %mul3A_1271, %shift_right_arithmetic3A_1273 : vector<16xi32>
      %gather3A_1275 = tpu.vector_load_idx %arg7[%shift_right_arithmetic3A_1265] : memref<1000xi32, #tpu.memory_space<vmem>>[vector<16xi32>], vector<16xi32>,
      %gather3A_1276 = tpu.vector_load_idx %arg8[%shift_right_arithmetic3A_1265] : memref<1000xi32, #tpu.memory_space<vmem>>[vector<16xi32>], vector<16xi32>,
      %convert_element_type3A = arith.sitofp %gather3A_1276 : vector<16xi32> to vector<16xf32>
      %mul3A_1277 = arith.constant 2 : i32
      %mul3A_1278 = vector.broadcast %mul3A_1277 : i32 to vector<16xi32>
      %mul3A_1279 = arith.muli %shift_right_arithmetic3A_1274, %mul3A_1278 : vector<16xi32>
      %add3A_1280 = arith.addi %mul3A_1279, %and3A_1268 : vector<16xi32>
      %shift_left3A = arith.constant 9 : i32
      %shift_left3A_1281 = vector.broadcast %shift_left3A : i32 to vector<16xi32>
      %shift_left3A_1282 = arith.shli %add3A_1280, %shift_left3A_1281 : vector<16xi32>
      %shift_right_arithmetic3A_1283 = arith.constant 9 : i32
      %shift_right_arithmetic3A_1284 = vector.broadcast %shift_right_arithmetic3A_1283 : i32 to vector<16xi32>
      %shift_right_arithmetic3A_1285 = arith.shrsi %gather3A_1275, %shift_right_arithmetic3A_1284 : vector<16xi32>
      %add3A_1286 = arith.addi %shift_left3A_1282, %shift_right_arithmetic3A_1285 : vector<16xi32>
      %and3A_1287 = arith.constant 63 : i32
      %and3A_1288 = vector.broadcast %and3A_1287 : i32 to vector<16xi32>
      %and3A_1289 = arith.andi %add3A_1286, %and3A_1288 : vector<16xi32>
      %and3A_1290 = arith.constant 511 : i32
      %and3A_1291 = vector.broadcast %and3A_1290 : i32 to vector<16xi32>
      %and3A_1292 = arith.andi %gather3A_1275, %and3A_1291 : vector<16xi32>
      %gather3A_1293 = tpu.vector_load_idx %arg15[%and3A_1289, %and3A_1292] : memref<64x512xf32, #tpu.memory_space<vmem>>[vector<16xi32>, vector<16xi32>], vector<16xf32>,
      %mul3A_1294 = arith.mulf %gather3A_1293, %convert_element_type3A : vector<16xf32>
      tpu.vector_store_idx %arg9[%min3A_1262], %mul3A_1294 masked %lt3A_1255 : memref<2000xf32, #tpu.memory_space<vmem>>[vector<16xi32>], vector<16xf32>, vector<16xi1>
      %while3A_1295 = arith.constant 0 : i32
      scf.yield %while3A_1295 : i32
    }
    %while3A_79 = arith.constant 1 : i32
    %while3A_80 = scf.for %while3A_1248 = %while3A_76 to %while3A_72 step %while3A_79 iter_args(%while3A_1249 = %while3A_78) -> (i32)  : i32 {
      %mul3A_1250 = arith.constant 16 : i32
      %mul3A_1251 = arith.muli %while3A_1248, %mul3A_1250 : i32
      %add3A_1252 = arith.addi %squeeze3A_63, %mul3A_1251 : i32
      %add3A_1253 = vector.broadcast %add3A_1252 : i32 to vector<16xi32>
      %add3A_1254 = arith.addi %add3A_1253, %iota3A : vector<16xi32>
      %lt3A = vector.broadcast %squeeze3A_65 : i32 to vector<16xi32>
      %lt3A_1255 = arith.cmpi slt, %add3A_1254, %lt3A : vector<16xi32>
      %and3A = arith.constant 2047 : i32
      %and3A_1256 = vector.broadcast %and3A : i32 to vector<16xi32>
      %and3A_1257 = arith.andi %add3A_1254, %and3A_1256 : vector<16xi32>
      %gather3A = tpu.vector_load_idx %arg12[%and3A_1257] : memref<2048xi32, #tpu.memory_space<vmem>>[vector<16xi32>], vector<16xi32>,
      %and3A_1258 = arith.constant 2047 : i32
      %and3A_1259 = vector.broadcast %and3A_1258 : i32 to vector<16xi32>
      %and3A_1260 = arith.andi %gather3A, %and3A_1259 : vector<16xi32>
      %min3A = arith.constant 1999 : i32
      %min3A_1261 = vector.broadcast %min3A : i32 to vector<16xi32>
      %min3A_1262 = arith.minsi %and3A_1260, %min3A_1261 : vector<16xi32>
      %shift_right_arithmetic3A_1263 = arith.constant 1 : i32
      %shift_right_arithmetic3A_1264 = vector.broadcast %shift_right_arithmetic3A_1263 : i32 to vector<16xi32>
      %shift_right_arithmetic3A_1265 = arith.shrsi %min3A_1262, %shift_right_arithmetic3A_1264 : vector<16xi32>
      %and3A_1266 = arith.constant 1 : i32
      %and3A_1267 = vector.broadcast %and3A_1266 : i32 to vector<16xi32>
      %and3A_1268 = arith.andi %min3A_1262, %and3A_1267 : vector<16xi32>
      %mul3A_1269 = arith.constant 33555 : i32
      %mul3A_1270 = vector.broadcast %mul3A_1269 : i32 to vector<16xi32>
      %mul3A_1271 = arith.muli %min3A_1262, %mul3A_1270 : vector<16xi32>
      %shift_right_arithmetic3A_1272 = arith.constant 25 : i32
      %shift_right_arithmetic3A_1273 = vector.broadcast %shift_right_arithmetic3A_1272 : i32 to vector<16xi32>
      %shift_right_arithmetic3A_1274 = arith.shrsi %mul3A_1271, %shift_right_arithmetic3A_1273 : vector<16xi32>
      %gather3A_1275 = tpu.vector_load_idx %arg7[%shift_right_arithmetic3A_1265] : memref<1000xi32, #tpu.memory_space<vmem>>[vector<16xi32>], vector<16xi32>,
      %gather3A_1276 = tpu.vector_load_idx %arg8[%shift_right_arithmetic3A_1265] : memref<1000xi32, #tpu.memory_space<vmem>>[vector<16xi32>], vector<16xi32>,
      %convert_element_type3A = arith.sitofp %gather3A_1276 : vector<16xi32> to vector<16xf32>
      %mul3A_1277 = arith.constant 2 : i32
      %mul3A_1278 = vector.broadcast %mul3A_1277 : i32 to vector<16xi32>
      %mul3A_1279 = arith.muli %shift_right_arithmetic3A_1274, %mul3A_1278 : vector<16xi32>
      %add3A_1280 = arith.addi %mul3A_1279, %and3A_1268 : vector<16xi32>
      %shift_left3A = arith.constant 9 : i32
      %shift_left3A_1281 = vector.broadcast %shift_left3A : i32 to vector<16xi32>
      %shift_left3A_1282 = arith.shli %add3A_1280, %shift_left3A_1281 : vector<16xi32>
      %shift_right_arithmetic3A_1283 = arith.constant 9 : i32
      %shift_right_arithmetic3A_1284 = vector.broadcast %shift_right_arithmetic3A_1283 : i32 to vector<16xi32>
      %shift_right_arithmetic3A_1285 = arith.shrsi %gather3A_1275, %shift_right_arithmetic3A_1284 : vector<16xi32>
      %add3A_1286 = arith.addi %shift_left3A_1282, %shift_right_arithmetic3A_1285 : vector<16xi32>
      %and3A_1287 = arith.constant 63 : i32
      %and3A_1288 = vector.broadcast %and3A_1287 : i32 to vector<16xi32>
      %and3A_1289 = arith.andi %add3A_1286, %and3A_1288 : vector<16xi32>
      %and3A_1290 = arith.constant 511 : i32
      %and3A_1291 = vector.broadcast %and3A_1290 : i32 to vector<16xi32>
      %and3A_1292 = arith.andi %gather3A_1275, %and3A_1291 : vector<16xi32>
      %gather3A_1293 = tpu.vector_load_idx %arg15[%and3A_1289, %and3A_1292] : memref<64x512xf32, #tpu.memory_space<vmem>>[vector<16xi32>, vector<16xi32>], vector<16xf32>,
      %mul3A_1294 = arith.mulf %gather3A_1293, %convert_element_type3A : vector<16xf32>
      tpu.vector_store_idx %arg9[%min3A_1262], %mul3A_1294 masked %lt3A_1255 : memref<2000xf32, #tpu.memory_space<vmem>>[vector<16xi32>], vector<16xf32>, vector<16xi1>
      %while3A_1295 = arith.constant 0 : i32
      scf.yield %while3A_1295 : i32
    }
    %dma_wait3A_81 = tpu.memref_reshape %arg2 : memref<64x2x512x512xf32, #tpu.memory_space<hbm>> -> memref<65536x512xf32, #tpu.memory_space<hbm>>
    %dma_wait3A_82 = arith.constant 0 : i32
    %dma_wait3A_83 = tpu.memref_slice %dma_wait3A_81[%multiple_of3A_55, %dma_wait3A_82] : memref<65536x512xf32, #tpu.memory_space<hbm>> -> memref<64x512xf32, #tpu.memory_space<hbm>>
    %dma_wait3A_84 = tpu.memref_reshape %arg2 : memref<64x2x512x512xf32, #tpu.memory_space<hbm>> -> memref<65536x512xf32, #tpu.memory_space<hbm>>
    %dma_wait3A_85 = arith.constant 0 : i32
    %dma_wait3A_86 = tpu.memref_slice %dma_wait3A_84[%multiple_of3A_55, %dma_wait3A_85] : memref<65536x512xf32, #tpu.memory_space<hbm>> -> memref<64x512xf32, #tpu.memory_space<hbm>>
    tpu.wait_dma2 semaphore(%arg18 : memref<!tpu.dma_semaphore, #tpu.memory_space<semaphore_mem>>) src(%dma_wait3A_86 : memref<64x512xf32, #tpu.memory_space<hbm>>) dst(%arg16 : memref<64x512xf32, #tpu.memory_space<vmem>>)
    %mul3A_87 = arith.constant 2048 : i32
    %mul3A_88 = arith.muli %add3A, %mul3A_87 : i32
    %add3A_89 = arith.constant 128 : i32
    %add3A_90 = arith.addi %mul3A_88, %add3A_89 : i32
    %multiple_of3A_91 = tpu.assume_multiple %add3A_90, 64 : i32
    %dma_start3A_92 = tpu.memref_reshape %arg2 : memref<64x2x512x512xf32, #tpu.memory_space<hbm>> -> memref<65536x512xf32, #tpu.memory_space<hbm>>
    %dma_start3A_93 = arith.constant 0 : i32
    %dma_start3A_94 = tpu.memref_slice %dma_start3A_92[%multiple_of3A_91, %dma_start3A_93] : memref<65536x512xf32, #tpu.memory_space<hbm>> -> memref<64x512xf32, #tpu.memory_space<hbm>>
    %dma_start3A_95 = tpu.memref_reshape %arg2 : memref<64x2x512x512xf32, #tpu.memory_space<hbm>> -> memref<65536x512xf32, #tpu.memory_space<hbm>>
    %dma_start3A_96 = arith.constant 0 : i32
    %dma_start3A_97 = tpu.memref_slice %dma_start3A_95[%multiple_of3A_91, %dma_start3A_96] : memref<65536x512xf32, #tpu.memory_space<hbm>> -> memref<64x512xf32, #tpu.memory_space<hbm>>
    tpu.enqueue_dma source(%dma_start3A_97 : memref<64x512xf32, #tpu.memory_space<hbm>>) target(%arg15 : memref<64x512xf32, #tpu.memory_space<vmem>>) target_semaphore(%arg17 : memref<!tpu.dma_semaphore, #tpu.memory_space<semaphore_mem>>)
    %slice3A_98 = vector.extract_strided_slice %sub3A {offsets = [1], sizes = [1], strides = [1]} : vector<16xi32> to vector<1xi32>
    %squeeze3A_99 = vector.extract %slice3A_98[0] : i32 from vector<1xi32>
    %slice3A_100 = vector.extract_strided_slice %masked_cumsum3A {offsets = [1], sizes = [1], strides = [1]} : vector<16xi32> to vector<1xi32>
    %squeeze3A_101 = vector.extract %slice3A_100[0] : i32 from vector<1xi32>
    %sub3A_102 = arith.subi %squeeze3A_101, %squeeze3A_99 : i32
    %add3A_103 = arith.constant 15 : i32
    %add3A_104 = arith.addi %sub3A_102, %add3A_103 : i32
    %shift_right_arithmetic3A_105 = arith.constant 4 : i32
    %shift_right_arithmetic3A_106 = arith.shrsi %add3A_104, %shift_right_arithmetic3A_105 : i32
    %while3A_107 = arith.constant 0 : i32
    %while3A_108 = arith.constant 0 : i32
    %while3A_109 = arith.subi %shift_right_arithmetic3A_106, %while3A_107 : i32
    %while3A_110 = arith.addi %while3A_107, %while3A_109 : i32
    %while3A_111 = arith.constant 1 : i32
    %while3A_112 = arith.divsi %while3A_109, %while3A_111 : i32
    %while3A_113 = arith.muli %while3A_112, %while3A_111 : i32
    %while3A_114 = arith.addi %while3A_107, %while3A_113 : i32
    %while3A_115 = arith.constant 1 : i32
    %while3A_116 = scf.for %while3A_1248 = %while3A_107 to %while3A_114 step %while3A_115 iter_args(%while3A_1249 = %while3A_108) -> (i32)  : i32 {
      %mul3A_1250 = arith.constant 16 : i32
      %mul3A_1251 = arith.muli %while3A_1248, %mul3A_1250 : i32
      %add3A_1252 = arith.addi %squeeze3A_99, %mul3A_1251 : i32
      %add3A_1253 = vector.broadcast %add3A_1252 : i32 to vector<16xi32>
      %add3A_1254 = arith.addi %add3A_1253, %iota3A : vector<16xi32>
      %lt3A = vector.broadcast %squeeze3A_101 : i32 to vector<16xi32>
      %lt3A_1255 = arith.cmpi slt, %add3A_1254, %lt3A : vector<16xi32>
      %and3A = arith.constant 2047 : i32
      %and3A_1256 = vector.broadcast %and3A : i32 to vector<16xi32>
      %and3A_1257 = arith.andi %add3A_1254, %and3A_1256 : vector<16xi32>
      %gather3A = tpu.vector_load_idx %arg12[%and3A_1257] : memref<2048xi32, #tpu.memory_space<vmem>>[vector<16xi32>], vector<16xi32>,
      %and3A_1258 = arith.constant 2047 : i32
      %and3A_1259 = vector.broadcast %and3A_1258 : i32 to vector<16xi32>
      %and3A_1260 = arith.andi %gather3A, %and3A_1259 : vector<16xi32>
      %min3A = arith.constant 1999 : i32
      %min3A_1261 = vector.broadcast %min3A : i32 to vector<16xi32>
      %min3A_1262 = arith.minsi %and3A_1260, %min3A_1261 : vector<16xi32>
      %shift_right_arithmetic3A_1263 = arith.constant 1 : i32
      %shift_right_arithmetic3A_1264 = vector.broadcast %shift_right_arithmetic3A_1263 : i32 to vector<16xi32>
      %shift_right_arithmetic3A_1265 = arith.shrsi %min3A_1262, %shift_right_arithmetic3A_1264 : vector<16xi32>
      %and3A_1266 = arith.constant 1 : i32
      %and3A_1267 = vector.broadcast %and3A_1266 : i32 to vector<16xi32>
      %and3A_1268 = arith.andi %min3A_1262, %and3A_1267 : vector<16xi32>
      %mul3A_1269 = arith.constant 33555 : i32
      %mul3A_1270 = vector.broadcast %mul3A_1269 : i32 to vector<16xi32>
      %mul3A_1271 = arith.muli %min3A_1262, %mul3A_1270 : vector<16xi32>
      %shift_right_arithmetic3A_1272 = arith.constant 25 : i32
      %shift_right_arithmetic3A_1273 = vector.broadcast %shift_right_arithmetic3A_1272 : i32 to vector<16xi32>
      %shift_right_arithmetic3A_1274 = arith.shrsi %mul3A_1271, %shift_right_arithmetic3A_1273 : vector<16xi32>
      %gather3A_1275 = tpu.vector_load_idx %arg7[%shift_right_arithmetic3A_1265] : memref<1000xi32, #tpu.memory_space<vmem>>[vector<16xi32>], vector<16xi32>,
      %gather3A_1276 = tpu.vector_load_idx %arg8[%shift_right_arithmetic3A_1265] : memref<1000xi32, #tpu.memory_space<vmem>>[vector<16xi32>], vector<16xi32>,
      %convert_element_type3A = arith.sitofp %gather3A_1276 : vector<16xi32> to vector<16xf32>
      %mul3A_1277 = arith.constant 2 : i32
      %mul3A_1278 = vector.broadcast %mul3A_1277 : i32 to vector<16xi32>
      %mul3A_1279 = arith.muli %shift_right_arithmetic3A_1274, %mul3A_1278 : vector<16xi32>
      %add3A_1280 = arith.addi %mul3A_1279, %and3A_1268 : vector<16xi32>
      %shift_left3A = arith.constant 9 : i32
      %shift_left3A_1281 = vector.broadcast %shift_left3A : i32 to vector<16xi32>
      %shift_left3A_1282 = arith.shli %add3A_1280, %shift_left3A_1281 : vector<16xi32>
      %shift_right_arithmetic3A_1283 = arith.constant 9 : i32
      %shift_right_arithmetic3A_1284 = vector.broadcast %shift_right_arithmetic3A_1283 : i32 to vector<16xi32>
      %shift_right_arithmetic3A_1285 = arith.shrsi %gather3A_1275, %shift_right_arithmetic3A_1284 : vector<16xi32>
      %add3A_1286 = arith.addi %shift_left3A_1282, %shift_right_arithmetic3A_1285 : vector<16xi32>
      %and3A_1287 = arith.constant 63 : i32
      %and3A_1288 = vector.broadcast %and3A_1287 : i32 to vector<16xi32>
      %and3A_1289 = arith.andi %add3A_1286, %and3A_1288 : vector<16xi32>
      %and3A_1290 = arith.constant 511 : i32
      %and3A_1291 = vector.broadcast %and3A_1290 : i32 to vector<16xi32>
      %and3A_1292 = arith.andi %gather3A_1275, %and3A_1291 : vector<16xi32>
      %gather3A_1293 = tpu.vector_load_idx %arg16[%and3A_1289, %and3A_1292] : memref<64x512xf32, #tpu.memory_space<vmem>>[vector<16xi32>, vector<16xi32>], vector<16xf32>,
      %mul3A_1294 = arith.mulf %gather3A_1293, %convert_element_type3A : vector<16xf32>
      tpu.vector_store_idx %arg9[%min3A_1262], %mul3A_1294 masked %lt3A_1255 : memref<2000xf32, #tpu.memory_space<vmem>>[vector<16xi32>], vector<16xf32>, vector<16xi1>
      %while3A_1295 = arith.constant 0 : i32
      scf.yield %while3A_1295 : i32
    }
    %while3A_117 = arith.constant 1 : i32
    %while3A_118 = scf.for %while3A_1248 = %while3A_114 to %while3A_110 step %while3A_117 iter_args(%while3A_1249 = %while3A_116) -> (i32)  : i32 {
      %mul3A_1250 = arith.constant 16 : i32
      %mul3A_1251 = arith.muli %while3A_1248, %mul3A_1250 : i32
      %add3A_1252 = arith.addi %squeeze3A_99, %mul3A_1251 : i32
      %add3A_1253 = vector.broadcast %add3A_1252 : i32 to vector<16xi32>
      %add3A_1254 = arith.addi %add3A_1253, %iota3A : vector<16xi32>
      %lt3A = vector.broadcast %squeeze3A_101 : i32 to vector<16xi32>
      %lt3A_1255 = arith.cmpi slt, %add3A_1254, %lt3A : vector<16xi32>
      %and3A = arith.constant 2047 : i32
      %and3A_1256 = vector.broadcast %and3A : i32 to vector<16xi32>
      %and3A_1257 = arith.andi %add3A_1254, %and3A_1256 : vector<16xi32>
      %gather3A = tpu.vector_load_idx %arg12[%and3A_1257] : memref<2048xi32, #tpu.memory_space<vmem>>[vector<16xi32>], vector<16xi32>,
      %and3A_1258 = arith.constant 2047 : i32
      %and3A_1259 = vector.broadcast %and3A_1258 : i32 to vector<16xi32>
      %and3A_1260 = arith.andi %gather3A, %and3A_1259 : vector<16xi32>
      %min3A = arith.constant 1999 : i32
      %min3A_1261 = vector.broadcast %min3A : i32 to vector<16xi32>
      %min3A_1262 = arith.minsi %and3A_1260, %min3A_1261 : vector<16xi32>
      %shift_right_arithmetic3A_1263 = arith.constant 1 : i32
      %shift_right_arithmetic3A_1264 = vector.broadcast %shift_right_arithmetic3A_1263 : i32 to vector<16xi32>
      %shift_right_arithmetic3A_1265 = arith.shrsi %min3A_1262, %shift_right_arithmetic3A_1264 : vector<16xi32>
      %and3A_1266 = arith.constant 1 : i32
      %and3A_1267 = vector.broadcast %and3A_1266 : i32 to vector<16xi32>
      %and3A_1268 = arith.andi %min3A_1262, %and3A_1267 : vector<16xi32>
      %mul3A_1269 = arith.constant 33555 : i32
      %mul3A_1270 = vector.broadcast %mul3A_1269 : i32 to vector<16xi32>
      %mul3A_1271 = arith.muli %min3A_1262, %mul3A_1270 : vector<16xi32>
      %shift_right_arithmetic3A_1272 = arith.constant 25 : i32
      %shift_right_arithmetic3A_1273 = vector.broadcast %shift_right_arithmetic3A_1272 : i32 to vector<16xi32>
      %shift_right_arithmetic3A_1274 = arith.shrsi %mul3A_1271, %shift_right_arithmetic3A_1273 : vector<16xi32>
      %gather3A_1275 = tpu.vector_load_idx %arg7[%shift_right_arithmetic3A_1265] : memref<1000xi32, #tpu.memory_space<vmem>>[vector<16xi32>], vector<16xi32>,
      %gather3A_1276 = tpu.vector_load_idx %arg8[%shift_right_arithmetic3A_1265] : memref<1000xi32, #tpu.memory_space<vmem>>[vector<16xi32>], vector<16xi32>,
      %convert_element_type3A = arith.sitofp %gather3A_1276 : vector<16xi32> to vector<16xf32>
      %mul3A_1277 = arith.constant 2 : i32
      %mul3A_1278 = vector.broadcast %mul3A_1277 : i32 to vector<16xi32>
      %mul3A_1279 = arith.muli %shift_right_arithmetic3A_1274, %mul3A_1278 : vector<16xi32>
      %add3A_1280 = arith.addi %mul3A_1279, %and3A_1268 : vector<16xi32>
      %shift_left3A = arith.constant 9 : i32
      %shift_left3A_1281 = vector.broadcast %shift_left3A : i32 to vector<16xi32>
      %shift_left3A_1282 = arith.shli %add3A_1280, %shift_left3A_1281 : vector<16xi32>
      %shift_right_arithmetic3A_1283 = arith.constant 9 : i32
      %shift_right_arithmetic3A_1284 = vector.broadcast %shift_right_arithmetic3A_1283 : i32 to vector<16xi32>
      %shift_right_arithmetic3A_1285 = arith.shrsi %gather3A_1275, %shift_right_arithmetic3A_1284 : vector<16xi32>
      %add3A_1286 = arith.addi %shift_left3A_1282, %shift_right_arithmetic3A_1285 : vector<16xi32>
      %and3A_1287 = arith.constant 63 : i32
      %and3A_1288 = vector.broadcast %and3A_1287 : i32 to vector<16xi32>
      %and3A_1289 = arith.andi %add3A_1286, %and3A_1288 : vector<16xi32>
      %and3A_1290 = arith.constant 511 : i32
      %and3A_1291 = vector.broadcast %and3A_1290 : i32 to vector<16xi32>
      %and3A_1292 = arith.andi %gather3A_1275, %and3A_1291 : vector<16xi32>
      %gather3A_1293 = tpu.vector_load_idx %arg16[%and3A_1289, %and3A_1292] : memref<64x512xf32, #tpu.memory_space<vmem>>[vector<16xi32>, vector<16xi32>], vector<16xf32>,
      %mul3A_1294 = arith.mulf %gather3A_1293, %convert_element_type3A : vector<16xf32>
      tpu.vector_store_idx %arg9[%min3A_1262], %mul3A_1294 masked %lt3A_1255 : memref<2000xf32, #tpu.memory_space<vmem>>[vector<16xi32>], vector<16xf32>, vector<16xi1>
      %while3A_1295 = arith.constant 0 : i32
      scf.yield %while3A_1295 : i32
    }
    %dma_wait3A_119 = tpu.memref_reshape %arg2 : memref<64x2x512x512xf32, #tpu.memory_space<hbm>> -> memref<65536x512xf32, #tpu.memory_space<hbm>>
    %dma_wait3A_120 = arith.constant 0 : i32
    %dma_wait3A_121 = tpu.memref_slice %dma_wait3A_119[%multiple_of3A_91, %dma_wait3A_120] : memref<65536x512xf32, #tpu.memory_space<hbm>> -> memref<64x512xf32, #tpu.memory_space<hbm>>
    %dma_wait3A_122 = tpu.memref_reshape %arg2 : memref<64x2x512x512xf32, #tpu.memory_space<hbm>> -> memref<65536x512xf32, #tpu.memory_space<hbm>>
    %dma_wait3A_123 = arith.constant 0 : i32
    %dma_wait3A_124 = tpu.memref_slice %dma_wait3A_122[%multiple_of3A_91, %dma_wait3A_123] : memref<65536x512xf32, #tpu.memory_space<hbm>> -> memref<64x512xf32, #tpu.memory_space<hbm>>
    tpu.wait_dma2 semaphore(%arg17 : memref<!tpu.dma_semaphore, #tpu.memory_space<semaphore_mem>>) src(%dma_wait3A_124 : memref<64x512xf32, #tpu.memory_space<hbm>>) dst(%arg15 : memref<64x512xf32, #tpu.memory_space<vmem>>)
    %mul3A_125 = arith.constant 2048 : i32
    %mul3A_126 = arith.muli %add3A, %mul3A_125 : i32
    %add3A_127 = arith.constant 192 : i32
    %add3A_128 = arith.addi %mul3A_126, %add3A_127 : i32
    %multiple_of3A_129 = tpu.assume_multiple %add3A_128, 64 : i32
    %dma_start3A_130 = tpu.memref_reshape %arg2 : memref<64x2x512x512xf32, #tpu.memory_space<hbm>> -> memref<65536x512xf32, #tpu.memory_space<hbm>>
    %dma_start3A_131 = arith.constant 0 : i32
    %dma_start3A_132 = tpu.memref_slice %dma_start3A_130[%multiple_of3A_129, %dma_start3A_131] : memref<65536x512xf32, #tpu.memory_space<hbm>> -> memref<64x512xf32, #tpu.memory_space<hbm>>
    %dma_start3A_133 = tpu.memref_reshape %arg2 : memref<64x2x512x512xf32, #tpu.memory_space<hbm>> -> memref<65536x512xf32, #tpu.memory_space<hbm>>
    %dma_start3A_134 = arith.constant 0 : i32
    %dma_start3A_135 = tpu.memref_slice %dma_start3A_133[%multiple_of3A_129, %dma_start3A_134] : memref<65536x512xf32, #tpu.memory_space<hbm>> -> memref<64x512xf32, #tpu.memory_space<hbm>>
    tpu.enqueue_dma source(%dma_start3A_135 : memref<64x512xf32, #tpu.memory_space<hbm>>) target(%arg16 : memref<64x512xf32, #tpu.memory_space<vmem>>) target_semaphore(%arg18 : memref<!tpu.dma_semaphore, #tpu.memory_space<semaphore_mem>>)
    %slice3A_136 = vector.extract_strided_slice %sub3A {offsets = [2], sizes = [1], strides = [1]} : vector<16xi32> to vector<1xi32>
    %squeeze3A_137 = vector.extract %slice3A_136[0] : i32 from vector<1xi32>
    %slice3A_138 = vector.extract_strided_slice %masked_cumsum3A {offsets = [2], sizes = [1], strides = [1]} : vector<16xi32> to vector<1xi32>
    %squeeze3A_139 = vector.extract %slice3A_138[0] : i32 from vector<1xi32>
    %sub3A_140 = arith.subi %squeeze3A_139, %squeeze3A_137 : i32
    %add3A_141 = arith.constant 15 : i32
    %add3A_142 = arith.addi %sub3A_140, %add3A_141 : i32
    %shift_right_arithmetic3A_143 = arith.constant 4 : i32
    %shift_right_arithmetic3A_144 = arith.shrsi %add3A_142, %shift_right_arithmetic3A_143 : i32
    %while3A_145 = arith.constant 0 : i32
    %while3A_146 = arith.constant 0 : i32
    %while3A_147 = arith.subi %shift_right_arithmetic3A_144, %while3A_145 : i32
    %while3A_148 = arith.addi %while3A_145, %while3A_147 : i32
    %while3A_149 = arith.constant 1 : i32
    %while3A_150 = arith.divsi %while3A_147, %while3A_149 : i32
    %while3A_151 = arith.muli %while3A_150, %while3A_149 : i32
    %while3A_152 = arith.addi %while3A_145, %while3A_151 : i32
    %while3A_153 = arith.constant 1 : i32
    %while3A_154 = scf.for %while3A_1248 = %while3A_145 to %while3A_152 step %while3A_153 iter_args(%while3A_1249 = %while3A_146) -> (i32)  : i32 {
      %mul3A_1250 = arith.constant 16 : i32
      %mul3A_1251 = arith.muli %while3A_1248, %mul3A_1250 : i32
      %add3A_1252 = arith.addi %squeeze3A_137, %mul3A_1251 : i32
      %add3A_1253 = vector.broadcast %add3A_1252 : i32 to vector<16xi32>
      %add3A_1254 = arith.addi %add3A_1253, %iota3A : vector<16xi32>
      %lt3A = vector.broadcast %squeeze3A_139 : i32 to vector<16xi32>
      %lt3A_1255 = arith.cmpi slt, %add3A_1254, %lt3A : vector<16xi32>
      %and3A = arith.constant 2047 : i32
      %and3A_1256 = vector.broadcast %and3A : i32 to vector<16xi32>
      %and3A_1257 = arith.andi %add3A_1254, %and3A_1256 : vector<16xi32>
      %gather3A = tpu.vector_load_idx %arg12[%and3A_1257] : memref<2048xi32, #tpu.memory_space<vmem>>[vector<16xi32>], vector<16xi32>,
      %and3A_1258 = arith.constant 2047 : i32
      %and3A_1259 = vector.broadcast %and3A_1258 : i32 to vector<16xi32>
      %and3A_1260 = arith.andi %gather3A, %and3A_1259 : vector<16xi32>
      %min3A = arith.constant 1999 : i32
      %min3A_1261 = vector.broadcast %min3A : i32 to vector<16xi32>
      %min3A_1262 = arith.minsi %and3A_1260, %min3A_1261 : vector<16xi32>
      %shift_right_arithmetic3A_1263 = arith.constant 1 : i32
      %shift_right_arithmetic3A_1264 = vector.broadcast %shift_right_arithmetic3A_1263 : i32 to vector<16xi32>
      %shift_right_arithmetic3A_1265 = arith.shrsi %min3A_1262, %shift_right_arithmetic3A_1264 : vector<16xi32>
      %and3A_1266 = arith.constant 1 : i32
      %and3A_1267 = vector.broadcast %and3A_1266 : i32 to vector<16xi32>
      %and3A_1268 = arith.andi %min3A_1262, %and3A_1267 : vector<16xi32>
      %mul3A_1269 = arith.constant 33555 : i32
      %mul3A_1270 = vector.broadcast %mul3A_1269 : i32 to vector<16xi32>
      %mul3A_1271 = arith.muli %min3A_1262, %mul3A_1270 : vector<16xi32>
      %shift_right_arithmetic3A_1272 = arith.constant 25 : i32
      %shift_right_arithmetic3A_1273 = vector.broadcast %shift_right_arithmetic3A_1272 : i32 to vector<16xi32>
      %shift_right_arithmetic3A_1274 = arith.shrsi %mul3A_1271, %shift_right_arithmetic3A_1273 : vector<16xi32>
      %gather3A_1275 = tpu.vector_load_idx %arg7[%shift_right_arithmetic3A_1265] : memref<1000xi32, #tpu.memory_space<vmem>>[vector<16xi32>], vector<16xi32>,
      %gather3A_1276 = tpu.vector_load_idx %arg8[%shift_right_arithmetic3A_1265] : memref<1000xi32, #tpu.memory_space<vmem>>[vector<16xi32>], vector<16xi32>,
      %convert_element_type3A = arith.sitofp %gather3A_1276 : vector<16xi32> to vector<16xf32>
      %mul3A_1277 = arith.constant 2 : i32
      %mul3A_1278 = vector.broadcast %mul3A_1277 : i32 to vector<16xi32>
      %mul3A_1279 = arith.muli %shift_right_arithmetic3A_1274, %mul3A_1278 : vector<16xi32>
      %add3A_1280 = arith.addi %mul3A_1279, %and3A_1268 : vector<16xi32>
      %shift_left3A = arith.constant 9 : i32
      %shift_left3A_1281 = vector.broadcast %shift_left3A : i32 to vector<16xi32>
      %shift_left3A_1282 = arith.shli %add3A_1280, %shift_left3A_1281 : vector<16xi32>
      %shift_right_arithmetic3A_1283 = arith.constant 9 : i32
      %shift_right_arithmetic3A_1284 = vector.broadcast %shift_right_arithmetic3A_1283 : i32 to vector<16xi32>
      %shift_right_arithmetic3A_1285 = arith.shrsi %gather3A_1275, %shift_right_arithmetic3A_1284 : vector<16xi32>
      %add3A_1286 = arith.addi %shift_left3A_1282, %shift_right_arithmetic3A_1285 : vector<16xi32>
      %and3A_1287 = arith.constant 63 : i32
      %and3A_1288 = vector.broadcast %and3A_1287 : i32 to vector<16xi32>
      %and3A_1289 = arith.andi %add3A_1286, %and3A_1288 : vector<16xi32>
      %and3A_1290 = arith.constant 511 : i32
      %and3A_1291 = vector.broadcast %and3A_1290 : i32 to vector<16xi32>
      %and3A_1292 = arith.andi %gather3A_1275, %and3A_1291 : vector<16xi32>
      %gather3A_1293 = tpu.vector_load_idx %arg15[%and3A_1289, %and3A_1292] : memref<64x512xf32, #tpu.memory_space<vmem>>[vector<16xi32>, vector<16xi32>], vector<16xf32>,
      %mul3A_1294 = arith.mulf %gather3A_1293, %convert_element_type3A : vector<16xf32>
      tpu.vector_store_idx %arg9[%min3A_1262], %mul3A_1294 masked %lt3A_1255 : memref<2000xf32, #tpu.memory_space<vmem>>[vector<16xi32>], vector<16xf32>, vector<16xi1>
      %while3A_1295 = arith.constant 0 : i32
      scf.yield %while3A_1295 : i32
    }
    %while3A_155 = arith.constant 1 : i32
    %while3A_156 = scf.for %while3A_1248 = %while3A_152 to %while3A_148 step %while3A_155 iter_args(%while3A_1249 = %while3A_154) -> (i32)  : i32 {
      %mul3A_1250 = arith.constant 16 : i32
      %mul3A_1251 = arith.muli %while3A_1248, %mul3A_1250 : i32
      %add3A_1252 = arith.addi %squeeze3A_137, %mul3A_1251 : i32
      %add3A_1253 = vector.broadcast %add3A_1252 : i32 to vector<16xi32>
      %add3A_1254 = arith.addi %add3A_1253, %iota3A : vector<16xi32>
      %lt3A = vector.broadcast %squeeze3A_139 : i32 to vector<16xi32>
      %lt3A_1255 = arith.cmpi slt, %add3A_1254, %lt3A : vector<16xi32>
      %and3A = arith.constant 2047 : i32
      %and3A_1256 = vector.broadcast %and3A : i32 to vector<16xi32>
      %and3A_1257 = arith.andi %add3A_1254, %and3A_1256 : vector<16xi32>
      %gather3A = tpu.vector_load_idx %arg12[%and3A_1257] : memref<2048xi32, #tpu.memory_space<vmem>>[vector<16xi32>], vector<16xi32>,
      %and3A_1258 = arith.constant 2047 : i32
      %and3A_1259 = vector.broadcast %and3A_1258 : i32 to vector<16xi32>
      %and3A_1260 = arith.andi %gather3A, %and3A_1259 : vector<16xi32>
      %min3A = arith.constant 1999 : i32
      %min3A_1261 = vector.broadcast %min3A : i32 to vector<16xi32>
      %min3A_1262 = arith.minsi %and3A_1260, %min3A_1261 : vector<16xi32>
      %shift_right_arithmetic3A_1263 = arith.constant 1 : i32
      %shift_right_arithmetic3A_1264 = vector.broadcast %shift_right_arithmetic3A_1263 : i32 to vector<16xi32>
      %shift_right_arithmetic3A_1265 = arith.shrsi %min3A_1262, %shift_right_arithmetic3A_1264 : vector<16xi32>
      %and3A_1266 = arith.constant 1 : i32
      %and3A_1267 = vector.broadcast %and3A_1266 : i32 to vector<16xi32>
      %and3A_1268 = arith.andi %min3A_1262, %and3A_1267 : vector<16xi32>
      %mul3A_1269 = arith.constant 33555 : i32
      %mul3A_1270 = vector.broadcast %mul3A_1269 : i32 to vector<16xi32>
      %mul3A_1271 = arith.muli %min3A_1262, %mul3A_1270 : vector<16xi32>
      %shift_right_arithmetic3A_1272 = arith.constant 25 : i32
      %shift_right_arithmetic3A_1273 = vector.broadcast %shift_right_arithmetic3A_1272 : i32 to vector<16xi32>
      %shift_right_arithmetic3A_1274 = arith.shrsi %mul3A_1271, %shift_right_arithmetic3A_1273 : vector<16xi32>
      %gather3A_1275 = tpu.vector_load_idx %arg7[%shift_right_arithmetic3A_1265] : memref<1000xi32, #tpu.memory_space<vmem>>[vector<16xi32>], vector<16xi32>,
      %gather3A_1276 = tpu.vector_load_idx %arg8[%shift_right_arithmetic3A_1265] : memref<1000xi32, #tpu.memory_space<vmem>>[vector<16xi32>], vector<16xi32>,
      %convert_element_type3A = arith.sitofp %gather3A_1276 : vector<16xi32> to vector<16xf32>
      %mul3A_1277 = arith.constant 2 : i32
      %mul3A_1278 = vector.broadcast %mul3A_1277 : i32 to vector<16xi32>
      %mul3A_1279 = arith.muli %shift_right_arithmetic3A_1274, %mul3A_1278 : vector<16xi32>
      %add3A_1280 = arith.addi %mul3A_1279, %and3A_1268 : vector<16xi32>
      %shift_left3A = arith.constant 9 : i32
      %shift_left3A_1281 = vector.broadcast %shift_left3A : i32 to vector<16xi32>
      %shift_left3A_1282 = arith.shli %add3A_1280, %shift_left3A_1281 : vector<16xi32>
      %shift_right_arithmetic3A_1283 = arith.constant 9 : i32
      %shift_right_arithmetic3A_1284 = vector.broadcast %shift_right_arithmetic3A_1283 : i32 to vector<16xi32>
      %shift_right_arithmetic3A_1285 = arith.shrsi %gather3A_1275, %shift_right_arithmetic3A_1284 : vector<16xi32>
      %add3A_1286 = arith.addi %shift_left3A_1282, %shift_right_arithmetic3A_1285 : vector<16xi32>
      %and3A_1287 = arith.constant 63 : i32
      %and3A_1288 = vector.broadcast %and3A_1287 : i32 to vector<16xi32>
      %and3A_1289 = arith.andi %add3A_1286, %and3A_1288 : vector<16xi32>
      %and3A_1290 = arith.constant 511 : i32
      %and3A_1291 = vector.broadcast %and3A_1290 : i32 to vector<16xi32>
      %and3A_1292 = arith.andi %gather3A_1275, %and3A_1291 : vector<16xi32>
      %gather3A_1293 = tpu.vector_load_idx %arg15[%and3A_1289, %and3A_1292] : memref<64x512xf32, #tpu.memory_space<vmem>>[vector<16xi32>, vector<16xi32>], vector<16xf32>,
      %mul3A_1294 = arith.mulf %gather3A_1293, %convert_element_type3A : vector<16xf32>
      tpu.vector_store_idx %arg9[%min3A_1262], %mul3A_1294 masked %lt3A_1255 : memref<2000xf32, #tpu.memory_space<vmem>>[vector<16xi32>], vector<16xf32>, vector<16xi1>
      %while3A_1295 = arith.constant 0 : i32
      scf.yield %while3A_1295 : i32
    }
    %dma_wait3A_157 = tpu.memref_reshape %arg2 : memref<64x2x512x512xf32, #tpu.memory_space<hbm>> -> memref<65536x512xf32, #tpu.memory_space<hbm>>
    %dma_wait3A_158 = arith.constant 0 : i32
    %dma_wait3A_159 = tpu.memref_slice %dma_wait3A_157[%multiple_of3A_129, %dma_wait3A_158] : memref<65536x512xf32, #tpu.memory_space<hbm>> -> memref<64x512xf32, #tpu.memory_space<hbm>>
    %dma_wait3A_160 = tpu.memref_reshape %arg2 : memref<64x2x512x512xf32, #tpu.memory_space<hbm>> -> memref<65536x512xf32, #tpu.memory_space<hbm>>
    %dma_wait3A_161 = arith.constant 0 : i32
    %dma_wait3A_162 = tpu.memref_slice %dma_wait3A_160[%multiple_of3A_129, %dma_wait3A_161] : memref<65536x512xf32, #tpu.memory_space<hbm>> -> memref<64x512xf32, #tpu.memory_space<hbm>>
    tpu.wait_dma2 semaphore(%arg18 : memref<!tpu.dma_semaphore, #tpu.memory_space<semaphore_mem>>) src(%dma_wait3A_162 : memref<64x512xf32, #tpu.memory_space<hbm>>) dst(%arg16 : memref<64x512xf32, #tpu.memory_space<vmem>>)
    %mul3A_163 = arith.constant 2048 : i32
    %mul3A_164 = arith.muli %add3A, %mul3A_163 : i32
    %add3A_165 = arith.constant 256 : i32
    %add3A_166 = arith.addi %mul3A_164, %add3A_165 : i32
    %multiple_of3A_167 = tpu.assume_multiple %add3A_166, 64 : i32
    %dma_start3A_168 = tpu.memref_reshape %arg2 : memref<64x2x512x512xf32, #tpu.memory_space<hbm>> -> memref<65536x512xf32, #tpu.memory_space<hbm>>
    %dma_start3A_169 = arith.constant 0 : i32
    %dma_start3A_170 = tpu.memref_slice %dma_start3A_168[%multiple_of3A_167, %dma_start3A_169] : memref<65536x512xf32, #tpu.memory_space<hbm>> -> memref<64x512xf32, #tpu.memory_space<hbm>>
    %dma_start3A_171 = tpu.memref_reshape %arg2 : memref<64x2x512x512xf32, #tpu.memory_space<hbm>> -> memref<65536x512xf32, #tpu.memory_space<hbm>>
    %dma_start3A_172 = arith.constant 0 : i32
    %dma_start3A_173 = tpu.memref_slice %dma_start3A_171[%multiple_of3A_167, %dma_start3A_172] : memref<65536x512xf32, #tpu.memory_space<hbm>> -> memref<64x512xf32, #tpu.memory_space<hbm>>
    tpu.enqueue_dma source(%dma_start3A_173 : memref<64x512xf32, #tpu.memory_space<hbm>>) target(%arg15 : memref<64x512xf32, #tpu.memory_space<vmem>>) target_semaphore(%arg17 : memref<!tpu.dma_semaphore, #tpu.memory_space<semaphore_mem>>)
    %slice3A_174 = vector.extract_strided_slice %sub3A {offsets = [3], sizes = [1], strides = [1]} : vector<16xi32> to vector<1xi32>
    %squeeze3A_175 = vector.extract %slice3A_174[0] : i32 from vector<1xi32>
    %slice3A_176 = vector.extract_strided_slice %masked_cumsum3A {offsets = [3], sizes = [1], strides = [1]} : vector<16xi32> to vector<1xi32>
    %squeeze3A_177 = vector.extract %slice3A_176[0] : i32 from vector<1xi32>
    %sub3A_178 = arith.subi %squeeze3A_177, %squeeze3A_175 : i32
    %add3A_179 = arith.constant 15 : i32
    %add3A_180 = arith.addi %sub3A_178, %add3A_179 : i32
    %shift_right_arithmetic3A_181 = arith.constant 4 : i32
    %shift_right_arithmetic3A_182 = arith.shrsi %add3A_180, %shift_right_arithmetic3A_181 : i32
    %while3A_183 = arith.constant 0 : i32
    %while3A_184 = arith.constant 0 : i32
    %while3A_185 = arith.subi %shift_right_arithmetic3A_182, %while3A_183 : i32
    %while3A_186 = arith.addi %while3A_183, %while3A_185 : i32
    %while3A_187 = arith.constant 1 : i32
    %while3A_188 = arith.divsi %while3A_185, %while3A_187 : i32
    %while3A_189 = arith.muli %while3A_188, %while3A_187 : i32
    %while3A_190 = arith.addi %while3A_183, %while3A_189 : i32
    %while3A_191 = arith.constant 1 : i32
    %while3A_192 = scf.for %while3A_1248 = %while3A_183 to %while3A_190 step %while3A_191 iter_args(%while3A_1249 = %while3A_184) -> (i32)  : i32 {
      %mul3A_1250 = arith.constant 16 : i32
      %mul3A_1251 = arith.muli %while3A_1248, %mul3A_1250 : i32
      %add3A_1252 = arith.addi %squeeze3A_175, %mul3A_1251 : i32
      %add3A_1253 = vector.broadcast %add3A_1252 : i32 to vector<16xi32>
      %add3A_1254 = arith.addi %add3A_1253, %iota3A : vector<16xi32>
      %lt3A = vector.broadcast %squeeze3A_177 : i32 to vector<16xi32>
      %lt3A_1255 = arith.cmpi slt, %add3A_1254, %lt3A : vector<16xi32>
      %and3A = arith.constant 2047 : i32
      %and3A_1256 = vector.broadcast %and3A : i32 to vector<16xi32>
      %and3A_1257 = arith.andi %add3A_1254, %and3A_1256 : vector<16xi32>
      %gather3A = tpu.vector_load_idx %arg12[%and3A_1257] : memref<2048xi32, #tpu.memory_space<vmem>>[vector<16xi32>], vector<16xi32>,
      %and3A_1258 = arith.constant 2047 : i32
      %and3A_1259 = vector.broadcast %and3A_1258 : i32 to vector<16xi32>
      %and3A_1260 = arith.andi %gather3A, %and3A_1259 : vector<16xi32>
      %min3A = arith.constant 1999 : i32
      %min3A_1261 = vector.broadcast %min3A : i32 to vector<16xi32>
      %min3A_1262 = arith.minsi %and3A_1260, %min3A_1261 : vector<16xi32>
      %shift_right_arithmetic3A_1263 = arith.constant 1 : i32
      %shift_right_arithmetic3A_1264 = vector.broadcast %shift_right_arithmetic3A_1263 : i32 to vector<16xi32>
      %shift_right_arithmetic3A_1265 = arith.shrsi %min3A_1262, %shift_right_arithmetic3A_1264 : vector<16xi32>
      %and3A_1266 = arith.constant 1 : i32
      %and3A_1267 = vector.broadcast %and3A_1266 : i32 to vector<16xi32>
      %and3A_1268 = arith.andi %min3A_1262, %and3A_1267 : vector<16xi32>
      %mul3A_1269 = arith.constant 33555 : i32
      %mul3A_1270 = vector.broadcast %mul3A_1269 : i32 to vector<16xi32>
      %mul3A_1271 = arith.muli %min3A_1262, %mul3A_1270 : vector<16xi32>
      %shift_right_arithmetic3A_1272 = arith.constant 25 : i32
      %shift_right_arithmetic3A_1273 = vector.broadcast %shift_right_arithmetic3A_1272 : i32 to vector<16xi32>
      %shift_right_arithmetic3A_1274 = arith.shrsi %mul3A_1271, %shift_right_arithmetic3A_1273 : vector<16xi32>
      %gather3A_1275 = tpu.vector_load_idx %arg7[%shift_right_arithmetic3A_1265] : memref<1000xi32, #tpu.memory_space<vmem>>[vector<16xi32>], vector<16xi32>,
      %gather3A_1276 = tpu.vector_load_idx %arg8[%shift_right_arithmetic3A_1265] : memref<1000xi32, #tpu.memory_space<vmem>>[vector<16xi32>], vector<16xi32>,
      %convert_element_type3A = arith.sitofp %gather3A_1276 : vector<16xi32> to vector<16xf32>
      %mul3A_1277 = arith.constant 2 : i32
      %mul3A_1278 = vector.broadcast %mul3A_1277 : i32 to vector<16xi32>
      %mul3A_1279 = arith.muli %shift_right_arithmetic3A_1274, %mul3A_1278 : vector<16xi32>
      %add3A_1280 = arith.addi %mul3A_1279, %and3A_1268 : vector<16xi32>
      %shift_left3A = arith.constant 9 : i32
      %shift_left3A_1281 = vector.broadcast %shift_left3A : i32 to vector<16xi32>
      %shift_left3A_1282 = arith.shli %add3A_1280, %shift_left3A_1281 : vector<16xi32>
      %shift_right_arithmetic3A_1283 = arith.constant 9 : i32
      %shift_right_arithmetic3A_1284 = vector.broadcast %shift_right_arithmetic3A_1283 : i32 to vector<16xi32>
      %shift_right_arithmetic3A_1285 = arith.shrsi %gather3A_1275, %shift_right_arithmetic3A_1284 : vector<16xi32>
      %add3A_1286 = arith.addi %shift_left3A_1282, %shift_right_arithmetic3A_1285 : vector<16xi32>
      %and3A_1287 = arith.constant 63 : i32
      %and3A_1288 = vector.broadcast %and3A_1287 : i32 to vector<16xi32>
      %and3A_1289 = arith.andi %add3A_1286, %and3A_1288 : vector<16xi32>
      %and3A_1290 = arith.constant 511 : i32
      %and3A_1291 = vector.broadcast %and3A_1290 : i32 to vector<16xi32>
      %and3A_1292 = arith.andi %gather3A_1275, %and3A_1291 : vector<16xi32>
      %gather3A_1293 = tpu.vector_load_idx %arg16[%and3A_1289, %and3A_1292] : memref<64x512xf32, #tpu.memory_space<vmem>>[vector<16xi32>, vector<16xi32>], vector<16xf32>,
      %mul3A_1294 = arith.mulf %gather3A_1293, %convert_element_type3A : vector<16xf32>
      tpu.vector_store_idx %arg9[%min3A_1262], %mul3A_1294 masked %lt3A_1255 : memref<2000xf32, #tpu.memory_space<vmem>>[vector<16xi32>], vector<16xf32>, vector<16xi1>
      %while3A_1295 = arith.constant 0 : i32
      scf.yield %while3A_1295 : i32
    }
    %while3A_193 = arith.constant 1 : i32
    %while3A_194 = scf.for %while3A_1248 = %while3A_190 to %while3A_186 step %while3A_193 iter_args(%while3A_1249 = %while3A_192) -> (i32)  : i32 {
      %mul3A_1250 = arith.constant 16 : i32
      %mul3A_1251 = arith.muli %while3A_1248, %mul3A_1250 : i32
      %add3A_1252 = arith.addi %squeeze3A_175, %mul3A_1251 : i32
      %add3A_1253 = vector.broadcast %add3A_1252 : i32 to vector<16xi32>
      %add3A_1254 = arith.addi %add3A_1253, %iota3A : vector<16xi32>
      %lt3A = vector.broadcast %squeeze3A_177 : i32 to vector<16xi32>
      %lt3A_1255 = arith.cmpi slt, %add3A_1254, %lt3A : vector<16xi32>
      %and3A = arith.constant 2047 : i32
      %and3A_1256 = vector.broadcast %and3A : i32 to vector<16xi32>
      %and3A_1257 = arith.andi %add3A_1254, %and3A_1256 : vector<16xi32>
      %gather3A = tpu.vector_load_idx %arg12[%and3A_1257] : memref<2048xi32, #tpu.memory_space<vmem>>[vector<16xi32>], vector<16xi32>,
      %and3A_1258 = arith.constant 2047 : i32
      %and3A_1259 = vector.broadcast %and3A_1258 : i32 to vector<16xi32>
      %and3A_1260 = arith.andi %gather3A, %and3A_1259 : vector<16xi32>
      %min3A = arith.constant 1999 : i32
      %min3A_1261 = vector.broadcast %min3A : i32 to vector<16xi32>
      %min3A_1262 = arith.minsi %and3A_1260, %min3A_1261 : vector<16xi32>
      %shift_right_arithmetic3A_1263 = arith.constant 1 : i32
      %shift_right_arithmetic3A_1264 = vector.broadcast %shift_right_arithmetic3A_1263 : i32 to vector<16xi32>
      %shift_right_arithmetic3A_1265 = arith.shrsi %min3A_1262, %shift_right_arithmetic3A_1264 : vector<16xi32>
      %and3A_1266 = arith.constant 1 : i32
      %and3A_1267 = vector.broadcast %and3A_1266 : i32 to vector<16xi32>
      %and3A_1268 = arith.andi %min3A_1262, %and3A_1267 : vector<16xi32>
      %mul3A_1269 = arith.constant 33555 : i32
      %mul3A_1270 = vector.broadcast %mul3A_1269 : i32 to vector<16xi32>
      %mul3A_1271 = arith.muli %min3A_1262, %mul3A_1270 : vector<16xi32>
      %shift_right_arithmetic3A_1272 = arith.constant 25 : i32
      %shift_right_arithmetic3A_1273 = vector.broadcast %shift_right_arithmetic3A_1272 : i32 to vector<16xi32>
      %shift_right_arithmetic3A_1274 = arith.shrsi %mul3A_1271, %shift_right_arithmetic3A_1273 : vector<16xi32>
      %gather3A_1275 = tpu.vector_load_idx %arg7[%shift_right_arithmetic3A_1265] : memref<1000xi32, #tpu.memory_space<vmem>>[vector<16xi32>], vector<16xi32>,
      %gather3A_1276 = tpu.vector_load_idx %arg8[%shift_right_arithmetic3A_1265] : memref<1000xi32, #tpu.memory_space<vmem>>[vector<16xi32>], vector<16xi32>,
      %convert_element_type3A = arith.sitofp %gather3A_1276 : vector<16xi32> to vector<16xf32>
      %mul3A_1277 = arith.constant 2 : i32
      %mul3A_1278 = vector.broadcast %mul3A_1277 : i32 to vector<16xi32>
      %mul3A_1279 = arith.muli %shift_right_arithmetic3A_1274, %mul3A_1278 : vector<16xi32>
      %add3A_1280 = arith.addi %mul3A_1279, %and3A_1268 : vector<16xi32>
      %shift_left3A = arith.constant 9 : i32
      %shift_left3A_1281 = vector.broadcast %shift_left3A : i32 to vector<16xi32>
      %shift_left3A_1282 = arith.shli %add3A_1280, %shift_left3A_1281 : vector<16xi32>
      %shift_right_arithmetic3A_1283 = arith.constant 9 : i32
      %shift_right_arithmetic3A_1284 = vector.broadcast %shift_right_arithmetic3A_1283 : i32 to vector<16xi32>
      %shift_right_arithmetic3A_1285 = arith.shrsi %gather3A_1275, %shift_right_arithmetic3A_1284 : vector<16xi32>
      %add3A_1286 = arith.addi %shift_left3A_1282, %shift_right_arithmetic3A_1285 : vector<16xi32>
      %and3A_1287 = arith.constant 63 : i32
      %and3A_1288 = vector.broadcast %and3A_1287 : i32 to vector<16xi32>
      %and3A_1289 = arith.andi %add3A_1286, %and3A_1288 : vector<16xi32>
      %and3A_1290 = arith.constant 511 : i32
      %and3A_1291 = vector.broadcast %and3A_1290 : i32 to vector<16xi32>
      %and3A_1292 = arith.andi %gather3A_1275, %and3A_1291 : vector<16xi32>
      %gather3A_1293 = tpu.vector_load_idx %arg16[%and3A_1289, %and3A_1292] : memref<64x512xf32, #tpu.memory_space<vmem>>[vector<16xi32>, vector<16xi32>], vector<16xf32>,
      %mul3A_1294 = arith.mulf %gather3A_1293, %convert_element_type3A : vector<16xf32>
      tpu.vector_store_idx %arg9[%min3A_1262], %mul3A_1294 masked %lt3A_1255 : memref<2000xf32, #tpu.memory_space<vmem>>[vector<16xi32>], vector<16xf32>, vector<16xi1>
      %while3A_1295 = arith.constant 0 : i32
      scf.yield %while3A_1295 : i32
    }
    %dma_wait3A_195 = tpu.memref_reshape %arg2 : memref<64x2x512x512xf32, #tpu.memory_space<hbm>> -> memref<65536x512xf32, #tpu.memory_space<hbm>>
    %dma_wait3A_196 = arith.constant 0 : i32
    %dma_wait3A_197 = tpu.memref_slice %dma_wait3A_195[%multiple_of3A_167, %dma_wait3A_196] : memref<65536x512xf32, #tpu.memory_space<hbm>> -> memref<64x512xf32, #tpu.memory_space<hbm>>
    %dma_wait3A_198 = tpu.memref_reshape %arg2 : memref<64x2x512x512xf32, #tpu.memory_space<hbm>> -> memref<65536x512xf32, #tpu.memory_space<hbm>>
    %dma_wait3A_199 = arith.constant 0 : i32
    %dma_wait3A_200 = tpu.memref_slice %dma_wait3A_198[%multiple_of3A_167, %dma_wait3A_199] : memref<65536x512xf32, #tpu.memory_space<hbm>> -> memref<64x512xf32, #tpu.memory_space<hbm>>
    tpu.wait_dma2 semaphore(%arg17 : memref<!tpu.dma_semaphore, #tpu.memory_space<semaphore_mem>>) src(%dma_wait3A_200 : memref<64x512xf32, #tpu.memory_space<hbm>>) dst(%arg15 : memref<64x512xf32, #tpu.memory_space<vmem>>)
    %mul3A_201 = arith.constant 2048 : i32
    %mul3A_202 = arith.muli %add3A, %mul3A_201 : i32
    %add3A_203 = arith.constant 320 : i32
    %add3A_204 = arith.addi %mul3A_202, %add3A_203 : i32
    %multiple_of3A_205 = tpu.assume_multiple %add3A_204, 64 : i32
    %dma_start3A_206 = tpu.memref_reshape %arg2 : memref<64x2x512x512xf32, #tpu.memory_space<hbm>> -> memref<65536x512xf32, #tpu.memory_space<hbm>>
    %dma_start3A_207 = arith.constant 0 : i32
    %dma_start3A_208 = tpu.memref_slice %dma_start3A_206[%multiple_of3A_205, %dma_start3A_207] : memref<65536x512xf32, #tpu.memory_space<hbm>> -> memref<64x512xf32, #tpu.memory_space<hbm>>
    %dma_start3A_209 = tpu.memref_reshape %arg2 : memref<64x2x512x512xf32, #tpu.memory_space<hbm>> -> memref<65536x512xf32, #tpu.memory_space<hbm>>
    %dma_start3A_210 = arith.constant 0 : i32
    %dma_start3A_211 = tpu.memref_slice %dma_start3A_209[%multiple_of3A_205, %dma_start3A_210] : memref<65536x512xf32, #tpu.memory_space<hbm>> -> memref<64x512xf32, #tpu.memory_space<hbm>>
    tpu.enqueue_dma source(%dma_start3A_211 : memref<64x512xf32, #tpu.memory_space<hbm>>) target(%arg16 : memref<64x512xf32, #tpu.memory_space<vmem>>) target_semaphore(%arg18 : memref<!tpu.dma_semaphore, #tpu.memory_space<semaphore_mem>>)
    %slice3A_212 = vector.extract_strided_slice %sub3A {offsets = [4], sizes = [1], strides = [1]} : vector<16xi32> to vector<1xi32>
    %squeeze3A_213 = vector.extract %slice3A_212[0] : i32 from vector<1xi32>
    %slice3A_214 = vector.extract_strided_slice %masked_cumsum3A {offsets = [4], sizes = [1], strides = [1]} : vector<16xi32> to vector<1xi32>
    %squeeze3A_215 = vector.extract %slice3A_214[0] : i32 from vector<1xi32>
    %sub3A_216 = arith.subi %squeeze3A_215, %squeeze3A_213 : i32
    %add3A_217 = arith.constant 15 : i32
    %add3A_218 = arith.addi %sub3A_216, %add3A_217 : i32
    %shift_right_arithmetic3A_219 = arith.constant 4 : i32
    %shift_right_arithmetic3A_220 = arith.shrsi %add3A_218, %shift_right_arithmetic3A_219 : i32
    %while3A_221 = arith.constant 0 : i32
    %while3A_222 = arith.constant 0 : i32
    %while3A_223 = arith.subi %shift_right_arithmetic3A_220, %while3A_221 : i32
    %while3A_224 = arith.addi %while3A_221, %while3A_223 : i32
    %while3A_225 = arith.constant 1 : i32
    %while3A_226 = arith.divsi %while3A_223, %while3A_225 : i32
    %while3A_227 = arith.muli %while3A_226, %while3A_225 : i32
    %while3A_228 = arith.addi %while3A_221, %while3A_227 : i32
    %while3A_229 = arith.constant 1 : i32
    %while3A_230 = scf.for %while3A_1248 = %while3A_221 to %while3A_228 step %while3A_229 iter_args(%while3A_1249 = %while3A_222) -> (i32)  : i32 {
      %mul3A_1250 = arith.constant 16 : i32
      %mul3A_1251 = arith.muli %while3A_1248, %mul3A_1250 : i32
      %add3A_1252 = arith.addi %squeeze3A_213, %mul3A_1251 : i32
      %add3A_1253 = vector.broadcast %add3A_1252 : i32 to vector<16xi32>
      %add3A_1254 = arith.addi %add3A_1253, %iota3A : vector<16xi32>
      %lt3A = vector.broadcast %squeeze3A_215 : i32 to vector<16xi32>
      %lt3A_1255 = arith.cmpi slt, %add3A_1254, %lt3A : vector<16xi32>
      %and3A = arith.constant 2047 : i32
      %and3A_1256 = vector.broadcast %and3A : i32 to vector<16xi32>
      %and3A_1257 = arith.andi %add3A_1254, %and3A_1256 : vector<16xi32>
      %gather3A = tpu.vector_load_idx %arg12[%and3A_1257] : memref<2048xi32, #tpu.memory_space<vmem>>[vector<16xi32>], vector<16xi32>,
      %and3A_1258 = arith.constant 2047 : i32
      %and3A_1259 = vector.broadcast %and3A_1258 : i32 to vector<16xi32>
      %and3A_1260 = arith.andi %gather3A, %and3A_1259 : vector<16xi32>
      %min3A = arith.constant 1999 : i32
      %min3A_1261 = vector.broadcast %min3A : i32 to vector<16xi32>
      %min3A_1262 = arith.minsi %and3A_1260, %min3A_1261 : vector<16xi32>
      %shift_right_arithmetic3A_1263 = arith.constant 1 : i32
      %shift_right_arithmetic3A_1264 = vector.broadcast %shift_right_arithmetic3A_1263 : i32 to vector<16xi32>
      %shift_right_arithmetic3A_1265 = arith.shrsi %min3A_1262, %shift_right_arithmetic3A_1264 : vector<16xi32>
      %and3A_1266 = arith.constant 1 : i32
      %and3A_1267 = vector.broadcast %and3A_1266 : i32 to vector<16xi32>
      %and3A_1268 = arith.andi %min3A_1262, %and3A_1267 : vector<16xi32>
      %mul3A_1269 = arith.constant 33555 : i32
      %mul3A_1270 = vector.broadcast %mul3A_1269 : i32 to vector<16xi32>
      %mul3A_1271 = arith.muli %min3A_1262, %mul3A_1270 : vector<16xi32>
      %shift_right_arithmetic3A_1272 = arith.constant 25 : i32
      %shift_right_arithmetic3A_1273 = vector.broadcast %shift_right_arithmetic3A_1272 : i32 to vector<16xi32>
      %shift_right_arithmetic3A_1274 = arith.shrsi %mul3A_1271, %shift_right_arithmetic3A_1273 : vector<16xi32>
      %gather3A_1275 = tpu.vector_load_idx %arg7[%shift_right_arithmetic3A_1265] : memref<1000xi32, #tpu.memory_space<vmem>>[vector<16xi32>], vector<16xi32>,
      %gather3A_1276 = tpu.vector_load_idx %arg8[%shift_right_arithmetic3A_1265] : memref<1000xi32, #tpu.memory_space<vmem>>[vector<16xi32>], vector<16xi32>,
      %convert_element_type3A = arith.sitofp %gather3A_1276 : vector<16xi32> to vector<16xf32>
      %mul3A_1277 = arith.constant 2 : i32
      %mul3A_1278 = vector.broadcast %mul3A_1277 : i32 to vector<16xi32>
      %mul3A_1279 = arith.muli %shift_right_arithmetic3A_1274, %mul3A_1278 : vector<16xi32>
      %add3A_1280 = arith.addi %mul3A_1279, %and3A_1268 : vector<16xi32>
      %shift_left3A = arith.constant 9 : i32
      %shift_left3A_1281 = vector.broadcast %shift_left3A : i32 to vector<16xi32>
      %shift_left3A_1282 = arith.shli %add3A_1280, %shift_left3A_1281 : vector<16xi32>
      %shift_right_arithmetic3A_1283 = arith.constant 9 : i32
      %shift_right_arithmetic3A_1284 = vector.broadcast %shift_right_arithmetic3A_1283 : i32 to vector<16xi32>
      %shift_right_arithmetic3A_1285 = arith.shrsi %gather3A_1275, %shift_right_arithmetic3A_1284 : vector<16xi32>
      %add3A_1286 = arith.addi %shift_left3A_1282, %shift_right_arithmetic3A_1285 : vector<16xi32>
      %and3A_1287 = arith.constant 63 : i32
      %and3A_1288 = vector.broadcast %and3A_1287 : i32 to vector<16xi32>
      %and3A_1289 = arith.andi %add3A_1286, %and3A_1288 : vector<16xi32>
      %and3A_1290 = arith.constant 511 : i32
      %and3A_1291 = vector.broadcast %and3A_1290 : i32 to vector<16xi32>
      %and3A_1292 = arith.andi %gather3A_1275, %and3A_1291 : vector<16xi32>
      %gather3A_1293 = tpu.vector_load_idx %arg15[%and3A_1289, %and3A_1292] : memref<64x512xf32, #tpu.memory_space<vmem>>[vector<16xi32>, vector<16xi32>], vector<16xf32>,
      %mul3A_1294 = arith.mulf %gather3A_1293, %convert_element_type3A : vector<16xf32>
      tpu.vector_store_idx %arg9[%min3A_1262], %mul3A_1294 masked %lt3A_1255 : memref<2000xf32, #tpu.memory_space<vmem>>[vector<16xi32>], vector<16xf32>, vector<16xi1>
      %while3A_1295 = arith.constant 0 : i32
      scf.yield %while3A_1295 : i32
    }
    %while3A_231 = arith.constant 1 : i32
    %while3A_232 = scf.for %while3A_1248 = %while3A_228 to %while3A_224 step %while3A_231 iter_args(%while3A_1249 = %while3A_230) -> (i32)  : i32 {
      %mul3A_1250 = arith.constant 16 : i32
      %mul3A_1251 = arith.muli %while3A_1248, %mul3A_1250 : i32
      %add3A_1252 = arith.addi %squeeze3A_213, %mul3A_1251 : i32
      %add3A_1253 = vector.broadcast %add3A_1252 : i32 to vector<16xi32>
      %add3A_1254 = arith.addi %add3A_1253, %iota3A : vector<16xi32>
      %lt3A = vector.broadcast %squeeze3A_215 : i32 to vector<16xi32>
      %lt3A_1255 = arith.cmpi slt, %add3A_1254, %lt3A : vector<16xi32>
      %and3A = arith.constant 2047 : i32
      %and3A_1256 = vector.broadcast %and3A : i32 to vector<16xi32>
      %and3A_1257 = arith.andi %add3A_1254, %and3A_1256 : vector<16xi32>
      %gather3A = tpu.vector_load_idx %arg12[%and3A_1257] : memref<2048xi32, #tpu.memory_space<vmem>>[vector<16xi32>], vector<16xi32>,
      %and3A_1258 = arith.constant 2047 : i32
      %and3A_1259 = vector.broadcast %and3A_1258 : i32 to vector<16xi32>
      %and3A_1260 = arith.andi %gather3A, %and3A_1259 : vector<16xi32>
      %min3A = arith.constant 1999 : i32
      %min3A_1261 = vector.broadcast %min3A : i32 to vector<16xi32>
      %min3A_1262 = arith.minsi %and3A_1260, %min3A_1261 : vector<16xi32>
      %shift_right_arithmetic3A_1263 = arith.constant 1 : i32
      %shift_right_arithmetic3A_1264 = vector.broadcast %shift_right_arithmetic3A_1263 : i32 to vector<16xi32>
      %shift_right_arithmetic3A_1265 = arith.shrsi %min3A_1262, %shift_right_arithmetic3A_1264 : vector<16xi32>
      %and3A_1266 = arith.constant 1 : i32
      %and3A_1267 = vector.broadcast %and3A_1266 : i32 to vector<16xi32>
      %and3A_1268 = arith.andi %min3A_1262, %and3A_1267 : vector<16xi32>
      %mul3A_1269 = arith.constant 33555 : i32
      %mul3A_1270 = vector.broadcast %mul3A_1269 : i32 to vector<16xi32>
      %mul3A_1271 = arith.muli %min3A_1262, %mul3A_1270 : vector<16xi32>
      %shift_right_arithmetic3A_1272 = arith.constant 25 : i32
      %shift_right_arithmetic3A_1273 = vector.broadcast %shift_right_arithmetic3A_1272 : i32 to vector<16xi32>
      %shift_right_arithmetic3A_1274 = arith.shrsi %mul3A_1271, %shift_right_arithmetic3A_1273 : vector<16xi32>
      %gather3A_1275 = tpu.vector_load_idx %arg7[%shift_right_arithmetic3A_1265] : memref<1000xi32, #tpu.memory_space<vmem>>[vector<16xi32>], vector<16xi32>,
      %gather3A_1276 = tpu.vector_load_idx %arg8[%shift_right_arithmetic3A_1265] : memref<1000xi32, #tpu.memory_space<vmem>>[vector<16xi32>], vector<16xi32>,
      %convert_element_type3A = arith.sitofp %gather3A_1276 : vector<16xi32> to vector<16xf32>
      %mul3A_1277 = arith.constant 2 : i32
      %mul3A_1278 = vector.broadcast %mul3A_1277 : i32 to vector<16xi32>
      %mul3A_1279 = arith.muli %shift_right_arithmetic3A_1274, %mul3A_1278 : vector<16xi32>
      %add3A_1280 = arith.addi %mul3A_1279, %and3A_1268 : vector<16xi32>
      %shift_left3A = arith.constant 9 : i32
      %shift_left3A_1281 = vector.broadcast %shift_left3A : i32 to vector<16xi32>
      %shift_left3A_1282 = arith.shli %add3A_1280, %shift_left3A_1281 : vector<16xi32>
      %shift_right_arithmetic3A_1283 = arith.constant 9 : i32
      %shift_right_arithmetic3A_1284 = vector.broadcast %shift_right_arithmetic3A_1283 : i32 to vector<16xi32>
      %shift_right_arithmetic3A_1285 = arith.shrsi %gather3A_1275, %shift_right_arithmetic3A_1284 : vector<16xi32>
      %add3A_1286 = arith.addi %shift_left3A_1282, %shift_right_arithmetic3A_1285 : vector<16xi32>
      %and3A_1287 = arith.constant 63 : i32
      %and3A_1288 = vector.broadcast %and3A_1287 : i32 to vector<16xi32>
      %and3A_1289 = arith.andi %add3A_1286, %and3A_1288 : vector<16xi32>
      %and3A_1290 = arith.constant 511 : i32
      %and3A_1291 = vector.broadcast %and3A_1290 : i32 to vector<16xi32>
      %and3A_1292 = arith.andi %gather3A_1275, %and3A_1291 : vector<16xi32>
      %gather3A_1293 = tpu.vector_load_idx %arg15[%and3A_1289, %and3A_1292] : memref<64x512xf32, #tpu.memory_space<vmem>>[vector<16xi32>, vector<16xi32>], vector<16xf32>,
      %mul3A_1294 = arith.mulf %gather3A_1293, %convert_element_type3A : vector<16xf32>
      tpu.vector_store_idx %arg9[%min3A_1262], %mul3A_1294 masked %lt3A_1255 : memref<2000xf32, #tpu.memory_space<vmem>>[vector<16xi32>], vector<16xf32>, vector<16xi1>
      %while3A_1295 = arith.constant 0 : i32
      scf.yield %while3A_1295 : i32
    }
    %dma_wait3A_233 = tpu.memref_reshape %arg2 : memref<64x2x512x512xf32, #tpu.memory_space<hbm>> -> memref<65536x512xf32, #tpu.memory_space<hbm>>
    %dma_wait3A_234 = arith.constant 0 : i32
    %dma_wait3A_235 = tpu.memref_slice %dma_wait3A_233[%multiple_of3A_205, %dma_wait3A_234] : memref<65536x512xf32, #tpu.memory_space<hbm>> -> memref<64x512xf32, #tpu.memory_space<hbm>>
    %dma_wait3A_236 = tpu.memref_reshape %arg2 : memref<64x2x512x512xf32, #tpu.memory_space<hbm>> -> memref<65536x512xf32, #tpu.memory_space<hbm>>
    %dma_wait3A_237 = arith.constant 0 : i32
    %dma_wait3A_238 = tpu.memref_slice %dma_wait3A_236[%multiple_of3A_205, %dma_wait3A_237] : memref<65536x512xf32, #tpu.memory_space<hbm>> -> memref<64x512xf32, #tpu.memory_space<hbm>>
    tpu.wait_dma2 semaphore(%arg18 : memref<!tpu.dma_semaphore, #tpu.memory_space<semaphore_mem>>) src(%dma_wait3A_238 : memref<64x512xf32, #tpu.memory_space<hbm>>) dst(%arg16 : memref<64x512xf32, #tpu.memory_space<vmem>>)
    %mul3A_239 = arith.constant 2048 : i32
    %mul3A_240 = arith.muli %add3A, %mul3A_239 : i32
    %add3A_241 = arith.constant 384 : i32
    %add3A_242 = arith.addi %mul3A_240, %add3A_241 : i32
    %multiple_of3A_243 = tpu.assume_multiple %add3A_242, 64 : i32
    %dma_start3A_244 = tpu.memref_reshape %arg2 : memref<64x2x512x512xf32, #tpu.memory_space<hbm>> -> memref<65536x512xf32, #tpu.memory_space<hbm>>
    %dma_start3A_245 = arith.constant 0 : i32
    %dma_start3A_246 = tpu.memref_slice %dma_start3A_244[%multiple_of3A_243, %dma_start3A_245] : memref<65536x512xf32, #tpu.memory_space<hbm>> -> memref<64x512xf32, #tpu.memory_space<hbm>>
    %dma_start3A_247 = tpu.memref_reshape %arg2 : memref<64x2x512x512xf32, #tpu.memory_space<hbm>> -> memref<65536x512xf32, #tpu.memory_space<hbm>>
    %dma_start3A_248 = arith.constant 0 : i32
    %dma_start3A_249 = tpu.memref_slice %dma_start3A_247[%multiple_of3A_243, %dma_start3A_248] : memref<65536x512xf32, #tpu.memory_space<hbm>> -> memref<64x512xf32, #tpu.memory_space<hbm>>
    tpu.enqueue_dma source(%dma_start3A_249 : memref<64x512xf32, #tpu.memory_space<hbm>>) target(%arg15 : memref<64x512xf32, #tpu.memory_space<vmem>>) target_semaphore(%arg17 : memref<!tpu.dma_semaphore, #tpu.memory_space<semaphore_mem>>)
    %slice3A_250 = vector.extract_strided_slice %sub3A {offsets = [5], sizes = [1], strides = [1]} : vector<16xi32> to vector<1xi32>
    %squeeze3A_251 = vector.extract %slice3A_250[0] : i32 from vector<1xi32>
    %slice3A_252 = vector.extract_strided_slice %masked_cumsum3A {offsets = [5], sizes = [1], strides = [1]} : vector<16xi32> to vector<1xi32>
    %squeeze3A_253 = vector.extract %slice3A_252[0] : i32 from vector<1xi32>
    %sub3A_254 = arith.subi %squeeze3A_253, %squeeze3A_251 : i32
    %add3A_255 = arith.constant 15 : i32
    %add3A_256 = arith.addi %sub3A_254, %add3A_255 : i32
    %shift_right_arithmetic3A_257 = arith.constant 4 : i32
    %shift_right_arithmetic3A_258 = arith.shrsi %add3A_256, %shift_right_arithmetic3A_257 : i32
    %while3A_259 = arith.constant 0 : i32
    %while3A_260 = arith.constant 0 : i32
    %while3A_261 = arith.subi %shift_right_arithmetic3A_258, %while3A_259 : i32
    %while3A_262 = arith.addi %while3A_259, %while3A_261 : i32
    %while3A_263 = arith.constant 1 : i32
    %while3A_264 = arith.divsi %while3A_261, %while3A_263 : i32
    %while3A_265 = arith.muli %while3A_264, %while3A_263 : i32
    %while3A_266 = arith.addi %while3A_259, %while3A_265 : i32
    %while3A_267 = arith.constant 1 : i32
    %while3A_268 = scf.for %while3A_1248 = %while3A_259 to %while3A_266 step %while3A_267 iter_args(%while3A_1249 = %while3A_260) -> (i32)  : i32 {
      %mul3A_1250 = arith.constant 16 : i32
      %mul3A_1251 = arith.muli %while3A_1248, %mul3A_1250 : i32
      %add3A_1252 = arith.addi %squeeze3A_251, %mul3A_1251 : i32
      %add3A_1253 = vector.broadcast %add3A_1252 : i32 to vector<16xi32>
      %add3A_1254 = arith.addi %add3A_1253, %iota3A : vector<16xi32>
      %lt3A = vector.broadcast %squeeze3A_253 : i32 to vector<16xi32>
      %lt3A_1255 = arith.cmpi slt, %add3A_1254, %lt3A : vector<16xi32>
      %and3A = arith.constant 2047 : i32
      %and3A_1256 = vector.broadcast %and3A : i32 to vector<16xi32>
      %and3A_1257 = arith.andi %add3A_1254, %and3A_1256 : vector<16xi32>
      %gather3A = tpu.vector_load_idx %arg12[%and3A_1257] : memref<2048xi32, #tpu.memory_space<vmem>>[vector<16xi32>], vector<16xi32>,
      %and3A_1258 = arith.constant 2047 : i32
      %and3A_1259 = vector.broadcast %and3A_1258 : i32 to vector<16xi32>
      %and3A_1260 = arith.andi %gather3A, %and3A_1259 : vector<16xi32>
      %min3A = arith.constant 1999 : i32
      %min3A_1261 = vector.broadcast %min3A : i32 to vector<16xi32>
      %min3A_1262 = arith.minsi %and3A_1260, %min3A_1261 : vector<16xi32>
      %shift_right_arithmetic3A_1263 = arith.constant 1 : i32
      %shift_right_arithmetic3A_1264 = vector.broadcast %shift_right_arithmetic3A_1263 : i32 to vector<16xi32>
      %shift_right_arithmetic3A_1265 = arith.shrsi %min3A_1262, %shift_right_arithmetic3A_1264 : vector<16xi32>
      %and3A_1266 = arith.constant 1 : i32
      %and3A_1267 = vector.broadcast %and3A_1266 : i32 to vector<16xi32>
      %and3A_1268 = arith.andi %min3A_1262, %and3A_1267 : vector<16xi32>
      %mul3A_1269 = arith.constant 33555 : i32
      %mul3A_1270 = vector.broadcast %mul3A_1269 : i32 to vector<16xi32>
      %mul3A_1271 = arith.muli %min3A_1262, %mul3A_1270 : vector<16xi32>
      %shift_right_arithmetic3A_1272 = arith.constant 25 : i32
      %shift_right_arithmetic3A_1273 = vector.broadcast %shift_right_arithmetic3A_1272 : i32 to vector<16xi32>
      %shift_right_arithmetic3A_1274 = arith.shrsi %mul3A_1271, %shift_right_arithmetic3A_1273 : vector<16xi32>
      %gather3A_1275 = tpu.vector_load_idx %arg7[%shift_right_arithmetic3A_1265] : memref<1000xi32, #tpu.memory_space<vmem>>[vector<16xi32>], vector<16xi32>,
      %gather3A_1276 = tpu.vector_load_idx %arg8[%shift_right_arithmetic3A_1265] : memref<1000xi32, #tpu.memory_space<vmem>>[vector<16xi32>], vector<16xi32>,
      %convert_element_type3A = arith.sitofp %gather3A_1276 : vector<16xi32> to vector<16xf32>
      %mul3A_1277 = arith.constant 2 : i32
      %mul3A_1278 = vector.broadcast %mul3A_1277 : i32 to vector<16xi32>
      %mul3A_1279 = arith.muli %shift_right_arithmetic3A_1274, %mul3A_1278 : vector<16xi32>
      %add3A_1280 = arith.addi %mul3A_1279, %and3A_1268 : vector<16xi32>
      %shift_left3A = arith.constant 9 : i32
      %shift_left3A_1281 = vector.broadcast %shift_left3A : i32 to vector<16xi32>
      %shift_left3A_1282 = arith.shli %add3A_1280, %shift_left3A_1281 : vector<16xi32>
      %shift_right_arithmetic3A_1283 = arith.constant 9 : i32
      %shift_right_arithmetic3A_1284 = vector.broadcast %shift_right_arithmetic3A_1283 : i32 to vector<16xi32>
      %shift_right_arithmetic3A_1285 = arith.shrsi %gather3A_1275, %shift_right_arithmetic3A_1284 : vector<16xi32>
      %add3A_1286 = arith.addi %shift_left3A_1282, %shift_right_arithmetic3A_1285 : vector<16xi32>
      %and3A_1287 = arith.constant 63 : i32
      %and3A_1288 = vector.broadcast %and3A_1287 : i32 to vector<16xi32>
      %and3A_1289 = arith.andi %add3A_1286, %and3A_1288 : vector<16xi32>
      %and3A_1290 = arith.constant 511 : i32
      %and3A_1291 = vector.broadcast %and3A_1290 : i32 to vector<16xi32>
      %and3A_1292 = arith.andi %gather3A_1275, %and3A_1291 : vector<16xi32>
      %gather3A_1293 = tpu.vector_load_idx %arg16[%and3A_1289, %and3A_1292] : memref<64x512xf32, #tpu.memory_space<vmem>>[vector<16xi32>, vector<16xi32>], vector<16xf32>,
      %mul3A_1294 = arith.mulf %gather3A_1293, %convert_element_type3A : vector<16xf32>
      tpu.vector_store_idx %arg9[%min3A_1262], %mul3A_1294 masked %lt3A_1255 : memref<2000xf32, #tpu.memory_space<vmem>>[vector<16xi32>], vector<16xf32>, vector<16xi1>
      %while3A_1295 = arith.constant 0 : i32
      scf.yield %while3A_1295 : i32
    }
    %while3A_269 = arith.constant 1 : i32
    %while3A_270 = scf.for %while3A_1248 = %while3A_266 to %while3A_262 step %while3A_269 iter_args(%while3A_1249 = %while3A_268) -> (i32)  : i32 {
      %mul3A_1250 = arith.constant 16 : i32
      %mul3A_1251 = arith.muli %while3A_1248, %mul3A_1250 : i32
      %add3A_1252 = arith.addi %squeeze3A_251, %mul3A_1251 : i32
      %add3A_1253 = vector.broadcast %add3A_1252 : i32 to vector<16xi32>
      %add3A_1254 = arith.addi %add3A_1253, %iota3A : vector<16xi32>
      %lt3A = vector.broadcast %squeeze3A_253 : i32 to vector<16xi32>
      %lt3A_1255 = arith.cmpi slt, %add3A_1254, %lt3A : vector<16xi32>
      %and3A = arith.constant 2047 : i32
      %and3A_1256 = vector.broadcast %and3A : i32 to vector<16xi32>
      %and3A_1257 = arith.andi %add3A_1254, %and3A_1256 : vector<16xi32>
      %gather3A = tpu.vector_load_idx %arg12[%and3A_1257] : memref<2048xi32, #tpu.memory_space<vmem>>[vector<16xi32>], vector<16xi32>,
      %and3A_1258 = arith.constant 2047 : i32
      %and3A_1259 = vector.broadcast %and3A_1258 : i32 to vector<16xi32>
      %and3A_1260 = arith.andi %gather3A, %and3A_1259 : vector<16xi32>
      %min3A = arith.constant 1999 : i32
      %min3A_1261 = vector.broadcast %min3A : i32 to vector<16xi32>
      %min3A_1262 = arith.minsi %and3A_1260, %min3A_1261 : vector<16xi32>
      %shift_right_arithmetic3A_1263 = arith.constant 1 : i32
      %shift_right_arithmetic3A_1264 = vector.broadcast %shift_right_arithmetic3A_1263 : i32 to vector<16xi32>
      %shift_right_arithmetic3A_1265 = arith.shrsi %min3A_1262, %shift_right_arithmetic3A_1264 : vector<16xi32>
      %and3A_1266 = arith.constant 1 : i32
      %and3A_1267 = vector.broadcast %and3A_1266 : i32 to vector<16xi32>
      %and3A_1268 = arith.andi %min3A_1262, %and3A_1267 : vector<16xi32>
      %mul3A_1269 = arith.constant 33555 : i32
      %mul3A_1270 = vector.broadcast %mul3A_1269 : i32 to vector<16xi32>
      %mul3A_1271 = arith.muli %min3A_1262, %mul3A_1270 : vector<16xi32>
      %shift_right_arithmetic3A_1272 = arith.constant 25 : i32
      %shift_right_arithmetic3A_1273 = vector.broadcast %shift_right_arithmetic3A_1272 : i32 to vector<16xi32>
      %shift_right_arithmetic3A_1274 = arith.shrsi %mul3A_1271, %shift_right_arithmetic3A_1273 : vector<16xi32>
      %gather3A_1275 = tpu.vector_load_idx %arg7[%shift_right_arithmetic3A_1265] : memref<1000xi32, #tpu.memory_space<vmem>>[vector<16xi32>], vector<16xi32>,
      %gather3A_1276 = tpu.vector_load_idx %arg8[%shift_right_arithmetic3A_1265] : memref<1000xi32, #tpu.memory_space<vmem>>[vector<16xi32>], vector<16xi32>,
      %convert_element_type3A = arith.sitofp %gather3A_1276 : vector<16xi32> to vector<16xf32>
      %mul3A_1277 = arith.constant 2 : i32
      %mul3A_1278 = vector.broadcast %mul3A_1277 : i32 to vector<16xi32>
      %mul3A_1279 = arith.muli %shift_right_arithmetic3A_1274, %mul3A_1278 : vector<16xi32>
      %add3A_1280 = arith.addi %mul3A_1279, %and3A_1268 : vector<16xi32>
      %shift_left3A = arith.constant 9 : i32
      %shift_left3A_1281 = vector.broadcast %shift_left3A : i32 to vector<16xi32>
      %shift_left3A_1282 = arith.shli %add3A_1280, %shift_left3A_1281 : vector<16xi32>
      %shift_right_arithmetic3A_1283 = arith.constant 9 : i32
      %shift_right_arithmetic3A_1284 = vector.broadcast %shift_right_arithmetic3A_1283 : i32 to vector<16xi32>
      %shift_right_arithmetic3A_1285 = arith.shrsi %gather3A_1275, %shift_right_arithmetic3A_1284 : vector<16xi32>
      %add3A_1286 = arith.addi %shift_left3A_1282, %shift_right_arithmetic3A_1285 : vector<16xi32>
      %and3A_1287 = arith.constant 63 : i32
      %and3A_1288 = vector.broadcast %and3A_1287 : i32 to vector<16xi32>
      %and3A_1289 = arith.andi %add3A_1286, %and3A_1288 : vector<16xi32>
      %and3A_1290 = arith.constant 511 : i32
      %and3A_1291 = vector.broadcast %and3A_1290 : i32 to vector<16xi32>
      %and3A_1292 = arith.andi %gather3A_1275, %and3A_1291 : vector<16xi32>
      %gather3A_1293 = tpu.vector_load_idx %arg16[%and3A_1289, %and3A_1292] : memref<64x512xf32, #tpu.memory_space<vmem>>[vector<16xi32>, vector<16xi32>], vector<16xf32>,
      %mul3A_1294 = arith.mulf %gather3A_1293, %convert_element_type3A : vector<16xf32>
      tpu.vector_store_idx %arg9[%min3A_1262], %mul3A_1294 masked %lt3A_1255 : memref<2000xf32, #tpu.memory_space<vmem>>[vector<16xi32>], vector<16xf32>, vector<16xi1>
      %while3A_1295 = arith.constant 0 : i32
      scf.yield %while3A_1295 : i32
    }
    %dma_wait3A_271 = tpu.memref_reshape %arg2 : memref<64x2x512x512xf32, #tpu.memory_space<hbm>> -> memref<65536x512xf32, #tpu.memory_space<hbm>>
    %dma_wait3A_272 = arith.constant 0 : i32
    %dma_wait3A_273 = tpu.memref_slice %dma_wait3A_271[%multiple_of3A_243, %dma_wait3A_272] : memref<65536x512xf32, #tpu.memory_space<hbm>> -> memref<64x512xf32, #tpu.memory_space<hbm>>
    %dma_wait3A_274 = tpu.memref_reshape %arg2 : memref<64x2x512x512xf32, #tpu.memory_space<hbm>> -> memref<65536x512xf32, #tpu.memory_space<hbm>>
    %dma_wait3A_275 = arith.constant 0 : i32
    %dma_wait3A_276 = tpu.memref_slice %dma_wait3A_274[%multiple_of3A_243, %dma_wait3A_275] : memref<65536x512xf32, #tpu.memory_space<hbm>> -> memref<64x512xf32, #tpu.memory_space<hbm>>
    tpu.wait_dma2 semaphore(%arg17 : memref<!tpu.dma_semaphore, #tpu.memory_space<semaphore_mem>>) src(%dma_wait3A_276 : memref<64x512xf32, #tpu.memory_space<hbm>>) dst(%arg15 : memref<64x512xf32, #tpu.memory_space<vmem>>)
    %mul3A_277 = arith.constant 2048 : i32
    %mul3A_278 = arith.muli %add3A, %mul3A_277 : i32
    %add3A_279 = arith.constant 448 : i32
    %add3A_280 = arith.addi %mul3A_278, %add3A_279 : i32
    %multiple_of3A_281 = tpu.assume_multiple %add3A_280, 64 : i32
    %dma_start3A_282 = tpu.memref_reshape %arg2 : memref<64x2x512x512xf32, #tpu.memory_space<hbm>> -> memref<65536x512xf32, #tpu.memory_space<hbm>>
    %dma_start3A_283 = arith.constant 0 : i32
    %dma_start3A_284 = tpu.memref_slice %dma_start3A_282[%multiple_of3A_281, %dma_start3A_283] : memref<65536x512xf32, #tpu.memory_space<hbm>> -> memref<64x512xf32, #tpu.memory_space<hbm>>
    %dma_start3A_285 = tpu.memref_reshape %arg2 : memref<64x2x512x512xf32, #tpu.memory_space<hbm>> -> memref<65536x512xf32, #tpu.memory_space<hbm>>
    %dma_start3A_286 = arith.constant 0 : i32
    %dma_start3A_287 = tpu.memref_slice %dma_start3A_285[%multiple_of3A_281, %dma_start3A_286] : memref<65536x512xf32, #tpu.memory_space<hbm>> -> memref<64x512xf32, #tpu.memory_space<hbm>>
    tpu.enqueue_dma source(%dma_start3A_287 : memref<64x512xf32, #tpu.memory_space<hbm>>) target(%arg16 : memref<64x512xf32, #tpu.memory_space<vmem>>) target_semaphore(%arg18 : memref<!tpu.dma_semaphore, #tpu.memory_space<semaphore_mem>>)
    %slice3A_288 = vector.extract_strided_slice %sub3A {offsets = [6], sizes = [1], strides = [1]} : vector<16xi32> to vector<1xi32>
    %squeeze3A_289 = vector.extract %slice3A_288[0] : i32 from vector<1xi32>
    %slice3A_290 = vector.extract_strided_slice %masked_cumsum3A {offsets = [6], sizes = [1], strides = [1]} : vector<16xi32> to vector<1xi32>
    %squeeze3A_291 = vector.extract %slice3A_290[0] : i32 from vector<1xi32>
    %sub3A_292 = arith.subi %squeeze3A_291, %squeeze3A_289 : i32
    %add3A_293 = arith.constant 15 : i32
    %add3A_294 = arith.addi %sub3A_292, %add3A_293 : i32
    %shift_right_arithmetic3A_295 = arith.constant 4 : i32
    %shift_right_arithmetic3A_296 = arith.shrsi %add3A_294, %shift_right_arithmetic3A_295 : i32
    %while3A_297 = arith.constant 0 : i32
    %while3A_298 = arith.constant 0 : i32
    %while3A_299 = arith.subi %shift_right_arithmetic3A_296, %while3A_297 : i32
    %while3A_300 = arith.addi %while3A_297, %while3A_299 : i32
    %while3A_301 = arith.constant 1 : i32
    %while3A_302 = arith.divsi %while3A_299, %while3A_301 : i32
    %while3A_303 = arith.muli %while3A_302, %while3A_301 : i32
    %while3A_304 = arith.addi %while3A_297, %while3A_303 : i32
    %while3A_305 = arith.constant 1 : i32
    %while3A_306 = scf.for %while3A_1248 = %while3A_297 to %while3A_304 step %while3A_305 iter_args(%while3A_1249 = %while3A_298) -> (i32)  : i32 {
      %mul3A_1250 = arith.constant 16 : i32
      %mul3A_1251 = arith.muli %while3A_1248, %mul3A_1250 : i32
      %add3A_1252 = arith.addi %squeeze3A_289, %mul3A_1251 : i32
      %add3A_1253 = vector.broadcast %add3A_1252 : i32 to vector<16xi32>
      %add3A_1254 = arith.addi %add3A_1253, %iota3A : vector<16xi32>
      %lt3A = vector.broadcast %squeeze3A_291 : i32 to vector<16xi32>
      %lt3A_1255 = arith.cmpi slt, %add3A_1254, %lt3A : vector<16xi32>
      %and3A = arith.constant 2047 : i32
      %and3A_1256 = vector.broadcast %and3A : i32 to vector<16xi32>
      %and3A_1257 = arith.andi %add3A_1254, %and3A_1256 : vector<16xi32>
      %gather3A = tpu.vector_load_idx %arg12[%and3A_1257] : memref<2048xi32, #tpu.memory_space<vmem>>[vector<16xi32>], vector<16xi32>,
      %and3A_1258 = arith.constant 2047 : i32
      %and3A_1259 = vector.broadcast %and3A_1258 : i32 to vector<16xi32>
      %and3A_1260 = arith.andi %gather3A, %and3A_1259 : vector<16xi32>
      %min3A = arith.constant 1999 : i32
      %min3A_1261 = vector.broadcast %min3A : i32 to vector<16xi32>
      %min3A_1262 = arith.minsi %and3A_1260, %min3A_1261 : vector<16xi32>
      %shift_right_arithmetic3A_1263 = arith.constant 1 : i32
      %shift_right_arithmetic3A_1264 = vector.broadcast %shift_right_arithmetic3A_1263 : i32 to vector<16xi32>
      %shift_right_arithmetic3A_1265 = arith.shrsi %min3A_1262, %shift_right_arithmetic3A_1264 : vector<16xi32>
      %and3A_1266 = arith.constant 1 : i32
      %and3A_1267 = vector.broadcast %and3A_1266 : i32 to vector<16xi32>
      %and3A_1268 = arith.andi %min3A_1262, %and3A_1267 : vector<16xi32>
      %mul3A_1269 = arith.constant 33555 : i32
      %mul3A_1270 = vector.broadcast %mul3A_1269 : i32 to vector<16xi32>
      %mul3A_1271 = arith.muli %min3A_1262, %mul3A_1270 : vector<16xi32>
      %shift_right_arithmetic3A_1272 = arith.constant 25 : i32
      %shift_right_arithmetic3A_1273 = vector.broadcast %shift_right_arithmetic3A_1272 : i32 to vector<16xi32>
      %shift_right_arithmetic3A_1274 = arith.shrsi %mul3A_1271, %shift_right_arithmetic3A_1273 : vector<16xi32>
      %gather3A_1275 = tpu.vector_load_idx %arg7[%shift_right_arithmetic3A_1265] : memref<1000xi32, #tpu.memory_space<vmem>>[vector<16xi32>], vector<16xi32>,
      %gather3A_1276 = tpu.vector_load_idx %arg8[%shift_right_arithmetic3A_1265] : memref<1000xi32, #tpu.memory_space<vmem>>[vector<16xi32>], vector<16xi32>,
      %convert_element_type3A = arith.sitofp %gather3A_1276 : vector<16xi32> to vector<16xf32>
      %mul3A_1277 = arith.constant 2 : i32
      %mul3A_1278 = vector.broadcast %mul3A_1277 : i32 to vector<16xi32>
      %mul3A_1279 = arith.muli %shift_right_arithmetic3A_1274, %mul3A_1278 : vector<16xi32>
      %add3A_1280 = arith.addi %mul3A_1279, %and3A_1268 : vector<16xi32>
      %shift_left3A = arith.constant 9 : i32
      %shift_left3A_1281 = vector.broadcast %shift_left3A : i32 to vector<16xi32>
      %shift_left3A_1282 = arith.shli %add3A_1280, %shift_left3A_1281 : vector<16xi32>
      %shift_right_arithmetic3A_1283 = arith.constant 9 : i32
      %shift_right_arithmetic3A_1284 = vector.broadcast %shift_right_arithmetic3A_1283 : i32 to vector<16xi32>
      %shift_right_arithmetic3A_1285 = arith.shrsi %gather3A_1275, %shift_right_arithmetic3A_1284 : vector<16xi32>
      %add3A_1286 = arith.addi %shift_left3A_1282, %shift_right_arithmetic3A_1285 : vector<16xi32>
      %and3A_1287 = arith.constant 63 : i32
      %and3A_1288 = vector.broadcast %and3A_1287 : i32 to vector<16xi32>
      %and3A_1289 = arith.andi %add3A_1286, %and3A_1288 : vector<16xi32>
      %and3A_1290 = arith.constant 511 : i32
      %and3A_1291 = vector.broadcast %and3A_1290 : i32 to vector<16xi32>
      %and3A_1292 = arith.andi %gather3A_1275, %and3A_1291 : vector<16xi32>
      %gather3A_1293 = tpu.vector_load_idx %arg15[%and3A_1289, %and3A_1292] : memref<64x512xf32, #tpu.memory_space<vmem>>[vector<16xi32>, vector<16xi32>], vector<16xf32>,
      %mul3A_1294 = arith.mulf %gather3A_1293, %convert_element_type3A : vector<16xf32>
      tpu.vector_store_idx %arg9[%min3A_1262], %mul3A_1294 masked %lt3A_1255 : memref<2000xf32, #tpu.memory_space<vmem>>[vector<16xi32>], vector<16xf32>, vector<16xi1>
      %while3A_1295 = arith.constant 0 : i32
      scf.yield %while3A_1295 : i32
    }
    %while3A_307 = arith.constant 1 : i32
    %while3A_308 = scf.for %while3A_1248 = %while3A_304 to %while3A_300 step %while3A_307 iter_args(%while3A_1249 = %while3A_306) -> (i32)  : i32 {
      %mul3A_1250 = arith.constant 16 : i32
      %mul3A_1251 = arith.muli %while3A_1248, %mul3A_1250 : i32
      %add3A_1252 = arith.addi %squeeze3A_289, %mul3A_1251 : i32
      %add3A_1253 = vector.broadcast %add3A_1252 : i32 to vector<16xi32>
      %add3A_1254 = arith.addi %add3A_1253, %iota3A : vector<16xi32>
      %lt3A = vector.broadcast %squeeze3A_291 : i32 to vector<16xi32>
      %lt3A_1255 = arith.cmpi slt, %add3A_1254, %lt3A : vector<16xi32>
      %and3A = arith.constant 2047 : i32
      %and3A_1256 = vector.broadcast %and3A : i32 to vector<16xi32>
      %and3A_1257 = arith.andi %add3A_1254, %and3A_1256 : vector<16xi32>
      %gather3A = tpu.vector_load_idx %arg12[%and3A_1257] : memref<2048xi32, #tpu.memory_space<vmem>>[vector<16xi32>], vector<16xi32>,
      %and3A_1258 = arith.constant 2047 : i32
      %and3A_1259 = vector.broadcast %and3A_1258 : i32 to vector<16xi32>
      %and3A_1260 = arith.andi %gather3A, %and3A_1259 : vector<16xi32>
      %min3A = arith.constant 1999 : i32
      %min3A_1261 = vector.broadcast %min3A : i32 to vector<16xi32>
      %min3A_1262 = arith.minsi %and3A_1260, %min3A_1261 : vector<16xi32>
      %shift_right_arithmetic3A_1263 = arith.constant 1 : i32
      %shift_right_arithmetic3A_1264 = vector.broadcast %shift_right_arithmetic3A_1263 : i32 to vector<16xi32>
      %shift_right_arithmetic3A_1265 = arith.shrsi %min3A_1262, %shift_right_arithmetic3A_1264 : vector<16xi32>
      %and3A_1266 = arith.constant 1 : i32
      %and3A_1267 = vector.broadcast %and3A_1266 : i32 to vector<16xi32>
      %and3A_1268 = arith.andi %min3A_1262, %and3A_1267 : vector<16xi32>
      %mul3A_1269 = arith.constant 33555 : i32
      %mul3A_1270 = vector.broadcast %mul3A_1269 : i32 to vector<16xi32>
      %mul3A_1271 = arith.muli %min3A_1262, %mul3A_1270 : vector<16xi32>
      %shift_right_arithmetic3A_1272 = arith.constant 25 : i32
      %shift_right_arithmetic3A_1273 = vector.broadcast %shift_right_arithmetic3A_1272 : i32 to vector<16xi32>
      %shift_right_arithmetic3A_1274 = arith.shrsi %mul3A_1271, %shift_right_arithmetic3A_1273 : vector<16xi32>
      %gather3A_1275 = tpu.vector_load_idx %arg7[%shift_right_arithmetic3A_1265] : memref<1000xi32, #tpu.memory_space<vmem>>[vector<16xi32>], vector<16xi32>,
      %gather3A_1276 = tpu.vector_load_idx %arg8[%shift_right_arithmetic3A_1265] : memref<1000xi32, #tpu.memory_space<vmem>>[vector<16xi32>], vector<16xi32>,
      %convert_element_type3A = arith.sitofp %gather3A_1276 : vector<16xi32> to vector<16xf32>
      %mul3A_1277 = arith.constant 2 : i32
      %mul3A_1278 = vector.broadcast %mul3A_1277 : i32 to vector<16xi32>
      %mul3A_1279 = arith.muli %shift_right_arithmetic3A_1274, %mul3A_1278 : vector<16xi32>
      %add3A_1280 = arith.addi %mul3A_1279, %and3A_1268 : vector<16xi32>
      %shift_left3A = arith.constant 9 : i32
      %shift_left3A_1281 = vector.broadcast %shift_left3A : i32 to vector<16xi32>
      %shift_left3A_1282 = arith.shli %add3A_1280, %shift_left3A_1281 : vector<16xi32>
      %shift_right_arithmetic3A_1283 = arith.constant 9 : i32
      %shift_right_arithmetic3A_1284 = vector.broadcast %shift_right_arithmetic3A_1283 : i32 to vector<16xi32>
      %shift_right_arithmetic3A_1285 = arith.shrsi %gather3A_1275, %shift_right_arithmetic3A_1284 : vector<16xi32>
      %add3A_1286 = arith.addi %shift_left3A_1282, %shift_right_arithmetic3A_1285 : vector<16xi32>
      %and3A_1287 = arith.constant 63 : i32
      %and3A_1288 = vector.broadcast %and3A_1287 : i32 to vector<16xi32>
      %and3A_1289 = arith.andi %add3A_1286, %and3A_1288 : vector<16xi32>
      %and3A_1290 = arith.constant 511 : i32
      %and3A_1291 = vector.broadcast %and3A_1290 : i32 to vector<16xi32>
      %and3A_1292 = arith.andi %gather3A_1275, %and3A_1291 : vector<16xi32>
      %gather3A_1293 = tpu.vector_load_idx %arg15[%and3A_1289, %and3A_1292] : memref<64x512xf32, #tpu.memory_space<vmem>>[vector<16xi32>, vector<16xi32>], vector<16xf32>,
      %mul3A_1294 = arith.mulf %gather3A_1293, %convert_element_type3A : vector<16xf32>
      tpu.vector_store_idx %arg9[%min3A_1262], %mul3A_1294 masked %lt3A_1255 : memref<2000xf32, #tpu.memory_space<vmem>>[vector<16xi32>], vector<16xf32>, vector<16xi1>
      %while3A_1295 = arith.constant 0 : i32
      scf.yield %while3A_1295 : i32
    }
    %dma_wait3A_309 = tpu.memref_reshape %arg2 : memref<64x2x512x512xf32, #tpu.memory_space<hbm>> -> memref<65536x512xf32, #tpu.memory_space<hbm>>
    %dma_wait3A_310 = arith.constant 0 : i32
    %dma_wait3A_311 = tpu.memref_slice %dma_wait3A_309[%multiple_of3A_281, %dma_wait3A_310] : memref<65536x512xf32, #tpu.memory_space<hbm>> -> memref<64x512xf32, #tpu.memory_space<hbm>>
    %dma_wait3A_312 = tpu.memref_reshape %arg2 : memref<64x2x512x512xf32, #tpu.memory_space<hbm>> -> memref<65536x512xf32, #tpu.memory_space<hbm>>
    %dma_wait3A_313 = arith.constant 0 : i32
    %dma_wait3A_314 = tpu.memref_slice %dma_wait3A_312[%multiple_of3A_281, %dma_wait3A_313] : memref<65536x512xf32, #tpu.memory_space<hbm>> -> memref<64x512xf32, #tpu.memory_space<hbm>>
    tpu.wait_dma2 semaphore(%arg18 : memref<!tpu.dma_semaphore, #tpu.memory_space<semaphore_mem>>) src(%dma_wait3A_314 : memref<64x512xf32, #tpu.memory_space<hbm>>) dst(%arg16 : memref<64x512xf32, #tpu.memory_space<vmem>>)
    %mul3A_315 = arith.constant 2048 : i32
    %mul3A_316 = arith.muli %add3A, %mul3A_315 : i32
    %add3A_317 = arith.constant 512 : i32
    %add3A_318 = arith.addi %mul3A_316, %add3A_317 : i32
    %multiple_of3A_319 = tpu.assume_multiple %add3A_318, 64 : i32
    %dma_start3A_320 = tpu.memref_reshape %arg2 : memref<64x2x512x512xf32, #tpu.memory_space<hbm>> -> memref<65536x512xf32, #tpu.memory_space<hbm>>
    %dma_start3A_321 = arith.constant 0 : i32
    %dma_start3A_322 = tpu.memref_slice %dma_start3A_320[%multiple_of3A_319, %dma_start3A_321] : memref<65536x512xf32, #tpu.memory_space<hbm>> -> memref<64x512xf32, #tpu.memory_space<hbm>>
    %dma_start3A_323 = tpu.memref_reshape %arg2 : memref<64x2x512x512xf32, #tpu.memory_space<hbm>> -> memref<65536x512xf32, #tpu.memory_space<hbm>>
    %dma_start3A_324 = arith.constant 0 : i32
    %dma_start3A_325 = tpu.memref_slice %dma_start3A_323[%multiple_of3A_319, %dma_start3A_324] : memref<65536x512xf32, #tpu.memory_space<hbm>> -> memref<64x512xf32, #tpu.memory_space<hbm>>
    tpu.enqueue_dma source(%dma_start3A_325 : memref<64x512xf32, #tpu.memory_space<hbm>>) target(%arg15 : memref<64x512xf32, #tpu.memory_space<vmem>>) target_semaphore(%arg17 : memref<!tpu.dma_semaphore, #tpu.memory_space<semaphore_mem>>)
    %slice3A_326 = vector.extract_strided_slice %sub3A {offsets = [7], sizes = [1], strides = [1]} : vector<16xi32> to vector<1xi32>
    %squeeze3A_327 = vector.extract %slice3A_326[0] : i32 from vector<1xi32>
    %slice3A_328 = vector.extract_strided_slice %masked_cumsum3A {offsets = [7], sizes = [1], strides = [1]} : vector<16xi32> to vector<1xi32>
    %squeeze3A_329 = vector.extract %slice3A_328[0] : i32 from vector<1xi32>
    %sub3A_330 = arith.subi %squeeze3A_329, %squeeze3A_327 : i32
    %add3A_331 = arith.constant 15 : i32
    %add3A_332 = arith.addi %sub3A_330, %add3A_331 : i32
    %shift_right_arithmetic3A_333 = arith.constant 4 : i32
    %shift_right_arithmetic3A_334 = arith.shrsi %add3A_332, %shift_right_arithmetic3A_333 : i32
    %while3A_335 = arith.constant 0 : i32
    %while3A_336 = arith.constant 0 : i32
    %while3A_337 = arith.subi %shift_right_arithmetic3A_334, %while3A_335 : i32
    %while3A_338 = arith.addi %while3A_335, %while3A_337 : i32
    %while3A_339 = arith.constant 1 : i32
    %while3A_340 = arith.divsi %while3A_337, %while3A_339 : i32
    %while3A_341 = arith.muli %while3A_340, %while3A_339 : i32
    %while3A_342 = arith.addi %while3A_335, %while3A_341 : i32
    %while3A_343 = arith.constant 1 : i32
    %while3A_344 = scf.for %while3A_1248 = %while3A_335 to %while3A_342 step %while3A_343 iter_args(%while3A_1249 = %while3A_336) -> (i32)  : i32 {
      %mul3A_1250 = arith.constant 16 : i32
      %mul3A_1251 = arith.muli %while3A_1248, %mul3A_1250 : i32
      %add3A_1252 = arith.addi %squeeze3A_327, %mul3A_1251 : i32
      %add3A_1253 = vector.broadcast %add3A_1252 : i32 to vector<16xi32>
      %add3A_1254 = arith.addi %add3A_1253, %iota3A : vector<16xi32>
      %lt3A = vector.broadcast %squeeze3A_329 : i32 to vector<16xi32>
      %lt3A_1255 = arith.cmpi slt, %add3A_1254, %lt3A : vector<16xi32>
      %and3A = arith.constant 2047 : i32
      %and3A_1256 = vector.broadcast %and3A : i32 to vector<16xi32>
      %and3A_1257 = arith.andi %add3A_1254, %and3A_1256 : vector<16xi32>
      %gather3A = tpu.vector_load_idx %arg12[%and3A_1257] : memref<2048xi32, #tpu.memory_space<vmem>>[vector<16xi32>], vector<16xi32>,
      %and3A_1258 = arith.constant 2047 : i32
      %and3A_1259 = vector.broadcast %and3A_1258 : i32 to vector<16xi32>
      %and3A_1260 = arith.andi %gather3A, %and3A_1259 : vector<16xi32>
      %min3A = arith.constant 1999 : i32
      %min3A_1261 = vector.broadcast %min3A : i32 to vector<16xi32>
      %min3A_1262 = arith.minsi %and3A_1260, %min3A_1261 : vector<16xi32>
      %shift_right_arithmetic3A_1263 = arith.constant 1 : i32
      %shift_right_arithmetic3A_1264 = vector.broadcast %shift_right_arithmetic3A_1263 : i32 to vector<16xi32>
      %shift_right_arithmetic3A_1265 = arith.shrsi %min3A_1262, %shift_right_arithmetic3A_1264 : vector<16xi32>
      %and3A_1266 = arith.constant 1 : i32
      %and3A_1267 = vector.broadcast %and3A_1266 : i32 to vector<16xi32>
      %and3A_1268 = arith.andi %min3A_1262, %and3A_1267 : vector<16xi32>
      %mul3A_1269 = arith.constant 33555 : i32
      %mul3A_1270 = vector.broadcast %mul3A_1269 : i32 to vector<16xi32>
      %mul3A_1271 = arith.muli %min3A_1262, %mul3A_1270 : vector<16xi32>
      %shift_right_arithmetic3A_1272 = arith.constant 25 : i32
      %shift_right_arithmetic3A_1273 = vector.broadcast %shift_right_arithmetic3A_1272 : i32 to vector<16xi32>
      %shift_right_arithmetic3A_1274 = arith.shrsi %mul3A_1271, %shift_right_arithmetic3A_1273 : vector<16xi32>
      %gather3A_1275 = tpu.vector_load_idx %arg7[%shift_right_arithmetic3A_1265] : memref<1000xi32, #tpu.memory_space<vmem>>[vector<16xi32>], vector<16xi32>,
      %gather3A_1276 = tpu.vector_load_idx %arg8[%shift_right_arithmetic3A_1265] : memref<1000xi32, #tpu.memory_space<vmem>>[vector<16xi32>], vector<16xi32>,
      %convert_element_type3A = arith.sitofp %gather3A_1276 : vector<16xi32> to vector<16xf32>
      %mul3A_1277 = arith.constant 2 : i32
      %mul3A_1278 = vector.broadcast %mul3A_1277 : i32 to vector<16xi32>
      %mul3A_1279 = arith.muli %shift_right_arithmetic3A_1274, %mul3A_1278 : vector<16xi32>
      %add3A_1280 = arith.addi %mul3A_1279, %and3A_1268 : vector<16xi32>
      %shift_left3A = arith.constant 9 : i32
      %shift_left3A_1281 = vector.broadcast %shift_left3A : i32 to vector<16xi32>
      %shift_left3A_1282 = arith.shli %add3A_1280, %shift_left3A_1281 : vector<16xi32>
      %shift_right_arithmetic3A_1283 = arith.constant 9 : i32
      %shift_right_arithmetic3A_1284 = vector.broadcast %shift_right_arithmetic3A_1283 : i32 to vector<16xi32>
      %shift_right_arithmetic3A_1285 = arith.shrsi %gather3A_1275, %shift_right_arithmetic3A_1284 : vector<16xi32>
      %add3A_1286 = arith.addi %shift_left3A_1282, %shift_right_arithmetic3A_1285 : vector<16xi32>
      %and3A_1287 = arith.constant 63 : i32
      %and3A_1288 = vector.broadcast %and3A_1287 : i32 to vector<16xi32>
      %and3A_1289 = arith.andi %add3A_1286, %and3A_1288 : vector<16xi32>
      %and3A_1290 = arith.constant 511 : i32
      %and3A_1291 = vector.broadcast %and3A_1290 : i32 to vector<16xi32>
      %and3A_1292 = arith.andi %gather3A_1275, %and3A_1291 : vector<16xi32>
      %gather3A_1293 = tpu.vector_load_idx %arg16[%and3A_1289, %and3A_1292] : memref<64x512xf32, #tpu.memory_space<vmem>>[vector<16xi32>, vector<16xi32>], vector<16xf32>,
      %mul3A_1294 = arith.mulf %gather3A_1293, %convert_element_type3A : vector<16xf32>
      tpu.vector_store_idx %arg9[%min3A_1262], %mul3A_1294 masked %lt3A_1255 : memref<2000xf32, #tpu.memory_space<vmem>>[vector<16xi32>], vector<16xf32>, vector<16xi1>
      %while3A_1295 = arith.constant 0 : i32
      scf.yield %while3A_1295 : i32
    }
    %while3A_345 = arith.constant 1 : i32
    %while3A_346 = scf.for %while3A_1248 = %while3A_342 to %while3A_338 step %while3A_345 iter_args(%while3A_1249 = %while3A_344) -> (i32)  : i32 {
      %mul3A_1250 = arith.constant 16 : i32
      %mul3A_1251 = arith.muli %while3A_1248, %mul3A_1250 : i32
      %add3A_1252 = arith.addi %squeeze3A_327, %mul3A_1251 : i32
      %add3A_1253 = vector.broadcast %add3A_1252 : i32 to vector<16xi32>
      %add3A_1254 = arith.addi %add3A_1253, %iota3A : vector<16xi32>
      %lt3A = vector.broadcast %squeeze3A_329 : i32 to vector<16xi32>
      %lt3A_1255 = arith.cmpi slt, %add3A_1254, %lt3A : vector<16xi32>
      %and3A = arith.constant 2047 : i32
      %and3A_1256 = vector.broadcast %and3A : i32 to vector<16xi32>
      %and3A_1257 = arith.andi %add3A_1254, %and3A_1256 : vector<16xi32>
      %gather3A = tpu.vector_load_idx %arg12[%and3A_1257] : memref<2048xi32, #tpu.memory_space<vmem>>[vector<16xi32>], vector<16xi32>,
      %and3A_1258 = arith.constant 2047 : i32
      %and3A_1259 = vector.broadcast %and3A_1258 : i32 to vector<16xi32>
      %and3A_1260 = arith.andi %gather3A, %and3A_1259 : vector<16xi32>
      %min3A = arith.constant 1999 : i32
      %min3A_1261 = vector.broadcast %min3A : i32 to vector<16xi32>
      %min3A_1262 = arith.minsi %and3A_1260, %min3A_1261 : vector<16xi32>
      %shift_right_arithmetic3A_1263 = arith.constant 1 : i32
      %shift_right_arithmetic3A_1264 = vector.broadcast %shift_right_arithmetic3A_1263 : i32 to vector<16xi32>
      %shift_right_arithmetic3A_1265 = arith.shrsi %min3A_1262, %shift_right_arithmetic3A_1264 : vector<16xi32>
      %and3A_1266 = arith.constant 1 : i32
      %and3A_1267 = vector.broadcast %and3A_1266 : i32 to vector<16xi32>
      %and3A_1268 = arith.andi %min3A_1262, %and3A_1267 : vector<16xi32>
      %mul3A_1269 = arith.constant 33555 : i32
      %mul3A_1270 = vector.broadcast %mul3A_1269 : i32 to vector<16xi32>
      %mul3A_1271 = arith.muli %min3A_1262, %mul3A_1270 : vector<16xi32>
      %shift_right_arithmetic3A_1272 = arith.constant 25 : i32
      %shift_right_arithmetic3A_1273 = vector.broadcast %shift_right_arithmetic3A_1272 : i32 to vector<16xi32>
      %shift_right_arithmetic3A_1274 = arith.shrsi %mul3A_1271, %shift_right_arithmetic3A_1273 : vector<16xi32>
      %gather3A_1275 = tpu.vector_load_idx %arg7[%shift_right_arithmetic3A_1265] : memref<1000xi32, #tpu.memory_space<vmem>>[vector<16xi32>], vector<16xi32>,
      %gather3A_1276 = tpu.vector_load_idx %arg8[%shift_right_arithmetic3A_1265] : memref<1000xi32, #tpu.memory_space<vmem>>[vector<16xi32>], vector<16xi32>,
      %convert_element_type3A = arith.sitofp %gather3A_1276 : vector<16xi32> to vector<16xf32>
      %mul3A_1277 = arith.constant 2 : i32
      %mul3A_1278 = vector.broadcast %mul3A_1277 : i32 to vector<16xi32>
      %mul3A_1279 = arith.muli %shift_right_arithmetic3A_1274, %mul3A_1278 : vector<16xi32>
      %add3A_1280 = arith.addi %mul3A_1279, %and3A_1268 : vector<16xi32>
      %shift_left3A = arith.constant 9 : i32
      %shift_left3A_1281 = vector.broadcast %shift_left3A : i32 to vector<16xi32>
      %shift_left3A_1282 = arith.shli %add3A_1280, %shift_left3A_1281 : vector<16xi32>
      %shift_right_arithmetic3A_1283 = arith.constant 9 : i32
      %shift_right_arithmetic3A_1284 = vector.broadcast %shift_right_arithmetic3A_1283 : i32 to vector<16xi32>
      %shift_right_arithmetic3A_1285 = arith.shrsi %gather3A_1275, %shift_right_arithmetic3A_1284 : vector<16xi32>
      %add3A_1286 = arith.addi %shift_left3A_1282, %shift_right_arithmetic3A_1285 : vector<16xi32>
      %and3A_1287 = arith.constant 63 : i32
      %and3A_1288 = vector.broadcast %and3A_1287 : i32 to vector<16xi32>
      %and3A_1289 = arith.andi %add3A_1286, %and3A_1288 : vector<16xi32>
      %and3A_1290 = arith.constant 511 : i32
      %and3A_1291 = vector.broadcast %and3A_1290 : i32 to vector<16xi32>
      %and3A_1292 = arith.andi %gather3A_1275, %and3A_1291 : vector<16xi32>
      %gather3A_1293 = tpu.vector_load_idx %arg16[%and3A_1289, %and3A_1292] : memref<64x512xf32, #tpu.memory_space<vmem>>[vector<16xi32>, vector<16xi32>], vector<16xf32>,
      %mul3A_1294 = arith.mulf %gather3A_1293, %convert_element_type3A : vector<16xf32>
      tpu.vector_store_idx %arg9[%min3A_1262], %mul3A_1294 masked %lt3A_1255 : memref<2000xf32, #tpu.memory_space<vmem>>[vector<16xi32>], vector<16xf32>, vector<16xi1>
      %while3A_1295 = arith.constant 0 : i32
      scf.yield %while3A_1295 : i32
    }
    %dma_wait3A_347 = tpu.memref_reshape %arg2 : memref<64x2x512x512xf32, #tpu.memory_space<hbm>> -> memref<65536x512xf32, #tpu.memory_space<hbm>>
    %dma_wait3A_348 = arith.constant 0 : i32
    %dma_wait3A_349 = tpu.memref_slice %dma_wait3A_347[%multiple_of3A_319, %dma_wait3A_348] : memref<65536x512xf32, #tpu.memory_space<hbm>> -> memref<64x512xf32, #tpu.memory_space<hbm>>
    %dma_wait3A_350 = tpu.memref_reshape %arg2 : memref<64x2x512x512xf32, #tpu.memory_space<hbm>> -> memref<65536x512xf32, #tpu.memory_space<hbm>>
    %dma_wait3A_351 = arith.constant 0 : i32
    %dma_wait3A_352 = tpu.memref_slice %dma_wait3A_350[%multiple_of3A_319, %dma_wait3A_351] : memref<65536x512xf32, #tpu.memory_space<hbm>> -> memref<64x512xf32, #tpu.memory_space<hbm>>
    tpu.wait_dma2 semaphore(%arg17 : memref<!tpu.dma_semaphore, #tpu.memory_space<semaphore_mem>>) src(%dma_wait3A_352 : memref<64x512xf32, #tpu.memory_space<hbm>>) dst(%arg15 : memref<64x512xf32, #tpu.memory_space<vmem>>)
    %mul3A_353 = arith.constant 2048 : i32
    %mul3A_354 = arith.muli %add3A, %mul3A_353 : i32
    %add3A_355 = arith.constant 576 : i32
    %add3A_356 = arith.addi %mul3A_354, %add3A_355 : i32
    %multiple_of3A_357 = tpu.assume_multiple %add3A_356, 64 : i32
    %dma_start3A_358 = tpu.memref_reshape %arg2 : memref<64x2x512x512xf32, #tpu.memory_space<hbm>> -> memref<65536x512xf32, #tpu.memory_space<hbm>>
    %dma_start3A_359 = arith.constant 0 : i32
    %dma_start3A_360 = tpu.memref_slice %dma_start3A_358[%multiple_of3A_357, %dma_start3A_359] : memref<65536x512xf32, #tpu.memory_space<hbm>> -> memref<64x512xf32, #tpu.memory_space<hbm>>
    %dma_start3A_361 = tpu.memref_reshape %arg2 : memref<64x2x512x512xf32, #tpu.memory_space<hbm>> -> memref<65536x512xf32, #tpu.memory_space<hbm>>
    %dma_start3A_362 = arith.constant 0 : i32
    %dma_start3A_363 = tpu.memref_slice %dma_start3A_361[%multiple_of3A_357, %dma_start3A_362] : memref<65536x512xf32, #tpu.memory_space<hbm>> -> memref<64x512xf32, #tpu.memory_space<hbm>>
    tpu.enqueue_dma source(%dma_start3A_363 : memref<64x512xf32, #tpu.memory_space<hbm>>) target(%arg16 : memref<64x512xf32, #tpu.memory_space<vmem>>) target_semaphore(%arg18 : memref<!tpu.dma_semaphore, #tpu.memory_space<semaphore_mem>>)
    %slice3A_364 = vector.extract_strided_slice %sub3A {offsets = [8], sizes = [1], strides = [1]} : vector<16xi32> to vector<1xi32>
    %squeeze3A_365 = vector.extract %slice3A_364[0] : i32 from vector<1xi32>
    %slice3A_366 = vector.extract_strided_slice %masked_cumsum3A {offsets = [8], sizes = [1], strides = [1]} : vector<16xi32> to vector<1xi32>
    %squeeze3A_367 = vector.extract %slice3A_366[0] : i32 from vector<1xi32>
    %sub3A_368 = arith.subi %squeeze3A_367, %squeeze3A_365 : i32
    %add3A_369 = arith.constant 15 : i32
    %add3A_370 = arith.addi %sub3A_368, %add3A_369 : i32
    %shift_right_arithmetic3A_371 = arith.constant 4 : i32
    %shift_right_arithmetic3A_372 = arith.shrsi %add3A_370, %shift_right_arithmetic3A_371 : i32
    %while3A_373 = arith.constant 0 : i32
    %while3A_374 = arith.constant 0 : i32
    %while3A_375 = arith.subi %shift_right_arithmetic3A_372, %while3A_373 : i32
    %while3A_376 = arith.addi %while3A_373, %while3A_375 : i32
    %while3A_377 = arith.constant 1 : i32
    %while3A_378 = arith.divsi %while3A_375, %while3A_377 : i32
    %while3A_379 = arith.muli %while3A_378, %while3A_377 : i32
    %while3A_380 = arith.addi %while3A_373, %while3A_379 : i32
    %while3A_381 = arith.constant 1 : i32
    %while3A_382 = scf.for %while3A_1248 = %while3A_373 to %while3A_380 step %while3A_381 iter_args(%while3A_1249 = %while3A_374) -> (i32)  : i32 {
      %mul3A_1250 = arith.constant 16 : i32
      %mul3A_1251 = arith.muli %while3A_1248, %mul3A_1250 : i32
      %add3A_1252 = arith.addi %squeeze3A_365, %mul3A_1251 : i32
      %add3A_1253 = vector.broadcast %add3A_1252 : i32 to vector<16xi32>
      %add3A_1254 = arith.addi %add3A_1253, %iota3A : vector<16xi32>
      %lt3A = vector.broadcast %squeeze3A_367 : i32 to vector<16xi32>
      %lt3A_1255 = arith.cmpi slt, %add3A_1254, %lt3A : vector<16xi32>
      %and3A = arith.constant 2047 : i32
      %and3A_1256 = vector.broadcast %and3A : i32 to vector<16xi32>
      %and3A_1257 = arith.andi %add3A_1254, %and3A_1256 : vector<16xi32>
      %gather3A = tpu.vector_load_idx %arg12[%and3A_1257] : memref<2048xi32, #tpu.memory_space<vmem>>[vector<16xi32>], vector<16xi32>,
      %and3A_1258 = arith.constant 2047 : i32
      %and3A_1259 = vector.broadcast %and3A_1258 : i32 to vector<16xi32>
      %and3A_1260 = arith.andi %gather3A, %and3A_1259 : vector<16xi32>
      %min3A = arith.constant 1999 : i32
      %min3A_1261 = vector.broadcast %min3A : i32 to vector<16xi32>
      %min3A_1262 = arith.minsi %and3A_1260, %min3A_1261 : vector<16xi32>
      %shift_right_arithmetic3A_1263 = arith.constant 1 : i32
      %shift_right_arithmetic3A_1264 = vector.broadcast %shift_right_arithmetic3A_1263 : i32 to vector<16xi32>
      %shift_right_arithmetic3A_1265 = arith.shrsi %min3A_1262, %shift_right_arithmetic3A_1264 : vector<16xi32>
      %and3A_1266 = arith.constant 1 : i32
      %and3A_1267 = vector.broadcast %and3A_1266 : i32 to vector<16xi32>
      %and3A_1268 = arith.andi %min3A_1262, %and3A_1267 : vector<16xi32>
      %mul3A_1269 = arith.constant 33555 : i32
      %mul3A_1270 = vector.broadcast %mul3A_1269 : i32 to vector<16xi32>
      %mul3A_1271 = arith.muli %min3A_1262, %mul3A_1270 : vector<16xi32>
      %shift_right_arithmetic3A_1272 = arith.constant 25 : i32
      %shift_right_arithmetic3A_1273 = vector.broadcast %shift_right_arithmetic3A_1272 : i32 to vector<16xi32>
      %shift_right_arithmetic3A_1274 = arith.shrsi %mul3A_1271, %shift_right_arithmetic3A_1273 : vector<16xi32>
      %gather3A_1275 = tpu.vector_load_idx %arg7[%shift_right_arithmetic3A_1265] : memref<1000xi32, #tpu.memory_space<vmem>>[vector<16xi32>], vector<16xi32>,
      %gather3A_1276 = tpu.vector_load_idx %arg8[%shift_right_arithmetic3A_1265] : memref<1000xi32, #tpu.memory_space<vmem>>[vector<16xi32>], vector<16xi32>,
      %convert_element_type3A = arith.sitofp %gather3A_1276 : vector<16xi32> to vector<16xf32>
      %mul3A_1277 = arith.constant 2 : i32
      %mul3A_1278 = vector.broadcast %mul3A_1277 : i32 to vector<16xi32>
      %mul3A_1279 = arith.muli %shift_right_arithmetic3A_1274, %mul3A_1278 : vector<16xi32>
      %add3A_1280 = arith.addi %mul3A_1279, %and3A_1268 : vector<16xi32>
      %shift_left3A = arith.constant 9 : i32
      %shift_left3A_1281 = vector.broadcast %shift_left3A : i32 to vector<16xi32>
      %shift_left3A_1282 = arith.shli %add3A_1280, %shift_left3A_1281 : vector<16xi32>
      %shift_right_arithmetic3A_1283 = arith.constant 9 : i32
      %shift_right_arithmetic3A_1284 = vector.broadcast %shift_right_arithmetic3A_1283 : i32 to vector<16xi32>
      %shift_right_arithmetic3A_1285 = arith.shrsi %gather3A_1275, %shift_right_arithmetic3A_1284 : vector<16xi32>
      %add3A_1286 = arith.addi %shift_left3A_1282, %shift_right_arithmetic3A_1285 : vector<16xi32>
      %and3A_1287 = arith.constant 63 : i32
      %and3A_1288 = vector.broadcast %and3A_1287 : i32 to vector<16xi32>
      %and3A_1289 = arith.andi %add3A_1286, %and3A_1288 : vector<16xi32>
      %and3A_1290 = arith.constant 511 : i32
      %and3A_1291 = vector.broadcast %and3A_1290 : i32 to vector<16xi32>
      %and3A_1292 = arith.andi %gather3A_1275, %and3A_1291 : vector<16xi32>
      %gather3A_1293 = tpu.vector_load_idx %arg15[%and3A_1289, %and3A_1292] : memref<64x512xf32, #tpu.memory_space<vmem>>[vector<16xi32>, vector<16xi32>], vector<16xf32>,
      %mul3A_1294 = arith.mulf %gather3A_1293, %convert_element_type3A : vector<16xf32>
      tpu.vector_store_idx %arg9[%min3A_1262], %mul3A_1294 masked %lt3A_1255 : memref<2000xf32, #tpu.memory_space<vmem>>[vector<16xi32>], vector<16xf32>, vector<16xi1>
      %while3A_1295 = arith.constant 0 : i32
      scf.yield %while3A_1295 : i32
    }
    %while3A_383 = arith.constant 1 : i32
    %while3A_384 = scf.for %while3A_1248 = %while3A_380 to %while3A_376 step %while3A_383 iter_args(%while3A_1249 = %while3A_382) -> (i32)  : i32 {
      %mul3A_1250 = arith.constant 16 : i32
      %mul3A_1251 = arith.muli %while3A_1248, %mul3A_1250 : i32
      %add3A_1252 = arith.addi %squeeze3A_365, %mul3A_1251 : i32
      %add3A_1253 = vector.broadcast %add3A_1252 : i32 to vector<16xi32>
      %add3A_1254 = arith.addi %add3A_1253, %iota3A : vector<16xi32>
      %lt3A = vector.broadcast %squeeze3A_367 : i32 to vector<16xi32>
      %lt3A_1255 = arith.cmpi slt, %add3A_1254, %lt3A : vector<16xi32>
      %and3A = arith.constant 2047 : i32
      %and3A_1256 = vector.broadcast %and3A : i32 to vector<16xi32>
      %and3A_1257 = arith.andi %add3A_1254, %and3A_1256 : vector<16xi32>
      %gather3A = tpu.vector_load_idx %arg12[%and3A_1257] : memref<2048xi32, #tpu.memory_space<vmem>>[vector<16xi32>], vector<16xi32>,
      %and3A_1258 = arith.constant 2047 : i32
      %and3A_1259 = vector.broadcast %and3A_1258 : i32 to vector<16xi32>
      %and3A_1260 = arith.andi %gather3A, %and3A_1259 : vector<16xi32>
      %min3A = arith.constant 1999 : i32
      %min3A_1261 = vector.broadcast %min3A : i32 to vector<16xi32>
      %min3A_1262 = arith.minsi %and3A_1260, %min3A_1261 : vector<16xi32>
      %shift_right_arithmetic3A_1263 = arith.constant 1 : i32
      %shift_right_arithmetic3A_1264 = vector.broadcast %shift_right_arithmetic3A_1263 : i32 to vector<16xi32>
      %shift_right_arithmetic3A_1265 = arith.shrsi %min3A_1262, %shift_right_arithmetic3A_1264 : vector<16xi32>
      %and3A_1266 = arith.constant 1 : i32
      %and3A_1267 = vector.broadcast %and3A_1266 : i32 to vector<16xi32>
      %and3A_1268 = arith.andi %min3A_1262, %and3A_1267 : vector<16xi32>
      %mul3A_1269 = arith.constant 33555 : i32
      %mul3A_1270 = vector.broadcast %mul3A_1269 : i32 to vector<16xi32>
      %mul3A_1271 = arith.muli %min3A_1262, %mul3A_1270 : vector<16xi32>
      %shift_right_arithmetic3A_1272 = arith.constant 25 : i32
      %shift_right_arithmetic3A_1273 = vector.broadcast %shift_right_arithmetic3A_1272 : i32 to vector<16xi32>
      %shift_right_arithmetic3A_1274 = arith.shrsi %mul3A_1271, %shift_right_arithmetic3A_1273 : vector<16xi32>
      %gather3A_1275 = tpu.vector_load_idx %arg7[%shift_right_arithmetic3A_1265] : memref<1000xi32, #tpu.memory_space<vmem>>[vector<16xi32>], vector<16xi32>,
      %gather3A_1276 = tpu.vector_load_idx %arg8[%shift_right_arithmetic3A_1265] : memref<1000xi32, #tpu.memory_space<vmem>>[vector<16xi32>], vector<16xi32>,
      %convert_element_type3A = arith.sitofp %gather3A_1276 : vector<16xi32> to vector<16xf32>
      %mul3A_1277 = arith.constant 2 : i32
      %mul3A_1278 = vector.broadcast %mul3A_1277 : i32 to vector<16xi32>
      %mul3A_1279 = arith.muli %shift_right_arithmetic3A_1274, %mul3A_1278 : vector<16xi32>
      %add3A_1280 = arith.addi %mul3A_1279, %and3A_1268 : vector<16xi32>
      %shift_left3A = arith.constant 9 : i32
      %shift_left3A_1281 = vector.broadcast %shift_left3A : i32 to vector<16xi32>
      %shift_left3A_1282 = arith.shli %add3A_1280, %shift_left3A_1281 : vector<16xi32>
      %shift_right_arithmetic3A_1283 = arith.constant 9 : i32
      %shift_right_arithmetic3A_1284 = vector.broadcast %shift_right_arithmetic3A_1283 : i32 to vector<16xi32>
      %shift_right_arithmetic3A_1285 = arith.shrsi %gather3A_1275, %shift_right_arithmetic3A_1284 : vector<16xi32>
      %add3A_1286 = arith.addi %shift_left3A_1282, %shift_right_arithmetic3A_1285 : vector<16xi32>
      %and3A_1287 = arith.constant 63 : i32
      %and3A_1288 = vector.broadcast %and3A_1287 : i32 to vector<16xi32>
      %and3A_1289 = arith.andi %add3A_1286, %and3A_1288 : vector<16xi32>
      %and3A_1290 = arith.constant 511 : i32
      %and3A_1291 = vector.broadcast %and3A_1290 : i32 to vector<16xi32>
      %and3A_1292 = arith.andi %gather3A_1275, %and3A_1291 : vector<16xi32>
      %gather3A_1293 = tpu.vector_load_idx %arg15[%and3A_1289, %and3A_1292] : memref<64x512xf32, #tpu.memory_space<vmem>>[vector<16xi32>, vector<16xi32>], vector<16xf32>,
      %mul3A_1294 = arith.mulf %gather3A_1293, %convert_element_type3A : vector<16xf32>
      tpu.vector_store_idx %arg9[%min3A_1262], %mul3A_1294 masked %lt3A_1255 : memref<2000xf32, #tpu.memory_space<vmem>>[vector<16xi32>], vector<16xf32>, vector<16xi1>
      %while3A_1295 = arith.constant 0 : i32
      scf.yield %while3A_1295 : i32
    }
    %dma_wait3A_385 = tpu.memref_reshape %arg2 : memref<64x2x512x512xf32, #tpu.memory_space<hbm>> -> memref<65536x512xf32, #tpu.memory_space<hbm>>
    %dma_wait3A_386 = arith.constant 0 : i32
    %dma_wait3A_387 = tpu.memref_slice %dma_wait3A_385[%multiple_of3A_357, %dma_wait3A_386] : memref<65536x512xf32, #tpu.memory_space<hbm>> -> memref<64x512xf32, #tpu.memory_space<hbm>>
    %dma_wait3A_388 = tpu.memref_reshape %arg2 : memref<64x2x512x512xf32, #tpu.memory_space<hbm>> -> memref<65536x512xf32, #tpu.memory_space<hbm>>
    %dma_wait3A_389 = arith.constant 0 : i32
    %dma_wait3A_390 = tpu.memref_slice %dma_wait3A_388[%multiple_of3A_357, %dma_wait3A_389] : memref<65536x512xf32, #tpu.memory_space<hbm>> -> memref<64x512xf32, #tpu.memory_space<hbm>>
    tpu.wait_dma2 semaphore(%arg18 : memref<!tpu.dma_semaphore, #tpu.memory_space<semaphore_mem>>) src(%dma_wait3A_390 : memref<64x512xf32, #tpu.memory_space<hbm>>) dst(%arg16 : memref<64x512xf32, #tpu.memory_space<vmem>>)
    %mul3A_391 = arith.constant 2048 : i32
    %mul3A_392 = arith.muli %add3A, %mul3A_391 : i32
    %add3A_393 = arith.constant 640 : i32
    %add3A_394 = arith.addi %mul3A_392, %add3A_393 : i32
    %multiple_of3A_395 = tpu.assume_multiple %add3A_394, 64 : i32
    %dma_start3A_396 = tpu.memref_reshape %arg2 : memref<64x2x512x512xf32, #tpu.memory_space<hbm>> -> memref<65536x512xf32, #tpu.memory_space<hbm>>
    %dma_start3A_397 = arith.constant 0 : i32
    %dma_start3A_398 = tpu.memref_slice %dma_start3A_396[%multiple_of3A_395, %dma_start3A_397] : memref<65536x512xf32, #tpu.memory_space<hbm>> -> memref<64x512xf32, #tpu.memory_space<hbm>>
    %dma_start3A_399 = tpu.memref_reshape %arg2 : memref<64x2x512x512xf32, #tpu.memory_space<hbm>> -> memref<65536x512xf32, #tpu.memory_space<hbm>>
    %dma_start3A_400 = arith.constant 0 : i32
    %dma_start3A_401 = tpu.memref_slice %dma_start3A_399[%multiple_of3A_395, %dma_start3A_400] : memref<65536x512xf32, #tpu.memory_space<hbm>> -> memref<64x512xf32, #tpu.memory_space<hbm>>
    tpu.enqueue_dma source(%dma_start3A_401 : memref<64x512xf32, #tpu.memory_space<hbm>>) target(%arg15 : memref<64x512xf32, #tpu.memory_space<vmem>>) target_semaphore(%arg17 : memref<!tpu.dma_semaphore, #tpu.memory_space<semaphore_mem>>)
    %slice3A_402 = vector.extract_strided_slice %sub3A {offsets = [9], sizes = [1], strides = [1]} : vector<16xi32> to vector<1xi32>
    %squeeze3A_403 = vector.extract %slice3A_402[0] : i32 from vector<1xi32>
    %slice3A_404 = vector.extract_strided_slice %masked_cumsum3A {offsets = [9], sizes = [1], strides = [1]} : vector<16xi32> to vector<1xi32>
    %squeeze3A_405 = vector.extract %slice3A_404[0] : i32 from vector<1xi32>
    %sub3A_406 = arith.subi %squeeze3A_405, %squeeze3A_403 : i32
    %add3A_407 = arith.constant 15 : i32
    %add3A_408 = arith.addi %sub3A_406, %add3A_407 : i32
    %shift_right_arithmetic3A_409 = arith.constant 4 : i32
    %shift_right_arithmetic3A_410 = arith.shrsi %add3A_408, %shift_right_arithmetic3A_409 : i32
    %while3A_411 = arith.constant 0 : i32
    %while3A_412 = arith.constant 0 : i32
    %while3A_413 = arith.subi %shift_right_arithmetic3A_410, %while3A_411 : i32
    %while3A_414 = arith.addi %while3A_411, %while3A_413 : i32
    %while3A_415 = arith.constant 1 : i32
    %while3A_416 = arith.divsi %while3A_413, %while3A_415 : i32
    %while3A_417 = arith.muli %while3A_416, %while3A_415 : i32
    %while3A_418 = arith.addi %while3A_411, %while3A_417 : i32
    %while3A_419 = arith.constant 1 : i32
    %while3A_420 = scf.for %while3A_1248 = %while3A_411 to %while3A_418 step %while3A_419 iter_args(%while3A_1249 = %while3A_412) -> (i32)  : i32 {
      %mul3A_1250 = arith.constant 16 : i32
      %mul3A_1251 = arith.muli %while3A_1248, %mul3A_1250 : i32
      %add3A_1252 = arith.addi %squeeze3A_403, %mul3A_1251 : i32
      %add3A_1253 = vector.broadcast %add3A_1252 : i32 to vector<16xi32>
      %add3A_1254 = arith.addi %add3A_1253, %iota3A : vector<16xi32>
      %lt3A = vector.broadcast %squeeze3A_405 : i32 to vector<16xi32>
      %lt3A_1255 = arith.cmpi slt, %add3A_1254, %lt3A : vector<16xi32>
      %and3A = arith.constant 2047 : i32
      %and3A_1256 = vector.broadcast %and3A : i32 to vector<16xi32>
      %and3A_1257 = arith.andi %add3A_1254, %and3A_1256 : vector<16xi32>
      %gather3A = tpu.vector_load_idx %arg12[%and3A_1257] : memref<2048xi32, #tpu.memory_space<vmem>>[vector<16xi32>], vector<16xi32>,
      %and3A_1258 = arith.constant 2047 : i32
      %and3A_1259 = vector.broadcast %and3A_1258 : i32 to vector<16xi32>
      %and3A_1260 = arith.andi %gather3A, %and3A_1259 : vector<16xi32>
      %min3A = arith.constant 1999 : i32
      %min3A_1261 = vector.broadcast %min3A : i32 to vector<16xi32>
      %min3A_1262 = arith.minsi %and3A_1260, %min3A_1261 : vector<16xi32>
      %shift_right_arithmetic3A_1263 = arith.constant 1 : i32
      %shift_right_arithmetic3A_1264 = vector.broadcast %shift_right_arithmetic3A_1263 : i32 to vector<16xi32>
      %shift_right_arithmetic3A_1265 = arith.shrsi %min3A_1262, %shift_right_arithmetic3A_1264 : vector<16xi32>
      %and3A_1266 = arith.constant 1 : i32
      %and3A_1267 = vector.broadcast %and3A_1266 : i32 to vector<16xi32>
      %and3A_1268 = arith.andi %min3A_1262, %and3A_1267 : vector<16xi32>
      %mul3A_1269 = arith.constant 33555 : i32
      %mul3A_1270 = vector.broadcast %mul3A_1269 : i32 to vector<16xi32>
      %mul3A_1271 = arith.muli %min3A_1262, %mul3A_1270 : vector<16xi32>
      %shift_right_arithmetic3A_1272 = arith.constant 25 : i32
      %shift_right_arithmetic3A_1273 = vector.broadcast %shift_right_arithmetic3A_1272 : i32 to vector<16xi32>
      %shift_right_arithmetic3A_1274 = arith.shrsi %mul3A_1271, %shift_right_arithmetic3A_1273 : vector<16xi32>
      %gather3A_1275 = tpu.vector_load_idx %arg7[%shift_right_arithmetic3A_1265] : memref<1000xi32, #tpu.memory_space<vmem>>[vector<16xi32>], vector<16xi32>,
      %gather3A_1276 = tpu.vector_load_idx %arg8[%shift_right_arithmetic3A_1265] : memref<1000xi32, #tpu.memory_space<vmem>>[vector<16xi32>], vector<16xi32>,
      %convert_element_type3A = arith.sitofp %gather3A_1276 : vector<16xi32> to vector<16xf32>
      %mul3A_1277 = arith.constant 2 : i32
      %mul3A_1278 = vector.broadcast %mul3A_1277 : i32 to vector<16xi32>
      %mul3A_1279 = arith.muli %shift_right_arithmetic3A_1274, %mul3A_1278 : vector<16xi32>
      %add3A_1280 = arith.addi %mul3A_1279, %and3A_1268 : vector<16xi32>
      %shift_left3A = arith.constant 9 : i32
      %shift_left3A_1281 = vector.broadcast %shift_left3A : i32 to vector<16xi32>
      %shift_left3A_1282 = arith.shli %add3A_1280, %shift_left3A_1281 : vector<16xi32>
      %shift_right_arithmetic3A_1283 = arith.constant 9 : i32
      %shift_right_arithmetic3A_1284 = vector.broadcast %shift_right_arithmetic3A_1283 : i32 to vector<16xi32>
      %shift_right_arithmetic3A_1285 = arith.shrsi %gather3A_1275, %shift_right_arithmetic3A_1284 : vector<16xi32>
      %add3A_1286 = arith.addi %shift_left3A_1282, %shift_right_arithmetic3A_1285 : vector<16xi32>
      %and3A_1287 = arith.constant 63 : i32
      %and3A_1288 = vector.broadcast %and3A_1287 : i32 to vector<16xi32>
      %and3A_1289 = arith.andi %add3A_1286, %and3A_1288 : vector<16xi32>
      %and3A_1290 = arith.constant 511 : i32
      %and3A_1291 = vector.broadcast %and3A_1290 : i32 to vector<16xi32>
      %and3A_1292 = arith.andi %gather3A_1275, %and3A_1291 : vector<16xi32>
      %gather3A_1293 = tpu.vector_load_idx %arg16[%and3A_1289, %and3A_1292] : memref<64x512xf32, #tpu.memory_space<vmem>>[vector<16xi32>, vector<16xi32>], vector<16xf32>,
      %mul3A_1294 = arith.mulf %gather3A_1293, %convert_element_type3A : vector<16xf32>
      tpu.vector_store_idx %arg9[%min3A_1262], %mul3A_1294 masked %lt3A_1255 : memref<2000xf32, #tpu.memory_space<vmem>>[vector<16xi32>], vector<16xf32>, vector<16xi1>
      %while3A_1295 = arith.constant 0 : i32
      scf.yield %while3A_1295 : i32
    }
    %while3A_421 = arith.constant 1 : i32
    %while3A_422 = scf.for %while3A_1248 = %while3A_418 to %while3A_414 step %while3A_421 iter_args(%while3A_1249 = %while3A_420) -> (i32)  : i32 {
      %mul3A_1250 = arith.constant 16 : i32
      %mul3A_1251 = arith.muli %while3A_1248, %mul3A_1250 : i32
      %add3A_1252 = arith.addi %squeeze3A_403, %mul3A_1251 : i32
      %add3A_1253 = vector.broadcast %add3A_1252 : i32 to vector<16xi32>
      %add3A_1254 = arith.addi %add3A_1253, %iota3A : vector<16xi32>
      %lt3A = vector.broadcast %squeeze3A_405 : i32 to vector<16xi32>
      %lt3A_1255 = arith.cmpi slt, %add3A_1254, %lt3A : vector<16xi32>
      %and3A = arith.constant 2047 : i32
      %and3A_1256 = vector.broadcast %and3A : i32 to vector<16xi32>
      %and3A_1257 = arith.andi %add3A_1254, %and3A_1256 : vector<16xi32>
      %gather3A = tpu.vector_load_idx %arg12[%and3A_1257] : memref<2048xi32, #tpu.memory_space<vmem>>[vector<16xi32>], vector<16xi32>,
      %and3A_1258 = arith.constant 2047 : i32
      %and3A_1259 = vector.broadcast %and3A_1258 : i32 to vector<16xi32>
      %and3A_1260 = arith.andi %gather3A, %and3A_1259 : vector<16xi32>
      %min3A = arith.constant 1999 : i32
      %min3A_1261 = vector.broadcast %min3A : i32 to vector<16xi32>
      %min3A_1262 = arith.minsi %and3A_1260, %min3A_1261 : vector<16xi32>
      %shift_right_arithmetic3A_1263 = arith.constant 1 : i32
      %shift_right_arithmetic3A_1264 = vector.broadcast %shift_right_arithmetic3A_1263 : i32 to vector<16xi32>
      %shift_right_arithmetic3A_1265 = arith.shrsi %min3A_1262, %shift_right_arithmetic3A_1264 : vector<16xi32>
      %and3A_1266 = arith.constant 1 : i32
      %and3A_1267 = vector.broadcast %and3A_1266 : i32 to vector<16xi32>
      %and3A_1268 = arith.andi %min3A_1262, %and3A_1267 : vector<16xi32>
      %mul3A_1269 = arith.constant 33555 : i32
      %mul3A_1270 = vector.broadcast %mul3A_1269 : i32 to vector<16xi32>
      %mul3A_1271 = arith.muli %min3A_1262, %mul3A_1270 : vector<16xi32>
      %shift_right_arithmetic3A_1272 = arith.constant 25 : i32
      %shift_right_arithmetic3A_1273 = vector.broadcast %shift_right_arithmetic3A_1272 : i32 to vector<16xi32>
      %shift_right_arithmetic3A_1274 = arith.shrsi %mul3A_1271, %shift_right_arithmetic3A_1273 : vector<16xi32>
      %gather3A_1275 = tpu.vector_load_idx %arg7[%shift_right_arithmetic3A_1265] : memref<1000xi32, #tpu.memory_space<vmem>>[vector<16xi32>], vector<16xi32>,
      %gather3A_1276 = tpu.vector_load_idx %arg8[%shift_right_arithmetic3A_1265] : memref<1000xi32, #tpu.memory_space<vmem>>[vector<16xi32>], vector<16xi32>,
      %convert_element_type3A = arith.sitofp %gather3A_1276 : vector<16xi32> to vector<16xf32>
      %mul3A_1277 = arith.constant 2 : i32
      %mul3A_1278 = vector.broadcast %mul3A_1277 : i32 to vector<16xi32>
      %mul3A_1279 = arith.muli %shift_right_arithmetic3A_1274, %mul3A_1278 : vector<16xi32>
      %add3A_1280 = arith.addi %mul3A_1279, %and3A_1268 : vector<16xi32>
      %shift_left3A = arith.constant 9 : i32
      %shift_left3A_1281 = vector.broadcast %shift_left3A : i32 to vector<16xi32>
      %shift_left3A_1282 = arith.shli %add3A_1280, %shift_left3A_1281 : vector<16xi32>
      %shift_right_arithmetic3A_1283 = arith.constant 9 : i32
      %shift_right_arithmetic3A_1284 = vector.broadcast %shift_right_arithmetic3A_1283 : i32 to vector<16xi32>
      %shift_right_arithmetic3A_1285 = arith.shrsi %gather3A_1275, %shift_right_arithmetic3A_1284 : vector<16xi32>
      %add3A_1286 = arith.addi %shift_left3A_1282, %shift_right_arithmetic3A_1285 : vector<16xi32>
      %and3A_1287 = arith.constant 63 : i32
      %and3A_1288 = vector.broadcast %and3A_1287 : i32 to vector<16xi32>
      %and3A_1289 = arith.andi %add3A_1286, %and3A_1288 : vector<16xi32>
      %and3A_1290 = arith.constant 511 : i32
      %and3A_1291 = vector.broadcast %and3A_1290 : i32 to vector<16xi32>
      %and3A_1292 = arith.andi %gather3A_1275, %and3A_1291 : vector<16xi32>
      %gather3A_1293 = tpu.vector_load_idx %arg16[%and3A_1289, %and3A_1292] : memref<64x512xf32, #tpu.memory_space<vmem>>[vector<16xi32>, vector<16xi32>], vector<16xf32>,
      %mul3A_1294 = arith.mulf %gather3A_1293, %convert_element_type3A : vector<16xf32>
      tpu.vector_store_idx %arg9[%min3A_1262], %mul3A_1294 masked %lt3A_1255 : memref<2000xf32, #tpu.memory_space<vmem>>[vector<16xi32>], vector<16xf32>, vector<16xi1>
      %while3A_1295 = arith.constant 0 : i32
      scf.yield %while3A_1295 : i32
    }
    %dma_wait3A_423 = tpu.memref_reshape %arg2 : memref<64x2x512x512xf32, #tpu.memory_space<hbm>> -> memref<65536x512xf32, #tpu.memory_space<hbm>>
    %dma_wait3A_424 = arith.constant 0 : i32
    %dma_wait3A_425 = tpu.memref_slice %dma_wait3A_423[%multiple_of3A_395, %dma_wait3A_424] : memref<65536x512xf32, #tpu.memory_space<hbm>> -> memref<64x512xf32, #tpu.memory_space<hbm>>
    %dma_wait3A_426 = tpu.memref_reshape %arg2 : memref<64x2x512x512xf32, #tpu.memory_space<hbm>> -> memref<65536x512xf32, #tpu.memory_space<hbm>>
    %dma_wait3A_427 = arith.constant 0 : i32
    %dma_wait3A_428 = tpu.memref_slice %dma_wait3A_426[%multiple_of3A_395, %dma_wait3A_427] : memref<65536x512xf32, #tpu.memory_space<hbm>> -> memref<64x512xf32, #tpu.memory_space<hbm>>
    tpu.wait_dma2 semaphore(%arg17 : memref<!tpu.dma_semaphore, #tpu.memory_space<semaphore_mem>>) src(%dma_wait3A_428 : memref<64x512xf32, #tpu.memory_space<hbm>>) dst(%arg15 : memref<64x512xf32, #tpu.memory_space<vmem>>)
    %mul3A_429 = arith.constant 2048 : i32
    %mul3A_430 = arith.muli %add3A, %mul3A_429 : i32
    %add3A_431 = arith.constant 704 : i32
    %add3A_432 = arith.addi %mul3A_430, %add3A_431 : i32
    %multiple_of3A_433 = tpu.assume_multiple %add3A_432, 64 : i32
    %dma_start3A_434 = tpu.memref_reshape %arg2 : memref<64x2x512x512xf32, #tpu.memory_space<hbm>> -> memref<65536x512xf32, #tpu.memory_space<hbm>>
    %dma_start3A_435 = arith.constant 0 : i32
    %dma_start3A_436 = tpu.memref_slice %dma_start3A_434[%multiple_of3A_433, %dma_start3A_435] : memref<65536x512xf32, #tpu.memory_space<hbm>> -> memref<64x512xf32, #tpu.memory_space<hbm>>
    %dma_start3A_437 = tpu.memref_reshape %arg2 : memref<64x2x512x512xf32, #tpu.memory_space<hbm>> -> memref<65536x512xf32, #tpu.memory_space<hbm>>
    %dma_start3A_438 = arith.constant 0 : i32
    %dma_start3A_439 = tpu.memref_slice %dma_start3A_437[%multiple_of3A_433, %dma_start3A_438] : memref<65536x512xf32, #tpu.memory_space<hbm>> -> memref<64x512xf32, #tpu.memory_space<hbm>>
    tpu.enqueue_dma source(%dma_start3A_439 : memref<64x512xf32, #tpu.memory_space<hbm>>) target(%arg16 : memref<64x512xf32, #tpu.memory_space<vmem>>) target_semaphore(%arg18 : memref<!tpu.dma_semaphore, #tpu.memory_space<semaphore_mem>>)
    %slice3A_440 = vector.extract_strided_slice %sub3A {offsets = [10], sizes = [1], strides = [1]} : vector<16xi32> to vector<1xi32>
    %squeeze3A_441 = vector.extract %slice3A_440[0] : i32 from vector<1xi32>
    %slice3A_442 = vector.extract_strided_slice %masked_cumsum3A {offsets = [10], sizes = [1], strides = [1]} : vector<16xi32> to vector<1xi32>
    %squeeze3A_443 = vector.extract %slice3A_442[0] : i32 from vector<1xi32>
    %sub3A_444 = arith.subi %squeeze3A_443, %squeeze3A_441 : i32
    %add3A_445 = arith.constant 15 : i32
    %add3A_446 = arith.addi %sub3A_444, %add3A_445 : i32
    %shift_right_arithmetic3A_447 = arith.constant 4 : i32
    %shift_right_arithmetic3A_448 = arith.shrsi %add3A_446, %shift_right_arithmetic3A_447 : i32
    %while3A_449 = arith.constant 0 : i32
    %while3A_450 = arith.constant 0 : i32
    %while3A_451 = arith.subi %shift_right_arithmetic3A_448, %while3A_449 : i32
    %while3A_452 = arith.addi %while3A_449, %while3A_451 : i32
    %while3A_453 = arith.constant 1 : i32
    %while3A_454 = arith.divsi %while3A_451, %while3A_453 : i32
    %while3A_455 = arith.muli %while3A_454, %while3A_453 : i32
    %while3A_456 = arith.addi %while3A_449, %while3A_455 : i32
    %while3A_457 = arith.constant 1 : i32
    %while3A_458 = scf.for %while3A_1248 = %while3A_449 to %while3A_456 step %while3A_457 iter_args(%while3A_1249 = %while3A_450) -> (i32)  : i32 {
      %mul3A_1250 = arith.constant 16 : i32
      %mul3A_1251 = arith.muli %while3A_1248, %mul3A_1250 : i32
      %add3A_1252 = arith.addi %squeeze3A_441, %mul3A_1251 : i32
      %add3A_1253 = vector.broadcast %add3A_1252 : i32 to vector<16xi32>
      %add3A_1254 = arith.addi %add3A_1253, %iota3A : vector<16xi32>
      %lt3A = vector.broadcast %squeeze3A_443 : i32 to vector<16xi32>
      %lt3A_1255 = arith.cmpi slt, %add3A_1254, %lt3A : vector<16xi32>
      %and3A = arith.constant 2047 : i32
      %and3A_1256 = vector.broadcast %and3A : i32 to vector<16xi32>
      %and3A_1257 = arith.andi %add3A_1254, %and3A_1256 : vector<16xi32>
      %gather3A = tpu.vector_load_idx %arg12[%and3A_1257] : memref<2048xi32, #tpu.memory_space<vmem>>[vector<16xi32>], vector<16xi32>,
      %and3A_1258 = arith.constant 2047 : i32
      %and3A_1259 = vector.broadcast %and3A_1258 : i32 to vector<16xi32>
      %and3A_1260 = arith.andi %gather3A, %and3A_1259 : vector<16xi32>
      %min3A = arith.constant 1999 : i32
      %min3A_1261 = vector.broadcast %min3A : i32 to vector<16xi32>
      %min3A_1262 = arith.minsi %and3A_1260, %min3A_1261 : vector<16xi32>
      %shift_right_arithmetic3A_1263 = arith.constant 1 : i32
      %shift_right_arithmetic3A_1264 = vector.broadcast %shift_right_arithmetic3A_1263 : i32 to vector<16xi32>
      %shift_right_arithmetic3A_1265 = arith.shrsi %min3A_1262, %shift_right_arithmetic3A_1264 : vector<16xi32>
      %and3A_1266 = arith.constant 1 : i32
      %and3A_1267 = vector.broadcast %and3A_1266 : i32 to vector<16xi32>
      %and3A_1268 = arith.andi %min3A_1262, %and3A_1267 : vector<16xi32>
      %mul3A_1269 = arith.constant 33555 : i32
      %mul3A_1270 = vector.broadcast %mul3A_1269 : i32 to vector<16xi32>
      %mul3A_1271 = arith.muli %min3A_1262, %mul3A_1270 : vector<16xi32>
      %shift_right_arithmetic3A_1272 = arith.constant 25 : i32
      %shift_right_arithmetic3A_1273 = vector.broadcast %shift_right_arithmetic3A_1272 : i32 to vector<16xi32>
      %shift_right_arithmetic3A_1274 = arith.shrsi %mul3A_1271, %shift_right_arithmetic3A_1273 : vector<16xi32>
      %gather3A_1275 = tpu.vector_load_idx %arg7[%shift_right_arithmetic3A_1265] : memref<1000xi32, #tpu.memory_space<vmem>>[vector<16xi32>], vector<16xi32>,
      %gather3A_1276 = tpu.vector_load_idx %arg8[%shift_right_arithmetic3A_1265] : memref<1000xi32, #tpu.memory_space<vmem>>[vector<16xi32>], vector<16xi32>,
      %convert_element_type3A = arith.sitofp %gather3A_1276 : vector<16xi32> to vector<16xf32>
      %mul3A_1277 = arith.constant 2 : i32
      %mul3A_1278 = vector.broadcast %mul3A_1277 : i32 to vector<16xi32>
      %mul3A_1279 = arith.muli %shift_right_arithmetic3A_1274, %mul3A_1278 : vector<16xi32>
      %add3A_1280 = arith.addi %mul3A_1279, %and3A_1268 : vector<16xi32>
      %shift_left3A = arith.constant 9 : i32
      %shift_left3A_1281 = vector.broadcast %shift_left3A : i32 to vector<16xi32>
      %shift_left3A_1282 = arith.shli %add3A_1280, %shift_left3A_1281 : vector<16xi32>
      %shift_right_arithmetic3A_1283 = arith.constant 9 : i32
      %shift_right_arithmetic3A_1284 = vector.broadcast %shift_right_arithmetic3A_1283 : i32 to vector<16xi32>
      %shift_right_arithmetic3A_1285 = arith.shrsi %gather3A_1275, %shift_right_arithmetic3A_1284 : vector<16xi32>
      %add3A_1286 = arith.addi %shift_left3A_1282, %shift_right_arithmetic3A_1285 : vector<16xi32>
      %and3A_1287 = arith.constant 63 : i32
      %and3A_1288 = vector.broadcast %and3A_1287 : i32 to vector<16xi32>
      %and3A_1289 = arith.andi %add3A_1286, %and3A_1288 : vector<16xi32>
      %and3A_1290 = arith.constant 511 : i32
      %and3A_1291 = vector.broadcast %and3A_1290 : i32 to vector<16xi32>
      %and3A_1292 = arith.andi %gather3A_1275, %and3A_1291 : vector<16xi32>
      %gather3A_1293 = tpu.vector_load_idx %arg15[%and3A_1289, %and3A_1292] : memref<64x512xf32, #tpu.memory_space<vmem>>[vector<16xi32>, vector<16xi32>], vector<16xf32>,
      %mul3A_1294 = arith.mulf %gather3A_1293, %convert_element_type3A : vector<16xf32>
      tpu.vector_store_idx %arg9[%min3A_1262], %mul3A_1294 masked %lt3A_1255 : memref<2000xf32, #tpu.memory_space<vmem>>[vector<16xi32>], vector<16xf32>, vector<16xi1>
      %while3A_1295 = arith.constant 0 : i32
      scf.yield %while3A_1295 : i32
    }
    %while3A_459 = arith.constant 1 : i32
    %while3A_460 = scf.for %while3A_1248 = %while3A_456 to %while3A_452 step %while3A_459 iter_args(%while3A_1249 = %while3A_458) -> (i32)  : i32 {
      %mul3A_1250 = arith.constant 16 : i32
      %mul3A_1251 = arith.muli %while3A_1248, %mul3A_1250 : i32
      %add3A_1252 = arith.addi %squeeze3A_441, %mul3A_1251 : i32
      %add3A_1253 = vector.broadcast %add3A_1252 : i32 to vector<16xi32>
      %add3A_1254 = arith.addi %add3A_1253, %iota3A : vector<16xi32>
      %lt3A = vector.broadcast %squeeze3A_443 : i32 to vector<16xi32>
      %lt3A_1255 = arith.cmpi slt, %add3A_1254, %lt3A : vector<16xi32>
      %and3A = arith.constant 2047 : i32
      %and3A_1256 = vector.broadcast %and3A : i32 to vector<16xi32>
      %and3A_1257 = arith.andi %add3A_1254, %and3A_1256 : vector<16xi32>
      %gather3A = tpu.vector_load_idx %arg12[%and3A_1257] : memref<2048xi32, #tpu.memory_space<vmem>>[vector<16xi32>], vector<16xi32>,
      %and3A_1258 = arith.constant 2047 : i32
      %and3A_1259 = vector.broadcast %and3A_1258 : i32 to vector<16xi32>
      %and3A_1260 = arith.andi %gather3A, %and3A_1259 : vector<16xi32>
      %min3A = arith.constant 1999 : i32
      %min3A_1261 = vector.broadcast %min3A : i32 to vector<16xi32>
      %min3A_1262 = arith.minsi %and3A_1260, %min3A_1261 : vector<16xi32>
      %shift_right_arithmetic3A_1263 = arith.constant 1 : i32
      %shift_right_arithmetic3A_1264 = vector.broadcast %shift_right_arithmetic3A_1263 : i32 to vector<16xi32>
      %shift_right_arithmetic3A_1265 = arith.shrsi %min3A_1262, %shift_right_arithmetic3A_1264 : vector<16xi32>
      %and3A_1266 = arith.constant 1 : i32
      %and3A_1267 = vector.broadcast %and3A_1266 : i32 to vector<16xi32>
      %and3A_1268 = arith.andi %min3A_1262, %and3A_1267 : vector<16xi32>
      %mul3A_1269 = arith.constant 33555 : i32
      %mul3A_1270 = vector.broadcast %mul3A_1269 : i32 to vector<16xi32>
      %mul3A_1271 = arith.muli %min3A_1262, %mul3A_1270 : vector<16xi32>
      %shift_right_arithmetic3A_1272 = arith.constant 25 : i32
      %shift_right_arithmetic3A_1273 = vector.broadcast %shift_right_arithmetic3A_1272 : i32 to vector<16xi32>
      %shift_right_arithmetic3A_1274 = arith.shrsi %mul3A_1271, %shift_right_arithmetic3A_1273 : vector<16xi32>
      %gather3A_1275 = tpu.vector_load_idx %arg7[%shift_right_arithmetic3A_1265] : memref<1000xi32, #tpu.memory_space<vmem>>[vector<16xi32>], vector<16xi32>,
      %gather3A_1276 = tpu.vector_load_idx %arg8[%shift_right_arithmetic3A_1265] : memref<1000xi32, #tpu.memory_space<vmem>>[vector<16xi32>], vector<16xi32>,
      %convert_element_type3A = arith.sitofp %gather3A_1276 : vector<16xi32> to vector<16xf32>
      %mul3A_1277 = arith.constant 2 : i32
      %mul3A_1278 = vector.broadcast %mul3A_1277 : i32 to vector<16xi32>
      %mul3A_1279 = arith.muli %shift_right_arithmetic3A_1274, %mul3A_1278 : vector<16xi32>
      %add3A_1280 = arith.addi %mul3A_1279, %and3A_1268 : vector<16xi32>
      %shift_left3A = arith.constant 9 : i32
      %shift_left3A_1281 = vector.broadcast %shift_left3A : i32 to vector<16xi32>
      %shift_left3A_1282 = arith.shli %add3A_1280, %shift_left3A_1281 : vector<16xi32>
      %shift_right_arithmetic3A_1283 = arith.constant 9 : i32
      %shift_right_arithmetic3A_1284 = vector.broadcast %shift_right_arithmetic3A_1283 : i32 to vector<16xi32>
      %shift_right_arithmetic3A_1285 = arith.shrsi %gather3A_1275, %shift_right_arithmetic3A_1284 : vector<16xi32>
      %add3A_1286 = arith.addi %shift_left3A_1282, %shift_right_arithmetic3A_1285 : vector<16xi32>
      %and3A_1287 = arith.constant 63 : i32
      %and3A_1288 = vector.broadcast %and3A_1287 : i32 to vector<16xi32>
      %and3A_1289 = arith.andi %add3A_1286, %and3A_1288 : vector<16xi32>
      %and3A_1290 = arith.constant 511 : i32
      %and3A_1291 = vector.broadcast %and3A_1290 : i32 to vector<16xi32>
      %and3A_1292 = arith.andi %gather3A_1275, %and3A_1291 : vector<16xi32>
      %gather3A_1293 = tpu.vector_load_idx %arg15[%and3A_1289, %and3A_1292] : memref<64x512xf32, #tpu.memory_space<vmem>>[vector<16xi32>, vector<16xi32>], vector<16xf32>,
      %mul3A_1294 = arith.mulf %gather3A_1293, %convert_element_type3A : vector<16xf32>
      tpu.vector_store_idx %arg9[%min3A_1262], %mul3A_1294 masked %lt3A_1255 : memref<2000xf32, #tpu.memory_space<vmem>>[vector<16xi32>], vector<16xf32>, vector<16xi1>
      %while3A_1295 = arith.constant 0 : i32
      scf.yield %while3A_1295 : i32
    }
    %dma_wait3A_461 = tpu.memref_reshape %arg2 : memref<64x2x512x512xf32, #tpu.memory_space<hbm>> -> memref<65536x512xf32, #tpu.memory_space<hbm>>
    %dma_wait3A_462 = arith.constant 0 : i32
    %dma_wait3A_463 = tpu.memref_slice %dma_wait3A_461[%multiple_of3A_433, %dma_wait3A_462] : memref<65536x512xf32, #tpu.memory_space<hbm>> -> memref<64x512xf32, #tpu.memory_space<hbm>>
    %dma_wait3A_464 = tpu.memref_reshape %arg2 : memref<64x2x512x512xf32, #tpu.memory_space<hbm>> -> memref<65536x512xf32, #tpu.memory_space<hbm>>
    %dma_wait3A_465 = arith.constant 0 : i32
    %dma_wait3A_466 = tpu.memref_slice %dma_wait3A_464[%multiple_of3A_433, %dma_wait3A_465] : memref<65536x512xf32, #tpu.memory_space<hbm>> -> memref<64x512xf32, #tpu.memory_space<hbm>>
    tpu.wait_dma2 semaphore(%arg18 : memref<!tpu.dma_semaphore, #tpu.memory_space<semaphore_mem>>) src(%dma_wait3A_466 : memref<64x512xf32, #tpu.memory_space<hbm>>) dst(%arg16 : memref<64x512xf32, #tpu.memory_space<vmem>>)
    %mul3A_467 = arith.constant 2048 : i32
    %mul3A_468 = arith.muli %add3A, %mul3A_467 : i32
    %add3A_469 = arith.constant 768 : i32
    %add3A_470 = arith.addi %mul3A_468, %add3A_469 : i32
    %multiple_of3A_471 = tpu.assume_multiple %add3A_470, 64 : i32
    %dma_start3A_472 = tpu.memref_reshape %arg2 : memref<64x2x512x512xf32, #tpu.memory_space<hbm>> -> memref<65536x512xf32, #tpu.memory_space<hbm>>
    %dma_start3A_473 = arith.constant 0 : i32
    %dma_start3A_474 = tpu.memref_slice %dma_start3A_472[%multiple_of3A_471, %dma_start3A_473] : memref<65536x512xf32, #tpu.memory_space<hbm>> -> memref<64x512xf32, #tpu.memory_space<hbm>>
    %dma_start3A_475 = tpu.memref_reshape %arg2 : memref<64x2x512x512xf32, #tpu.memory_space<hbm>> -> memref<65536x512xf32, #tpu.memory_space<hbm>>
    %dma_start3A_476 = arith.constant 0 : i32
    %dma_start3A_477 = tpu.memref_slice %dma_start3A_475[%multiple_of3A_471, %dma_start3A_476] : memref<65536x512xf32, #tpu.memory_space<hbm>> -> memref<64x512xf32, #tpu.memory_space<hbm>>
    tpu.enqueue_dma source(%dma_start3A_477 : memref<64x512xf32, #tpu.memory_space<hbm>>) target(%arg15 : memref<64x512xf32, #tpu.memory_space<vmem>>) target_semaphore(%arg17 : memref<!tpu.dma_semaphore, #tpu.memory_space<semaphore_mem>>)
    %slice3A_478 = vector.extract_strided_slice %sub3A {offsets = [11], sizes = [1], strides = [1]} : vector<16xi32> to vector<1xi32>
    %squeeze3A_479 = vector.extract %slice3A_478[0] : i32 from vector<1xi32>
    %slice3A_480 = vector.extract_strided_slice %masked_cumsum3A {offsets = [11], sizes = [1], strides = [1]} : vector<16xi32> to vector<1xi32>
    %squeeze3A_481 = vector.extract %slice3A_480[0] : i32 from vector<1xi32>
    %sub3A_482 = arith.subi %squeeze3A_481, %squeeze3A_479 : i32
    %add3A_483 = arith.constant 15 : i32
    %add3A_484 = arith.addi %sub3A_482, %add3A_483 : i32
    %shift_right_arithmetic3A_485 = arith.constant 4 : i32
    %shift_right_arithmetic3A_486 = arith.shrsi %add3A_484, %shift_right_arithmetic3A_485 : i32
    %while3A_487 = arith.constant 0 : i32
    %while3A_488 = arith.constant 0 : i32
    %while3A_489 = arith.subi %shift_right_arithmetic3A_486, %while3A_487 : i32
    %while3A_490 = arith.addi %while3A_487, %while3A_489 : i32
    %while3A_491 = arith.constant 1 : i32
    %while3A_492 = arith.divsi %while3A_489, %while3A_491 : i32
    %while3A_493 = arith.muli %while3A_492, %while3A_491 : i32
    %while3A_494 = arith.addi %while3A_487, %while3A_493 : i32
    %while3A_495 = arith.constant 1 : i32
    %while3A_496 = scf.for %while3A_1248 = %while3A_487 to %while3A_494 step %while3A_495 iter_args(%while3A_1249 = %while3A_488) -> (i32)  : i32 {
      %mul3A_1250 = arith.constant 16 : i32
      %mul3A_1251 = arith.muli %while3A_1248, %mul3A_1250 : i32
      %add3A_1252 = arith.addi %squeeze3A_479, %mul3A_1251 : i32
      %add3A_1253 = vector.broadcast %add3A_1252 : i32 to vector<16xi32>
      %add3A_1254 = arith.addi %add3A_1253, %iota3A : vector<16xi32>
      %lt3A = vector.broadcast %squeeze3A_481 : i32 to vector<16xi32>
      %lt3A_1255 = arith.cmpi slt, %add3A_1254, %lt3A : vector<16xi32>
      %and3A = arith.constant 2047 : i32
      %and3A_1256 = vector.broadcast %and3A : i32 to vector<16xi32>
      %and3A_1257 = arith.andi %add3A_1254, %and3A_1256 : vector<16xi32>
      %gather3A = tpu.vector_load_idx %arg12[%and3A_1257] : memref<2048xi32, #tpu.memory_space<vmem>>[vector<16xi32>], vector<16xi32>,
      %and3A_1258 = arith.constant 2047 : i32
      %and3A_1259 = vector.broadcast %and3A_1258 : i32 to vector<16xi32>
      %and3A_1260 = arith.andi %gather3A, %and3A_1259 : vector<16xi32>
      %min3A = arith.constant 1999 : i32
      %min3A_1261 = vector.broadcast %min3A : i32 to vector<16xi32>
      %min3A_1262 = arith.minsi %and3A_1260, %min3A_1261 : vector<16xi32>
      %shift_right_arithmetic3A_1263 = arith.constant 1 : i32
      %shift_right_arithmetic3A_1264 = vector.broadcast %shift_right_arithmetic3A_1263 : i32 to vector<16xi32>
      %shift_right_arithmetic3A_1265 = arith.shrsi %min3A_1262, %shift_right_arithmetic3A_1264 : vector<16xi32>
      %and3A_1266 = arith.constant 1 : i32
      %and3A_1267 = vector.broadcast %and3A_1266 : i32 to vector<16xi32>
      %and3A_1268 = arith.andi %min3A_1262, %and3A_1267 : vector<16xi32>
      %mul3A_1269 = arith.constant 33555 : i32
      %mul3A_1270 = vector.broadcast %mul3A_1269 : i32 to vector<16xi32>
      %mul3A_1271 = arith.muli %min3A_1262, %mul3A_1270 : vector<16xi32>
      %shift_right_arithmetic3A_1272 = arith.constant 25 : i32
      %shift_right_arithmetic3A_1273 = vector.broadcast %shift_right_arithmetic3A_1272 : i32 to vector<16xi32>
      %shift_right_arithmetic3A_1274 = arith.shrsi %mul3A_1271, %shift_right_arithmetic3A_1273 : vector<16xi32>
      %gather3A_1275 = tpu.vector_load_idx %arg7[%shift_right_arithmetic3A_1265] : memref<1000xi32, #tpu.memory_space<vmem>>[vector<16xi32>], vector<16xi32>,
      %gather3A_1276 = tpu.vector_load_idx %arg8[%shift_right_arithmetic3A_1265] : memref<1000xi32, #tpu.memory_space<vmem>>[vector<16xi32>], vector<16xi32>,
      %convert_element_type3A = arith.sitofp %gather3A_1276 : vector<16xi32> to vector<16xf32>
      %mul3A_1277 = arith.constant 2 : i32
      %mul3A_1278 = vector.broadcast %mul3A_1277 : i32 to vector<16xi32>
      %mul3A_1279 = arith.muli %shift_right_arithmetic3A_1274, %mul3A_1278 : vector<16xi32>
      %add3A_1280 = arith.addi %mul3A_1279, %and3A_1268 : vector<16xi32>
      %shift_left3A = arith.constant 9 : i32
      %shift_left3A_1281 = vector.broadcast %shift_left3A : i32 to vector<16xi32>
      %shift_left3A_1282 = arith.shli %add3A_1280, %shift_left3A_1281 : vector<16xi32>
      %shift_right_arithmetic3A_1283 = arith.constant 9 : i32
      %shift_right_arithmetic3A_1284 = vector.broadcast %shift_right_arithmetic3A_1283 : i32 to vector<16xi32>
      %shift_right_arithmetic3A_1285 = arith.shrsi %gather3A_1275, %shift_right_arithmetic3A_1284 : vector<16xi32>
      %add3A_1286 = arith.addi %shift_left3A_1282, %shift_right_arithmetic3A_1285 : vector<16xi32>
      %and3A_1287 = arith.constant 63 : i32
      %and3A_1288 = vector.broadcast %and3A_1287 : i32 to vector<16xi32>
      %and3A_1289 = arith.andi %add3A_1286, %and3A_1288 : vector<16xi32>
      %and3A_1290 = arith.constant 511 : i32
      %and3A_1291 = vector.broadcast %and3A_1290 : i32 to vector<16xi32>
      %and3A_1292 = arith.andi %gather3A_1275, %and3A_1291 : vector<16xi32>
      %gather3A_1293 = tpu.vector_load_idx %arg16[%and3A_1289, %and3A_1292] : memref<64x512xf32, #tpu.memory_space<vmem>>[vector<16xi32>, vector<16xi32>], vector<16xf32>,
      %mul3A_1294 = arith.mulf %gather3A_1293, %convert_element_type3A : vector<16xf32>
      tpu.vector_store_idx %arg9[%min3A_1262], %mul3A_1294 masked %lt3A_1255 : memref<2000xf32, #tpu.memory_space<vmem>>[vector<16xi32>], vector<16xf32>, vector<16xi1>
      %while3A_1295 = arith.constant 0 : i32
      scf.yield %while3A_1295 : i32
    }
    %while3A_497 = arith.constant 1 : i32
    %while3A_498 = scf.for %while3A_1248 = %while3A_494 to %while3A_490 step %while3A_497 iter_args(%while3A_1249 = %while3A_496) -> (i32)  : i32 {
      %mul3A_1250 = arith.constant 16 : i32
      %mul3A_1251 = arith.muli %while3A_1248, %mul3A_1250 : i32
      %add3A_1252 = arith.addi %squeeze3A_479, %mul3A_1251 : i32
      %add3A_1253 = vector.broadcast %add3A_1252 : i32 to vector<16xi32>
      %add3A_1254 = arith.addi %add3A_1253, %iota3A : vector<16xi32>
      %lt3A = vector.broadcast %squeeze3A_481 : i32 to vector<16xi32>
      %lt3A_1255 = arith.cmpi slt, %add3A_1254, %lt3A : vector<16xi32>
      %and3A = arith.constant 2047 : i32
      %and3A_1256 = vector.broadcast %and3A : i32 to vector<16xi32>
      %and3A_1257 = arith.andi %add3A_1254, %and3A_1256 : vector<16xi32>
      %gather3A = tpu.vector_load_idx %arg12[%and3A_1257] : memref<2048xi32, #tpu.memory_space<vmem>>[vector<16xi32>], vector<16xi32>,
      %and3A_1258 = arith.constant 2047 : i32
      %and3A_1259 = vector.broadcast %and3A_1258 : i32 to vector<16xi32>
      %and3A_1260 = arith.andi %gather3A, %and3A_1259 : vector<16xi32>
      %min3A = arith.constant 1999 : i32
      %min3A_1261 = vector.broadcast %min3A : i32 to vector<16xi32>
      %min3A_1262 = arith.minsi %and3A_1260, %min3A_1261 : vector<16xi32>
      %shift_right_arithmetic3A_1263 = arith.constant 1 : i32
      %shift_right_arithmetic3A_1264 = vector.broadcast %shift_right_arithmetic3A_1263 : i32 to vector<16xi32>
      %shift_right_arithmetic3A_1265 = arith.shrsi %min3A_1262, %shift_right_arithmetic3A_1264 : vector<16xi32>
      %and3A_1266 = arith.constant 1 : i32
      %and3A_1267 = vector.broadcast %and3A_1266 : i32 to vector<16xi32>
      %and3A_1268 = arith.andi %min3A_1262, %and3A_1267 : vector<16xi32>
      %mul3A_1269 = arith.constant 33555 : i32
      %mul3A_1270 = vector.broadcast %mul3A_1269 : i32 to vector<16xi32>
      %mul3A_1271 = arith.muli %min3A_1262, %mul3A_1270 : vector<16xi32>
      %shift_right_arithmetic3A_1272 = arith.constant 25 : i32
      %shift_right_arithmetic3A_1273 = vector.broadcast %shift_right_arithmetic3A_1272 : i32 to vector<16xi32>
      %shift_right_arithmetic3A_1274 = arith.shrsi %mul3A_1271, %shift_right_arithmetic3A_1273 : vector<16xi32>
      %gather3A_1275 = tpu.vector_load_idx %arg7[%shift_right_arithmetic3A_1265] : memref<1000xi32, #tpu.memory_space<vmem>>[vector<16xi32>], vector<16xi32>,
      %gather3A_1276 = tpu.vector_load_idx %arg8[%shift_right_arithmetic3A_1265] : memref<1000xi32, #tpu.memory_space<vmem>>[vector<16xi32>], vector<16xi32>,
      %convert_element_type3A = arith.sitofp %gather3A_1276 : vector<16xi32> to vector<16xf32>
      %mul3A_1277 = arith.constant 2 : i32
      %mul3A_1278 = vector.broadcast %mul3A_1277 : i32 to vector<16xi32>
      %mul3A_1279 = arith.muli %shift_right_arithmetic3A_1274, %mul3A_1278 : vector<16xi32>
      %add3A_1280 = arith.addi %mul3A_1279, %and3A_1268 : vector<16xi32>
      %shift_left3A = arith.constant 9 : i32
      %shift_left3A_1281 = vector.broadcast %shift_left3A : i32 to vector<16xi32>
      %shift_left3A_1282 = arith.shli %add3A_1280, %shift_left3A_1281 : vector<16xi32>
      %shift_right_arithmetic3A_1283 = arith.constant 9 : i32
      %shift_right_arithmetic3A_1284 = vector.broadcast %shift_right_arithmetic3A_1283 : i32 to vector<16xi32>
      %shift_right_arithmetic3A_1285 = arith.shrsi %gather3A_1275, %shift_right_arithmetic3A_1284 : vector<16xi32>
      %add3A_1286 = arith.addi %shift_left3A_1282, %shift_right_arithmetic3A_1285 : vector<16xi32>
      %and3A_1287 = arith.constant 63 : i32
      %and3A_1288 = vector.broadcast %and3A_1287 : i32 to vector<16xi32>
      %and3A_1289 = arith.andi %add3A_1286, %and3A_1288 : vector<16xi32>
      %and3A_1290 = arith.constant 511 : i32
      %and3A_1291 = vector.broadcast %and3A_1290 : i32 to vector<16xi32>
      %and3A_1292 = arith.andi %gather3A_1275, %and3A_1291 : vector<16xi32>
      %gather3A_1293 = tpu.vector_load_idx %arg16[%and3A_1289, %and3A_1292] : memref<64x512xf32, #tpu.memory_space<vmem>>[vector<16xi32>, vector<16xi32>], vector<16xf32>,
      %mul3A_1294 = arith.mulf %gather3A_1293, %convert_element_type3A : vector<16xf32>
      tpu.vector_store_idx %arg9[%min3A_1262], %mul3A_1294 masked %lt3A_1255 : memref<2000xf32, #tpu.memory_space<vmem>>[vector<16xi32>], vector<16xf32>, vector<16xi1>
      %while3A_1295 = arith.constant 0 : i32
      scf.yield %while3A_1295 : i32
    }
    %dma_wait3A_499 = tpu.memref_reshape %arg2 : memref<64x2x512x512xf32, #tpu.memory_space<hbm>> -> memref<65536x512xf32, #tpu.memory_space<hbm>>
    %dma_wait3A_500 = arith.constant 0 : i32
    %dma_wait3A_501 = tpu.memref_slice %dma_wait3A_499[%multiple_of3A_471, %dma_wait3A_500] : memref<65536x512xf32, #tpu.memory_space<hbm>> -> memref<64x512xf32, #tpu.memory_space<hbm>>
    %dma_wait3A_502 = tpu.memref_reshape %arg2 : memref<64x2x512x512xf32, #tpu.memory_space<hbm>> -> memref<65536x512xf32, #tpu.memory_space<hbm>>
    %dma_wait3A_503 = arith.constant 0 : i32
    %dma_wait3A_504 = tpu.memref_slice %dma_wait3A_502[%multiple_of3A_471, %dma_wait3A_503] : memref<65536x512xf32, #tpu.memory_space<hbm>> -> memref<64x512xf32, #tpu.memory_space<hbm>>
    tpu.wait_dma2 semaphore(%arg17 : memref<!tpu.dma_semaphore, #tpu.memory_space<semaphore_mem>>) src(%dma_wait3A_504 : memref<64x512xf32, #tpu.memory_space<hbm>>) dst(%arg15 : memref<64x512xf32, #tpu.memory_space<vmem>>)
    %mul3A_505 = arith.constant 2048 : i32
    %mul3A_506 = arith.muli %add3A, %mul3A_505 : i32
    %add3A_507 = arith.constant 832 : i32
    %add3A_508 = arith.addi %mul3A_506, %add3A_507 : i32
    %multiple_of3A_509 = tpu.assume_multiple %add3A_508, 64 : i32
    %dma_start3A_510 = tpu.memref_reshape %arg2 : memref<64x2x512x512xf32, #tpu.memory_space<hbm>> -> memref<65536x512xf32, #tpu.memory_space<hbm>>
    %dma_start3A_511 = arith.constant 0 : i32
    %dma_start3A_512 = tpu.memref_slice %dma_start3A_510[%multiple_of3A_509, %dma_start3A_511] : memref<65536x512xf32, #tpu.memory_space<hbm>> -> memref<64x512xf32, #tpu.memory_space<hbm>>
    %dma_start3A_513 = tpu.memref_reshape %arg2 : memref<64x2x512x512xf32, #tpu.memory_space<hbm>> -> memref<65536x512xf32, #tpu.memory_space<hbm>>
    %dma_start3A_514 = arith.constant 0 : i32
    %dma_start3A_515 = tpu.memref_slice %dma_start3A_513[%multiple_of3A_509, %dma_start3A_514] : memref<65536x512xf32, #tpu.memory_space<hbm>> -> memref<64x512xf32, #tpu.memory_space<hbm>>
    tpu.enqueue_dma source(%dma_start3A_515 : memref<64x512xf32, #tpu.memory_space<hbm>>) target(%arg16 : memref<64x512xf32, #tpu.memory_space<vmem>>) target_semaphore(%arg18 : memref<!tpu.dma_semaphore, #tpu.memory_space<semaphore_mem>>)
    %slice3A_516 = vector.extract_strided_slice %sub3A {offsets = [12], sizes = [1], strides = [1]} : vector<16xi32> to vector<1xi32>
    %squeeze3A_517 = vector.extract %slice3A_516[0] : i32 from vector<1xi32>
    %slice3A_518 = vector.extract_strided_slice %masked_cumsum3A {offsets = [12], sizes = [1], strides = [1]} : vector<16xi32> to vector<1xi32>
    %squeeze3A_519 = vector.extract %slice3A_518[0] : i32 from vector<1xi32>
    %sub3A_520 = arith.subi %squeeze3A_519, %squeeze3A_517 : i32
    %add3A_521 = arith.constant 15 : i32
    %add3A_522 = arith.addi %sub3A_520, %add3A_521 : i32
    %shift_right_arithmetic3A_523 = arith.constant 4 : i32
    %shift_right_arithmetic3A_524 = arith.shrsi %add3A_522, %shift_right_arithmetic3A_523 : i32
    %while3A_525 = arith.constant 0 : i32
    %while3A_526 = arith.constant 0 : i32
    %while3A_527 = arith.subi %shift_right_arithmetic3A_524, %while3A_525 : i32
    %while3A_528 = arith.addi %while3A_525, %while3A_527 : i32
    %while3A_529 = arith.constant 1 : i32
    %while3A_530 = arith.divsi %while3A_527, %while3A_529 : i32
    %while3A_531 = arith.muli %while3A_530, %while3A_529 : i32
    %while3A_532 = arith.addi %while3A_525, %while3A_531 : i32
    %while3A_533 = arith.constant 1 : i32
    %while3A_534 = scf.for %while3A_1248 = %while3A_525 to %while3A_532 step %while3A_533 iter_args(%while3A_1249 = %while3A_526) -> (i32)  : i32 {
      %mul3A_1250 = arith.constant 16 : i32
      %mul3A_1251 = arith.muli %while3A_1248, %mul3A_1250 : i32
      %add3A_1252 = arith.addi %squeeze3A_517, %mul3A_1251 : i32
      %add3A_1253 = vector.broadcast %add3A_1252 : i32 to vector<16xi32>
      %add3A_1254 = arith.addi %add3A_1253, %iota3A : vector<16xi32>
      %lt3A = vector.broadcast %squeeze3A_519 : i32 to vector<16xi32>
      %lt3A_1255 = arith.cmpi slt, %add3A_1254, %lt3A : vector<16xi32>
      %and3A = arith.constant 2047 : i32
      %and3A_1256 = vector.broadcast %and3A : i32 to vector<16xi32>
      %and3A_1257 = arith.andi %add3A_1254, %and3A_1256 : vector<16xi32>
      %gather3A = tpu.vector_load_idx %arg12[%and3A_1257] : memref<2048xi32, #tpu.memory_space<vmem>>[vector<16xi32>], vector<16xi32>,
      %and3A_1258 = arith.constant 2047 : i32
      %and3A_1259 = vector.broadcast %and3A_1258 : i32 to vector<16xi32>
      %and3A_1260 = arith.andi %gather3A, %and3A_1259 : vector<16xi32>
      %min3A = arith.constant 1999 : i32
      %min3A_1261 = vector.broadcast %min3A : i32 to vector<16xi32>
      %min3A_1262 = arith.minsi %and3A_1260, %min3A_1261 : vector<16xi32>
      %shift_right_arithmetic3A_1263 = arith.constant 1 : i32
      %shift_right_arithmetic3A_1264 = vector.broadcast %shift_right_arithmetic3A_1263 : i32 to vector<16xi32>
      %shift_right_arithmetic3A_1265 = arith.shrsi %min3A_1262, %shift_right_arithmetic3A_1264 : vector<16xi32>
      %and3A_1266 = arith.constant 1 : i32
      %and3A_1267 = vector.broadcast %and3A_1266 : i32 to vector<16xi32>
      %and3A_1268 = arith.andi %min3A_1262, %and3A_1267 : vector<16xi32>
      %mul3A_1269 = arith.constant 33555 : i32
      %mul3A_1270 = vector.broadcast %mul3A_1269 : i32 to vector<16xi32>
      %mul3A_1271 = arith.muli %min3A_1262, %mul3A_1270 : vector<16xi32>
      %shift_right_arithmetic3A_1272 = arith.constant 25 : i32
      %shift_right_arithmetic3A_1273 = vector.broadcast %shift_right_arithmetic3A_1272 : i32 to vector<16xi32>
      %shift_right_arithmetic3A_1274 = arith.shrsi %mul3A_1271, %shift_right_arithmetic3A_1273 : vector<16xi32>
      %gather3A_1275 = tpu.vector_load_idx %arg7[%shift_right_arithmetic3A_1265] : memref<1000xi32, #tpu.memory_space<vmem>>[vector<16xi32>], vector<16xi32>,
      %gather3A_1276 = tpu.vector_load_idx %arg8[%shift_right_arithmetic3A_1265] : memref<1000xi32, #tpu.memory_space<vmem>>[vector<16xi32>], vector<16xi32>,
      %convert_element_type3A = arith.sitofp %gather3A_1276 : vector<16xi32> to vector<16xf32>
      %mul3A_1277 = arith.constant 2 : i32
      %mul3A_1278 = vector.broadcast %mul3A_1277 : i32 to vector<16xi32>
      %mul3A_1279 = arith.muli %shift_right_arithmetic3A_1274, %mul3A_1278 : vector<16xi32>
      %add3A_1280 = arith.addi %mul3A_1279, %and3A_1268 : vector<16xi32>
      %shift_left3A = arith.constant 9 : i32
      %shift_left3A_1281 = vector.broadcast %shift_left3A : i32 to vector<16xi32>
      %shift_left3A_1282 = arith.shli %add3A_1280, %shift_left3A_1281 : vector<16xi32>
      %shift_right_arithmetic3A_1283 = arith.constant 9 : i32
      %shift_right_arithmetic3A_1284 = vector.broadcast %shift_right_arithmetic3A_1283 : i32 to vector<16xi32>
      %shift_right_arithmetic3A_1285 = arith.shrsi %gather3A_1275, %shift_right_arithmetic3A_1284 : vector<16xi32>
      %add3A_1286 = arith.addi %shift_left3A_1282, %shift_right_arithmetic3A_1285 : vector<16xi32>
      %and3A_1287 = arith.constant 63 : i32
      %and3A_1288 = vector.broadcast %and3A_1287 : i32 to vector<16xi32>
      %and3A_1289 = arith.andi %add3A_1286, %and3A_1288 : vector<16xi32>
      %and3A_1290 = arith.constant 511 : i32
      %and3A_1291 = vector.broadcast %and3A_1290 : i32 to vector<16xi32>
      %and3A_1292 = arith.andi %gather3A_1275, %and3A_1291 : vector<16xi32>
      %gather3A_1293 = tpu.vector_load_idx %arg15[%and3A_1289, %and3A_1292] : memref<64x512xf32, #tpu.memory_space<vmem>>[vector<16xi32>, vector<16xi32>], vector<16xf32>,
      %mul3A_1294 = arith.mulf %gather3A_1293, %convert_element_type3A : vector<16xf32>
      tpu.vector_store_idx %arg9[%min3A_1262], %mul3A_1294 masked %lt3A_1255 : memref<2000xf32, #tpu.memory_space<vmem>>[vector<16xi32>], vector<16xf32>, vector<16xi1>
      %while3A_1295 = arith.constant 0 : i32
      scf.yield %while3A_1295 : i32
    }
    %while3A_535 = arith.constant 1 : i32
    %while3A_536 = scf.for %while3A_1248 = %while3A_532 to %while3A_528 step %while3A_535 iter_args(%while3A_1249 = %while3A_534) -> (i32)  : i32 {
      %mul3A_1250 = arith.constant 16 : i32
      %mul3A_1251 = arith.muli %while3A_1248, %mul3A_1250 : i32
      %add3A_1252 = arith.addi %squeeze3A_517, %mul3A_1251 : i32
      %add3A_1253 = vector.broadcast %add3A_1252 : i32 to vector<16xi32>
      %add3A_1254 = arith.addi %add3A_1253, %iota3A : vector<16xi32>
      %lt3A = vector.broadcast %squeeze3A_519 : i32 to vector<16xi32>
      %lt3A_1255 = arith.cmpi slt, %add3A_1254, %lt3A : vector<16xi32>
      %and3A = arith.constant 2047 : i32
      %and3A_1256 = vector.broadcast %and3A : i32 to vector<16xi32>
      %and3A_1257 = arith.andi %add3A_1254, %and3A_1256 : vector<16xi32>
      %gather3A = tpu.vector_load_idx %arg12[%and3A_1257] : memref<2048xi32, #tpu.memory_space<vmem>>[vector<16xi32>], vector<16xi32>,
      %and3A_1258 = arith.constant 2047 : i32
      %and3A_1259 = vector.broadcast %and3A_1258 : i32 to vector<16xi32>
      %and3A_1260 = arith.andi %gather3A, %and3A_1259 : vector<16xi32>
      %min3A = arith.constant 1999 : i32
      %min3A_1261 = vector.broadcast %min3A : i32 to vector<16xi32>
      %min3A_1262 = arith.minsi %and3A_1260, %min3A_1261 : vector<16xi32>
      %shift_right_arithmetic3A_1263 = arith.constant 1 : i32
      %shift_right_arithmetic3A_1264 = vector.broadcast %shift_right_arithmetic3A_1263 : i32 to vector<16xi32>
      %shift_right_arithmetic3A_1265 = arith.shrsi %min3A_1262, %shift_right_arithmetic3A_1264 : vector<16xi32>
      %and3A_1266 = arith.constant 1 : i32
      %and3A_1267 = vector.broadcast %and3A_1266 : i32 to vector<16xi32>
      %and3A_1268 = arith.andi %min3A_1262, %and3A_1267 : vector<16xi32>
      %mul3A_1269 = arith.constant 33555 : i32
      %mul3A_1270 = vector.broadcast %mul3A_1269 : i32 to vector<16xi32>
      %mul3A_1271 = arith.muli %min3A_1262, %mul3A_1270 : vector<16xi32>
      %shift_right_arithmetic3A_1272 = arith.constant 25 : i32
      %shift_right_arithmetic3A_1273 = vector.broadcast %shift_right_arithmetic3A_1272 : i32 to vector<16xi32>
      %shift_right_arithmetic3A_1274 = arith.shrsi %mul3A_1271, %shift_right_arithmetic3A_1273 : vector<16xi32>
      %gather3A_1275 = tpu.vector_load_idx %arg7[%shift_right_arithmetic3A_1265] : memref<1000xi32, #tpu.memory_space<vmem>>[vector<16xi32>], vector<16xi32>,
      %gather3A_1276 = tpu.vector_load_idx %arg8[%shift_right_arithmetic3A_1265] : memref<1000xi32, #tpu.memory_space<vmem>>[vector<16xi32>], vector<16xi32>,
      %convert_element_type3A = arith.sitofp %gather3A_1276 : vector<16xi32> to vector<16xf32>
      %mul3A_1277 = arith.constant 2 : i32
      %mul3A_1278 = vector.broadcast %mul3A_1277 : i32 to vector<16xi32>
      %mul3A_1279 = arith.muli %shift_right_arithmetic3A_1274, %mul3A_1278 : vector<16xi32>
      %add3A_1280 = arith.addi %mul3A_1279, %and3A_1268 : vector<16xi32>
      %shift_left3A = arith.constant 9 : i32
      %shift_left3A_1281 = vector.broadcast %shift_left3A : i32 to vector<16xi32>
      %shift_left3A_1282 = arith.shli %add3A_1280, %shift_left3A_1281 : vector<16xi32>
      %shift_right_arithmetic3A_1283 = arith.constant 9 : i32
      %shift_right_arithmetic3A_1284 = vector.broadcast %shift_right_arithmetic3A_1283 : i32 to vector<16xi32>
      %shift_right_arithmetic3A_1285 = arith.shrsi %gather3A_1275, %shift_right_arithmetic3A_1284 : vector<16xi32>
      %add3A_1286 = arith.addi %shift_left3A_1282, %shift_right_arithmetic3A_1285 : vector<16xi32>
      %and3A_1287 = arith.constant 63 : i32
      %and3A_1288 = vector.broadcast %and3A_1287 : i32 to vector<16xi32>
      %and3A_1289 = arith.andi %add3A_1286, %and3A_1288 : vector<16xi32>
      %and3A_1290 = arith.constant 511 : i32
      %and3A_1291 = vector.broadcast %and3A_1290 : i32 to vector<16xi32>
      %and3A_1292 = arith.andi %gather3A_1275, %and3A_1291 : vector<16xi32>
      %gather3A_1293 = tpu.vector_load_idx %arg15[%and3A_1289, %and3A_1292] : memref<64x512xf32, #tpu.memory_space<vmem>>[vector<16xi32>, vector<16xi32>], vector<16xf32>,
      %mul3A_1294 = arith.mulf %gather3A_1293, %convert_element_type3A : vector<16xf32>
      tpu.vector_store_idx %arg9[%min3A_1262], %mul3A_1294 masked %lt3A_1255 : memref<2000xf32, #tpu.memory_space<vmem>>[vector<16xi32>], vector<16xf32>, vector<16xi1>
      %while3A_1295 = arith.constant 0 : i32
      scf.yield %while3A_1295 : i32
    }
    %dma_wait3A_537 = tpu.memref_reshape %arg2 : memref<64x2x512x512xf32, #tpu.memory_space<hbm>> -> memref<65536x512xf32, #tpu.memory_space<hbm>>
    %dma_wait3A_538 = arith.constant 0 : i32
    %dma_wait3A_539 = tpu.memref_slice %dma_wait3A_537[%multiple_of3A_509, %dma_wait3A_538] : memref<65536x512xf32, #tpu.memory_space<hbm>> -> memref<64x512xf32, #tpu.memory_space<hbm>>
    %dma_wait3A_540 = tpu.memref_reshape %arg2 : memref<64x2x512x512xf32, #tpu.memory_space<hbm>> -> memref<65536x512xf32, #tpu.memory_space<hbm>>
    %dma_wait3A_541 = arith.constant 0 : i32
    %dma_wait3A_542 = tpu.memref_slice %dma_wait3A_540[%multiple_of3A_509, %dma_wait3A_541] : memref<65536x512xf32, #tpu.memory_space<hbm>> -> memref<64x512xf32, #tpu.memory_space<hbm>>
    tpu.wait_dma2 semaphore(%arg18 : memref<!tpu.dma_semaphore, #tpu.memory_space<semaphore_mem>>) src(%dma_wait3A_542 : memref<64x512xf32, #tpu.memory_space<hbm>>) dst(%arg16 : memref<64x512xf32, #tpu.memory_space<vmem>>)
    %mul3A_543 = arith.constant 2048 : i32
    %mul3A_544 = arith.muli %add3A, %mul3A_543 : i32
    %add3A_545 = arith.constant 896 : i32
    %add3A_546 = arith.addi %mul3A_544, %add3A_545 : i32
    %multiple_of3A_547 = tpu.assume_multiple %add3A_546, 64 : i32
    %dma_start3A_548 = tpu.memref_reshape %arg2 : memref<64x2x512x512xf32, #tpu.memory_space<hbm>> -> memref<65536x512xf32, #tpu.memory_space<hbm>>
    %dma_start3A_549 = arith.constant 0 : i32
    %dma_start3A_550 = tpu.memref_slice %dma_start3A_548[%multiple_of3A_547, %dma_start3A_549] : memref<65536x512xf32, #tpu.memory_space<hbm>> -> memref<64x512xf32, #tpu.memory_space<hbm>>
    %dma_start3A_551 = tpu.memref_reshape %arg2 : memref<64x2x512x512xf32, #tpu.memory_space<hbm>> -> memref<65536x512xf32, #tpu.memory_space<hbm>>
    %dma_start3A_552 = arith.constant 0 : i32
    %dma_start3A_553 = tpu.memref_slice %dma_start3A_551[%multiple_of3A_547, %dma_start3A_552] : memref<65536x512xf32, #tpu.memory_space<hbm>> -> memref<64x512xf32, #tpu.memory_space<hbm>>
    tpu.enqueue_dma source(%dma_start3A_553 : memref<64x512xf32, #tpu.memory_space<hbm>>) target(%arg15 : memref<64x512xf32, #tpu.memory_space<vmem>>) target_semaphore(%arg17 : memref<!tpu.dma_semaphore, #tpu.memory_space<semaphore_mem>>)
    %slice3A_554 = vector.extract_strided_slice %sub3A {offsets = [13], sizes = [1], strides = [1]} : vector<16xi32> to vector<1xi32>
    %squeeze3A_555 = vector.extract %slice3A_554[0] : i32 from vector<1xi32>
    %slice3A_556 = vector.extract_strided_slice %masked_cumsum3A {offsets = [13], sizes = [1], strides = [1]} : vector<16xi32> to vector<1xi32>
    %squeeze3A_557 = vector.extract %slice3A_556[0] : i32 from vector<1xi32>
    %sub3A_558 = arith.subi %squeeze3A_557, %squeeze3A_555 : i32
    %add3A_559 = arith.constant 15 : i32
    %add3A_560 = arith.addi %sub3A_558, %add3A_559 : i32
    %shift_right_arithmetic3A_561 = arith.constant 4 : i32
    %shift_right_arithmetic3A_562 = arith.shrsi %add3A_560, %shift_right_arithmetic3A_561 : i32
    %while3A_563 = arith.constant 0 : i32
    %while3A_564 = arith.constant 0 : i32
    %while3A_565 = arith.subi %shift_right_arithmetic3A_562, %while3A_563 : i32
    %while3A_566 = arith.addi %while3A_563, %while3A_565 : i32
    %while3A_567 = arith.constant 1 : i32
    %while3A_568 = arith.divsi %while3A_565, %while3A_567 : i32
    %while3A_569 = arith.muli %while3A_568, %while3A_567 : i32
    %while3A_570 = arith.addi %while3A_563, %while3A_569 : i32
    %while3A_571 = arith.constant 1 : i32
    %while3A_572 = scf.for %while3A_1248 = %while3A_563 to %while3A_570 step %while3A_571 iter_args(%while3A_1249 = %while3A_564) -> (i32)  : i32 {
      %mul3A_1250 = arith.constant 16 : i32
      %mul3A_1251 = arith.muli %while3A_1248, %mul3A_1250 : i32
      %add3A_1252 = arith.addi %squeeze3A_555, %mul3A_1251 : i32
      %add3A_1253 = vector.broadcast %add3A_1252 : i32 to vector<16xi32>
      %add3A_1254 = arith.addi %add3A_1253, %iota3A : vector<16xi32>
      %lt3A = vector.broadcast %squeeze3A_557 : i32 to vector<16xi32>
      %lt3A_1255 = arith.cmpi slt, %add3A_1254, %lt3A : vector<16xi32>
      %and3A = arith.constant 2047 : i32
      %and3A_1256 = vector.broadcast %and3A : i32 to vector<16xi32>
      %and3A_1257 = arith.andi %add3A_1254, %and3A_1256 : vector<16xi32>
      %gather3A = tpu.vector_load_idx %arg12[%and3A_1257] : memref<2048xi32, #tpu.memory_space<vmem>>[vector<16xi32>], vector<16xi32>,
      %and3A_1258 = arith.constant 2047 : i32
      %and3A_1259 = vector.broadcast %and3A_1258 : i32 to vector<16xi32>
      %and3A_1260 = arith.andi %gather3A, %and3A_1259 : vector<16xi32>
      %min3A = arith.constant 1999 : i32
      %min3A_1261 = vector.broadcast %min3A : i32 to vector<16xi32>
      %min3A_1262 = arith.minsi %and3A_1260, %min3A_1261 : vector<16xi32>
      %shift_right_arithmetic3A_1263 = arith.constant 1 : i32
      %shift_right_arithmetic3A_1264 = vector.broadcast %shift_right_arithmetic3A_1263 : i32 to vector<16xi32>
      %shift_right_arithmetic3A_1265 = arith.shrsi %min3A_1262, %shift_right_arithmetic3A_1264 : vector<16xi32>
      %and3A_1266 = arith.constant 1 : i32
      %and3A_1267 = vector.broadcast %and3A_1266 : i32 to vector<16xi32>
      %and3A_1268 = arith.andi %min3A_1262, %and3A_1267 : vector<16xi32>
      %mul3A_1269 = arith.constant 33555 : i32
      %mul3A_1270 = vector.broadcast %mul3A_1269 : i32 to vector<16xi32>
      %mul3A_1271 = arith.muli %min3A_1262, %mul3A_1270 : vector<16xi32>
      %shift_right_arithmetic3A_1272 = arith.constant 25 : i32
      %shift_right_arithmetic3A_1273 = vector.broadcast %shift_right_arithmetic3A_1272 : i32 to vector<16xi32>
      %shift_right_arithmetic3A_1274 = arith.shrsi %mul3A_1271, %shift_right_arithmetic3A_1273 : vector<16xi32>
      %gather3A_1275 = tpu.vector_load_idx %arg7[%shift_right_arithmetic3A_1265] : memref<1000xi32, #tpu.memory_space<vmem>>[vector<16xi32>], vector<16xi32>,
      %gather3A_1276 = tpu.vector_load_idx %arg8[%shift_right_arithmetic3A_1265] : memref<1000xi32, #tpu.memory_space<vmem>>[vector<16xi32>], vector<16xi32>,
      %convert_element_type3A = arith.sitofp %gather3A_1276 : vector<16xi32> to vector<16xf32>
      %mul3A_1277 = arith.constant 2 : i32
      %mul3A_1278 = vector.broadcast %mul3A_1277 : i32 to vector<16xi32>
      %mul3A_1279 = arith.muli %shift_right_arithmetic3A_1274, %mul3A_1278 : vector<16xi32>
      %add3A_1280 = arith.addi %mul3A_1279, %and3A_1268 : vector<16xi32>
      %shift_left3A = arith.constant 9 : i32
      %shift_left3A_1281 = vector.broadcast %shift_left3A : i32 to vector<16xi32>
      %shift_left3A_1282 = arith.shli %add3A_1280, %shift_left3A_1281 : vector<16xi32>
      %shift_right_arithmetic3A_1283 = arith.constant 9 : i32
      %shift_right_arithmetic3A_1284 = vector.broadcast %shift_right_arithmetic3A_1283 : i32 to vector<16xi32>
      %shift_right_arithmetic3A_1285 = arith.shrsi %gather3A_1275, %shift_right_arithmetic3A_1284 : vector<16xi32>
      %add3A_1286 = arith.addi %shift_left3A_1282, %shift_right_arithmetic3A_1285 : vector<16xi32>
      %and3A_1287 = arith.constant 63 : i32
      %and3A_1288 = vector.broadcast %and3A_1287 : i32 to vector<16xi32>
      %and3A_1289 = arith.andi %add3A_1286, %and3A_1288 : vector<16xi32>
      %and3A_1290 = arith.constant 511 : i32
      %and3A_1291 = vector.broadcast %and3A_1290 : i32 to vector<16xi32>
      %and3A_1292 = arith.andi %gather3A_1275, %and3A_1291 : vector<16xi32>
      %gather3A_1293 = tpu.vector_load_idx %arg16[%and3A_1289, %and3A_1292] : memref<64x512xf32, #tpu.memory_space<vmem>>[vector<16xi32>, vector<16xi32>], vector<16xf32>,
      %mul3A_1294 = arith.mulf %gather3A_1293, %convert_element_type3A : vector<16xf32>
      tpu.vector_store_idx %arg9[%min3A_1262], %mul3A_1294 masked %lt3A_1255 : memref<2000xf32, #tpu.memory_space<vmem>>[vector<16xi32>], vector<16xf32>, vector<16xi1>
      %while3A_1295 = arith.constant 0 : i32
      scf.yield %while3A_1295 : i32
    }
    %while3A_573 = arith.constant 1 : i32
    %while3A_574 = scf.for %while3A_1248 = %while3A_570 to %while3A_566 step %while3A_573 iter_args(%while3A_1249 = %while3A_572) -> (i32)  : i32 {
      %mul3A_1250 = arith.constant 16 : i32
      %mul3A_1251 = arith.muli %while3A_1248, %mul3A_1250 : i32
      %add3A_1252 = arith.addi %squeeze3A_555, %mul3A_1251 : i32
      %add3A_1253 = vector.broadcast %add3A_1252 : i32 to vector<16xi32>
      %add3A_1254 = arith.addi %add3A_1253, %iota3A : vector<16xi32>
      %lt3A = vector.broadcast %squeeze3A_557 : i32 to vector<16xi32>
      %lt3A_1255 = arith.cmpi slt, %add3A_1254, %lt3A : vector<16xi32>
      %and3A = arith.constant 2047 : i32
      %and3A_1256 = vector.broadcast %and3A : i32 to vector<16xi32>
      %and3A_1257 = arith.andi %add3A_1254, %and3A_1256 : vector<16xi32>
      %gather3A = tpu.vector_load_idx %arg12[%and3A_1257] : memref<2048xi32, #tpu.memory_space<vmem>>[vector<16xi32>], vector<16xi32>,
      %and3A_1258 = arith.constant 2047 : i32
      %and3A_1259 = vector.broadcast %and3A_1258 : i32 to vector<16xi32>
      %and3A_1260 = arith.andi %gather3A, %and3A_1259 : vector<16xi32>
      %min3A = arith.constant 1999 : i32
      %min3A_1261 = vector.broadcast %min3A : i32 to vector<16xi32>
      %min3A_1262 = arith.minsi %and3A_1260, %min3A_1261 : vector<16xi32>
      %shift_right_arithmetic3A_1263 = arith.constant 1 : i32
      %shift_right_arithmetic3A_1264 = vector.broadcast %shift_right_arithmetic3A_1263 : i32 to vector<16xi32>
      %shift_right_arithmetic3A_1265 = arith.shrsi %min3A_1262, %shift_right_arithmetic3A_1264 : vector<16xi32>
      %and3A_1266 = arith.constant 1 : i32
      %and3A_1267 = vector.broadcast %and3A_1266 : i32 to vector<16xi32>
      %and3A_1268 = arith.andi %min3A_1262, %and3A_1267 : vector<16xi32>
      %mul3A_1269 = arith.constant 33555 : i32
      %mul3A_1270 = vector.broadcast %mul3A_1269 : i32 to vector<16xi32>
      %mul3A_1271 = arith.muli %min3A_1262, %mul3A_1270 : vector<16xi32>
      %shift_right_arithmetic3A_1272 = arith.constant 25 : i32
      %shift_right_arithmetic3A_1273 = vector.broadcast %shift_right_arithmetic3A_1272 : i32 to vector<16xi32>
      %shift_right_arithmetic3A_1274 = arith.shrsi %mul3A_1271, %shift_right_arithmetic3A_1273 : vector<16xi32>
      %gather3A_1275 = tpu.vector_load_idx %arg7[%shift_right_arithmetic3A_1265] : memref<1000xi32, #tpu.memory_space<vmem>>[vector<16xi32>], vector<16xi32>,
      %gather3A_1276 = tpu.vector_load_idx %arg8[%shift_right_arithmetic3A_1265] : memref<1000xi32, #tpu.memory_space<vmem>>[vector<16xi32>], vector<16xi32>,
      %convert_element_type3A = arith.sitofp %gather3A_1276 : vector<16xi32> to vector<16xf32>
      %mul3A_1277 = arith.constant 2 : i32
      %mul3A_1278 = vector.broadcast %mul3A_1277 : i32 to vector<16xi32>
      %mul3A_1279 = arith.muli %shift_right_arithmetic3A_1274, %mul3A_1278 : vector<16xi32>
      %add3A_1280 = arith.addi %mul3A_1279, %and3A_1268 : vector<16xi32>
      %shift_left3A = arith.constant 9 : i32
      %shift_left3A_1281 = vector.broadcast %shift_left3A : i32 to vector<16xi32>
      %shift_left3A_1282 = arith.shli %add3A_1280, %shift_left3A_1281 : vector<16xi32>
      %shift_right_arithmetic3A_1283 = arith.constant 9 : i32
      %shift_right_arithmetic3A_1284 = vector.broadcast %shift_right_arithmetic3A_1283 : i32 to vector<16xi32>
      %shift_right_arithmetic3A_1285 = arith.shrsi %gather3A_1275, %shift_right_arithmetic3A_1284 : vector<16xi32>
      %add3A_1286 = arith.addi %shift_left3A_1282, %shift_right_arithmetic3A_1285 : vector<16xi32>
      %and3A_1287 = arith.constant 63 : i32
      %and3A_1288 = vector.broadcast %and3A_1287 : i32 to vector<16xi32>
      %and3A_1289 = arith.andi %add3A_1286, %and3A_1288 : vector<16xi32>
      %and3A_1290 = arith.constant 511 : i32
      %and3A_1291 = vector.broadcast %and3A_1290 : i32 to vector<16xi32>
      %and3A_1292 = arith.andi %gather3A_1275, %and3A_1291 : vector<16xi32>
      %gather3A_1293 = tpu.vector_load_idx %arg16[%and3A_1289, %and3A_1292] : memref<64x512xf32, #tpu.memory_space<vmem>>[vector<16xi32>, vector<16xi32>], vector<16xf32>,
      %mul3A_1294 = arith.mulf %gather3A_1293, %convert_element_type3A : vector<16xf32>
      tpu.vector_store_idx %arg9[%min3A_1262], %mul3A_1294 masked %lt3A_1255 : memref<2000xf32, #tpu.memory_space<vmem>>[vector<16xi32>], vector<16xf32>, vector<16xi1>
      %while3A_1295 = arith.constant 0 : i32
      scf.yield %while3A_1295 : i32
    }
    %dma_wait3A_575 = tpu.memref_reshape %arg2 : memref<64x2x512x512xf32, #tpu.memory_space<hbm>> -> memref<65536x512xf32, #tpu.memory_space<hbm>>
    %dma_wait3A_576 = arith.constant 0 : i32
    %dma_wait3A_577 = tpu.memref_slice %dma_wait3A_575[%multiple_of3A_547, %dma_wait3A_576] : memref<65536x512xf32, #tpu.memory_space<hbm>> -> memref<64x512xf32, #tpu.memory_space<hbm>>
    %dma_wait3A_578 = tpu.memref_reshape %arg2 : memref<64x2x512x512xf32, #tpu.memory_space<hbm>> -> memref<65536x512xf32, #tpu.memory_space<hbm>>
    %dma_wait3A_579 = arith.constant 0 : i32
    %dma_wait3A_580 = tpu.memref_slice %dma_wait3A_578[%multiple_of3A_547, %dma_wait3A_579] : memref<65536x512xf32, #tpu.memory_space<hbm>> -> memref<64x512xf32, #tpu.memory_space<hbm>>
    tpu.wait_dma2 semaphore(%arg17 : memref<!tpu.dma_semaphore, #tpu.memory_space<semaphore_mem>>) src(%dma_wait3A_580 : memref<64x512xf32, #tpu.memory_space<hbm>>) dst(%arg15 : memref<64x512xf32, #tpu.memory_space<vmem>>)
    %mul3A_581 = arith.constant 2048 : i32
    %mul3A_582 = arith.muli %add3A, %mul3A_581 : i32
    %add3A_583 = arith.constant 960 : i32
    %add3A_584 = arith.addi %mul3A_582, %add3A_583 : i32
    %multiple_of3A_585 = tpu.assume_multiple %add3A_584, 64 : i32
    %dma_start3A_586 = tpu.memref_reshape %arg2 : memref<64x2x512x512xf32, #tpu.memory_space<hbm>> -> memref<65536x512xf32, #tpu.memory_space<hbm>>
    %dma_start3A_587 = arith.constant 0 : i32
    %dma_start3A_588 = tpu.memref_slice %dma_start3A_586[%multiple_of3A_585, %dma_start3A_587] : memref<65536x512xf32, #tpu.memory_space<hbm>> -> memref<64x512xf32, #tpu.memory_space<hbm>>
    %dma_start3A_589 = tpu.memref_reshape %arg2 : memref<64x2x512x512xf32, #tpu.memory_space<hbm>> -> memref<65536x512xf32, #tpu.memory_space<hbm>>
    %dma_start3A_590 = arith.constant 0 : i32
    %dma_start3A_591 = tpu.memref_slice %dma_start3A_589[%multiple_of3A_585, %dma_start3A_590] : memref<65536x512xf32, #tpu.memory_space<hbm>> -> memref<64x512xf32, #tpu.memory_space<hbm>>
    tpu.enqueue_dma source(%dma_start3A_591 : memref<64x512xf32, #tpu.memory_space<hbm>>) target(%arg16 : memref<64x512xf32, #tpu.memory_space<vmem>>) target_semaphore(%arg18 : memref<!tpu.dma_semaphore, #tpu.memory_space<semaphore_mem>>)
    %slice3A_592 = vector.extract_strided_slice %sub3A {offsets = [14], sizes = [1], strides = [1]} : vector<16xi32> to vector<1xi32>
    %squeeze3A_593 = vector.extract %slice3A_592[0] : i32 from vector<1xi32>
    %slice3A_594 = vector.extract_strided_slice %masked_cumsum3A {offsets = [14], sizes = [1], strides = [1]} : vector<16xi32> to vector<1xi32>
    %squeeze3A_595 = vector.extract %slice3A_594[0] : i32 from vector<1xi32>
    %sub3A_596 = arith.subi %squeeze3A_595, %squeeze3A_593 : i32
    %add3A_597 = arith.constant 15 : i32
    %add3A_598 = arith.addi %sub3A_596, %add3A_597 : i32
    %shift_right_arithmetic3A_599 = arith.constant 4 : i32
    %shift_right_arithmetic3A_600 = arith.shrsi %add3A_598, %shift_right_arithmetic3A_599 : i32
    %while3A_601 = arith.constant 0 : i32
    %while3A_602 = arith.constant 0 : i32
    %while3A_603 = arith.subi %shift_right_arithmetic3A_600, %while3A_601 : i32
    %while3A_604 = arith.addi %while3A_601, %while3A_603 : i32
    %while3A_605 = arith.constant 1 : i32
    %while3A_606 = arith.divsi %while3A_603, %while3A_605 : i32
    %while3A_607 = arith.muli %while3A_606, %while3A_605 : i32
    %while3A_608 = arith.addi %while3A_601, %while3A_607 : i32
    %while3A_609 = arith.constant 1 : i32
    %while3A_610 = scf.for %while3A_1248 = %while3A_601 to %while3A_608 step %while3A_609 iter_args(%while3A_1249 = %while3A_602) -> (i32)  : i32 {
      %mul3A_1250 = arith.constant 16 : i32
      %mul3A_1251 = arith.muli %while3A_1248, %mul3A_1250 : i32
      %add3A_1252 = arith.addi %squeeze3A_593, %mul3A_1251 : i32
      %add3A_1253 = vector.broadcast %add3A_1252 : i32 to vector<16xi32>
      %add3A_1254 = arith.addi %add3A_1253, %iota3A : vector<16xi32>
      %lt3A = vector.broadcast %squeeze3A_595 : i32 to vector<16xi32>
      %lt3A_1255 = arith.cmpi slt, %add3A_1254, %lt3A : vector<16xi32>
      %and3A = arith.constant 2047 : i32
      %and3A_1256 = vector.broadcast %and3A : i32 to vector<16xi32>
      %and3A_1257 = arith.andi %add3A_1254, %and3A_1256 : vector<16xi32>
      %gather3A = tpu.vector_load_idx %arg12[%and3A_1257] : memref<2048xi32, #tpu.memory_space<vmem>>[vector<16xi32>], vector<16xi32>,
      %and3A_1258 = arith.constant 2047 : i32
      %and3A_1259 = vector.broadcast %and3A_1258 : i32 to vector<16xi32>
      %and3A_1260 = arith.andi %gather3A, %and3A_1259 : vector<16xi32>
      %min3A = arith.constant 1999 : i32
      %min3A_1261 = vector.broadcast %min3A : i32 to vector<16xi32>
      %min3A_1262 = arith.minsi %and3A_1260, %min3A_1261 : vector<16xi32>
      %shift_right_arithmetic3A_1263 = arith.constant 1 : i32
      %shift_right_arithmetic3A_1264 = vector.broadcast %shift_right_arithmetic3A_1263 : i32 to vector<16xi32>
      %shift_right_arithmetic3A_1265 = arith.shrsi %min3A_1262, %shift_right_arithmetic3A_1264 : vector<16xi32>
      %and3A_1266 = arith.constant 1 : i32
      %and3A_1267 = vector.broadcast %and3A_1266 : i32 to vector<16xi32>
      %and3A_1268 = arith.andi %min3A_1262, %and3A_1267 : vector<16xi32>
      %mul3A_1269 = arith.constant 33555 : i32
      %mul3A_1270 = vector.broadcast %mul3A_1269 : i32 to vector<16xi32>
      %mul3A_1271 = arith.muli %min3A_1262, %mul3A_1270 : vector<16xi32>
      %shift_right_arithmetic3A_1272 = arith.constant 25 : i32
      %shift_right_arithmetic3A_1273 = vector.broadcast %shift_right_arithmetic3A_1272 : i32 to vector<16xi32>
      %shift_right_arithmetic3A_1274 = arith.shrsi %mul3A_1271, %shift_right_arithmetic3A_1273 : vector<16xi32>
      %gather3A_1275 = tpu.vector_load_idx %arg7[%shift_right_arithmetic3A_1265] : memref<1000xi32, #tpu.memory_space<vmem>>[vector<16xi32>], vector<16xi32>,
      %gather3A_1276 = tpu.vector_load_idx %arg8[%shift_right_arithmetic3A_1265] : memref<1000xi32, #tpu.memory_space<vmem>>[vector<16xi32>], vector<16xi32>,
      %convert_element_type3A = arith.sitofp %gather3A_1276 : vector<16xi32> to vector<16xf32>
      %mul3A_1277 = arith.constant 2 : i32
      %mul3A_1278 = vector.broadcast %mul3A_1277 : i32 to vector<16xi32>
      %mul3A_1279 = arith.muli %shift_right_arithmetic3A_1274, %mul3A_1278 : vector<16xi32>
      %add3A_1280 = arith.addi %mul3A_1279, %and3A_1268 : vector<16xi32>
      %shift_left3A = arith.constant 9 : i32
      %shift_left3A_1281 = vector.broadcast %shift_left3A : i32 to vector<16xi32>
      %shift_left3A_1282 = arith.shli %add3A_1280, %shift_left3A_1281 : vector<16xi32>
      %shift_right_arithmetic3A_1283 = arith.constant 9 : i32
      %shift_right_arithmetic3A_1284 = vector.broadcast %shift_right_arithmetic3A_1283 : i32 to vector<16xi32>
      %shift_right_arithmetic3A_1285 = arith.shrsi %gather3A_1275, %shift_right_arithmetic3A_1284 : vector<16xi32>
      %add3A_1286 = arith.addi %shift_left3A_1282, %shift_right_arithmetic3A_1285 : vector<16xi32>
      %and3A_1287 = arith.constant 63 : i32
      %and3A_1288 = vector.broadcast %and3A_1287 : i32 to vector<16xi32>
      %and3A_1289 = arith.andi %add3A_1286, %and3A_1288 : vector<16xi32>
      %and3A_1290 = arith.constant 511 : i32
      %and3A_1291 = vector.broadcast %and3A_1290 : i32 to vector<16xi32>
      %and3A_1292 = arith.andi %gather3A_1275, %and3A_1291 : vector<16xi32>
      %gather3A_1293 = tpu.vector_load_idx %arg15[%and3A_1289, %and3A_1292] : memref<64x512xf32, #tpu.memory_space<vmem>>[vector<16xi32>, vector<16xi32>], vector<16xf32>,
      %mul3A_1294 = arith.mulf %gather3A_1293, %convert_element_type3A : vector<16xf32>
      tpu.vector_store_idx %arg9[%min3A_1262], %mul3A_1294 masked %lt3A_1255 : memref<2000xf32, #tpu.memory_space<vmem>>[vector<16xi32>], vector<16xf32>, vector<16xi1>
      %while3A_1295 = arith.constant 0 : i32
      scf.yield %while3A_1295 : i32
    }
    %while3A_611 = arith.constant 1 : i32
    %while3A_612 = scf.for %while3A_1248 = %while3A_608 to %while3A_604 step %while3A_611 iter_args(%while3A_1249 = %while3A_610) -> (i32)  : i32 {
      %mul3A_1250 = arith.constant 16 : i32
      %mul3A_1251 = arith.muli %while3A_1248, %mul3A_1250 : i32
      %add3A_1252 = arith.addi %squeeze3A_593, %mul3A_1251 : i32
      %add3A_1253 = vector.broadcast %add3A_1252 : i32 to vector<16xi32>
      %add3A_1254 = arith.addi %add3A_1253, %iota3A : vector<16xi32>
      %lt3A = vector.broadcast %squeeze3A_595 : i32 to vector<16xi32>
      %lt3A_1255 = arith.cmpi slt, %add3A_1254, %lt3A : vector<16xi32>
      %and3A = arith.constant 2047 : i32
      %and3A_1256 = vector.broadcast %and3A : i32 to vector<16xi32>
      %and3A_1257 = arith.andi %add3A_1254, %and3A_1256 : vector<16xi32>
      %gather3A = tpu.vector_load_idx %arg12[%and3A_1257] : memref<2048xi32, #tpu.memory_space<vmem>>[vector<16xi32>], vector<16xi32>,
      %and3A_1258 = arith.constant 2047 : i32
      %and3A_1259 = vector.broadcast %and3A_1258 : i32 to vector<16xi32>
      %and3A_1260 = arith.andi %gather3A, %and3A_1259 : vector<16xi32>
      %min3A = arith.constant 1999 : i32
      %min3A_1261 = vector.broadcast %min3A : i32 to vector<16xi32>
      %min3A_1262 = arith.minsi %and3A_1260, %min3A_1261 : vector<16xi32>
      %shift_right_arithmetic3A_1263 = arith.constant 1 : i32
      %shift_right_arithmetic3A_1264 = vector.broadcast %shift_right_arithmetic3A_1263 : i32 to vector<16xi32>
      %shift_right_arithmetic3A_1265 = arith.shrsi %min3A_1262, %shift_right_arithmetic3A_1264 : vector<16xi32>
      %and3A_1266 = arith.constant 1 : i32
      %and3A_1267 = vector.broadcast %and3A_1266 : i32 to vector<16xi32>
      %and3A_1268 = arith.andi %min3A_1262, %and3A_1267 : vector<16xi32>
      %mul3A_1269 = arith.constant 33555 : i32
      %mul3A_1270 = vector.broadcast %mul3A_1269 : i32 to vector<16xi32>
      %mul3A_1271 = arith.muli %min3A_1262, %mul3A_1270 : vector<16xi32>
      %shift_right_arithmetic3A_1272 = arith.constant 25 : i32
      %shift_right_arithmetic3A_1273 = vector.broadcast %shift_right_arithmetic3A_1272 : i32 to vector<16xi32>
      %shift_right_arithmetic3A_1274 = arith.shrsi %mul3A_1271, %shift_right_arithmetic3A_1273 : vector<16xi32>
      %gather3A_1275 = tpu.vector_load_idx %arg7[%shift_right_arithmetic3A_1265] : memref<1000xi32, #tpu.memory_space<vmem>>[vector<16xi32>], vector<16xi32>,
      %gather3A_1276 = tpu.vector_load_idx %arg8[%shift_right_arithmetic3A_1265] : memref<1000xi32, #tpu.memory_space<vmem>>[vector<16xi32>], vector<16xi32>,
      %convert_element_type3A = arith.sitofp %gather3A_1276 : vector<16xi32> to vector<16xf32>
      %mul3A_1277 = arith.constant 2 : i32
      %mul3A_1278 = vector.broadcast %mul3A_1277 : i32 to vector<16xi32>
      %mul3A_1279 = arith.muli %shift_right_arithmetic3A_1274, %mul3A_1278 : vector<16xi32>
      %add3A_1280 = arith.addi %mul3A_1279, %and3A_1268 : vector<16xi32>
      %shift_left3A = arith.constant 9 : i32
      %shift_left3A_1281 = vector.broadcast %shift_left3A : i32 to vector<16xi32>
      %shift_left3A_1282 = arith.shli %add3A_1280, %shift_left3A_1281 : vector<16xi32>
      %shift_right_arithmetic3A_1283 = arith.constant 9 : i32
      %shift_right_arithmetic3A_1284 = vector.broadcast %shift_right_arithmetic3A_1283 : i32 to vector<16xi32>
      %shift_right_arithmetic3A_1285 = arith.shrsi %gather3A_1275, %shift_right_arithmetic3A_1284 : vector<16xi32>
      %add3A_1286 = arith.addi %shift_left3A_1282, %shift_right_arithmetic3A_1285 : vector<16xi32>
      %and3A_1287 = arith.constant 63 : i32
      %and3A_1288 = vector.broadcast %and3A_1287 : i32 to vector<16xi32>
      %and3A_1289 = arith.andi %add3A_1286, %and3A_1288 : vector<16xi32>
      %and3A_1290 = arith.constant 511 : i32
      %and3A_1291 = vector.broadcast %and3A_1290 : i32 to vector<16xi32>
      %and3A_1292 = arith.andi %gather3A_1275, %and3A_1291 : vector<16xi32>
      %gather3A_1293 = tpu.vector_load_idx %arg15[%and3A_1289, %and3A_1292] : memref<64x512xf32, #tpu.memory_space<vmem>>[vector<16xi32>, vector<16xi32>], vector<16xf32>,
      %mul3A_1294 = arith.mulf %gather3A_1293, %convert_element_type3A : vector<16xf32>
      tpu.vector_store_idx %arg9[%min3A_1262], %mul3A_1294 masked %lt3A_1255 : memref<2000xf32, #tpu.memory_space<vmem>>[vector<16xi32>], vector<16xf32>, vector<16xi1>
      %while3A_1295 = arith.constant 0 : i32
      scf.yield %while3A_1295 : i32
    }
    %dma_wait3A_613 = tpu.memref_reshape %arg2 : memref<64x2x512x512xf32, #tpu.memory_space<hbm>> -> memref<65536x512xf32, #tpu.memory_space<hbm>>
    %dma_wait3A_614 = arith.constant 0 : i32
    %dma_wait3A_615 = tpu.memref_slice %dma_wait3A_613[%multiple_of3A_585, %dma_wait3A_614] : memref<65536x512xf32, #tpu.memory_space<hbm>> -> memref<64x512xf32, #tpu.memory_space<hbm>>
    %dma_wait3A_616 = tpu.memref_reshape %arg2 : memref<64x2x512x512xf32, #tpu.memory_space<hbm>> -> memref<65536x512xf32, #tpu.memory_space<hbm>>
    %dma_wait3A_617 = arith.constant 0 : i32
    %dma_wait3A_618 = tpu.memref_slice %dma_wait3A_616[%multiple_of3A_585, %dma_wait3A_617] : memref<65536x512xf32, #tpu.memory_space<hbm>> -> memref<64x512xf32, #tpu.memory_space<hbm>>
    tpu.wait_dma2 semaphore(%arg18 : memref<!tpu.dma_semaphore, #tpu.memory_space<semaphore_mem>>) src(%dma_wait3A_618 : memref<64x512xf32, #tpu.memory_space<hbm>>) dst(%arg16 : memref<64x512xf32, #tpu.memory_space<vmem>>)
    %mul3A_619 = arith.constant 2048 : i32
    %mul3A_620 = arith.muli %add3A, %mul3A_619 : i32
    %add3A_621 = arith.constant 1024 : i32
    %add3A_622 = arith.addi %mul3A_620, %add3A_621 : i32
    %multiple_of3A_623 = tpu.assume_multiple %add3A_622, 64 : i32
    %dma_start3A_624 = tpu.memref_reshape %arg2 : memref<64x2x512x512xf32, #tpu.memory_space<hbm>> -> memref<65536x512xf32, #tpu.memory_space<hbm>>
    %dma_start3A_625 = arith.constant 0 : i32
    %dma_start3A_626 = tpu.memref_slice %dma_start3A_624[%multiple_of3A_623, %dma_start3A_625] : memref<65536x512xf32, #tpu.memory_space<hbm>> -> memref<64x512xf32, #tpu.memory_space<hbm>>
    %dma_start3A_627 = tpu.memref_reshape %arg2 : memref<64x2x512x512xf32, #tpu.memory_space<hbm>> -> memref<65536x512xf32, #tpu.memory_space<hbm>>
    %dma_start3A_628 = arith.constant 0 : i32
    %dma_start3A_629 = tpu.memref_slice %dma_start3A_627[%multiple_of3A_623, %dma_start3A_628] : memref<65536x512xf32, #tpu.memory_space<hbm>> -> memref<64x512xf32, #tpu.memory_space<hbm>>
    tpu.enqueue_dma source(%dma_start3A_629 : memref<64x512xf32, #tpu.memory_space<hbm>>) target(%arg15 : memref<64x512xf32, #tpu.memory_space<vmem>>) target_semaphore(%arg17 : memref<!tpu.dma_semaphore, #tpu.memory_space<semaphore_mem>>)
    %slice3A_630 = vector.extract_strided_slice %sub3A {offsets = [15], sizes = [1], strides = [1]} : vector<16xi32> to vector<1xi32>
    %squeeze3A_631 = vector.extract %slice3A_630[0] : i32 from vector<1xi32>
    %slice3A_632 = vector.extract_strided_slice %masked_cumsum3A {offsets = [15], sizes = [1], strides = [1]} : vector<16xi32> to vector<1xi32>
    %squeeze3A_633 = vector.extract %slice3A_632[0] : i32 from vector<1xi32>
    %sub3A_634 = arith.subi %squeeze3A_633, %squeeze3A_631 : i32
    %add3A_635 = arith.constant 15 : i32
    %add3A_636 = arith.addi %sub3A_634, %add3A_635 : i32
    %shift_right_arithmetic3A_637 = arith.constant 4 : i32
    %shift_right_arithmetic3A_638 = arith.shrsi %add3A_636, %shift_right_arithmetic3A_637 : i32
    %while3A_639 = arith.constant 0 : i32
    %while3A_640 = arith.constant 0 : i32
    %while3A_641 = arith.subi %shift_right_arithmetic3A_638, %while3A_639 : i32
    %while3A_642 = arith.addi %while3A_639, %while3A_641 : i32
    %while3A_643 = arith.constant 1 : i32
    %while3A_644 = arith.divsi %while3A_641, %while3A_643 : i32
    %while3A_645 = arith.muli %while3A_644, %while3A_643 : i32
    %while3A_646 = arith.addi %while3A_639, %while3A_645 : i32
    %while3A_647 = arith.constant 1 : i32
    %while3A_648 = scf.for %while3A_1248 = %while3A_639 to %while3A_646 step %while3A_647 iter_args(%while3A_1249 = %while3A_640) -> (i32)  : i32 {
      %mul3A_1250 = arith.constant 16 : i32
      %mul3A_1251 = arith.muli %while3A_1248, %mul3A_1250 : i32
      %add3A_1252 = arith.addi %squeeze3A_631, %mul3A_1251 : i32
      %add3A_1253 = vector.broadcast %add3A_1252 : i32 to vector<16xi32>
      %add3A_1254 = arith.addi %add3A_1253, %iota3A : vector<16xi32>
      %lt3A = vector.broadcast %squeeze3A_633 : i32 to vector<16xi32>
      %lt3A_1255 = arith.cmpi slt, %add3A_1254, %lt3A : vector<16xi32>
      %and3A = arith.constant 2047 : i32
      %and3A_1256 = vector.broadcast %and3A : i32 to vector<16xi32>
      %and3A_1257 = arith.andi %add3A_1254, %and3A_1256 : vector<16xi32>
      %gather3A = tpu.vector_load_idx %arg12[%and3A_1257] : memref<2048xi32, #tpu.memory_space<vmem>>[vector<16xi32>], vector<16xi32>,
      %and3A_1258 = arith.constant 2047 : i32
      %and3A_1259 = vector.broadcast %and3A_1258 : i32 to vector<16xi32>
      %and3A_1260 = arith.andi %gather3A, %and3A_1259 : vector<16xi32>
      %min3A = arith.constant 1999 : i32
      %min3A_1261 = vector.broadcast %min3A : i32 to vector<16xi32>
      %min3A_1262 = arith.minsi %and3A_1260, %min3A_1261 : vector<16xi32>
      %shift_right_arithmetic3A_1263 = arith.constant 1 : i32
      %shift_right_arithmetic3A_1264 = vector.broadcast %shift_right_arithmetic3A_1263 : i32 to vector<16xi32>
      %shift_right_arithmetic3A_1265 = arith.shrsi %min3A_1262, %shift_right_arithmetic3A_1264 : vector<16xi32>
      %and3A_1266 = arith.constant 1 : i32
      %and3A_1267 = vector.broadcast %and3A_1266 : i32 to vector<16xi32>
      %and3A_1268 = arith.andi %min3A_1262, %and3A_1267 : vector<16xi32>
      %mul3A_1269 = arith.constant 33555 : i32
      %mul3A_1270 = vector.broadcast %mul3A_1269 : i32 to vector<16xi32>
      %mul3A_1271 = arith.muli %min3A_1262, %mul3A_1270 : vector<16xi32>
      %shift_right_arithmetic3A_1272 = arith.constant 25 : i32
      %shift_right_arithmetic3A_1273 = vector.broadcast %shift_right_arithmetic3A_1272 : i32 to vector<16xi32>
      %shift_right_arithmetic3A_1274 = arith.shrsi %mul3A_1271, %shift_right_arithmetic3A_1273 : vector<16xi32>
      %gather3A_1275 = tpu.vector_load_idx %arg7[%shift_right_arithmetic3A_1265] : memref<1000xi32, #tpu.memory_space<vmem>>[vector<16xi32>], vector<16xi32>,
      %gather3A_1276 = tpu.vector_load_idx %arg8[%shift_right_arithmetic3A_1265] : memref<1000xi32, #tpu.memory_space<vmem>>[vector<16xi32>], vector<16xi32>,
      %convert_element_type3A = arith.sitofp %gather3A_1276 : vector<16xi32> to vector<16xf32>
      %mul3A_1277 = arith.constant 2 : i32
      %mul3A_1278 = vector.broadcast %mul3A_1277 : i32 to vector<16xi32>
      %mul3A_1279 = arith.muli %shift_right_arithmetic3A_1274, %mul3A_1278 : vector<16xi32>
      %add3A_1280 = arith.addi %mul3A_1279, %and3A_1268 : vector<16xi32>
      %shift_left3A = arith.constant 9 : i32
      %shift_left3A_1281 = vector.broadcast %shift_left3A : i32 to vector<16xi32>
      %shift_left3A_1282 = arith.shli %add3A_1280, %shift_left3A_1281 : vector<16xi32>
      %shift_right_arithmetic3A_1283 = arith.constant 9 : i32
      %shift_right_arithmetic3A_1284 = vector.broadcast %shift_right_arithmetic3A_1283 : i32 to vector<16xi32>
      %shift_right_arithmetic3A_1285 = arith.shrsi %gather3A_1275, %shift_right_arithmetic3A_1284 : vector<16xi32>
      %add3A_1286 = arith.addi %shift_left3A_1282, %shift_right_arithmetic3A_1285 : vector<16xi32>
      %and3A_1287 = arith.constant 63 : i32
      %and3A_1288 = vector.broadcast %and3A_1287 : i32 to vector<16xi32>
      %and3A_1289 = arith.andi %add3A_1286, %and3A_1288 : vector<16xi32>
      %and3A_1290 = arith.constant 511 : i32
      %and3A_1291 = vector.broadcast %and3A_1290 : i32 to vector<16xi32>
      %and3A_1292 = arith.andi %gather3A_1275, %and3A_1291 : vector<16xi32>
      %gather3A_1293 = tpu.vector_load_idx %arg16[%and3A_1289, %and3A_1292] : memref<64x512xf32, #tpu.memory_space<vmem>>[vector<16xi32>, vector<16xi32>], vector<16xf32>,
      %mul3A_1294 = arith.mulf %gather3A_1293, %convert_element_type3A : vector<16xf32>
      tpu.vector_store_idx %arg9[%min3A_1262], %mul3A_1294 masked %lt3A_1255 : memref<2000xf32, #tpu.memory_space<vmem>>[vector<16xi32>], vector<16xf32>, vector<16xi1>
      %while3A_1295 = arith.constant 0 : i32
      scf.yield %while3A_1295 : i32
    }
    %while3A_649 = arith.constant 1 : i32
    %while3A_650 = scf.for %while3A_1248 = %while3A_646 to %while3A_642 step %while3A_649 iter_args(%while3A_1249 = %while3A_648) -> (i32)  : i32 {
      %mul3A_1250 = arith.constant 16 : i32
      %mul3A_1251 = arith.muli %while3A_1248, %mul3A_1250 : i32
      %add3A_1252 = arith.addi %squeeze3A_631, %mul3A_1251 : i32
      %add3A_1253 = vector.broadcast %add3A_1252 : i32 to vector<16xi32>
      %add3A_1254 = arith.addi %add3A_1253, %iota3A : vector<16xi32>
      %lt3A = vector.broadcast %squeeze3A_633 : i32 to vector<16xi32>
      %lt3A_1255 = arith.cmpi slt, %add3A_1254, %lt3A : vector<16xi32>
      %and3A = arith.constant 2047 : i32
      %and3A_1256 = vector.broadcast %and3A : i32 to vector<16xi32>
      %and3A_1257 = arith.andi %add3A_1254, %and3A_1256 : vector<16xi32>
      %gather3A = tpu.vector_load_idx %arg12[%and3A_1257] : memref<2048xi32, #tpu.memory_space<vmem>>[vector<16xi32>], vector<16xi32>,
      %and3A_1258 = arith.constant 2047 : i32
      %and3A_1259 = vector.broadcast %and3A_1258 : i32 to vector<16xi32>
      %and3A_1260 = arith.andi %gather3A, %and3A_1259 : vector<16xi32>
      %min3A = arith.constant 1999 : i32
      %min3A_1261 = vector.broadcast %min3A : i32 to vector<16xi32>
      %min3A_1262 = arith.minsi %and3A_1260, %min3A_1261 : vector<16xi32>
      %shift_right_arithmetic3A_1263 = arith.constant 1 : i32
      %shift_right_arithmetic3A_1264 = vector.broadcast %shift_right_arithmetic3A_1263 : i32 to vector<16xi32>
      %shift_right_arithmetic3A_1265 = arith.shrsi %min3A_1262, %shift_right_arithmetic3A_1264 : vector<16xi32>
      %and3A_1266 = arith.constant 1 : i32
      %and3A_1267 = vector.broadcast %and3A_1266 : i32 to vector<16xi32>
      %and3A_1268 = arith.andi %min3A_1262, %and3A_1267 : vector<16xi32>
      %mul3A_1269 = arith.constant 33555 : i32
      %mul3A_1270 = vector.broadcast %mul3A_1269 : i32 to vector<16xi32>
      %mul3A_1271 = arith.muli %min3A_1262, %mul3A_1270 : vector<16xi32>
      %shift_right_arithmetic3A_1272 = arith.constant 25 : i32
      %shift_right_arithmetic3A_1273 = vector.broadcast %shift_right_arithmetic3A_1272 : i32 to vector<16xi32>
      %shift_right_arithmetic3A_1274 = arith.shrsi %mul3A_1271, %shift_right_arithmetic3A_1273 : vector<16xi32>
      %gather3A_1275 = tpu.vector_load_idx %arg7[%shift_right_arithmetic3A_1265] : memref<1000xi32, #tpu.memory_space<vmem>>[vector<16xi32>], vector<16xi32>,
      %gather3A_1276 = tpu.vector_load_idx %arg8[%shift_right_arithmetic3A_1265] : memref<1000xi32, #tpu.memory_space<vmem>>[vector<16xi32>], vector<16xi32>,
      %convert_element_type3A = arith.sitofp %gather3A_1276 : vector<16xi32> to vector<16xf32>
      %mul3A_1277 = arith.constant 2 : i32
      %mul3A_1278 = vector.broadcast %mul3A_1277 : i32 to vector<16xi32>
      %mul3A_1279 = arith.muli %shift_right_arithmetic3A_1274, %mul3A_1278 : vector<16xi32>
      %add3A_1280 = arith.addi %mul3A_1279, %and3A_1268 : vector<16xi32>
      %shift_left3A = arith.constant 9 : i32
      %shift_left3A_1281 = vector.broadcast %shift_left3A : i32 to vector<16xi32>
      %shift_left3A_1282 = arith.shli %add3A_1280, %shift_left3A_1281 : vector<16xi32>
      %shift_right_arithmetic3A_1283 = arith.constant 9 : i32
      %shift_right_arithmetic3A_1284 = vector.broadcast %shift_right_arithmetic3A_1283 : i32 to vector<16xi32>
      %shift_right_arithmetic3A_1285 = arith.shrsi %gather3A_1275, %shift_right_arithmetic3A_1284 : vector<16xi32>
      %add3A_1286 = arith.addi %shift_left3A_1282, %shift_right_arithmetic3A_1285 : vector<16xi32>
      %and3A_1287 = arith.constant 63 : i32
      %and3A_1288 = vector.broadcast %and3A_1287 : i32 to vector<16xi32>
      %and3A_1289 = arith.andi %add3A_1286, %and3A_1288 : vector<16xi32>
      %and3A_1290 = arith.constant 511 : i32
      %and3A_1291 = vector.broadcast %and3A_1290 : i32 to vector<16xi32>
      %and3A_1292 = arith.andi %gather3A_1275, %and3A_1291 : vector<16xi32>
      %gather3A_1293 = tpu.vector_load_idx %arg16[%and3A_1289, %and3A_1292] : memref<64x512xf32, #tpu.memory_space<vmem>>[vector<16xi32>, vector<16xi32>], vector<16xf32>,
      %mul3A_1294 = arith.mulf %gather3A_1293, %convert_element_type3A : vector<16xf32>
      tpu.vector_store_idx %arg9[%min3A_1262], %mul3A_1294 masked %lt3A_1255 : memref<2000xf32, #tpu.memory_space<vmem>>[vector<16xi32>], vector<16xf32>, vector<16xi1>
      %while3A_1295 = arith.constant 0 : i32
      scf.yield %while3A_1295 : i32
    }
    %dma_wait3A_651 = tpu.memref_reshape %arg2 : memref<64x2x512x512xf32, #tpu.memory_space<hbm>> -> memref<65536x512xf32, #tpu.memory_space<hbm>>
    %dma_wait3A_652 = arith.constant 0 : i32
    %dma_wait3A_653 = tpu.memref_slice %dma_wait3A_651[%multiple_of3A_623, %dma_wait3A_652] : memref<65536x512xf32, #tpu.memory_space<hbm>> -> memref<64x512xf32, #tpu.memory_space<hbm>>
    %dma_wait3A_654 = tpu.memref_reshape %arg2 : memref<64x2x512x512xf32, #tpu.memory_space<hbm>> -> memref<65536x512xf32, #tpu.memory_space<hbm>>
    %dma_wait3A_655 = arith.constant 0 : i32
    %dma_wait3A_656 = tpu.memref_slice %dma_wait3A_654[%multiple_of3A_623, %dma_wait3A_655] : memref<65536x512xf32, #tpu.memory_space<hbm>> -> memref<64x512xf32, #tpu.memory_space<hbm>>
    tpu.wait_dma2 semaphore(%arg17 : memref<!tpu.dma_semaphore, #tpu.memory_space<semaphore_mem>>) src(%dma_wait3A_656 : memref<64x512xf32, #tpu.memory_space<hbm>>) dst(%arg15 : memref<64x512xf32, #tpu.memory_space<vmem>>)
    %mul3A_657 = arith.constant 2048 : i32
    %mul3A_658 = arith.muli %add3A, %mul3A_657 : i32
    %add3A_659 = arith.constant 1088 : i32
    %add3A_660 = arith.addi %mul3A_658, %add3A_659 : i32
    %multiple_of3A_661 = tpu.assume_multiple %add3A_660, 64 : i32
    %dma_start3A_662 = tpu.memref_reshape %arg2 : memref<64x2x512x512xf32, #tpu.memory_space<hbm>> -> memref<65536x512xf32, #tpu.memory_space<hbm>>
    %dma_start3A_663 = arith.constant 0 : i32
    %dma_start3A_664 = tpu.memref_slice %dma_start3A_662[%multiple_of3A_661, %dma_start3A_663] : memref<65536x512xf32, #tpu.memory_space<hbm>> -> memref<64x512xf32, #tpu.memory_space<hbm>>
    %dma_start3A_665 = tpu.memref_reshape %arg2 : memref<64x2x512x512xf32, #tpu.memory_space<hbm>> -> memref<65536x512xf32, #tpu.memory_space<hbm>>
    %dma_start3A_666 = arith.constant 0 : i32
    %dma_start3A_667 = tpu.memref_slice %dma_start3A_665[%multiple_of3A_661, %dma_start3A_666] : memref<65536x512xf32, #tpu.memory_space<hbm>> -> memref<64x512xf32, #tpu.memory_space<hbm>>
    tpu.enqueue_dma source(%dma_start3A_667 : memref<64x512xf32, #tpu.memory_space<hbm>>) target(%arg16 : memref<64x512xf32, #tpu.memory_space<vmem>>) target_semaphore(%arg18 : memref<!tpu.dma_semaphore, #tpu.memory_space<semaphore_mem>>)
    %slice3A_668 = vector.extract_strided_slice %add3A_23 {offsets = [0], sizes = [1], strides = [1]} : vector<16xi32> to vector<1xi32>
    %squeeze3A_669 = vector.extract %slice3A_668[0] : i32 from vector<1xi32>
    %slice3A_670 = vector.extract_strided_slice %add3A_25 {offsets = [0], sizes = [1], strides = [1]} : vector<16xi32> to vector<1xi32>
    %squeeze3A_671 = vector.extract %slice3A_670[0] : i32 from vector<1xi32>
    %sub3A_672 = arith.subi %squeeze3A_671, %squeeze3A_669 : i32
    %add3A_673 = arith.constant 15 : i32
    %add3A_674 = arith.addi %sub3A_672, %add3A_673 : i32
    %shift_right_arithmetic3A_675 = arith.constant 4 : i32
    %shift_right_arithmetic3A_676 = arith.shrsi %add3A_674, %shift_right_arithmetic3A_675 : i32
    %while3A_677 = arith.constant 0 : i32
    %while3A_678 = arith.constant 0 : i32
    %while3A_679 = arith.subi %shift_right_arithmetic3A_676, %while3A_677 : i32
    %while3A_680 = arith.addi %while3A_677, %while3A_679 : i32
    %while3A_681 = arith.constant 1 : i32
    %while3A_682 = arith.divsi %while3A_679, %while3A_681 : i32
    %while3A_683 = arith.muli %while3A_682, %while3A_681 : i32
    %while3A_684 = arith.addi %while3A_677, %while3A_683 : i32
    %while3A_685 = arith.constant 1 : i32
    %while3A_686 = scf.for %while3A_1248 = %while3A_677 to %while3A_684 step %while3A_685 iter_args(%while3A_1249 = %while3A_678) -> (i32)  : i32 {
      %mul3A_1250 = arith.constant 16 : i32
      %mul3A_1251 = arith.muli %while3A_1248, %mul3A_1250 : i32
      %add3A_1252 = arith.addi %squeeze3A_669, %mul3A_1251 : i32
      %add3A_1253 = vector.broadcast %add3A_1252 : i32 to vector<16xi32>
      %add3A_1254 = arith.addi %add3A_1253, %iota3A : vector<16xi32>
      %lt3A = vector.broadcast %squeeze3A_671 : i32 to vector<16xi32>
      %lt3A_1255 = arith.cmpi slt, %add3A_1254, %lt3A : vector<16xi32>
      %and3A = arith.constant 2047 : i32
      %and3A_1256 = vector.broadcast %and3A : i32 to vector<16xi32>
      %and3A_1257 = arith.andi %add3A_1254, %and3A_1256 : vector<16xi32>
      %gather3A = tpu.vector_load_idx %arg12[%and3A_1257] : memref<2048xi32, #tpu.memory_space<vmem>>[vector<16xi32>], vector<16xi32>,
      %and3A_1258 = arith.constant 2047 : i32
      %and3A_1259 = vector.broadcast %and3A_1258 : i32 to vector<16xi32>
      %and3A_1260 = arith.andi %gather3A, %and3A_1259 : vector<16xi32>
      %min3A = arith.constant 1999 : i32
      %min3A_1261 = vector.broadcast %min3A : i32 to vector<16xi32>
      %min3A_1262 = arith.minsi %and3A_1260, %min3A_1261 : vector<16xi32>
      %shift_right_arithmetic3A_1263 = arith.constant 1 : i32
      %shift_right_arithmetic3A_1264 = vector.broadcast %shift_right_arithmetic3A_1263 : i32 to vector<16xi32>
      %shift_right_arithmetic3A_1265 = arith.shrsi %min3A_1262, %shift_right_arithmetic3A_1264 : vector<16xi32>
      %and3A_1266 = arith.constant 1 : i32
      %and3A_1267 = vector.broadcast %and3A_1266 : i32 to vector<16xi32>
      %and3A_1268 = arith.andi %min3A_1262, %and3A_1267 : vector<16xi32>
      %mul3A_1269 = arith.constant 33555 : i32
      %mul3A_1270 = vector.broadcast %mul3A_1269 : i32 to vector<16xi32>
      %mul3A_1271 = arith.muli %min3A_1262, %mul3A_1270 : vector<16xi32>
      %shift_right_arithmetic3A_1272 = arith.constant 25 : i32
      %shift_right_arithmetic3A_1273 = vector.broadcast %shift_right_arithmetic3A_1272 : i32 to vector<16xi32>
      %shift_right_arithmetic3A_1274 = arith.shrsi %mul3A_1271, %shift_right_arithmetic3A_1273 : vector<16xi32>
      %gather3A_1275 = tpu.vector_load_idx %arg7[%shift_right_arithmetic3A_1265] : memref<1000xi32, #tpu.memory_space<vmem>>[vector<16xi32>], vector<16xi32>,
      %gather3A_1276 = tpu.vector_load_idx %arg8[%shift_right_arithmetic3A_1265] : memref<1000xi32, #tpu.memory_space<vmem>>[vector<16xi32>], vector<16xi32>,
      %convert_element_type3A = arith.sitofp %gather3A_1276 : vector<16xi32> to vector<16xf32>
      %mul3A_1277 = arith.constant 2 : i32
      %mul3A_1278 = vector.broadcast %mul3A_1277 : i32 to vector<16xi32>
      %mul3A_1279 = arith.muli %shift_right_arithmetic3A_1274, %mul3A_1278 : vector<16xi32>
      %add3A_1280 = arith.addi %mul3A_1279, %and3A_1268 : vector<16xi32>
      %shift_left3A = arith.constant 9 : i32
      %shift_left3A_1281 = vector.broadcast %shift_left3A : i32 to vector<16xi32>
      %shift_left3A_1282 = arith.shli %add3A_1280, %shift_left3A_1281 : vector<16xi32>
      %shift_right_arithmetic3A_1283 = arith.constant 9 : i32
      %shift_right_arithmetic3A_1284 = vector.broadcast %shift_right_arithmetic3A_1283 : i32 to vector<16xi32>
      %shift_right_arithmetic3A_1285 = arith.shrsi %gather3A_1275, %shift_right_arithmetic3A_1284 : vector<16xi32>
      %add3A_1286 = arith.addi %shift_left3A_1282, %shift_right_arithmetic3A_1285 : vector<16xi32>
      %and3A_1287 = arith.constant 63 : i32
      %and3A_1288 = vector.broadcast %and3A_1287 : i32 to vector<16xi32>
      %and3A_1289 = arith.andi %add3A_1286, %and3A_1288 : vector<16xi32>
      %and3A_1290 = arith.constant 511 : i32
      %and3A_1291 = vector.broadcast %and3A_1290 : i32 to vector<16xi32>
      %and3A_1292 = arith.andi %gather3A_1275, %and3A_1291 : vector<16xi32>
      %gather3A_1293 = tpu.vector_load_idx %arg15[%and3A_1289, %and3A_1292] : memref<64x512xf32, #tpu.memory_space<vmem>>[vector<16xi32>, vector<16xi32>], vector<16xf32>,
      %mul3A_1294 = arith.mulf %gather3A_1293, %convert_element_type3A : vector<16xf32>
      tpu.vector_store_idx %arg9[%min3A_1262], %mul3A_1294 masked %lt3A_1255 : memref<2000xf32, #tpu.memory_space<vmem>>[vector<16xi32>], vector<16xf32>, vector<16xi1>
      %while3A_1295 = arith.constant 0 : i32
      scf.yield %while3A_1295 : i32
    }
    %while3A_687 = arith.constant 1 : i32
    %while3A_688 = scf.for %while3A_1248 = %while3A_684 to %while3A_680 step %while3A_687 iter_args(%while3A_1249 = %while3A_686) -> (i32)  : i32 {
      %mul3A_1250 = arith.constant 16 : i32
      %mul3A_1251 = arith.muli %while3A_1248, %mul3A_1250 : i32
      %add3A_1252 = arith.addi %squeeze3A_669, %mul3A_1251 : i32
      %add3A_1253 = vector.broadcast %add3A_1252 : i32 to vector<16xi32>
      %add3A_1254 = arith.addi %add3A_1253, %iota3A : vector<16xi32>
      %lt3A = vector.broadcast %squeeze3A_671 : i32 to vector<16xi32>
      %lt3A_1255 = arith.cmpi slt, %add3A_1254, %lt3A : vector<16xi32>
      %and3A = arith.constant 2047 : i32
      %and3A_1256 = vector.broadcast %and3A : i32 to vector<16xi32>
      %and3A_1257 = arith.andi %add3A_1254, %and3A_1256 : vector<16xi32>
      %gather3A = tpu.vector_load_idx %arg12[%and3A_1257] : memref<2048xi32, #tpu.memory_space<vmem>>[vector<16xi32>], vector<16xi32>,
      %and3A_1258 = arith.constant 2047 : i32
      %and3A_1259 = vector.broadcast %and3A_1258 : i32 to vector<16xi32>
      %and3A_1260 = arith.andi %gather3A, %and3A_1259 : vector<16xi32>
      %min3A = arith.constant 1999 : i32
      %min3A_1261 = vector.broadcast %min3A : i32 to vector<16xi32>
      %min3A_1262 = arith.minsi %and3A_1260, %min3A_1261 : vector<16xi32>
      %shift_right_arithmetic3A_1263 = arith.constant 1 : i32
      %shift_right_arithmetic3A_1264 = vector.broadcast %shift_right_arithmetic3A_1263 : i32 to vector<16xi32>
      %shift_right_arithmetic3A_1265 = arith.shrsi %min3A_1262, %shift_right_arithmetic3A_1264 : vector<16xi32>
      %and3A_1266 = arith.constant 1 : i32
      %and3A_1267 = vector.broadcast %and3A_1266 : i32 to vector<16xi32>
      %and3A_1268 = arith.andi %min3A_1262, %and3A_1267 : vector<16xi32>
      %mul3A_1269 = arith.constant 33555 : i32
      %mul3A_1270 = vector.broadcast %mul3A_1269 : i32 to vector<16xi32>
      %mul3A_1271 = arith.muli %min3A_1262, %mul3A_1270 : vector<16xi32>
      %shift_right_arithmetic3A_1272 = arith.constant 25 : i32
      %shift_right_arithmetic3A_1273 = vector.broadcast %shift_right_arithmetic3A_1272 : i32 to vector<16xi32>
      %shift_right_arithmetic3A_1274 = arith.shrsi %mul3A_1271, %shift_right_arithmetic3A_1273 : vector<16xi32>
      %gather3A_1275 = tpu.vector_load_idx %arg7[%shift_right_arithmetic3A_1265] : memref<1000xi32, #tpu.memory_space<vmem>>[vector<16xi32>], vector<16xi32>,
      %gather3A_1276 = tpu.vector_load_idx %arg8[%shift_right_arithmetic3A_1265] : memref<1000xi32, #tpu.memory_space<vmem>>[vector<16xi32>], vector<16xi32>,
      %convert_element_type3A = arith.sitofp %gather3A_1276 : vector<16xi32> to vector<16xf32>
      %mul3A_1277 = arith.constant 2 : i32
      %mul3A_1278 = vector.broadcast %mul3A_1277 : i32 to vector<16xi32>
      %mul3A_1279 = arith.muli %shift_right_arithmetic3A_1274, %mul3A_1278 : vector<16xi32>
      %add3A_1280 = arith.addi %mul3A_1279, %and3A_1268 : vector<16xi32>
      %shift_left3A = arith.constant 9 : i32
      %shift_left3A_1281 = vector.broadcast %shift_left3A : i32 to vector<16xi32>
      %shift_left3A_1282 = arith.shli %add3A_1280, %shift_left3A_1281 : vector<16xi32>
      %shift_right_arithmetic3A_1283 = arith.constant 9 : i32
      %shift_right_arithmetic3A_1284 = vector.broadcast %shift_right_arithmetic3A_1283 : i32 to vector<16xi32>
      %shift_right_arithmetic3A_1285 = arith.shrsi %gather3A_1275, %shift_right_arithmetic3A_1284 : vector<16xi32>
      %add3A_1286 = arith.addi %shift_left3A_1282, %shift_right_arithmetic3A_1285 : vector<16xi32>
      %and3A_1287 = arith.constant 63 : i32
      %and3A_1288 = vector.broadcast %and3A_1287 : i32 to vector<16xi32>
      %and3A_1289 = arith.andi %add3A_1286, %and3A_1288 : vector<16xi32>
      %and3A_1290 = arith.constant 511 : i32
      %and3A_1291 = vector.broadcast %and3A_1290 : i32 to vector<16xi32>
      %and3A_1292 = arith.andi %gather3A_1275, %and3A_1291 : vector<16xi32>
      %gather3A_1293 = tpu.vector_load_idx %arg15[%and3A_1289, %and3A_1292] : memref<64x512xf32, #tpu.memory_space<vmem>>[vector<16xi32>, vector<16xi32>], vector<16xf32>,
      %mul3A_1294 = arith.mulf %gather3A_1293, %convert_element_type3A : vector<16xf32>
      tpu.vector_store_idx %arg9[%min3A_1262], %mul3A_1294 masked %lt3A_1255 : memref<2000xf32, #tpu.memory_space<vmem>>[vector<16xi32>], vector<16xf32>, vector<16xi1>
      %while3A_1295 = arith.constant 0 : i32
      scf.yield %while3A_1295 : i32
    }
    %dma_wait3A_689 = tpu.memref_reshape %arg2 : memref<64x2x512x512xf32, #tpu.memory_space<hbm>> -> memref<65536x512xf32, #tpu.memory_space<hbm>>
    %dma_wait3A_690 = arith.constant 0 : i32
    %dma_wait3A_691 = tpu.memref_slice %dma_wait3A_689[%multiple_of3A_661, %dma_wait3A_690] : memref<65536x512xf32, #tpu.memory_space<hbm>> -> memref<64x512xf32, #tpu.memory_space<hbm>>
    %dma_wait3A_692 = tpu.memref_reshape %arg2 : memref<64x2x512x512xf32, #tpu.memory_space<hbm>> -> memref<65536x512xf32, #tpu.memory_space<hbm>>
    %dma_wait3A_693 = arith.constant 0 : i32
    %dma_wait3A_694 = tpu.memref_slice %dma_wait3A_692[%multiple_of3A_661, %dma_wait3A_693] : memref<65536x512xf32, #tpu.memory_space<hbm>> -> memref<64x512xf32, #tpu.memory_space<hbm>>
    tpu.wait_dma2 semaphore(%arg18 : memref<!tpu.dma_semaphore, #tpu.memory_space<semaphore_mem>>) src(%dma_wait3A_694 : memref<64x512xf32, #tpu.memory_space<hbm>>) dst(%arg16 : memref<64x512xf32, #tpu.memory_space<vmem>>)
    %mul3A_695 = arith.constant 2048 : i32
    %mul3A_696 = arith.muli %add3A, %mul3A_695 : i32
    %add3A_697 = arith.constant 1152 : i32
    %add3A_698 = arith.addi %mul3A_696, %add3A_697 : i32
    %multiple_of3A_699 = tpu.assume_multiple %add3A_698, 64 : i32
    %dma_start3A_700 = tpu.memref_reshape %arg2 : memref<64x2x512x512xf32, #tpu.memory_space<hbm>> -> memref<65536x512xf32, #tpu.memory_space<hbm>>
    %dma_start3A_701 = arith.constant 0 : i32
    %dma_start3A_702 = tpu.memref_slice %dma_start3A_700[%multiple_of3A_699, %dma_start3A_701] : memref<65536x512xf32, #tpu.memory_space<hbm>> -> memref<64x512xf32, #tpu.memory_space<hbm>>
    %dma_start3A_703 = tpu.memref_reshape %arg2 : memref<64x2x512x512xf32, #tpu.memory_space<hbm>> -> memref<65536x512xf32, #tpu.memory_space<hbm>>
    %dma_start3A_704 = arith.constant 0 : i32
    %dma_start3A_705 = tpu.memref_slice %dma_start3A_703[%multiple_of3A_699, %dma_start3A_704] : memref<65536x512xf32, #tpu.memory_space<hbm>> -> memref<64x512xf32, #tpu.memory_space<hbm>>
    tpu.enqueue_dma source(%dma_start3A_705 : memref<64x512xf32, #tpu.memory_space<hbm>>) target(%arg15 : memref<64x512xf32, #tpu.memory_space<vmem>>) target_semaphore(%arg17 : memref<!tpu.dma_semaphore, #tpu.memory_space<semaphore_mem>>)
    %slice3A_706 = vector.extract_strided_slice %add3A_23 {offsets = [1], sizes = [1], strides = [1]} : vector<16xi32> to vector<1xi32>
    %squeeze3A_707 = vector.extract %slice3A_706[0] : i32 from vector<1xi32>
    %slice3A_708 = vector.extract_strided_slice %add3A_25 {offsets = [1], sizes = [1], strides = [1]} : vector<16xi32> to vector<1xi32>
    %squeeze3A_709 = vector.extract %slice3A_708[0] : i32 from vector<1xi32>
    %sub3A_710 = arith.subi %squeeze3A_709, %squeeze3A_707 : i32
    %add3A_711 = arith.constant 15 : i32
    %add3A_712 = arith.addi %sub3A_710, %add3A_711 : i32
    %shift_right_arithmetic3A_713 = arith.constant 4 : i32
    %shift_right_arithmetic3A_714 = arith.shrsi %add3A_712, %shift_right_arithmetic3A_713 : i32
    %while3A_715 = arith.constant 0 : i32
    %while3A_716 = arith.constant 0 : i32
    %while3A_717 = arith.subi %shift_right_arithmetic3A_714, %while3A_715 : i32
    %while3A_718 = arith.addi %while3A_715, %while3A_717 : i32
    %while3A_719 = arith.constant 1 : i32
    %while3A_720 = arith.divsi %while3A_717, %while3A_719 : i32
    %while3A_721 = arith.muli %while3A_720, %while3A_719 : i32
    %while3A_722 = arith.addi %while3A_715, %while3A_721 : i32
    %while3A_723 = arith.constant 1 : i32
    %while3A_724 = scf.for %while3A_1248 = %while3A_715 to %while3A_722 step %while3A_723 iter_args(%while3A_1249 = %while3A_716) -> (i32)  : i32 {
      %mul3A_1250 = arith.constant 16 : i32
      %mul3A_1251 = arith.muli %while3A_1248, %mul3A_1250 : i32
      %add3A_1252 = arith.addi %squeeze3A_707, %mul3A_1251 : i32
      %add3A_1253 = vector.broadcast %add3A_1252 : i32 to vector<16xi32>
      %add3A_1254 = arith.addi %add3A_1253, %iota3A : vector<16xi32>
      %lt3A = vector.broadcast %squeeze3A_709 : i32 to vector<16xi32>
      %lt3A_1255 = arith.cmpi slt, %add3A_1254, %lt3A : vector<16xi32>
      %and3A = arith.constant 2047 : i32
      %and3A_1256 = vector.broadcast %and3A : i32 to vector<16xi32>
      %and3A_1257 = arith.andi %add3A_1254, %and3A_1256 : vector<16xi32>
      %gather3A = tpu.vector_load_idx %arg12[%and3A_1257] : memref<2048xi32, #tpu.memory_space<vmem>>[vector<16xi32>], vector<16xi32>,
      %and3A_1258 = arith.constant 2047 : i32
      %and3A_1259 = vector.broadcast %and3A_1258 : i32 to vector<16xi32>
      %and3A_1260 = arith.andi %gather3A, %and3A_1259 : vector<16xi32>
      %min3A = arith.constant 1999 : i32
      %min3A_1261 = vector.broadcast %min3A : i32 to vector<16xi32>
      %min3A_1262 = arith.minsi %and3A_1260, %min3A_1261 : vector<16xi32>
      %shift_right_arithmetic3A_1263 = arith.constant 1 : i32
      %shift_right_arithmetic3A_1264 = vector.broadcast %shift_right_arithmetic3A_1263 : i32 to vector<16xi32>
      %shift_right_arithmetic3A_1265 = arith.shrsi %min3A_1262, %shift_right_arithmetic3A_1264 : vector<16xi32>
      %and3A_1266 = arith.constant 1 : i32
      %and3A_1267 = vector.broadcast %and3A_1266 : i32 to vector<16xi32>
      %and3A_1268 = arith.andi %min3A_1262, %and3A_1267 : vector<16xi32>
      %mul3A_1269 = arith.constant 33555 : i32
      %mul3A_1270 = vector.broadcast %mul3A_1269 : i32 to vector<16xi32>
      %mul3A_1271 = arith.muli %min3A_1262, %mul3A_1270 : vector<16xi32>
      %shift_right_arithmetic3A_1272 = arith.constant 25 : i32
      %shift_right_arithmetic3A_1273 = vector.broadcast %shift_right_arithmetic3A_1272 : i32 to vector<16xi32>
      %shift_right_arithmetic3A_1274 = arith.shrsi %mul3A_1271, %shift_right_arithmetic3A_1273 : vector<16xi32>
      %gather3A_1275 = tpu.vector_load_idx %arg7[%shift_right_arithmetic3A_1265] : memref<1000xi32, #tpu.memory_space<vmem>>[vector<16xi32>], vector<16xi32>,
      %gather3A_1276 = tpu.vector_load_idx %arg8[%shift_right_arithmetic3A_1265] : memref<1000xi32, #tpu.memory_space<vmem>>[vector<16xi32>], vector<16xi32>,
      %convert_element_type3A = arith.sitofp %gather3A_1276 : vector<16xi32> to vector<16xf32>
      %mul3A_1277 = arith.constant 2 : i32
      %mul3A_1278 = vector.broadcast %mul3A_1277 : i32 to vector<16xi32>
      %mul3A_1279 = arith.muli %shift_right_arithmetic3A_1274, %mul3A_1278 : vector<16xi32>
      %add3A_1280 = arith.addi %mul3A_1279, %and3A_1268 : vector<16xi32>
      %shift_left3A = arith.constant 9 : i32
      %shift_left3A_1281 = vector.broadcast %shift_left3A : i32 to vector<16xi32>
      %shift_left3A_1282 = arith.shli %add3A_1280, %shift_left3A_1281 : vector<16xi32>
      %shift_right_arithmetic3A_1283 = arith.constant 9 : i32
      %shift_right_arithmetic3A_1284 = vector.broadcast %shift_right_arithmetic3A_1283 : i32 to vector<16xi32>
      %shift_right_arithmetic3A_1285 = arith.shrsi %gather3A_1275, %shift_right_arithmetic3A_1284 : vector<16xi32>
      %add3A_1286 = arith.addi %shift_left3A_1282, %shift_right_arithmetic3A_1285 : vector<16xi32>
      %and3A_1287 = arith.constant 63 : i32
      %and3A_1288 = vector.broadcast %and3A_1287 : i32 to vector<16xi32>
      %and3A_1289 = arith.andi %add3A_1286, %and3A_1288 : vector<16xi32>
      %and3A_1290 = arith.constant 511 : i32
      %and3A_1291 = vector.broadcast %and3A_1290 : i32 to vector<16xi32>
      %and3A_1292 = arith.andi %gather3A_1275, %and3A_1291 : vector<16xi32>
      %gather3A_1293 = tpu.vector_load_idx %arg16[%and3A_1289, %and3A_1292] : memref<64x512xf32, #tpu.memory_space<vmem>>[vector<16xi32>, vector<16xi32>], vector<16xf32>,
      %mul3A_1294 = arith.mulf %gather3A_1293, %convert_element_type3A : vector<16xf32>
      tpu.vector_store_idx %arg9[%min3A_1262], %mul3A_1294 masked %lt3A_1255 : memref<2000xf32, #tpu.memory_space<vmem>>[vector<16xi32>], vector<16xf32>, vector<16xi1>
      %while3A_1295 = arith.constant 0 : i32
      scf.yield %while3A_1295 : i32
    }
    %while3A_725 = arith.constant 1 : i32
    %while3A_726 = scf.for %while3A_1248 = %while3A_722 to %while3A_718 step %while3A_725 iter_args(%while3A_1249 = %while3A_724) -> (i32)  : i32 {
      %mul3A_1250 = arith.constant 16 : i32
      %mul3A_1251 = arith.muli %while3A_1248, %mul3A_1250 : i32
      %add3A_1252 = arith.addi %squeeze3A_707, %mul3A_1251 : i32
      %add3A_1253 = vector.broadcast %add3A_1252 : i32 to vector<16xi32>
      %add3A_1254 = arith.addi %add3A_1253, %iota3A : vector<16xi32>
      %lt3A = vector.broadcast %squeeze3A_709 : i32 to vector<16xi32>
      %lt3A_1255 = arith.cmpi slt, %add3A_1254, %lt3A : vector<16xi32>
      %and3A = arith.constant 2047 : i32
      %and3A_1256 = vector.broadcast %and3A : i32 to vector<16xi32>
      %and3A_1257 = arith.andi %add3A_1254, %and3A_1256 : vector<16xi32>
      %gather3A = tpu.vector_load_idx %arg12[%and3A_1257] : memref<2048xi32, #tpu.memory_space<vmem>>[vector<16xi32>], vector<16xi32>,
      %and3A_1258 = arith.constant 2047 : i32
      %and3A_1259 = vector.broadcast %and3A_1258 : i32 to vector<16xi32>
      %and3A_1260 = arith.andi %gather3A, %and3A_1259 : vector<16xi32>
      %min3A = arith.constant 1999 : i32
      %min3A_1261 = vector.broadcast %min3A : i32 to vector<16xi32>
      %min3A_1262 = arith.minsi %and3A_1260, %min3A_1261 : vector<16xi32>
      %shift_right_arithmetic3A_1263 = arith.constant 1 : i32
      %shift_right_arithmetic3A_1264 = vector.broadcast %shift_right_arithmetic3A_1263 : i32 to vector<16xi32>
      %shift_right_arithmetic3A_1265 = arith.shrsi %min3A_1262, %shift_right_arithmetic3A_1264 : vector<16xi32>
      %and3A_1266 = arith.constant 1 : i32
      %and3A_1267 = vector.broadcast %and3A_1266 : i32 to vector<16xi32>
      %and3A_1268 = arith.andi %min3A_1262, %and3A_1267 : vector<16xi32>
      %mul3A_1269 = arith.constant 33555 : i32
      %mul3A_1270 = vector.broadcast %mul3A_1269 : i32 to vector<16xi32>
      %mul3A_1271 = arith.muli %min3A_1262, %mul3A_1270 : vector<16xi32>
      %shift_right_arithmetic3A_1272 = arith.constant 25 : i32
      %shift_right_arithmetic3A_1273 = vector.broadcast %shift_right_arithmetic3A_1272 : i32 to vector<16xi32>
      %shift_right_arithmetic3A_1274 = arith.shrsi %mul3A_1271, %shift_right_arithmetic3A_1273 : vector<16xi32>
      %gather3A_1275 = tpu.vector_load_idx %arg7[%shift_right_arithmetic3A_1265] : memref<1000xi32, #tpu.memory_space<vmem>>[vector<16xi32>], vector<16xi32>,
      %gather3A_1276 = tpu.vector_load_idx %arg8[%shift_right_arithmetic3A_1265] : memref<1000xi32, #tpu.memory_space<vmem>>[vector<16xi32>], vector<16xi32>,
      %convert_element_type3A = arith.sitofp %gather3A_1276 : vector<16xi32> to vector<16xf32>
      %mul3A_1277 = arith.constant 2 : i32
      %mul3A_1278 = vector.broadcast %mul3A_1277 : i32 to vector<16xi32>
      %mul3A_1279 = arith.muli %shift_right_arithmetic3A_1274, %mul3A_1278 : vector<16xi32>
      %add3A_1280 = arith.addi %mul3A_1279, %and3A_1268 : vector<16xi32>
      %shift_left3A = arith.constant 9 : i32
      %shift_left3A_1281 = vector.broadcast %shift_left3A : i32 to vector<16xi32>
      %shift_left3A_1282 = arith.shli %add3A_1280, %shift_left3A_1281 : vector<16xi32>
      %shift_right_arithmetic3A_1283 = arith.constant 9 : i32
      %shift_right_arithmetic3A_1284 = vector.broadcast %shift_right_arithmetic3A_1283 : i32 to vector<16xi32>
      %shift_right_arithmetic3A_1285 = arith.shrsi %gather3A_1275, %shift_right_arithmetic3A_1284 : vector<16xi32>
      %add3A_1286 = arith.addi %shift_left3A_1282, %shift_right_arithmetic3A_1285 : vector<16xi32>
      %and3A_1287 = arith.constant 63 : i32
      %and3A_1288 = vector.broadcast %and3A_1287 : i32 to vector<16xi32>
      %and3A_1289 = arith.andi %add3A_1286, %and3A_1288 : vector<16xi32>
      %and3A_1290 = arith.constant 511 : i32
      %and3A_1291 = vector.broadcast %and3A_1290 : i32 to vector<16xi32>
      %and3A_1292 = arith.andi %gather3A_1275, %and3A_1291 : vector<16xi32>
      %gather3A_1293 = tpu.vector_load_idx %arg16[%and3A_1289, %and3A_1292] : memref<64x512xf32, #tpu.memory_space<vmem>>[vector<16xi32>, vector<16xi32>], vector<16xf32>,
      %mul3A_1294 = arith.mulf %gather3A_1293, %convert_element_type3A : vector<16xf32>
      tpu.vector_store_idx %arg9[%min3A_1262], %mul3A_1294 masked %lt3A_1255 : memref<2000xf32, #tpu.memory_space<vmem>>[vector<16xi32>], vector<16xf32>, vector<16xi1>
      %while3A_1295 = arith.constant 0 : i32
      scf.yield %while3A_1295 : i32
    }
    %dma_wait3A_727 = tpu.memref_reshape %arg2 : memref<64x2x512x512xf32, #tpu.memory_space<hbm>> -> memref<65536x512xf32, #tpu.memory_space<hbm>>
    %dma_wait3A_728 = arith.constant 0 : i32
    %dma_wait3A_729 = tpu.memref_slice %dma_wait3A_727[%multiple_of3A_699, %dma_wait3A_728] : memref<65536x512xf32, #tpu.memory_space<hbm>> -> memref<64x512xf32, #tpu.memory_space<hbm>>
    %dma_wait3A_730 = tpu.memref_reshape %arg2 : memref<64x2x512x512xf32, #tpu.memory_space<hbm>> -> memref<65536x512xf32, #tpu.memory_space<hbm>>
    %dma_wait3A_731 = arith.constant 0 : i32
    %dma_wait3A_732 = tpu.memref_slice %dma_wait3A_730[%multiple_of3A_699, %dma_wait3A_731] : memref<65536x512xf32, #tpu.memory_space<hbm>> -> memref<64x512xf32, #tpu.memory_space<hbm>>
    tpu.wait_dma2 semaphore(%arg17 : memref<!tpu.dma_semaphore, #tpu.memory_space<semaphore_mem>>) src(%dma_wait3A_732 : memref<64x512xf32, #tpu.memory_space<hbm>>) dst(%arg15 : memref<64x512xf32, #tpu.memory_space<vmem>>)
    %mul3A_733 = arith.constant 2048 : i32
    %mul3A_734 = arith.muli %add3A, %mul3A_733 : i32
    %add3A_735 = arith.constant 1216 : i32
    %add3A_736 = arith.addi %mul3A_734, %add3A_735 : i32
    %multiple_of3A_737 = tpu.assume_multiple %add3A_736, 64 : i32
    %dma_start3A_738 = tpu.memref_reshape %arg2 : memref<64x2x512x512xf32, #tpu.memory_space<hbm>> -> memref<65536x512xf32, #tpu.memory_space<hbm>>
    %dma_start3A_739 = arith.constant 0 : i32
    %dma_start3A_740 = tpu.memref_slice %dma_start3A_738[%multiple_of3A_737, %dma_start3A_739] : memref<65536x512xf32, #tpu.memory_space<hbm>> -> memref<64x512xf32, #tpu.memory_space<hbm>>
    %dma_start3A_741 = tpu.memref_reshape %arg2 : memref<64x2x512x512xf32, #tpu.memory_space<hbm>> -> memref<65536x512xf32, #tpu.memory_space<hbm>>
    %dma_start3A_742 = arith.constant 0 : i32
    %dma_start3A_743 = tpu.memref_slice %dma_start3A_741[%multiple_of3A_737, %dma_start3A_742] : memref<65536x512xf32, #tpu.memory_space<hbm>> -> memref<64x512xf32, #tpu.memory_space<hbm>>
    tpu.enqueue_dma source(%dma_start3A_743 : memref<64x512xf32, #tpu.memory_space<hbm>>) target(%arg16 : memref<64x512xf32, #tpu.memory_space<vmem>>) target_semaphore(%arg18 : memref<!tpu.dma_semaphore, #tpu.memory_space<semaphore_mem>>)
    %slice3A_744 = vector.extract_strided_slice %add3A_23 {offsets = [2], sizes = [1], strides = [1]} : vector<16xi32> to vector<1xi32>
    %squeeze3A_745 = vector.extract %slice3A_744[0] : i32 from vector<1xi32>
    %slice3A_746 = vector.extract_strided_slice %add3A_25 {offsets = [2], sizes = [1], strides = [1]} : vector<16xi32> to vector<1xi32>
    %squeeze3A_747 = vector.extract %slice3A_746[0] : i32 from vector<1xi32>
    %sub3A_748 = arith.subi %squeeze3A_747, %squeeze3A_745 : i32
    %add3A_749 = arith.constant 15 : i32
    %add3A_750 = arith.addi %sub3A_748, %add3A_749 : i32
    %shift_right_arithmetic3A_751 = arith.constant 4 : i32
    %shift_right_arithmetic3A_752 = arith.shrsi %add3A_750, %shift_right_arithmetic3A_751 : i32
    %while3A_753 = arith.constant 0 : i32
    %while3A_754 = arith.constant 0 : i32
    %while3A_755 = arith.subi %shift_right_arithmetic3A_752, %while3A_753 : i32
    %while3A_756 = arith.addi %while3A_753, %while3A_755 : i32
    %while3A_757 = arith.constant 1 : i32
    %while3A_758 = arith.divsi %while3A_755, %while3A_757 : i32
    %while3A_759 = arith.muli %while3A_758, %while3A_757 : i32
    %while3A_760 = arith.addi %while3A_753, %while3A_759 : i32
    %while3A_761 = arith.constant 1 : i32
    %while3A_762 = scf.for %while3A_1248 = %while3A_753 to %while3A_760 step %while3A_761 iter_args(%while3A_1249 = %while3A_754) -> (i32)  : i32 {
      %mul3A_1250 = arith.constant 16 : i32
      %mul3A_1251 = arith.muli %while3A_1248, %mul3A_1250 : i32
      %add3A_1252 = arith.addi %squeeze3A_745, %mul3A_1251 : i32
      %add3A_1253 = vector.broadcast %add3A_1252 : i32 to vector<16xi32>
      %add3A_1254 = arith.addi %add3A_1253, %iota3A : vector<16xi32>
      %lt3A = vector.broadcast %squeeze3A_747 : i32 to vector<16xi32>
      %lt3A_1255 = arith.cmpi slt, %add3A_1254, %lt3A : vector<16xi32>
      %and3A = arith.constant 2047 : i32
      %and3A_1256 = vector.broadcast %and3A : i32 to vector<16xi32>
      %and3A_1257 = arith.andi %add3A_1254, %and3A_1256 : vector<16xi32>
      %gather3A = tpu.vector_load_idx %arg12[%and3A_1257] : memref<2048xi32, #tpu.memory_space<vmem>>[vector<16xi32>], vector<16xi32>,
      %and3A_1258 = arith.constant 2047 : i32
      %and3A_1259 = vector.broadcast %and3A_1258 : i32 to vector<16xi32>
      %and3A_1260 = arith.andi %gather3A, %and3A_1259 : vector<16xi32>
      %min3A = arith.constant 1999 : i32
      %min3A_1261 = vector.broadcast %min3A : i32 to vector<16xi32>
      %min3A_1262 = arith.minsi %and3A_1260, %min3A_1261 : vector<16xi32>
      %shift_right_arithmetic3A_1263 = arith.constant 1 : i32
      %shift_right_arithmetic3A_1264 = vector.broadcast %shift_right_arithmetic3A_1263 : i32 to vector<16xi32>
      %shift_right_arithmetic3A_1265 = arith.shrsi %min3A_1262, %shift_right_arithmetic3A_1264 : vector<16xi32>
      %and3A_1266 = arith.constant 1 : i32
      %and3A_1267 = vector.broadcast %and3A_1266 : i32 to vector<16xi32>
      %and3A_1268 = arith.andi %min3A_1262, %and3A_1267 : vector<16xi32>
      %mul3A_1269 = arith.constant 33555 : i32
      %mul3A_1270 = vector.broadcast %mul3A_1269 : i32 to vector<16xi32>
      %mul3A_1271 = arith.muli %min3A_1262, %mul3A_1270 : vector<16xi32>
      %shift_right_arithmetic3A_1272 = arith.constant 25 : i32
      %shift_right_arithmetic3A_1273 = vector.broadcast %shift_right_arithmetic3A_1272 : i32 to vector<16xi32>
      %shift_right_arithmetic3A_1274 = arith.shrsi %mul3A_1271, %shift_right_arithmetic3A_1273 : vector<16xi32>
      %gather3A_1275 = tpu.vector_load_idx %arg7[%shift_right_arithmetic3A_1265] : memref<1000xi32, #tpu.memory_space<vmem>>[vector<16xi32>], vector<16xi32>,
      %gather3A_1276 = tpu.vector_load_idx %arg8[%shift_right_arithmetic3A_1265] : memref<1000xi32, #tpu.memory_space<vmem>>[vector<16xi32>], vector<16xi32>,
      %convert_element_type3A = arith.sitofp %gather3A_1276 : vector<16xi32> to vector<16xf32>
      %mul3A_1277 = arith.constant 2 : i32
      %mul3A_1278 = vector.broadcast %mul3A_1277 : i32 to vector<16xi32>
      %mul3A_1279 = arith.muli %shift_right_arithmetic3A_1274, %mul3A_1278 : vector<16xi32>
      %add3A_1280 = arith.addi %mul3A_1279, %and3A_1268 : vector<16xi32>
      %shift_left3A = arith.constant 9 : i32
      %shift_left3A_1281 = vector.broadcast %shift_left3A : i32 to vector<16xi32>
      %shift_left3A_1282 = arith.shli %add3A_1280, %shift_left3A_1281 : vector<16xi32>
      %shift_right_arithmetic3A_1283 = arith.constant 9 : i32
      %shift_right_arithmetic3A_1284 = vector.broadcast %shift_right_arithmetic3A_1283 : i32 to vector<16xi32>
      %shift_right_arithmetic3A_1285 = arith.shrsi %gather3A_1275, %shift_right_arithmetic3A_1284 : vector<16xi32>
      %add3A_1286 = arith.addi %shift_left3A_1282, %shift_right_arithmetic3A_1285 : vector<16xi32>
      %and3A_1287 = arith.constant 63 : i32
      %and3A_1288 = vector.broadcast %and3A_1287 : i32 to vector<16xi32>
      %and3A_1289 = arith.andi %add3A_1286, %and3A_1288 : vector<16xi32>
      %and3A_1290 = arith.constant 511 : i32
      %and3A_1291 = vector.broadcast %and3A_1290 : i32 to vector<16xi32>
      %and3A_1292 = arith.andi %gather3A_1275, %and3A_1291 : vector<16xi32>
      %gather3A_1293 = tpu.vector_load_idx %arg15[%and3A_1289, %and3A_1292] : memref<64x512xf32, #tpu.memory_space<vmem>>[vector<16xi32>, vector<16xi32>], vector<16xf32>,
      %mul3A_1294 = arith.mulf %gather3A_1293, %convert_element_type3A : vector<16xf32>
      tpu.vector_store_idx %arg9[%min3A_1262], %mul3A_1294 masked %lt3A_1255 : memref<2000xf32, #tpu.memory_space<vmem>>[vector<16xi32>], vector<16xf32>, vector<16xi1>
      %while3A_1295 = arith.constant 0 : i32
      scf.yield %while3A_1295 : i32
    }
    %while3A_763 = arith.constant 1 : i32
    %while3A_764 = scf.for %while3A_1248 = %while3A_760 to %while3A_756 step %while3A_763 iter_args(%while3A_1249 = %while3A_762) -> (i32)  : i32 {
      %mul3A_1250 = arith.constant 16 : i32
      %mul3A_1251 = arith.muli %while3A_1248, %mul3A_1250 : i32
      %add3A_1252 = arith.addi %squeeze3A_745, %mul3A_1251 : i32
      %add3A_1253 = vector.broadcast %add3A_1252 : i32 to vector<16xi32>
      %add3A_1254 = arith.addi %add3A_1253, %iota3A : vector<16xi32>
      %lt3A = vector.broadcast %squeeze3A_747 : i32 to vector<16xi32>
      %lt3A_1255 = arith.cmpi slt, %add3A_1254, %lt3A : vector<16xi32>
      %and3A = arith.constant 2047 : i32
      %and3A_1256 = vector.broadcast %and3A : i32 to vector<16xi32>
      %and3A_1257 = arith.andi %add3A_1254, %and3A_1256 : vector<16xi32>
      %gather3A = tpu.vector_load_idx %arg12[%and3A_1257] : memref<2048xi32, #tpu.memory_space<vmem>>[vector<16xi32>], vector<16xi32>,
      %and3A_1258 = arith.constant 2047 : i32
      %and3A_1259 = vector.broadcast %and3A_1258 : i32 to vector<16xi32>
      %and3A_1260 = arith.andi %gather3A, %and3A_1259 : vector<16xi32>
      %min3A = arith.constant 1999 : i32
      %min3A_1261 = vector.broadcast %min3A : i32 to vector<16xi32>
      %min3A_1262 = arith.minsi %and3A_1260, %min3A_1261 : vector<16xi32>
      %shift_right_arithmetic3A_1263 = arith.constant 1 : i32
      %shift_right_arithmetic3A_1264 = vector.broadcast %shift_right_arithmetic3A_1263 : i32 to vector<16xi32>
      %shift_right_arithmetic3A_1265 = arith.shrsi %min3A_1262, %shift_right_arithmetic3A_1264 : vector<16xi32>
      %and3A_1266 = arith.constant 1 : i32
      %and3A_1267 = vector.broadcast %and3A_1266 : i32 to vector<16xi32>
      %and3A_1268 = arith.andi %min3A_1262, %and3A_1267 : vector<16xi32>
      %mul3A_1269 = arith.constant 33555 : i32
      %mul3A_1270 = vector.broadcast %mul3A_1269 : i32 to vector<16xi32>
      %mul3A_1271 = arith.muli %min3A_1262, %mul3A_1270 : vector<16xi32>
      %shift_right_arithmetic3A_1272 = arith.constant 25 : i32
      %shift_right_arithmetic3A_1273 = vector.broadcast %shift_right_arithmetic3A_1272 : i32 to vector<16xi32>
      %shift_right_arithmetic3A_1274 = arith.shrsi %mul3A_1271, %shift_right_arithmetic3A_1273 : vector<16xi32>
      %gather3A_1275 = tpu.vector_load_idx %arg7[%shift_right_arithmetic3A_1265] : memref<1000xi32, #tpu.memory_space<vmem>>[vector<16xi32>], vector<16xi32>,
      %gather3A_1276 = tpu.vector_load_idx %arg8[%shift_right_arithmetic3A_1265] : memref<1000xi32, #tpu.memory_space<vmem>>[vector<16xi32>], vector<16xi32>,
      %convert_element_type3A = arith.sitofp %gather3A_1276 : vector<16xi32> to vector<16xf32>
      %mul3A_1277 = arith.constant 2 : i32
      %mul3A_1278 = vector.broadcast %mul3A_1277 : i32 to vector<16xi32>
      %mul3A_1279 = arith.muli %shift_right_arithmetic3A_1274, %mul3A_1278 : vector<16xi32>
      %add3A_1280 = arith.addi %mul3A_1279, %and3A_1268 : vector<16xi32>
      %shift_left3A = arith.constant 9 : i32
      %shift_left3A_1281 = vector.broadcast %shift_left3A : i32 to vector<16xi32>
      %shift_left3A_1282 = arith.shli %add3A_1280, %shift_left3A_1281 : vector<16xi32>
      %shift_right_arithmetic3A_1283 = arith.constant 9 : i32
      %shift_right_arithmetic3A_1284 = vector.broadcast %shift_right_arithmetic3A_1283 : i32 to vector<16xi32>
      %shift_right_arithmetic3A_1285 = arith.shrsi %gather3A_1275, %shift_right_arithmetic3A_1284 : vector<16xi32>
      %add3A_1286 = arith.addi %shift_left3A_1282, %shift_right_arithmetic3A_1285 : vector<16xi32>
      %and3A_1287 = arith.constant 63 : i32
      %and3A_1288 = vector.broadcast %and3A_1287 : i32 to vector<16xi32>
      %and3A_1289 = arith.andi %add3A_1286, %and3A_1288 : vector<16xi32>
      %and3A_1290 = arith.constant 511 : i32
      %and3A_1291 = vector.broadcast %and3A_1290 : i32 to vector<16xi32>
      %and3A_1292 = arith.andi %gather3A_1275, %and3A_1291 : vector<16xi32>
      %gather3A_1293 = tpu.vector_load_idx %arg15[%and3A_1289, %and3A_1292] : memref<64x512xf32, #tpu.memory_space<vmem>>[vector<16xi32>, vector<16xi32>], vector<16xf32>,
      %mul3A_1294 = arith.mulf %gather3A_1293, %convert_element_type3A : vector<16xf32>
      tpu.vector_store_idx %arg9[%min3A_1262], %mul3A_1294 masked %lt3A_1255 : memref<2000xf32, #tpu.memory_space<vmem>>[vector<16xi32>], vector<16xf32>, vector<16xi1>
      %while3A_1295 = arith.constant 0 : i32
      scf.yield %while3A_1295 : i32
    }
    %dma_wait3A_765 = tpu.memref_reshape %arg2 : memref<64x2x512x512xf32, #tpu.memory_space<hbm>> -> memref<65536x512xf32, #tpu.memory_space<hbm>>
    %dma_wait3A_766 = arith.constant 0 : i32
    %dma_wait3A_767 = tpu.memref_slice %dma_wait3A_765[%multiple_of3A_737, %dma_wait3A_766] : memref<65536x512xf32, #tpu.memory_space<hbm>> -> memref<64x512xf32, #tpu.memory_space<hbm>>
    %dma_wait3A_768 = tpu.memref_reshape %arg2 : memref<64x2x512x512xf32, #tpu.memory_space<hbm>> -> memref<65536x512xf32, #tpu.memory_space<hbm>>
    %dma_wait3A_769 = arith.constant 0 : i32
    %dma_wait3A_770 = tpu.memref_slice %dma_wait3A_768[%multiple_of3A_737, %dma_wait3A_769] : memref<65536x512xf32, #tpu.memory_space<hbm>> -> memref<64x512xf32, #tpu.memory_space<hbm>>
    tpu.wait_dma2 semaphore(%arg18 : memref<!tpu.dma_semaphore, #tpu.memory_space<semaphore_mem>>) src(%dma_wait3A_770 : memref<64x512xf32, #tpu.memory_space<hbm>>) dst(%arg16 : memref<64x512xf32, #tpu.memory_space<vmem>>)
    %mul3A_771 = arith.constant 2048 : i32
    %mul3A_772 = arith.muli %add3A, %mul3A_771 : i32
    %add3A_773 = arith.constant 1280 : i32
    %add3A_774 = arith.addi %mul3A_772, %add3A_773 : i32
    %multiple_of3A_775 = tpu.assume_multiple %add3A_774, 64 : i32
    %dma_start3A_776 = tpu.memref_reshape %arg2 : memref<64x2x512x512xf32, #tpu.memory_space<hbm>> -> memref<65536x512xf32, #tpu.memory_space<hbm>>
    %dma_start3A_777 = arith.constant 0 : i32
    %dma_start3A_778 = tpu.memref_slice %dma_start3A_776[%multiple_of3A_775, %dma_start3A_777] : memref<65536x512xf32, #tpu.memory_space<hbm>> -> memref<64x512xf32, #tpu.memory_space<hbm>>
    %dma_start3A_779 = tpu.memref_reshape %arg2 : memref<64x2x512x512xf32, #tpu.memory_space<hbm>> -> memref<65536x512xf32, #tpu.memory_space<hbm>>
    %dma_start3A_780 = arith.constant 0 : i32
    %dma_start3A_781 = tpu.memref_slice %dma_start3A_779[%multiple_of3A_775, %dma_start3A_780] : memref<65536x512xf32, #tpu.memory_space<hbm>> -> memref<64x512xf32, #tpu.memory_space<hbm>>
    tpu.enqueue_dma source(%dma_start3A_781 : memref<64x512xf32, #tpu.memory_space<hbm>>) target(%arg15 : memref<64x512xf32, #tpu.memory_space<vmem>>) target_semaphore(%arg17 : memref<!tpu.dma_semaphore, #tpu.memory_space<semaphore_mem>>)
    %slice3A_782 = vector.extract_strided_slice %add3A_23 {offsets = [3], sizes = [1], strides = [1]} : vector<16xi32> to vector<1xi32>
    %squeeze3A_783 = vector.extract %slice3A_782[0] : i32 from vector<1xi32>
    %slice3A_784 = vector.extract_strided_slice %add3A_25 {offsets = [3], sizes = [1], strides = [1]} : vector<16xi32> to vector<1xi32>
    %squeeze3A_785 = vector.extract %slice3A_784[0] : i32 from vector<1xi32>
    %sub3A_786 = arith.subi %squeeze3A_785, %squeeze3A_783 : i32
    %add3A_787 = arith.constant 15 : i32
    %add3A_788 = arith.addi %sub3A_786, %add3A_787 : i32
    %shift_right_arithmetic3A_789 = arith.constant 4 : i32
    %shift_right_arithmetic3A_790 = arith.shrsi %add3A_788, %shift_right_arithmetic3A_789 : i32
    %while3A_791 = arith.constant 0 : i32
    %while3A_792 = arith.constant 0 : i32
    %while3A_793 = arith.subi %shift_right_arithmetic3A_790, %while3A_791 : i32
    %while3A_794 = arith.addi %while3A_791, %while3A_793 : i32
    %while3A_795 = arith.constant 1 : i32
    %while3A_796 = arith.divsi %while3A_793, %while3A_795 : i32
    %while3A_797 = arith.muli %while3A_796, %while3A_795 : i32
    %while3A_798 = arith.addi %while3A_791, %while3A_797 : i32
    %while3A_799 = arith.constant 1 : i32
    %while3A_800 = scf.for %while3A_1248 = %while3A_791 to %while3A_798 step %while3A_799 iter_args(%while3A_1249 = %while3A_792) -> (i32)  : i32 {
      %mul3A_1250 = arith.constant 16 : i32
      %mul3A_1251 = arith.muli %while3A_1248, %mul3A_1250 : i32
      %add3A_1252 = arith.addi %squeeze3A_783, %mul3A_1251 : i32
      %add3A_1253 = vector.broadcast %add3A_1252 : i32 to vector<16xi32>
      %add3A_1254 = arith.addi %add3A_1253, %iota3A : vector<16xi32>
      %lt3A = vector.broadcast %squeeze3A_785 : i32 to vector<16xi32>
      %lt3A_1255 = arith.cmpi slt, %add3A_1254, %lt3A : vector<16xi32>
      %and3A = arith.constant 2047 : i32
      %and3A_1256 = vector.broadcast %and3A : i32 to vector<16xi32>
      %and3A_1257 = arith.andi %add3A_1254, %and3A_1256 : vector<16xi32>
      %gather3A = tpu.vector_load_idx %arg12[%and3A_1257] : memref<2048xi32, #tpu.memory_space<vmem>>[vector<16xi32>], vector<16xi32>,
      %and3A_1258 = arith.constant 2047 : i32
      %and3A_1259 = vector.broadcast %and3A_1258 : i32 to vector<16xi32>
      %and3A_1260 = arith.andi %gather3A, %and3A_1259 : vector<16xi32>
      %min3A = arith.constant 1999 : i32
      %min3A_1261 = vector.broadcast %min3A : i32 to vector<16xi32>
      %min3A_1262 = arith.minsi %and3A_1260, %min3A_1261 : vector<16xi32>
      %shift_right_arithmetic3A_1263 = arith.constant 1 : i32
      %shift_right_arithmetic3A_1264 = vector.broadcast %shift_right_arithmetic3A_1263 : i32 to vector<16xi32>
      %shift_right_arithmetic3A_1265 = arith.shrsi %min3A_1262, %shift_right_arithmetic3A_1264 : vector<16xi32>
      %and3A_1266 = arith.constant 1 : i32
      %and3A_1267 = vector.broadcast %and3A_1266 : i32 to vector<16xi32>
      %and3A_1268 = arith.andi %min3A_1262, %and3A_1267 : vector<16xi32>
      %mul3A_1269 = arith.constant 33555 : i32
      %mul3A_1270 = vector.broadcast %mul3A_1269 : i32 to vector<16xi32>
      %mul3A_1271 = arith.muli %min3A_1262, %mul3A_1270 : vector<16xi32>
      %shift_right_arithmetic3A_1272 = arith.constant 25 : i32
      %shift_right_arithmetic3A_1273 = vector.broadcast %shift_right_arithmetic3A_1272 : i32 to vector<16xi32>
      %shift_right_arithmetic3A_1274 = arith.shrsi %mul3A_1271, %shift_right_arithmetic3A_1273 : vector<16xi32>
      %gather3A_1275 = tpu.vector_load_idx %arg7[%shift_right_arithmetic3A_1265] : memref<1000xi32, #tpu.memory_space<vmem>>[vector<16xi32>], vector<16xi32>,
      %gather3A_1276 = tpu.vector_load_idx %arg8[%shift_right_arithmetic3A_1265] : memref<1000xi32, #tpu.memory_space<vmem>>[vector<16xi32>], vector<16xi32>,
      %convert_element_type3A = arith.sitofp %gather3A_1276 : vector<16xi32> to vector<16xf32>
      %mul3A_1277 = arith.constant 2 : i32
      %mul3A_1278 = vector.broadcast %mul3A_1277 : i32 to vector<16xi32>
      %mul3A_1279 = arith.muli %shift_right_arithmetic3A_1274, %mul3A_1278 : vector<16xi32>
      %add3A_1280 = arith.addi %mul3A_1279, %and3A_1268 : vector<16xi32>
      %shift_left3A = arith.constant 9 : i32
      %shift_left3A_1281 = vector.broadcast %shift_left3A : i32 to vector<16xi32>
      %shift_left3A_1282 = arith.shli %add3A_1280, %shift_left3A_1281 : vector<16xi32>
      %shift_right_arithmetic3A_1283 = arith.constant 9 : i32
      %shift_right_arithmetic3A_1284 = vector.broadcast %shift_right_arithmetic3A_1283 : i32 to vector<16xi32>
      %shift_right_arithmetic3A_1285 = arith.shrsi %gather3A_1275, %shift_right_arithmetic3A_1284 : vector<16xi32>
      %add3A_1286 = arith.addi %shift_left3A_1282, %shift_right_arithmetic3A_1285 : vector<16xi32>
      %and3A_1287 = arith.constant 63 : i32
      %and3A_1288 = vector.broadcast %and3A_1287 : i32 to vector<16xi32>
      %and3A_1289 = arith.andi %add3A_1286, %and3A_1288 : vector<16xi32>
      %and3A_1290 = arith.constant 511 : i32
      %and3A_1291 = vector.broadcast %and3A_1290 : i32 to vector<16xi32>
      %and3A_1292 = arith.andi %gather3A_1275, %and3A_1291 : vector<16xi32>
      %gather3A_1293 = tpu.vector_load_idx %arg16[%and3A_1289, %and3A_1292] : memref<64x512xf32, #tpu.memory_space<vmem>>[vector<16xi32>, vector<16xi32>], vector<16xf32>,
      %mul3A_1294 = arith.mulf %gather3A_1293, %convert_element_type3A : vector<16xf32>
      tpu.vector_store_idx %arg9[%min3A_1262], %mul3A_1294 masked %lt3A_1255 : memref<2000xf32, #tpu.memory_space<vmem>>[vector<16xi32>], vector<16xf32>, vector<16xi1>
      %while3A_1295 = arith.constant 0 : i32
      scf.yield %while3A_1295 : i32
    }
    %while3A_801 = arith.constant 1 : i32
    %while3A_802 = scf.for %while3A_1248 = %while3A_798 to %while3A_794 step %while3A_801 iter_args(%while3A_1249 = %while3A_800) -> (i32)  : i32 {
      %mul3A_1250 = arith.constant 16 : i32
      %mul3A_1251 = arith.muli %while3A_1248, %mul3A_1250 : i32
      %add3A_1252 = arith.addi %squeeze3A_783, %mul3A_1251 : i32
      %add3A_1253 = vector.broadcast %add3A_1252 : i32 to vector<16xi32>
      %add3A_1254 = arith.addi %add3A_1253, %iota3A : vector<16xi32>
      %lt3A = vector.broadcast %squeeze3A_785 : i32 to vector<16xi32>
      %lt3A_1255 = arith.cmpi slt, %add3A_1254, %lt3A : vector<16xi32>
      %and3A = arith.constant 2047 : i32
      %and3A_1256 = vector.broadcast %and3A : i32 to vector<16xi32>
      %and3A_1257 = arith.andi %add3A_1254, %and3A_1256 : vector<16xi32>
      %gather3A = tpu.vector_load_idx %arg12[%and3A_1257] : memref<2048xi32, #tpu.memory_space<vmem>>[vector<16xi32>], vector<16xi32>,
      %and3A_1258 = arith.constant 2047 : i32
      %and3A_1259 = vector.broadcast %and3A_1258 : i32 to vector<16xi32>
      %and3A_1260 = arith.andi %gather3A, %and3A_1259 : vector<16xi32>
      %min3A = arith.constant 1999 : i32
      %min3A_1261 = vector.broadcast %min3A : i32 to vector<16xi32>
      %min3A_1262 = arith.minsi %and3A_1260, %min3A_1261 : vector<16xi32>
      %shift_right_arithmetic3A_1263 = arith.constant 1 : i32
      %shift_right_arithmetic3A_1264 = vector.broadcast %shift_right_arithmetic3A_1263 : i32 to vector<16xi32>
      %shift_right_arithmetic3A_1265 = arith.shrsi %min3A_1262, %shift_right_arithmetic3A_1264 : vector<16xi32>
      %and3A_1266 = arith.constant 1 : i32
      %and3A_1267 = vector.broadcast %and3A_1266 : i32 to vector<16xi32>
      %and3A_1268 = arith.andi %min3A_1262, %and3A_1267 : vector<16xi32>
      %mul3A_1269 = arith.constant 33555 : i32
      %mul3A_1270 = vector.broadcast %mul3A_1269 : i32 to vector<16xi32>
      %mul3A_1271 = arith.muli %min3A_1262, %mul3A_1270 : vector<16xi32>
      %shift_right_arithmetic3A_1272 = arith.constant 25 : i32
      %shift_right_arithmetic3A_1273 = vector.broadcast %shift_right_arithmetic3A_1272 : i32 to vector<16xi32>
      %shift_right_arithmetic3A_1274 = arith.shrsi %mul3A_1271, %shift_right_arithmetic3A_1273 : vector<16xi32>
      %gather3A_1275 = tpu.vector_load_idx %arg7[%shift_right_arithmetic3A_1265] : memref<1000xi32, #tpu.memory_space<vmem>>[vector<16xi32>], vector<16xi32>,
      %gather3A_1276 = tpu.vector_load_idx %arg8[%shift_right_arithmetic3A_1265] : memref<1000xi32, #tpu.memory_space<vmem>>[vector<16xi32>], vector<16xi32>,
      %convert_element_type3A = arith.sitofp %gather3A_1276 : vector<16xi32> to vector<16xf32>
      %mul3A_1277 = arith.constant 2 : i32
      %mul3A_1278 = vector.broadcast %mul3A_1277 : i32 to vector<16xi32>
      %mul3A_1279 = arith.muli %shift_right_arithmetic3A_1274, %mul3A_1278 : vector<16xi32>
      %add3A_1280 = arith.addi %mul3A_1279, %and3A_1268 : vector<16xi32>
      %shift_left3A = arith.constant 9 : i32
      %shift_left3A_1281 = vector.broadcast %shift_left3A : i32 to vector<16xi32>
      %shift_left3A_1282 = arith.shli %add3A_1280, %shift_left3A_1281 : vector<16xi32>
      %shift_right_arithmetic3A_1283 = arith.constant 9 : i32
      %shift_right_arithmetic3A_1284 = vector.broadcast %shift_right_arithmetic3A_1283 : i32 to vector<16xi32>
      %shift_right_arithmetic3A_1285 = arith.shrsi %gather3A_1275, %shift_right_arithmetic3A_1284 : vector<16xi32>
      %add3A_1286 = arith.addi %shift_left3A_1282, %shift_right_arithmetic3A_1285 : vector<16xi32>
      %and3A_1287 = arith.constant 63 : i32
      %and3A_1288 = vector.broadcast %and3A_1287 : i32 to vector<16xi32>
      %and3A_1289 = arith.andi %add3A_1286, %and3A_1288 : vector<16xi32>
      %and3A_1290 = arith.constant 511 : i32
      %and3A_1291 = vector.broadcast %and3A_1290 : i32 to vector<16xi32>
      %and3A_1292 = arith.andi %gather3A_1275, %and3A_1291 : vector<16xi32>
      %gather3A_1293 = tpu.vector_load_idx %arg16[%and3A_1289, %and3A_1292] : memref<64x512xf32, #tpu.memory_space<vmem>>[vector<16xi32>, vector<16xi32>], vector<16xf32>,
      %mul3A_1294 = arith.mulf %gather3A_1293, %convert_element_type3A : vector<16xf32>
      tpu.vector_store_idx %arg9[%min3A_1262], %mul3A_1294 masked %lt3A_1255 : memref<2000xf32, #tpu.memory_space<vmem>>[vector<16xi32>], vector<16xf32>, vector<16xi1>
      %while3A_1295 = arith.constant 0 : i32
      scf.yield %while3A_1295 : i32
    }
    %dma_wait3A_803 = tpu.memref_reshape %arg2 : memref<64x2x512x512xf32, #tpu.memory_space<hbm>> -> memref<65536x512xf32, #tpu.memory_space<hbm>>
    %dma_wait3A_804 = arith.constant 0 : i32
    %dma_wait3A_805 = tpu.memref_slice %dma_wait3A_803[%multiple_of3A_775, %dma_wait3A_804] : memref<65536x512xf32, #tpu.memory_space<hbm>> -> memref<64x512xf32, #tpu.memory_space<hbm>>
    %dma_wait3A_806 = tpu.memref_reshape %arg2 : memref<64x2x512x512xf32, #tpu.memory_space<hbm>> -> memref<65536x512xf32, #tpu.memory_space<hbm>>
    %dma_wait3A_807 = arith.constant 0 : i32
    %dma_wait3A_808 = tpu.memref_slice %dma_wait3A_806[%multiple_of3A_775, %dma_wait3A_807] : memref<65536x512xf32, #tpu.memory_space<hbm>> -> memref<64x512xf32, #tpu.memory_space<hbm>>
    tpu.wait_dma2 semaphore(%arg17 : memref<!tpu.dma_semaphore, #tpu.memory_space<semaphore_mem>>) src(%dma_wait3A_808 : memref<64x512xf32, #tpu.memory_space<hbm>>) dst(%arg15 : memref<64x512xf32, #tpu.memory_space<vmem>>)
    %mul3A_809 = arith.constant 2048 : i32
    %mul3A_810 = arith.muli %add3A, %mul3A_809 : i32
    %add3A_811 = arith.constant 1344 : i32
    %add3A_812 = arith.addi %mul3A_810, %add3A_811 : i32
    %multiple_of3A_813 = tpu.assume_multiple %add3A_812, 64 : i32
    %dma_start3A_814 = tpu.memref_reshape %arg2 : memref<64x2x512x512xf32, #tpu.memory_space<hbm>> -> memref<65536x512xf32, #tpu.memory_space<hbm>>
    %dma_start3A_815 = arith.constant 0 : i32
    %dma_start3A_816 = tpu.memref_slice %dma_start3A_814[%multiple_of3A_813, %dma_start3A_815] : memref<65536x512xf32, #tpu.memory_space<hbm>> -> memref<64x512xf32, #tpu.memory_space<hbm>>
    %dma_start3A_817 = tpu.memref_reshape %arg2 : memref<64x2x512x512xf32, #tpu.memory_space<hbm>> -> memref<65536x512xf32, #tpu.memory_space<hbm>>
    %dma_start3A_818 = arith.constant 0 : i32
    %dma_start3A_819 = tpu.memref_slice %dma_start3A_817[%multiple_of3A_813, %dma_start3A_818] : memref<65536x512xf32, #tpu.memory_space<hbm>> -> memref<64x512xf32, #tpu.memory_space<hbm>>
    tpu.enqueue_dma source(%dma_start3A_819 : memref<64x512xf32, #tpu.memory_space<hbm>>) target(%arg16 : memref<64x512xf32, #tpu.memory_space<vmem>>) target_semaphore(%arg18 : memref<!tpu.dma_semaphore, #tpu.memory_space<semaphore_mem>>)
    %slice3A_820 = vector.extract_strided_slice %add3A_23 {offsets = [4], sizes = [1], strides = [1]} : vector<16xi32> to vector<1xi32>
    %squeeze3A_821 = vector.extract %slice3A_820[0] : i32 from vector<1xi32>
    %slice3A_822 = vector.extract_strided_slice %add3A_25 {offsets = [4], sizes = [1], strides = [1]} : vector<16xi32> to vector<1xi32>
    %squeeze3A_823 = vector.extract %slice3A_822[0] : i32 from vector<1xi32>
    %sub3A_824 = arith.subi %squeeze3A_823, %squeeze3A_821 : i32
    %add3A_825 = arith.constant 15 : i32
    %add3A_826 = arith.addi %sub3A_824, %add3A_825 : i32
    %shift_right_arithmetic3A_827 = arith.constant 4 : i32
    %shift_right_arithmetic3A_828 = arith.shrsi %add3A_826, %shift_right_arithmetic3A_827 : i32
    %while3A_829 = arith.constant 0 : i32
    %while3A_830 = arith.constant 0 : i32
    %while3A_831 = arith.subi %shift_right_arithmetic3A_828, %while3A_829 : i32
    %while3A_832 = arith.addi %while3A_829, %while3A_831 : i32
    %while3A_833 = arith.constant 1 : i32
    %while3A_834 = arith.divsi %while3A_831, %while3A_833 : i32
    %while3A_835 = arith.muli %while3A_834, %while3A_833 : i32
    %while3A_836 = arith.addi %while3A_829, %while3A_835 : i32
    %while3A_837 = arith.constant 1 : i32
    %while3A_838 = scf.for %while3A_1248 = %while3A_829 to %while3A_836 step %while3A_837 iter_args(%while3A_1249 = %while3A_830) -> (i32)  : i32 {
      %mul3A_1250 = arith.constant 16 : i32
      %mul3A_1251 = arith.muli %while3A_1248, %mul3A_1250 : i32
      %add3A_1252 = arith.addi %squeeze3A_821, %mul3A_1251 : i32
      %add3A_1253 = vector.broadcast %add3A_1252 : i32 to vector<16xi32>
      %add3A_1254 = arith.addi %add3A_1253, %iota3A : vector<16xi32>
      %lt3A = vector.broadcast %squeeze3A_823 : i32 to vector<16xi32>
      %lt3A_1255 = arith.cmpi slt, %add3A_1254, %lt3A : vector<16xi32>
      %and3A = arith.constant 2047 : i32
      %and3A_1256 = vector.broadcast %and3A : i32 to vector<16xi32>
      %and3A_1257 = arith.andi %add3A_1254, %and3A_1256 : vector<16xi32>
      %gather3A = tpu.vector_load_idx %arg12[%and3A_1257] : memref<2048xi32, #tpu.memory_space<vmem>>[vector<16xi32>], vector<16xi32>,
      %and3A_1258 = arith.constant 2047 : i32
      %and3A_1259 = vector.broadcast %and3A_1258 : i32 to vector<16xi32>
      %and3A_1260 = arith.andi %gather3A, %and3A_1259 : vector<16xi32>
      %min3A = arith.constant 1999 : i32
      %min3A_1261 = vector.broadcast %min3A : i32 to vector<16xi32>
      %min3A_1262 = arith.minsi %and3A_1260, %min3A_1261 : vector<16xi32>
      %shift_right_arithmetic3A_1263 = arith.constant 1 : i32
      %shift_right_arithmetic3A_1264 = vector.broadcast %shift_right_arithmetic3A_1263 : i32 to vector<16xi32>
      %shift_right_arithmetic3A_1265 = arith.shrsi %min3A_1262, %shift_right_arithmetic3A_1264 : vector<16xi32>
      %and3A_1266 = arith.constant 1 : i32
      %and3A_1267 = vector.broadcast %and3A_1266 : i32 to vector<16xi32>
      %and3A_1268 = arith.andi %min3A_1262, %and3A_1267 : vector<16xi32>
      %mul3A_1269 = arith.constant 33555 : i32
      %mul3A_1270 = vector.broadcast %mul3A_1269 : i32 to vector<16xi32>
      %mul3A_1271 = arith.muli %min3A_1262, %mul3A_1270 : vector<16xi32>
      %shift_right_arithmetic3A_1272 = arith.constant 25 : i32
      %shift_right_arithmetic3A_1273 = vector.broadcast %shift_right_arithmetic3A_1272 : i32 to vector<16xi32>
      %shift_right_arithmetic3A_1274 = arith.shrsi %mul3A_1271, %shift_right_arithmetic3A_1273 : vector<16xi32>
      %gather3A_1275 = tpu.vector_load_idx %arg7[%shift_right_arithmetic3A_1265] : memref<1000xi32, #tpu.memory_space<vmem>>[vector<16xi32>], vector<16xi32>,
      %gather3A_1276 = tpu.vector_load_idx %arg8[%shift_right_arithmetic3A_1265] : memref<1000xi32, #tpu.memory_space<vmem>>[vector<16xi32>], vector<16xi32>,
      %convert_element_type3A = arith.sitofp %gather3A_1276 : vector<16xi32> to vector<16xf32>
      %mul3A_1277 = arith.constant 2 : i32
      %mul3A_1278 = vector.broadcast %mul3A_1277 : i32 to vector<16xi32>
      %mul3A_1279 = arith.muli %shift_right_arithmetic3A_1274, %mul3A_1278 : vector<16xi32>
      %add3A_1280 = arith.addi %mul3A_1279, %and3A_1268 : vector<16xi32>
      %shift_left3A = arith.constant 9 : i32
      %shift_left3A_1281 = vector.broadcast %shift_left3A : i32 to vector<16xi32>
      %shift_left3A_1282 = arith.shli %add3A_1280, %shift_left3A_1281 : vector<16xi32>
      %shift_right_arithmetic3A_1283 = arith.constant 9 : i32
      %shift_right_arithmetic3A_1284 = vector.broadcast %shift_right_arithmetic3A_1283 : i32 to vector<16xi32>
      %shift_right_arithmetic3A_1285 = arith.shrsi %gather3A_1275, %shift_right_arithmetic3A_1284 : vector<16xi32>
      %add3A_1286 = arith.addi %shift_left3A_1282, %shift_right_arithmetic3A_1285 : vector<16xi32>
      %and3A_1287 = arith.constant 63 : i32
      %and3A_1288 = vector.broadcast %and3A_1287 : i32 to vector<16xi32>
      %and3A_1289 = arith.andi %add3A_1286, %and3A_1288 : vector<16xi32>
      %and3A_1290 = arith.constant 511 : i32
      %and3A_1291 = vector.broadcast %and3A_1290 : i32 to vector<16xi32>
      %and3A_1292 = arith.andi %gather3A_1275, %and3A_1291 : vector<16xi32>
      %gather3A_1293 = tpu.vector_load_idx %arg15[%and3A_1289, %and3A_1292] : memref<64x512xf32, #tpu.memory_space<vmem>>[vector<16xi32>, vector<16xi32>], vector<16xf32>,
      %mul3A_1294 = arith.mulf %gather3A_1293, %convert_element_type3A : vector<16xf32>
      tpu.vector_store_idx %arg9[%min3A_1262], %mul3A_1294 masked %lt3A_1255 : memref<2000xf32, #tpu.memory_space<vmem>>[vector<16xi32>], vector<16xf32>, vector<16xi1>
      %while3A_1295 = arith.constant 0 : i32
      scf.yield %while3A_1295 : i32
    }
    %while3A_839 = arith.constant 1 : i32
    %while3A_840 = scf.for %while3A_1248 = %while3A_836 to %while3A_832 step %while3A_839 iter_args(%while3A_1249 = %while3A_838) -> (i32)  : i32 {
      %mul3A_1250 = arith.constant 16 : i32
      %mul3A_1251 = arith.muli %while3A_1248, %mul3A_1250 : i32
      %add3A_1252 = arith.addi %squeeze3A_821, %mul3A_1251 : i32
      %add3A_1253 = vector.broadcast %add3A_1252 : i32 to vector<16xi32>
      %add3A_1254 = arith.addi %add3A_1253, %iota3A : vector<16xi32>
      %lt3A = vector.broadcast %squeeze3A_823 : i32 to vector<16xi32>
      %lt3A_1255 = arith.cmpi slt, %add3A_1254, %lt3A : vector<16xi32>
      %and3A = arith.constant 2047 : i32
      %and3A_1256 = vector.broadcast %and3A : i32 to vector<16xi32>
      %and3A_1257 = arith.andi %add3A_1254, %and3A_1256 : vector<16xi32>
      %gather3A = tpu.vector_load_idx %arg12[%and3A_1257] : memref<2048xi32, #tpu.memory_space<vmem>>[vector<16xi32>], vector<16xi32>,
      %and3A_1258 = arith.constant 2047 : i32
      %and3A_1259 = vector.broadcast %and3A_1258 : i32 to vector<16xi32>
      %and3A_1260 = arith.andi %gather3A, %and3A_1259 : vector<16xi32>
      %min3A = arith.constant 1999 : i32
      %min3A_1261 = vector.broadcast %min3A : i32 to vector<16xi32>
      %min3A_1262 = arith.minsi %and3A_1260, %min3A_1261 : vector<16xi32>
      %shift_right_arithmetic3A_1263 = arith.constant 1 : i32
      %shift_right_arithmetic3A_1264 = vector.broadcast %shift_right_arithmetic3A_1263 : i32 to vector<16xi32>
      %shift_right_arithmetic3A_1265 = arith.shrsi %min3A_1262, %shift_right_arithmetic3A_1264 : vector<16xi32>
      %and3A_1266 = arith.constant 1 : i32
      %and3A_1267 = vector.broadcast %and3A_1266 : i32 to vector<16xi32>
      %and3A_1268 = arith.andi %min3A_1262, %and3A_1267 : vector<16xi32>
      %mul3A_1269 = arith.constant 33555 : i32
      %mul3A_1270 = vector.broadcast %mul3A_1269 : i32 to vector<16xi32>
      %mul3A_1271 = arith.muli %min3A_1262, %mul3A_1270 : vector<16xi32>
      %shift_right_arithmetic3A_1272 = arith.constant 25 : i32
      %shift_right_arithmetic3A_1273 = vector.broadcast %shift_right_arithmetic3A_1272 : i32 to vector<16xi32>
      %shift_right_arithmetic3A_1274 = arith.shrsi %mul3A_1271, %shift_right_arithmetic3A_1273 : vector<16xi32>
      %gather3A_1275 = tpu.vector_load_idx %arg7[%shift_right_arithmetic3A_1265] : memref<1000xi32, #tpu.memory_space<vmem>>[vector<16xi32>], vector<16xi32>,
      %gather3A_1276 = tpu.vector_load_idx %arg8[%shift_right_arithmetic3A_1265] : memref<1000xi32, #tpu.memory_space<vmem>>[vector<16xi32>], vector<16xi32>,
      %convert_element_type3A = arith.sitofp %gather3A_1276 : vector<16xi32> to vector<16xf32>
      %mul3A_1277 = arith.constant 2 : i32
      %mul3A_1278 = vector.broadcast %mul3A_1277 : i32 to vector<16xi32>
      %mul3A_1279 = arith.muli %shift_right_arithmetic3A_1274, %mul3A_1278 : vector<16xi32>
      %add3A_1280 = arith.addi %mul3A_1279, %and3A_1268 : vector<16xi32>
      %shift_left3A = arith.constant 9 : i32
      %shift_left3A_1281 = vector.broadcast %shift_left3A : i32 to vector<16xi32>
      %shift_left3A_1282 = arith.shli %add3A_1280, %shift_left3A_1281 : vector<16xi32>
      %shift_right_arithmetic3A_1283 = arith.constant 9 : i32
      %shift_right_arithmetic3A_1284 = vector.broadcast %shift_right_arithmetic3A_1283 : i32 to vector<16xi32>
      %shift_right_arithmetic3A_1285 = arith.shrsi %gather3A_1275, %shift_right_arithmetic3A_1284 : vector<16xi32>
      %add3A_1286 = arith.addi %shift_left3A_1282, %shift_right_arithmetic3A_1285 : vector<16xi32>
      %and3A_1287 = arith.constant 63 : i32
      %and3A_1288 = vector.broadcast %and3A_1287 : i32 to vector<16xi32>
      %and3A_1289 = arith.andi %add3A_1286, %and3A_1288 : vector<16xi32>
      %and3A_1290 = arith.constant 511 : i32
      %and3A_1291 = vector.broadcast %and3A_1290 : i32 to vector<16xi32>
      %and3A_1292 = arith.andi %gather3A_1275, %and3A_1291 : vector<16xi32>
      %gather3A_1293 = tpu.vector_load_idx %arg15[%and3A_1289, %and3A_1292] : memref<64x512xf32, #tpu.memory_space<vmem>>[vector<16xi32>, vector<16xi32>], vector<16xf32>,
      %mul3A_1294 = arith.mulf %gather3A_1293, %convert_element_type3A : vector<16xf32>
      tpu.vector_store_idx %arg9[%min3A_1262], %mul3A_1294 masked %lt3A_1255 : memref<2000xf32, #tpu.memory_space<vmem>>[vector<16xi32>], vector<16xf32>, vector<16xi1>
      %while3A_1295 = arith.constant 0 : i32
      scf.yield %while3A_1295 : i32
    }
    %dma_wait3A_841 = tpu.memref_reshape %arg2 : memref<64x2x512x512xf32, #tpu.memory_space<hbm>> -> memref<65536x512xf32, #tpu.memory_space<hbm>>
    %dma_wait3A_842 = arith.constant 0 : i32
    %dma_wait3A_843 = tpu.memref_slice %dma_wait3A_841[%multiple_of3A_813, %dma_wait3A_842] : memref<65536x512xf32, #tpu.memory_space<hbm>> -> memref<64x512xf32, #tpu.memory_space<hbm>>
    %dma_wait3A_844 = tpu.memref_reshape %arg2 : memref<64x2x512x512xf32, #tpu.memory_space<hbm>> -> memref<65536x512xf32, #tpu.memory_space<hbm>>
    %dma_wait3A_845 = arith.constant 0 : i32
    %dma_wait3A_846 = tpu.memref_slice %dma_wait3A_844[%multiple_of3A_813, %dma_wait3A_845] : memref<65536x512xf32, #tpu.memory_space<hbm>> -> memref<64x512xf32, #tpu.memory_space<hbm>>
    tpu.wait_dma2 semaphore(%arg18 : memref<!tpu.dma_semaphore, #tpu.memory_space<semaphore_mem>>) src(%dma_wait3A_846 : memref<64x512xf32, #tpu.memory_space<hbm>>) dst(%arg16 : memref<64x512xf32, #tpu.memory_space<vmem>>)
    %mul3A_847 = arith.constant 2048 : i32
    %mul3A_848 = arith.muli %add3A, %mul3A_847 : i32
    %add3A_849 = arith.constant 1408 : i32
    %add3A_850 = arith.addi %mul3A_848, %add3A_849 : i32
    %multiple_of3A_851 = tpu.assume_multiple %add3A_850, 64 : i32
    %dma_start3A_852 = tpu.memref_reshape %arg2 : memref<64x2x512x512xf32, #tpu.memory_space<hbm>> -> memref<65536x512xf32, #tpu.memory_space<hbm>>
    %dma_start3A_853 = arith.constant 0 : i32
    %dma_start3A_854 = tpu.memref_slice %dma_start3A_852[%multiple_of3A_851, %dma_start3A_853] : memref<65536x512xf32, #tpu.memory_space<hbm>> -> memref<64x512xf32, #tpu.memory_space<hbm>>
    %dma_start3A_855 = tpu.memref_reshape %arg2 : memref<64x2x512x512xf32, #tpu.memory_space<hbm>> -> memref<65536x512xf32, #tpu.memory_space<hbm>>
    %dma_start3A_856 = arith.constant 0 : i32
    %dma_start3A_857 = tpu.memref_slice %dma_start3A_855[%multiple_of3A_851, %dma_start3A_856] : memref<65536x512xf32, #tpu.memory_space<hbm>> -> memref<64x512xf32, #tpu.memory_space<hbm>>
    tpu.enqueue_dma source(%dma_start3A_857 : memref<64x512xf32, #tpu.memory_space<hbm>>) target(%arg15 : memref<64x512xf32, #tpu.memory_space<vmem>>) target_semaphore(%arg17 : memref<!tpu.dma_semaphore, #tpu.memory_space<semaphore_mem>>)
    %slice3A_858 = vector.extract_strided_slice %add3A_23 {offsets = [5], sizes = [1], strides = [1]} : vector<16xi32> to vector<1xi32>
    %squeeze3A_859 = vector.extract %slice3A_858[0] : i32 from vector<1xi32>
    %slice3A_860 = vector.extract_strided_slice %add3A_25 {offsets = [5], sizes = [1], strides = [1]} : vector<16xi32> to vector<1xi32>
    %squeeze3A_861 = vector.extract %slice3A_860[0] : i32 from vector<1xi32>
    %sub3A_862 = arith.subi %squeeze3A_861, %squeeze3A_859 : i32
    %add3A_863 = arith.constant 15 : i32
    %add3A_864 = arith.addi %sub3A_862, %add3A_863 : i32
    %shift_right_arithmetic3A_865 = arith.constant 4 : i32
    %shift_right_arithmetic3A_866 = arith.shrsi %add3A_864, %shift_right_arithmetic3A_865 : i32
    %while3A_867 = arith.constant 0 : i32
    %while3A_868 = arith.constant 0 : i32
    %while3A_869 = arith.subi %shift_right_arithmetic3A_866, %while3A_867 : i32
    %while3A_870 = arith.addi %while3A_867, %while3A_869 : i32
    %while3A_871 = arith.constant 1 : i32
    %while3A_872 = arith.divsi %while3A_869, %while3A_871 : i32
    %while3A_873 = arith.muli %while3A_872, %while3A_871 : i32
    %while3A_874 = arith.addi %while3A_867, %while3A_873 : i32
    %while3A_875 = arith.constant 1 : i32
    %while3A_876 = scf.for %while3A_1248 = %while3A_867 to %while3A_874 step %while3A_875 iter_args(%while3A_1249 = %while3A_868) -> (i32)  : i32 {
      %mul3A_1250 = arith.constant 16 : i32
      %mul3A_1251 = arith.muli %while3A_1248, %mul3A_1250 : i32
      %add3A_1252 = arith.addi %squeeze3A_859, %mul3A_1251 : i32
      %add3A_1253 = vector.broadcast %add3A_1252 : i32 to vector<16xi32>
      %add3A_1254 = arith.addi %add3A_1253, %iota3A : vector<16xi32>
      %lt3A = vector.broadcast %squeeze3A_861 : i32 to vector<16xi32>
      %lt3A_1255 = arith.cmpi slt, %add3A_1254, %lt3A : vector<16xi32>
      %and3A = arith.constant 2047 : i32
      %and3A_1256 = vector.broadcast %and3A : i32 to vector<16xi32>
      %and3A_1257 = arith.andi %add3A_1254, %and3A_1256 : vector<16xi32>
      %gather3A = tpu.vector_load_idx %arg12[%and3A_1257] : memref<2048xi32, #tpu.memory_space<vmem>>[vector<16xi32>], vector<16xi32>,
      %and3A_1258 = arith.constant 2047 : i32
      %and3A_1259 = vector.broadcast %and3A_1258 : i32 to vector<16xi32>
      %and3A_1260 = arith.andi %gather3A, %and3A_1259 : vector<16xi32>
      %min3A = arith.constant 1999 : i32
      %min3A_1261 = vector.broadcast %min3A : i32 to vector<16xi32>
      %min3A_1262 = arith.minsi %and3A_1260, %min3A_1261 : vector<16xi32>
      %shift_right_arithmetic3A_1263 = arith.constant 1 : i32
      %shift_right_arithmetic3A_1264 = vector.broadcast %shift_right_arithmetic3A_1263 : i32 to vector<16xi32>
      %shift_right_arithmetic3A_1265 = arith.shrsi %min3A_1262, %shift_right_arithmetic3A_1264 : vector<16xi32>
      %and3A_1266 = arith.constant 1 : i32
      %and3A_1267 = vector.broadcast %and3A_1266 : i32 to vector<16xi32>
      %and3A_1268 = arith.andi %min3A_1262, %and3A_1267 : vector<16xi32>
      %mul3A_1269 = arith.constant 33555 : i32
      %mul3A_1270 = vector.broadcast %mul3A_1269 : i32 to vector<16xi32>
      %mul3A_1271 = arith.muli %min3A_1262, %mul3A_1270 : vector<16xi32>
      %shift_right_arithmetic3A_1272 = arith.constant 25 : i32
      %shift_right_arithmetic3A_1273 = vector.broadcast %shift_right_arithmetic3A_1272 : i32 to vector<16xi32>
      %shift_right_arithmetic3A_1274 = arith.shrsi %mul3A_1271, %shift_right_arithmetic3A_1273 : vector<16xi32>
      %gather3A_1275 = tpu.vector_load_idx %arg7[%shift_right_arithmetic3A_1265] : memref<1000xi32, #tpu.memory_space<vmem>>[vector<16xi32>], vector<16xi32>,
      %gather3A_1276 = tpu.vector_load_idx %arg8[%shift_right_arithmetic3A_1265] : memref<1000xi32, #tpu.memory_space<vmem>>[vector<16xi32>], vector<16xi32>,
      %convert_element_type3A = arith.sitofp %gather3A_1276 : vector<16xi32> to vector<16xf32>
      %mul3A_1277 = arith.constant 2 : i32
      %mul3A_1278 = vector.broadcast %mul3A_1277 : i32 to vector<16xi32>
      %mul3A_1279 = arith.muli %shift_right_arithmetic3A_1274, %mul3A_1278 : vector<16xi32>
      %add3A_1280 = arith.addi %mul3A_1279, %and3A_1268 : vector<16xi32>
      %shift_left3A = arith.constant 9 : i32
      %shift_left3A_1281 = vector.broadcast %shift_left3A : i32 to vector<16xi32>
      %shift_left3A_1282 = arith.shli %add3A_1280, %shift_left3A_1281 : vector<16xi32>
      %shift_right_arithmetic3A_1283 = arith.constant 9 : i32
      %shift_right_arithmetic3A_1284 = vector.broadcast %shift_right_arithmetic3A_1283 : i32 to vector<16xi32>
      %shift_right_arithmetic3A_1285 = arith.shrsi %gather3A_1275, %shift_right_arithmetic3A_1284 : vector<16xi32>
      %add3A_1286 = arith.addi %shift_left3A_1282, %shift_right_arithmetic3A_1285 : vector<16xi32>
      %and3A_1287 = arith.constant 63 : i32
      %and3A_1288 = vector.broadcast %and3A_1287 : i32 to vector<16xi32>
      %and3A_1289 = arith.andi %add3A_1286, %and3A_1288 : vector<16xi32>
      %and3A_1290 = arith.constant 511 : i32
      %and3A_1291 = vector.broadcast %and3A_1290 : i32 to vector<16xi32>
      %and3A_1292 = arith.andi %gather3A_1275, %and3A_1291 : vector<16xi32>
      %gather3A_1293 = tpu.vector_load_idx %arg16[%and3A_1289, %and3A_1292] : memref<64x512xf32, #tpu.memory_space<vmem>>[vector<16xi32>, vector<16xi32>], vector<16xf32>,
      %mul3A_1294 = arith.mulf %gather3A_1293, %convert_element_type3A : vector<16xf32>
      tpu.vector_store_idx %arg9[%min3A_1262], %mul3A_1294 masked %lt3A_1255 : memref<2000xf32, #tpu.memory_space<vmem>>[vector<16xi32>], vector<16xf32>, vector<16xi1>
      %while3A_1295 = arith.constant 0 : i32
      scf.yield %while3A_1295 : i32
    }
    %while3A_877 = arith.constant 1 : i32
    %while3A_878 = scf.for %while3A_1248 = %while3A_874 to %while3A_870 step %while3A_877 iter_args(%while3A_1249 = %while3A_876) -> (i32)  : i32 {
      %mul3A_1250 = arith.constant 16 : i32
      %mul3A_1251 = arith.muli %while3A_1248, %mul3A_1250 : i32
      %add3A_1252 = arith.addi %squeeze3A_859, %mul3A_1251 : i32
      %add3A_1253 = vector.broadcast %add3A_1252 : i32 to vector<16xi32>
      %add3A_1254 = arith.addi %add3A_1253, %iota3A : vector<16xi32>
      %lt3A = vector.broadcast %squeeze3A_861 : i32 to vector<16xi32>
      %lt3A_1255 = arith.cmpi slt, %add3A_1254, %lt3A : vector<16xi32>
      %and3A = arith.constant 2047 : i32
      %and3A_1256 = vector.broadcast %and3A : i32 to vector<16xi32>
      %and3A_1257 = arith.andi %add3A_1254, %and3A_1256 : vector<16xi32>
      %gather3A = tpu.vector_load_idx %arg12[%and3A_1257] : memref<2048xi32, #tpu.memory_space<vmem>>[vector<16xi32>], vector<16xi32>,
      %and3A_1258 = arith.constant 2047 : i32
      %and3A_1259 = vector.broadcast %and3A_1258 : i32 to vector<16xi32>
      %and3A_1260 = arith.andi %gather3A, %and3A_1259 : vector<16xi32>
      %min3A = arith.constant 1999 : i32
      %min3A_1261 = vector.broadcast %min3A : i32 to vector<16xi32>
      %min3A_1262 = arith.minsi %and3A_1260, %min3A_1261 : vector<16xi32>
      %shift_right_arithmetic3A_1263 = arith.constant 1 : i32
      %shift_right_arithmetic3A_1264 = vector.broadcast %shift_right_arithmetic3A_1263 : i32 to vector<16xi32>
      %shift_right_arithmetic3A_1265 = arith.shrsi %min3A_1262, %shift_right_arithmetic3A_1264 : vector<16xi32>
      %and3A_1266 = arith.constant 1 : i32
      %and3A_1267 = vector.broadcast %and3A_1266 : i32 to vector<16xi32>
      %and3A_1268 = arith.andi %min3A_1262, %and3A_1267 : vector<16xi32>
      %mul3A_1269 = arith.constant 33555 : i32
      %mul3A_1270 = vector.broadcast %mul3A_1269 : i32 to vector<16xi32>
      %mul3A_1271 = arith.muli %min3A_1262, %mul3A_1270 : vector<16xi32>
      %shift_right_arithmetic3A_1272 = arith.constant 25 : i32
      %shift_right_arithmetic3A_1273 = vector.broadcast %shift_right_arithmetic3A_1272 : i32 to vector<16xi32>
      %shift_right_arithmetic3A_1274 = arith.shrsi %mul3A_1271, %shift_right_arithmetic3A_1273 : vector<16xi32>
      %gather3A_1275 = tpu.vector_load_idx %arg7[%shift_right_arithmetic3A_1265] : memref<1000xi32, #tpu.memory_space<vmem>>[vector<16xi32>], vector<16xi32>,
      %gather3A_1276 = tpu.vector_load_idx %arg8[%shift_right_arithmetic3A_1265] : memref<1000xi32, #tpu.memory_space<vmem>>[vector<16xi32>], vector<16xi32>,
      %convert_element_type3A = arith.sitofp %gather3A_1276 : vector<16xi32> to vector<16xf32>
      %mul3A_1277 = arith.constant 2 : i32
      %mul3A_1278 = vector.broadcast %mul3A_1277 : i32 to vector<16xi32>
      %mul3A_1279 = arith.muli %shift_right_arithmetic3A_1274, %mul3A_1278 : vector<16xi32>
      %add3A_1280 = arith.addi %mul3A_1279, %and3A_1268 : vector<16xi32>
      %shift_left3A = arith.constant 9 : i32
      %shift_left3A_1281 = vector.broadcast %shift_left3A : i32 to vector<16xi32>
      %shift_left3A_1282 = arith.shli %add3A_1280, %shift_left3A_1281 : vector<16xi32>
      %shift_right_arithmetic3A_1283 = arith.constant 9 : i32
      %shift_right_arithmetic3A_1284 = vector.broadcast %shift_right_arithmetic3A_1283 : i32 to vector<16xi32>
      %shift_right_arithmetic3A_1285 = arith.shrsi %gather3A_1275, %shift_right_arithmetic3A_1284 : vector<16xi32>
      %add3A_1286 = arith.addi %shift_left3A_1282, %shift_right_arithmetic3A_1285 : vector<16xi32>
      %and3A_1287 = arith.constant 63 : i32
      %and3A_1288 = vector.broadcast %and3A_1287 : i32 to vector<16xi32>
      %and3A_1289 = arith.andi %add3A_1286, %and3A_1288 : vector<16xi32>
      %and3A_1290 = arith.constant 511 : i32
      %and3A_1291 = vector.broadcast %and3A_1290 : i32 to vector<16xi32>
      %and3A_1292 = arith.andi %gather3A_1275, %and3A_1291 : vector<16xi32>
      %gather3A_1293 = tpu.vector_load_idx %arg16[%and3A_1289, %and3A_1292] : memref<64x512xf32, #tpu.memory_space<vmem>>[vector<16xi32>, vector<16xi32>], vector<16xf32>,
      %mul3A_1294 = arith.mulf %gather3A_1293, %convert_element_type3A : vector<16xf32>
      tpu.vector_store_idx %arg9[%min3A_1262], %mul3A_1294 masked %lt3A_1255 : memref<2000xf32, #tpu.memory_space<vmem>>[vector<16xi32>], vector<16xf32>, vector<16xi1>
      %while3A_1295 = arith.constant 0 : i32
      scf.yield %while3A_1295 : i32
    }
    %dma_wait3A_879 = tpu.memref_reshape %arg2 : memref<64x2x512x512xf32, #tpu.memory_space<hbm>> -> memref<65536x512xf32, #tpu.memory_space<hbm>>
    %dma_wait3A_880 = arith.constant 0 : i32
    %dma_wait3A_881 = tpu.memref_slice %dma_wait3A_879[%multiple_of3A_851, %dma_wait3A_880] : memref<65536x512xf32, #tpu.memory_space<hbm>> -> memref<64x512xf32, #tpu.memory_space<hbm>>
    %dma_wait3A_882 = tpu.memref_reshape %arg2 : memref<64x2x512x512xf32, #tpu.memory_space<hbm>> -> memref<65536x512xf32, #tpu.memory_space<hbm>>
    %dma_wait3A_883 = arith.constant 0 : i32
    %dma_wait3A_884 = tpu.memref_slice %dma_wait3A_882[%multiple_of3A_851, %dma_wait3A_883] : memref<65536x512xf32, #tpu.memory_space<hbm>> -> memref<64x512xf32, #tpu.memory_space<hbm>>
    tpu.wait_dma2 semaphore(%arg17 : memref<!tpu.dma_semaphore, #tpu.memory_space<semaphore_mem>>) src(%dma_wait3A_884 : memref<64x512xf32, #tpu.memory_space<hbm>>) dst(%arg15 : memref<64x512xf32, #tpu.memory_space<vmem>>)
    %mul3A_885 = arith.constant 2048 : i32
    %mul3A_886 = arith.muli %add3A, %mul3A_885 : i32
    %add3A_887 = arith.constant 1472 : i32
    %add3A_888 = arith.addi %mul3A_886, %add3A_887 : i32
    %multiple_of3A_889 = tpu.assume_multiple %add3A_888, 64 : i32
    %dma_start3A_890 = tpu.memref_reshape %arg2 : memref<64x2x512x512xf32, #tpu.memory_space<hbm>> -> memref<65536x512xf32, #tpu.memory_space<hbm>>
    %dma_start3A_891 = arith.constant 0 : i32
    %dma_start3A_892 = tpu.memref_slice %dma_start3A_890[%multiple_of3A_889, %dma_start3A_891] : memref<65536x512xf32, #tpu.memory_space<hbm>> -> memref<64x512xf32, #tpu.memory_space<hbm>>
    %dma_start3A_893 = tpu.memref_reshape %arg2 : memref<64x2x512x512xf32, #tpu.memory_space<hbm>> -> memref<65536x512xf32, #tpu.memory_space<hbm>>
    %dma_start3A_894 = arith.constant 0 : i32
    %dma_start3A_895 = tpu.memref_slice %dma_start3A_893[%multiple_of3A_889, %dma_start3A_894] : memref<65536x512xf32, #tpu.memory_space<hbm>> -> memref<64x512xf32, #tpu.memory_space<hbm>>
    tpu.enqueue_dma source(%dma_start3A_895 : memref<64x512xf32, #tpu.memory_space<hbm>>) target(%arg16 : memref<64x512xf32, #tpu.memory_space<vmem>>) target_semaphore(%arg18 : memref<!tpu.dma_semaphore, #tpu.memory_space<semaphore_mem>>)
    %slice3A_896 = vector.extract_strided_slice %add3A_23 {offsets = [6], sizes = [1], strides = [1]} : vector<16xi32> to vector<1xi32>
    %squeeze3A_897 = vector.extract %slice3A_896[0] : i32 from vector<1xi32>
    %slice3A_898 = vector.extract_strided_slice %add3A_25 {offsets = [6], sizes = [1], strides = [1]} : vector<16xi32> to vector<1xi32>
    %squeeze3A_899 = vector.extract %slice3A_898[0] : i32 from vector<1xi32>
    %sub3A_900 = arith.subi %squeeze3A_899, %squeeze3A_897 : i32
    %add3A_901 = arith.constant 15 : i32
    %add3A_902 = arith.addi %sub3A_900, %add3A_901 : i32
    %shift_right_arithmetic3A_903 = arith.constant 4 : i32
    %shift_right_arithmetic3A_904 = arith.shrsi %add3A_902, %shift_right_arithmetic3A_903 : i32
    %while3A_905 = arith.constant 0 : i32
    %while3A_906 = arith.constant 0 : i32
    %while3A_907 = arith.subi %shift_right_arithmetic3A_904, %while3A_905 : i32
    %while3A_908 = arith.addi %while3A_905, %while3A_907 : i32
    %while3A_909 = arith.constant 1 : i32
    %while3A_910 = arith.divsi %while3A_907, %while3A_909 : i32
    %while3A_911 = arith.muli %while3A_910, %while3A_909 : i32
    %while3A_912 = arith.addi %while3A_905, %while3A_911 : i32
    %while3A_913 = arith.constant 1 : i32
    %while3A_914 = scf.for %while3A_1248 = %while3A_905 to %while3A_912 step %while3A_913 iter_args(%while3A_1249 = %while3A_906) -> (i32)  : i32 {
      %mul3A_1250 = arith.constant 16 : i32
      %mul3A_1251 = arith.muli %while3A_1248, %mul3A_1250 : i32
      %add3A_1252 = arith.addi %squeeze3A_897, %mul3A_1251 : i32
      %add3A_1253 = vector.broadcast %add3A_1252 : i32 to vector<16xi32>
      %add3A_1254 = arith.addi %add3A_1253, %iota3A : vector<16xi32>
      %lt3A = vector.broadcast %squeeze3A_899 : i32 to vector<16xi32>
      %lt3A_1255 = arith.cmpi slt, %add3A_1254, %lt3A : vector<16xi32>
      %and3A = arith.constant 2047 : i32
      %and3A_1256 = vector.broadcast %and3A : i32 to vector<16xi32>
      %and3A_1257 = arith.andi %add3A_1254, %and3A_1256 : vector<16xi32>
      %gather3A = tpu.vector_load_idx %arg12[%and3A_1257] : memref<2048xi32, #tpu.memory_space<vmem>>[vector<16xi32>], vector<16xi32>,
      %and3A_1258 = arith.constant 2047 : i32
      %and3A_1259 = vector.broadcast %and3A_1258 : i32 to vector<16xi32>
      %and3A_1260 = arith.andi %gather3A, %and3A_1259 : vector<16xi32>
      %min3A = arith.constant 1999 : i32
      %min3A_1261 = vector.broadcast %min3A : i32 to vector<16xi32>
      %min3A_1262 = arith.minsi %and3A_1260, %min3A_1261 : vector<16xi32>
      %shift_right_arithmetic3A_1263 = arith.constant 1 : i32
      %shift_right_arithmetic3A_1264 = vector.broadcast %shift_right_arithmetic3A_1263 : i32 to vector<16xi32>
      %shift_right_arithmetic3A_1265 = arith.shrsi %min3A_1262, %shift_right_arithmetic3A_1264 : vector<16xi32>
      %and3A_1266 = arith.constant 1 : i32
      %and3A_1267 = vector.broadcast %and3A_1266 : i32 to vector<16xi32>
      %and3A_1268 = arith.andi %min3A_1262, %and3A_1267 : vector<16xi32>
      %mul3A_1269 = arith.constant 33555 : i32
      %mul3A_1270 = vector.broadcast %mul3A_1269 : i32 to vector<16xi32>
      %mul3A_1271 = arith.muli %min3A_1262, %mul3A_1270 : vector<16xi32>
      %shift_right_arithmetic3A_1272 = arith.constant 25 : i32
      %shift_right_arithmetic3A_1273 = vector.broadcast %shift_right_arithmetic3A_1272 : i32 to vector<16xi32>
      %shift_right_arithmetic3A_1274 = arith.shrsi %mul3A_1271, %shift_right_arithmetic3A_1273 : vector<16xi32>
      %gather3A_1275 = tpu.vector_load_idx %arg7[%shift_right_arithmetic3A_1265] : memref<1000xi32, #tpu.memory_space<vmem>>[vector<16xi32>], vector<16xi32>,
      %gather3A_1276 = tpu.vector_load_idx %arg8[%shift_right_arithmetic3A_1265] : memref<1000xi32, #tpu.memory_space<vmem>>[vector<16xi32>], vector<16xi32>,
      %convert_element_type3A = arith.sitofp %gather3A_1276 : vector<16xi32> to vector<16xf32>
      %mul3A_1277 = arith.constant 2 : i32
      %mul3A_1278 = vector.broadcast %mul3A_1277 : i32 to vector<16xi32>
      %mul3A_1279 = arith.muli %shift_right_arithmetic3A_1274, %mul3A_1278 : vector<16xi32>
      %add3A_1280 = arith.addi %mul3A_1279, %and3A_1268 : vector<16xi32>
      %shift_left3A = arith.constant 9 : i32
      %shift_left3A_1281 = vector.broadcast %shift_left3A : i32 to vector<16xi32>
      %shift_left3A_1282 = arith.shli %add3A_1280, %shift_left3A_1281 : vector<16xi32>
      %shift_right_arithmetic3A_1283 = arith.constant 9 : i32
      %shift_right_arithmetic3A_1284 = vector.broadcast %shift_right_arithmetic3A_1283 : i32 to vector<16xi32>
      %shift_right_arithmetic3A_1285 = arith.shrsi %gather3A_1275, %shift_right_arithmetic3A_1284 : vector<16xi32>
      %add3A_1286 = arith.addi %shift_left3A_1282, %shift_right_arithmetic3A_1285 : vector<16xi32>
      %and3A_1287 = arith.constant 63 : i32
      %and3A_1288 = vector.broadcast %and3A_1287 : i32 to vector<16xi32>
      %and3A_1289 = arith.andi %add3A_1286, %and3A_1288 : vector<16xi32>
      %and3A_1290 = arith.constant 511 : i32
      %and3A_1291 = vector.broadcast %and3A_1290 : i32 to vector<16xi32>
      %and3A_1292 = arith.andi %gather3A_1275, %and3A_1291 : vector<16xi32>
      %gather3A_1293 = tpu.vector_load_idx %arg15[%and3A_1289, %and3A_1292] : memref<64x512xf32, #tpu.memory_space<vmem>>[vector<16xi32>, vector<16xi32>], vector<16xf32>,
      %mul3A_1294 = arith.mulf %gather3A_1293, %convert_element_type3A : vector<16xf32>
      tpu.vector_store_idx %arg9[%min3A_1262], %mul3A_1294 masked %lt3A_1255 : memref<2000xf32, #tpu.memory_space<vmem>>[vector<16xi32>], vector<16xf32>, vector<16xi1>
      %while3A_1295 = arith.constant 0 : i32
      scf.yield %while3A_1295 : i32
    }
    %while3A_915 = arith.constant 1 : i32
    %while3A_916 = scf.for %while3A_1248 = %while3A_912 to %while3A_908 step %while3A_915 iter_args(%while3A_1249 = %while3A_914) -> (i32)  : i32 {
      %mul3A_1250 = arith.constant 16 : i32
      %mul3A_1251 = arith.muli %while3A_1248, %mul3A_1250 : i32
      %add3A_1252 = arith.addi %squeeze3A_897, %mul3A_1251 : i32
      %add3A_1253 = vector.broadcast %add3A_1252 : i32 to vector<16xi32>
      %add3A_1254 = arith.addi %add3A_1253, %iota3A : vector<16xi32>
      %lt3A = vector.broadcast %squeeze3A_899 : i32 to vector<16xi32>
      %lt3A_1255 = arith.cmpi slt, %add3A_1254, %lt3A : vector<16xi32>
      %and3A = arith.constant 2047 : i32
      %and3A_1256 = vector.broadcast %and3A : i32 to vector<16xi32>
      %and3A_1257 = arith.andi %add3A_1254, %and3A_1256 : vector<16xi32>
      %gather3A = tpu.vector_load_idx %arg12[%and3A_1257] : memref<2048xi32, #tpu.memory_space<vmem>>[vector<16xi32>], vector<16xi32>,
      %and3A_1258 = arith.constant 2047 : i32
      %and3A_1259 = vector.broadcast %and3A_1258 : i32 to vector<16xi32>
      %and3A_1260 = arith.andi %gather3A, %and3A_1259 : vector<16xi32>
      %min3A = arith.constant 1999 : i32
      %min3A_1261 = vector.broadcast %min3A : i32 to vector<16xi32>
      %min3A_1262 = arith.minsi %and3A_1260, %min3A_1261 : vector<16xi32>
      %shift_right_arithmetic3A_1263 = arith.constant 1 : i32
      %shift_right_arithmetic3A_1264 = vector.broadcast %shift_right_arithmetic3A_1263 : i32 to vector<16xi32>
      %shift_right_arithmetic3A_1265 = arith.shrsi %min3A_1262, %shift_right_arithmetic3A_1264 : vector<16xi32>
      %and3A_1266 = arith.constant 1 : i32
      %and3A_1267 = vector.broadcast %and3A_1266 : i32 to vector<16xi32>
      %and3A_1268 = arith.andi %min3A_1262, %and3A_1267 : vector<16xi32>
      %mul3A_1269 = arith.constant 33555 : i32
      %mul3A_1270 = vector.broadcast %mul3A_1269 : i32 to vector<16xi32>
      %mul3A_1271 = arith.muli %min3A_1262, %mul3A_1270 : vector<16xi32>
      %shift_right_arithmetic3A_1272 = arith.constant 25 : i32
      %shift_right_arithmetic3A_1273 = vector.broadcast %shift_right_arithmetic3A_1272 : i32 to vector<16xi32>
      %shift_right_arithmetic3A_1274 = arith.shrsi %mul3A_1271, %shift_right_arithmetic3A_1273 : vector<16xi32>
      %gather3A_1275 = tpu.vector_load_idx %arg7[%shift_right_arithmetic3A_1265] : memref<1000xi32, #tpu.memory_space<vmem>>[vector<16xi32>], vector<16xi32>,
      %gather3A_1276 = tpu.vector_load_idx %arg8[%shift_right_arithmetic3A_1265] : memref<1000xi32, #tpu.memory_space<vmem>>[vector<16xi32>], vector<16xi32>,
      %convert_element_type3A = arith.sitofp %gather3A_1276 : vector<16xi32> to vector<16xf32>
      %mul3A_1277 = arith.constant 2 : i32
      %mul3A_1278 = vector.broadcast %mul3A_1277 : i32 to vector<16xi32>
      %mul3A_1279 = arith.muli %shift_right_arithmetic3A_1274, %mul3A_1278 : vector<16xi32>
      %add3A_1280 = arith.addi %mul3A_1279, %and3A_1268 : vector<16xi32>
      %shift_left3A = arith.constant 9 : i32
      %shift_left3A_1281 = vector.broadcast %shift_left3A : i32 to vector<16xi32>
      %shift_left3A_1282 = arith.shli %add3A_1280, %shift_left3A_1281 : vector<16xi32>
      %shift_right_arithmetic3A_1283 = arith.constant 9 : i32
      %shift_right_arithmetic3A_1284 = vector.broadcast %shift_right_arithmetic3A_1283 : i32 to vector<16xi32>
      %shift_right_arithmetic3A_1285 = arith.shrsi %gather3A_1275, %shift_right_arithmetic3A_1284 : vector<16xi32>
      %add3A_1286 = arith.addi %shift_left3A_1282, %shift_right_arithmetic3A_1285 : vector<16xi32>
      %and3A_1287 = arith.constant 63 : i32
      %and3A_1288 = vector.broadcast %and3A_1287 : i32 to vector<16xi32>
      %and3A_1289 = arith.andi %add3A_1286, %and3A_1288 : vector<16xi32>
      %and3A_1290 = arith.constant 511 : i32
      %and3A_1291 = vector.broadcast %and3A_1290 : i32 to vector<16xi32>
      %and3A_1292 = arith.andi %gather3A_1275, %and3A_1291 : vector<16xi32>
      %gather3A_1293 = tpu.vector_load_idx %arg15[%and3A_1289, %and3A_1292] : memref<64x512xf32, #tpu.memory_space<vmem>>[vector<16xi32>, vector<16xi32>], vector<16xf32>,
      %mul3A_1294 = arith.mulf %gather3A_1293, %convert_element_type3A : vector<16xf32>
      tpu.vector_store_idx %arg9[%min3A_1262], %mul3A_1294 masked %lt3A_1255 : memref<2000xf32, #tpu.memory_space<vmem>>[vector<16xi32>], vector<16xf32>, vector<16xi1>
      %while3A_1295 = arith.constant 0 : i32
      scf.yield %while3A_1295 : i32
    }
    %dma_wait3A_917 = tpu.memref_reshape %arg2 : memref<64x2x512x512xf32, #tpu.memory_space<hbm>> -> memref<65536x512xf32, #tpu.memory_space<hbm>>
    %dma_wait3A_918 = arith.constant 0 : i32
    %dma_wait3A_919 = tpu.memref_slice %dma_wait3A_917[%multiple_of3A_889, %dma_wait3A_918] : memref<65536x512xf32, #tpu.memory_space<hbm>> -> memref<64x512xf32, #tpu.memory_space<hbm>>
    %dma_wait3A_920 = tpu.memref_reshape %arg2 : memref<64x2x512x512xf32, #tpu.memory_space<hbm>> -> memref<65536x512xf32, #tpu.memory_space<hbm>>
    %dma_wait3A_921 = arith.constant 0 : i32
    %dma_wait3A_922 = tpu.memref_slice %dma_wait3A_920[%multiple_of3A_889, %dma_wait3A_921] : memref<65536x512xf32, #tpu.memory_space<hbm>> -> memref<64x512xf32, #tpu.memory_space<hbm>>
    tpu.wait_dma2 semaphore(%arg18 : memref<!tpu.dma_semaphore, #tpu.memory_space<semaphore_mem>>) src(%dma_wait3A_922 : memref<64x512xf32, #tpu.memory_space<hbm>>) dst(%arg16 : memref<64x512xf32, #tpu.memory_space<vmem>>)
    %mul3A_923 = arith.constant 2048 : i32
    %mul3A_924 = arith.muli %add3A, %mul3A_923 : i32
    %add3A_925 = arith.constant 1536 : i32
    %add3A_926 = arith.addi %mul3A_924, %add3A_925 : i32
    %multiple_of3A_927 = tpu.assume_multiple %add3A_926, 64 : i32
    %dma_start3A_928 = tpu.memref_reshape %arg2 : memref<64x2x512x512xf32, #tpu.memory_space<hbm>> -> memref<65536x512xf32, #tpu.memory_space<hbm>>
    %dma_start3A_929 = arith.constant 0 : i32
    %dma_start3A_930 = tpu.memref_slice %dma_start3A_928[%multiple_of3A_927, %dma_start3A_929] : memref<65536x512xf32, #tpu.memory_space<hbm>> -> memref<64x512xf32, #tpu.memory_space<hbm>>
    %dma_start3A_931 = tpu.memref_reshape %arg2 : memref<64x2x512x512xf32, #tpu.memory_space<hbm>> -> memref<65536x512xf32, #tpu.memory_space<hbm>>
    %dma_start3A_932 = arith.constant 0 : i32
    %dma_start3A_933 = tpu.memref_slice %dma_start3A_931[%multiple_of3A_927, %dma_start3A_932] : memref<65536x512xf32, #tpu.memory_space<hbm>> -> memref<64x512xf32, #tpu.memory_space<hbm>>
    tpu.enqueue_dma source(%dma_start3A_933 : memref<64x512xf32, #tpu.memory_space<hbm>>) target(%arg15 : memref<64x512xf32, #tpu.memory_space<vmem>>) target_semaphore(%arg17 : memref<!tpu.dma_semaphore, #tpu.memory_space<semaphore_mem>>)
    %slice3A_934 = vector.extract_strided_slice %add3A_23 {offsets = [7], sizes = [1], strides = [1]} : vector<16xi32> to vector<1xi32>
    %squeeze3A_935 = vector.extract %slice3A_934[0] : i32 from vector<1xi32>
    %slice3A_936 = vector.extract_strided_slice %add3A_25 {offsets = [7], sizes = [1], strides = [1]} : vector<16xi32> to vector<1xi32>
    %squeeze3A_937 = vector.extract %slice3A_936[0] : i32 from vector<1xi32>
    %sub3A_938 = arith.subi %squeeze3A_937, %squeeze3A_935 : i32
    %add3A_939 = arith.constant 15 : i32
    %add3A_940 = arith.addi %sub3A_938, %add3A_939 : i32
    %shift_right_arithmetic3A_941 = arith.constant 4 : i32
    %shift_right_arithmetic3A_942 = arith.shrsi %add3A_940, %shift_right_arithmetic3A_941 : i32
    %while3A_943 = arith.constant 0 : i32
    %while3A_944 = arith.constant 0 : i32
    %while3A_945 = arith.subi %shift_right_arithmetic3A_942, %while3A_943 : i32
    %while3A_946 = arith.addi %while3A_943, %while3A_945 : i32
    %while3A_947 = arith.constant 1 : i32
    %while3A_948 = arith.divsi %while3A_945, %while3A_947 : i32
    %while3A_949 = arith.muli %while3A_948, %while3A_947 : i32
    %while3A_950 = arith.addi %while3A_943, %while3A_949 : i32
    %while3A_951 = arith.constant 1 : i32
    %while3A_952 = scf.for %while3A_1248 = %while3A_943 to %while3A_950 step %while3A_951 iter_args(%while3A_1249 = %while3A_944) -> (i32)  : i32 {
      %mul3A_1250 = arith.constant 16 : i32
      %mul3A_1251 = arith.muli %while3A_1248, %mul3A_1250 : i32
      %add3A_1252 = arith.addi %squeeze3A_935, %mul3A_1251 : i32
      %add3A_1253 = vector.broadcast %add3A_1252 : i32 to vector<16xi32>
      %add3A_1254 = arith.addi %add3A_1253, %iota3A : vector<16xi32>
      %lt3A = vector.broadcast %squeeze3A_937 : i32 to vector<16xi32>
      %lt3A_1255 = arith.cmpi slt, %add3A_1254, %lt3A : vector<16xi32>
      %and3A = arith.constant 2047 : i32
      %and3A_1256 = vector.broadcast %and3A : i32 to vector<16xi32>
      %and3A_1257 = arith.andi %add3A_1254, %and3A_1256 : vector<16xi32>
      %gather3A = tpu.vector_load_idx %arg12[%and3A_1257] : memref<2048xi32, #tpu.memory_space<vmem>>[vector<16xi32>], vector<16xi32>,
      %and3A_1258 = arith.constant 2047 : i32
      %and3A_1259 = vector.broadcast %and3A_1258 : i32 to vector<16xi32>
      %and3A_1260 = arith.andi %gather3A, %and3A_1259 : vector<16xi32>
      %min3A = arith.constant 1999 : i32
      %min3A_1261 = vector.broadcast %min3A : i32 to vector<16xi32>
      %min3A_1262 = arith.minsi %and3A_1260, %min3A_1261 : vector<16xi32>
      %shift_right_arithmetic3A_1263 = arith.constant 1 : i32
      %shift_right_arithmetic3A_1264 = vector.broadcast %shift_right_arithmetic3A_1263 : i32 to vector<16xi32>
      %shift_right_arithmetic3A_1265 = arith.shrsi %min3A_1262, %shift_right_arithmetic3A_1264 : vector<16xi32>
      %and3A_1266 = arith.constant 1 : i32
      %and3A_1267 = vector.broadcast %and3A_1266 : i32 to vector<16xi32>
      %and3A_1268 = arith.andi %min3A_1262, %and3A_1267 : vector<16xi32>
      %mul3A_1269 = arith.constant 33555 : i32
      %mul3A_1270 = vector.broadcast %mul3A_1269 : i32 to vector<16xi32>
      %mul3A_1271 = arith.muli %min3A_1262, %mul3A_1270 : vector<16xi32>
      %shift_right_arithmetic3A_1272 = arith.constant 25 : i32
      %shift_right_arithmetic3A_1273 = vector.broadcast %shift_right_arithmetic3A_1272 : i32 to vector<16xi32>
      %shift_right_arithmetic3A_1274 = arith.shrsi %mul3A_1271, %shift_right_arithmetic3A_1273 : vector<16xi32>
      %gather3A_1275 = tpu.vector_load_idx %arg7[%shift_right_arithmetic3A_1265] : memref<1000xi32, #tpu.memory_space<vmem>>[vector<16xi32>], vector<16xi32>,
      %gather3A_1276 = tpu.vector_load_idx %arg8[%shift_right_arithmetic3A_1265] : memref<1000xi32, #tpu.memory_space<vmem>>[vector<16xi32>], vector<16xi32>,
      %convert_element_type3A = arith.sitofp %gather3A_1276 : vector<16xi32> to vector<16xf32>
      %mul3A_1277 = arith.constant 2 : i32
      %mul3A_1278 = vector.broadcast %mul3A_1277 : i32 to vector<16xi32>
      %mul3A_1279 = arith.muli %shift_right_arithmetic3A_1274, %mul3A_1278 : vector<16xi32>
      %add3A_1280 = arith.addi %mul3A_1279, %and3A_1268 : vector<16xi32>
      %shift_left3A = arith.constant 9 : i32
      %shift_left3A_1281 = vector.broadcast %shift_left3A : i32 to vector<16xi32>
      %shift_left3A_1282 = arith.shli %add3A_1280, %shift_left3A_1281 : vector<16xi32>
      %shift_right_arithmetic3A_1283 = arith.constant 9 : i32
      %shift_right_arithmetic3A_1284 = vector.broadcast %shift_right_arithmetic3A_1283 : i32 to vector<16xi32>
      %shift_right_arithmetic3A_1285 = arith.shrsi %gather3A_1275, %shift_right_arithmetic3A_1284 : vector<16xi32>
      %add3A_1286 = arith.addi %shift_left3A_1282, %shift_right_arithmetic3A_1285 : vector<16xi32>
      %and3A_1287 = arith.constant 63 : i32
      %and3A_1288 = vector.broadcast %and3A_1287 : i32 to vector<16xi32>
      %and3A_1289 = arith.andi %add3A_1286, %and3A_1288 : vector<16xi32>
      %and3A_1290 = arith.constant 511 : i32
      %and3A_1291 = vector.broadcast %and3A_1290 : i32 to vector<16xi32>
      %and3A_1292 = arith.andi %gather3A_1275, %and3A_1291 : vector<16xi32>
      %gather3A_1293 = tpu.vector_load_idx %arg16[%and3A_1289, %and3A_1292] : memref<64x512xf32, #tpu.memory_space<vmem>>[vector<16xi32>, vector<16xi32>], vector<16xf32>,
      %mul3A_1294 = arith.mulf %gather3A_1293, %convert_element_type3A : vector<16xf32>
      tpu.vector_store_idx %arg9[%min3A_1262], %mul3A_1294 masked %lt3A_1255 : memref<2000xf32, #tpu.memory_space<vmem>>[vector<16xi32>], vector<16xf32>, vector<16xi1>
      %while3A_1295 = arith.constant 0 : i32
      scf.yield %while3A_1295 : i32
    }
    %while3A_953 = arith.constant 1 : i32
    %while3A_954 = scf.for %while3A_1248 = %while3A_950 to %while3A_946 step %while3A_953 iter_args(%while3A_1249 = %while3A_952) -> (i32)  : i32 {
      %mul3A_1250 = arith.constant 16 : i32
      %mul3A_1251 = arith.muli %while3A_1248, %mul3A_1250 : i32
      %add3A_1252 = arith.addi %squeeze3A_935, %mul3A_1251 : i32
      %add3A_1253 = vector.broadcast %add3A_1252 : i32 to vector<16xi32>
      %add3A_1254 = arith.addi %add3A_1253, %iota3A : vector<16xi32>
      %lt3A = vector.broadcast %squeeze3A_937 : i32 to vector<16xi32>
      %lt3A_1255 = arith.cmpi slt, %add3A_1254, %lt3A : vector<16xi32>
      %and3A = arith.constant 2047 : i32
      %and3A_1256 = vector.broadcast %and3A : i32 to vector<16xi32>
      %and3A_1257 = arith.andi %add3A_1254, %and3A_1256 : vector<16xi32>
      %gather3A = tpu.vector_load_idx %arg12[%and3A_1257] : memref<2048xi32, #tpu.memory_space<vmem>>[vector<16xi32>], vector<16xi32>,
      %and3A_1258 = arith.constant 2047 : i32
      %and3A_1259 = vector.broadcast %and3A_1258 : i32 to vector<16xi32>
      %and3A_1260 = arith.andi %gather3A, %and3A_1259 : vector<16xi32>
      %min3A = arith.constant 1999 : i32
      %min3A_1261 = vector.broadcast %min3A : i32 to vector<16xi32>
      %min3A_1262 = arith.minsi %and3A_1260, %min3A_1261 : vector<16xi32>
      %shift_right_arithmetic3A_1263 = arith.constant 1 : i32
      %shift_right_arithmetic3A_1264 = vector.broadcast %shift_right_arithmetic3A_1263 : i32 to vector<16xi32>
      %shift_right_arithmetic3A_1265 = arith.shrsi %min3A_1262, %shift_right_arithmetic3A_1264 : vector<16xi32>
      %and3A_1266 = arith.constant 1 : i32
      %and3A_1267 = vector.broadcast %and3A_1266 : i32 to vector<16xi32>
      %and3A_1268 = arith.andi %min3A_1262, %and3A_1267 : vector<16xi32>
      %mul3A_1269 = arith.constant 33555 : i32
      %mul3A_1270 = vector.broadcast %mul3A_1269 : i32 to vector<16xi32>
      %mul3A_1271 = arith.muli %min3A_1262, %mul3A_1270 : vector<16xi32>
      %shift_right_arithmetic3A_1272 = arith.constant 25 : i32
      %shift_right_arithmetic3A_1273 = vector.broadcast %shift_right_arithmetic3A_1272 : i32 to vector<16xi32>
      %shift_right_arithmetic3A_1274 = arith.shrsi %mul3A_1271, %shift_right_arithmetic3A_1273 : vector<16xi32>
      %gather3A_1275 = tpu.vector_load_idx %arg7[%shift_right_arithmetic3A_1265] : memref<1000xi32, #tpu.memory_space<vmem>>[vector<16xi32>], vector<16xi32>,
      %gather3A_1276 = tpu.vector_load_idx %arg8[%shift_right_arithmetic3A_1265] : memref<1000xi32, #tpu.memory_space<vmem>>[vector<16xi32>], vector<16xi32>,
      %convert_element_type3A = arith.sitofp %gather3A_1276 : vector<16xi32> to vector<16xf32>
      %mul3A_1277 = arith.constant 2 : i32
      %mul3A_1278 = vector.broadcast %mul3A_1277 : i32 to vector<16xi32>
      %mul3A_1279 = arith.muli %shift_right_arithmetic3A_1274, %mul3A_1278 : vector<16xi32>
      %add3A_1280 = arith.addi %mul3A_1279, %and3A_1268 : vector<16xi32>
      %shift_left3A = arith.constant 9 : i32
      %shift_left3A_1281 = vector.broadcast %shift_left3A : i32 to vector<16xi32>
      %shift_left3A_1282 = arith.shli %add3A_1280, %shift_left3A_1281 : vector<16xi32>
      %shift_right_arithmetic3A_1283 = arith.constant 9 : i32
      %shift_right_arithmetic3A_1284 = vector.broadcast %shift_right_arithmetic3A_1283 : i32 to vector<16xi32>
      %shift_right_arithmetic3A_1285 = arith.shrsi %gather3A_1275, %shift_right_arithmetic3A_1284 : vector<16xi32>
      %add3A_1286 = arith.addi %shift_left3A_1282, %shift_right_arithmetic3A_1285 : vector<16xi32>
      %and3A_1287 = arith.constant 63 : i32
      %and3A_1288 = vector.broadcast %and3A_1287 : i32 to vector<16xi32>
      %and3A_1289 = arith.andi %add3A_1286, %and3A_1288 : vector<16xi32>
      %and3A_1290 = arith.constant 511 : i32
      %and3A_1291 = vector.broadcast %and3A_1290 : i32 to vector<16xi32>
      %and3A_1292 = arith.andi %gather3A_1275, %and3A_1291 : vector<16xi32>
      %gather3A_1293 = tpu.vector_load_idx %arg16[%and3A_1289, %and3A_1292] : memref<64x512xf32, #tpu.memory_space<vmem>>[vector<16xi32>, vector<16xi32>], vector<16xf32>,
      %mul3A_1294 = arith.mulf %gather3A_1293, %convert_element_type3A : vector<16xf32>
      tpu.vector_store_idx %arg9[%min3A_1262], %mul3A_1294 masked %lt3A_1255 : memref<2000xf32, #tpu.memory_space<vmem>>[vector<16xi32>], vector<16xf32>, vector<16xi1>
      %while3A_1295 = arith.constant 0 : i32
      scf.yield %while3A_1295 : i32
    }
    %dma_wait3A_955 = tpu.memref_reshape %arg2 : memref<64x2x512x512xf32, #tpu.memory_space<hbm>> -> memref<65536x512xf32, #tpu.memory_space<hbm>>
    %dma_wait3A_956 = arith.constant 0 : i32
    %dma_wait3A_957 = tpu.memref_slice %dma_wait3A_955[%multiple_of3A_927, %dma_wait3A_956] : memref<65536x512xf32, #tpu.memory_space<hbm>> -> memref<64x512xf32, #tpu.memory_space<hbm>>
    %dma_wait3A_958 = tpu.memref_reshape %arg2 : memref<64x2x512x512xf32, #tpu.memory_space<hbm>> -> memref<65536x512xf32, #tpu.memory_space<hbm>>
    %dma_wait3A_959 = arith.constant 0 : i32
    %dma_wait3A_960 = tpu.memref_slice %dma_wait3A_958[%multiple_of3A_927, %dma_wait3A_959] : memref<65536x512xf32, #tpu.memory_space<hbm>> -> memref<64x512xf32, #tpu.memory_space<hbm>>
    tpu.wait_dma2 semaphore(%arg17 : memref<!tpu.dma_semaphore, #tpu.memory_space<semaphore_mem>>) src(%dma_wait3A_960 : memref<64x512xf32, #tpu.memory_space<hbm>>) dst(%arg15 : memref<64x512xf32, #tpu.memory_space<vmem>>)
    %mul3A_961 = arith.constant 2048 : i32
    %mul3A_962 = arith.muli %add3A, %mul3A_961 : i32
    %add3A_963 = arith.constant 1600 : i32
    %add3A_964 = arith.addi %mul3A_962, %add3A_963 : i32
    %multiple_of3A_965 = tpu.assume_multiple %add3A_964, 64 : i32
    %dma_start3A_966 = tpu.memref_reshape %arg2 : memref<64x2x512x512xf32, #tpu.memory_space<hbm>> -> memref<65536x512xf32, #tpu.memory_space<hbm>>
    %dma_start3A_967 = arith.constant 0 : i32
    %dma_start3A_968 = tpu.memref_slice %dma_start3A_966[%multiple_of3A_965, %dma_start3A_967] : memref<65536x512xf32, #tpu.memory_space<hbm>> -> memref<64x512xf32, #tpu.memory_space<hbm>>
    %dma_start3A_969 = tpu.memref_reshape %arg2 : memref<64x2x512x512xf32, #tpu.memory_space<hbm>> -> memref<65536x512xf32, #tpu.memory_space<hbm>>
    %dma_start3A_970 = arith.constant 0 : i32
    %dma_start3A_971 = tpu.memref_slice %dma_start3A_969[%multiple_of3A_965, %dma_start3A_970] : memref<65536x512xf32, #tpu.memory_space<hbm>> -> memref<64x512xf32, #tpu.memory_space<hbm>>
    tpu.enqueue_dma source(%dma_start3A_971 : memref<64x512xf32, #tpu.memory_space<hbm>>) target(%arg16 : memref<64x512xf32, #tpu.memory_space<vmem>>) target_semaphore(%arg18 : memref<!tpu.dma_semaphore, #tpu.memory_space<semaphore_mem>>)
    %slice3A_972 = vector.extract_strided_slice %add3A_23 {offsets = [8], sizes = [1], strides = [1]} : vector<16xi32> to vector<1xi32>
    %squeeze3A_973 = vector.extract %slice3A_972[0] : i32 from vector<1xi32>
    %slice3A_974 = vector.extract_strided_slice %add3A_25 {offsets = [8], sizes = [1], strides = [1]} : vector<16xi32> to vector<1xi32>
    %squeeze3A_975 = vector.extract %slice3A_974[0] : i32 from vector<1xi32>
    %sub3A_976 = arith.subi %squeeze3A_975, %squeeze3A_973 : i32
    %add3A_977 = arith.constant 15 : i32
    %add3A_978 = arith.addi %sub3A_976, %add3A_977 : i32
    %shift_right_arithmetic3A_979 = arith.constant 4 : i32
    %shift_right_arithmetic3A_980 = arith.shrsi %add3A_978, %shift_right_arithmetic3A_979 : i32
    %while3A_981 = arith.constant 0 : i32
    %while3A_982 = arith.constant 0 : i32
    %while3A_983 = arith.subi %shift_right_arithmetic3A_980, %while3A_981 : i32
    %while3A_984 = arith.addi %while3A_981, %while3A_983 : i32
    %while3A_985 = arith.constant 1 : i32
    %while3A_986 = arith.divsi %while3A_983, %while3A_985 : i32
    %while3A_987 = arith.muli %while3A_986, %while3A_985 : i32
    %while3A_988 = arith.addi %while3A_981, %while3A_987 : i32
    %while3A_989 = arith.constant 1 : i32
    %while3A_990 = scf.for %while3A_1248 = %while3A_981 to %while3A_988 step %while3A_989 iter_args(%while3A_1249 = %while3A_982) -> (i32)  : i32 {
      %mul3A_1250 = arith.constant 16 : i32
      %mul3A_1251 = arith.muli %while3A_1248, %mul3A_1250 : i32
      %add3A_1252 = arith.addi %squeeze3A_973, %mul3A_1251 : i32
      %add3A_1253 = vector.broadcast %add3A_1252 : i32 to vector<16xi32>
      %add3A_1254 = arith.addi %add3A_1253, %iota3A : vector<16xi32>
      %lt3A = vector.broadcast %squeeze3A_975 : i32 to vector<16xi32>
      %lt3A_1255 = arith.cmpi slt, %add3A_1254, %lt3A : vector<16xi32>
      %and3A = arith.constant 2047 : i32
      %and3A_1256 = vector.broadcast %and3A : i32 to vector<16xi32>
      %and3A_1257 = arith.andi %add3A_1254, %and3A_1256 : vector<16xi32>
      %gather3A = tpu.vector_load_idx %arg12[%and3A_1257] : memref<2048xi32, #tpu.memory_space<vmem>>[vector<16xi32>], vector<16xi32>,
      %and3A_1258 = arith.constant 2047 : i32
      %and3A_1259 = vector.broadcast %and3A_1258 : i32 to vector<16xi32>
      %and3A_1260 = arith.andi %gather3A, %and3A_1259 : vector<16xi32>
      %min3A = arith.constant 1999 : i32
      %min3A_1261 = vector.broadcast %min3A : i32 to vector<16xi32>
      %min3A_1262 = arith.minsi %and3A_1260, %min3A_1261 : vector<16xi32>
      %shift_right_arithmetic3A_1263 = arith.constant 1 : i32
      %shift_right_arithmetic3A_1264 = vector.broadcast %shift_right_arithmetic3A_1263 : i32 to vector<16xi32>
      %shift_right_arithmetic3A_1265 = arith.shrsi %min3A_1262, %shift_right_arithmetic3A_1264 : vector<16xi32>
      %and3A_1266 = arith.constant 1 : i32
      %and3A_1267 = vector.broadcast %and3A_1266 : i32 to vector<16xi32>
      %and3A_1268 = arith.andi %min3A_1262, %and3A_1267 : vector<16xi32>
      %mul3A_1269 = arith.constant 33555 : i32
      %mul3A_1270 = vector.broadcast %mul3A_1269 : i32 to vector<16xi32>
      %mul3A_1271 = arith.muli %min3A_1262, %mul3A_1270 : vector<16xi32>
      %shift_right_arithmetic3A_1272 = arith.constant 25 : i32
      %shift_right_arithmetic3A_1273 = vector.broadcast %shift_right_arithmetic3A_1272 : i32 to vector<16xi32>
      %shift_right_arithmetic3A_1274 = arith.shrsi %mul3A_1271, %shift_right_arithmetic3A_1273 : vector<16xi32>
      %gather3A_1275 = tpu.vector_load_idx %arg7[%shift_right_arithmetic3A_1265] : memref<1000xi32, #tpu.memory_space<vmem>>[vector<16xi32>], vector<16xi32>,
      %gather3A_1276 = tpu.vector_load_idx %arg8[%shift_right_arithmetic3A_1265] : memref<1000xi32, #tpu.memory_space<vmem>>[vector<16xi32>], vector<16xi32>,
      %convert_element_type3A = arith.sitofp %gather3A_1276 : vector<16xi32> to vector<16xf32>
      %mul3A_1277 = arith.constant 2 : i32
      %mul3A_1278 = vector.broadcast %mul3A_1277 : i32 to vector<16xi32>
      %mul3A_1279 = arith.muli %shift_right_arithmetic3A_1274, %mul3A_1278 : vector<16xi32>
      %add3A_1280 = arith.addi %mul3A_1279, %and3A_1268 : vector<16xi32>
      %shift_left3A = arith.constant 9 : i32
      %shift_left3A_1281 = vector.broadcast %shift_left3A : i32 to vector<16xi32>
      %shift_left3A_1282 = arith.shli %add3A_1280, %shift_left3A_1281 : vector<16xi32>
      %shift_right_arithmetic3A_1283 = arith.constant 9 : i32
      %shift_right_arithmetic3A_1284 = vector.broadcast %shift_right_arithmetic3A_1283 : i32 to vector<16xi32>
      %shift_right_arithmetic3A_1285 = arith.shrsi %gather3A_1275, %shift_right_arithmetic3A_1284 : vector<16xi32>
      %add3A_1286 = arith.addi %shift_left3A_1282, %shift_right_arithmetic3A_1285 : vector<16xi32>
      %and3A_1287 = arith.constant 63 : i32
      %and3A_1288 = vector.broadcast %and3A_1287 : i32 to vector<16xi32>
      %and3A_1289 = arith.andi %add3A_1286, %and3A_1288 : vector<16xi32>
      %and3A_1290 = arith.constant 511 : i32
      %and3A_1291 = vector.broadcast %and3A_1290 : i32 to vector<16xi32>
      %and3A_1292 = arith.andi %gather3A_1275, %and3A_1291 : vector<16xi32>
      %gather3A_1293 = tpu.vector_load_idx %arg15[%and3A_1289, %and3A_1292] : memref<64x512xf32, #tpu.memory_space<vmem>>[vector<16xi32>, vector<16xi32>], vector<16xf32>,
      %mul3A_1294 = arith.mulf %gather3A_1293, %convert_element_type3A : vector<16xf32>
      tpu.vector_store_idx %arg9[%min3A_1262], %mul3A_1294 masked %lt3A_1255 : memref<2000xf32, #tpu.memory_space<vmem>>[vector<16xi32>], vector<16xf32>, vector<16xi1>
      %while3A_1295 = arith.constant 0 : i32
      scf.yield %while3A_1295 : i32
    }
    %while3A_991 = arith.constant 1 : i32
    %while3A_992 = scf.for %while3A_1248 = %while3A_988 to %while3A_984 step %while3A_991 iter_args(%while3A_1249 = %while3A_990) -> (i32)  : i32 {
      %mul3A_1250 = arith.constant 16 : i32
      %mul3A_1251 = arith.muli %while3A_1248, %mul3A_1250 : i32
      %add3A_1252 = arith.addi %squeeze3A_973, %mul3A_1251 : i32
      %add3A_1253 = vector.broadcast %add3A_1252 : i32 to vector<16xi32>
      %add3A_1254 = arith.addi %add3A_1253, %iota3A : vector<16xi32>
      %lt3A = vector.broadcast %squeeze3A_975 : i32 to vector<16xi32>
      %lt3A_1255 = arith.cmpi slt, %add3A_1254, %lt3A : vector<16xi32>
      %and3A = arith.constant 2047 : i32
      %and3A_1256 = vector.broadcast %and3A : i32 to vector<16xi32>
      %and3A_1257 = arith.andi %add3A_1254, %and3A_1256 : vector<16xi32>
      %gather3A = tpu.vector_load_idx %arg12[%and3A_1257] : memref<2048xi32, #tpu.memory_space<vmem>>[vector<16xi32>], vector<16xi32>,
      %and3A_1258 = arith.constant 2047 : i32
      %and3A_1259 = vector.broadcast %and3A_1258 : i32 to vector<16xi32>
      %and3A_1260 = arith.andi %gather3A, %and3A_1259 : vector<16xi32>
      %min3A = arith.constant 1999 : i32
      %min3A_1261 = vector.broadcast %min3A : i32 to vector<16xi32>
      %min3A_1262 = arith.minsi %and3A_1260, %min3A_1261 : vector<16xi32>
      %shift_right_arithmetic3A_1263 = arith.constant 1 : i32
      %shift_right_arithmetic3A_1264 = vector.broadcast %shift_right_arithmetic3A_1263 : i32 to vector<16xi32>
      %shift_right_arithmetic3A_1265 = arith.shrsi %min3A_1262, %shift_right_arithmetic3A_1264 : vector<16xi32>
      %and3A_1266 = arith.constant 1 : i32
      %and3A_1267 = vector.broadcast %and3A_1266 : i32 to vector<16xi32>
      %and3A_1268 = arith.andi %min3A_1262, %and3A_1267 : vector<16xi32>
      %mul3A_1269 = arith.constant 33555 : i32
      %mul3A_1270 = vector.broadcast %mul3A_1269 : i32 to vector<16xi32>
      %mul3A_1271 = arith.muli %min3A_1262, %mul3A_1270 : vector<16xi32>
      %shift_right_arithmetic3A_1272 = arith.constant 25 : i32
      %shift_right_arithmetic3A_1273 = vector.broadcast %shift_right_arithmetic3A_1272 : i32 to vector<16xi32>
      %shift_right_arithmetic3A_1274 = arith.shrsi %mul3A_1271, %shift_right_arithmetic3A_1273 : vector<16xi32>
      %gather3A_1275 = tpu.vector_load_idx %arg7[%shift_right_arithmetic3A_1265] : memref<1000xi32, #tpu.memory_space<vmem>>[vector<16xi32>], vector<16xi32>,
      %gather3A_1276 = tpu.vector_load_idx %arg8[%shift_right_arithmetic3A_1265] : memref<1000xi32, #tpu.memory_space<vmem>>[vector<16xi32>], vector<16xi32>,
      %convert_element_type3A = arith.sitofp %gather3A_1276 : vector<16xi32> to vector<16xf32>
      %mul3A_1277 = arith.constant 2 : i32
      %mul3A_1278 = vector.broadcast %mul3A_1277 : i32 to vector<16xi32>
      %mul3A_1279 = arith.muli %shift_right_arithmetic3A_1274, %mul3A_1278 : vector<16xi32>
      %add3A_1280 = arith.addi %mul3A_1279, %and3A_1268 : vector<16xi32>
      %shift_left3A = arith.constant 9 : i32
      %shift_left3A_1281 = vector.broadcast %shift_left3A : i32 to vector<16xi32>
      %shift_left3A_1282 = arith.shli %add3A_1280, %shift_left3A_1281 : vector<16xi32>
      %shift_right_arithmetic3A_1283 = arith.constant 9 : i32
      %shift_right_arithmetic3A_1284 = vector.broadcast %shift_right_arithmetic3A_1283 : i32 to vector<16xi32>
      %shift_right_arithmetic3A_1285 = arith.shrsi %gather3A_1275, %shift_right_arithmetic3A_1284 : vector<16xi32>
      %add3A_1286 = arith.addi %shift_left3A_1282, %shift_right_arithmetic3A_1285 : vector<16xi32>
      %and3A_1287 = arith.constant 63 : i32
      %and3A_1288 = vector.broadcast %and3A_1287 : i32 to vector<16xi32>
      %and3A_1289 = arith.andi %add3A_1286, %and3A_1288 : vector<16xi32>
      %and3A_1290 = arith.constant 511 : i32
      %and3A_1291 = vector.broadcast %and3A_1290 : i32 to vector<16xi32>
      %and3A_1292 = arith.andi %gather3A_1275, %and3A_1291 : vector<16xi32>
      %gather3A_1293 = tpu.vector_load_idx %arg15[%and3A_1289, %and3A_1292] : memref<64x512xf32, #tpu.memory_space<vmem>>[vector<16xi32>, vector<16xi32>], vector<16xf32>,
      %mul3A_1294 = arith.mulf %gather3A_1293, %convert_element_type3A : vector<16xf32>
      tpu.vector_store_idx %arg9[%min3A_1262], %mul3A_1294 masked %lt3A_1255 : memref<2000xf32, #tpu.memory_space<vmem>>[vector<16xi32>], vector<16xf32>, vector<16xi1>
      %while3A_1295 = arith.constant 0 : i32
      scf.yield %while3A_1295 : i32
    }
    %dma_wait3A_993 = tpu.memref_reshape %arg2 : memref<64x2x512x512xf32, #tpu.memory_space<hbm>> -> memref<65536x512xf32, #tpu.memory_space<hbm>>
    %dma_wait3A_994 = arith.constant 0 : i32
    %dma_wait3A_995 = tpu.memref_slice %dma_wait3A_993[%multiple_of3A_965, %dma_wait3A_994] : memref<65536x512xf32, #tpu.memory_space<hbm>> -> memref<64x512xf32, #tpu.memory_space<hbm>>
    %dma_wait3A_996 = tpu.memref_reshape %arg2 : memref<64x2x512x512xf32, #tpu.memory_space<hbm>> -> memref<65536x512xf32, #tpu.memory_space<hbm>>
    %dma_wait3A_997 = arith.constant 0 : i32
    %dma_wait3A_998 = tpu.memref_slice %dma_wait3A_996[%multiple_of3A_965, %dma_wait3A_997] : memref<65536x512xf32, #tpu.memory_space<hbm>> -> memref<64x512xf32, #tpu.memory_space<hbm>>
    tpu.wait_dma2 semaphore(%arg18 : memref<!tpu.dma_semaphore, #tpu.memory_space<semaphore_mem>>) src(%dma_wait3A_998 : memref<64x512xf32, #tpu.memory_space<hbm>>) dst(%arg16 : memref<64x512xf32, #tpu.memory_space<vmem>>)
    %mul3A_999 = arith.constant 2048 : i32
    %mul3A_1000 = arith.muli %add3A, %mul3A_999 : i32
    %add3A_1001 = arith.constant 1664 : i32
    %add3A_1002 = arith.addi %mul3A_1000, %add3A_1001 : i32
    %multiple_of3A_1003 = tpu.assume_multiple %add3A_1002, 64 : i32
    %dma_start3A_1004 = tpu.memref_reshape %arg2 : memref<64x2x512x512xf32, #tpu.memory_space<hbm>> -> memref<65536x512xf32, #tpu.memory_space<hbm>>
    %dma_start3A_1005 = arith.constant 0 : i32
    %dma_start3A_1006 = tpu.memref_slice %dma_start3A_1004[%multiple_of3A_1003, %dma_start3A_1005] : memref<65536x512xf32, #tpu.memory_space<hbm>> -> memref<64x512xf32, #tpu.memory_space<hbm>>
    %dma_start3A_1007 = tpu.memref_reshape %arg2 : memref<64x2x512x512xf32, #tpu.memory_space<hbm>> -> memref<65536x512xf32, #tpu.memory_space<hbm>>
    %dma_start3A_1008 = arith.constant 0 : i32
    %dma_start3A_1009 = tpu.memref_slice %dma_start3A_1007[%multiple_of3A_1003, %dma_start3A_1008] : memref<65536x512xf32, #tpu.memory_space<hbm>> -> memref<64x512xf32, #tpu.memory_space<hbm>>
    tpu.enqueue_dma source(%dma_start3A_1009 : memref<64x512xf32, #tpu.memory_space<hbm>>) target(%arg15 : memref<64x512xf32, #tpu.memory_space<vmem>>) target_semaphore(%arg17 : memref<!tpu.dma_semaphore, #tpu.memory_space<semaphore_mem>>)
    %slice3A_1010 = vector.extract_strided_slice %add3A_23 {offsets = [9], sizes = [1], strides = [1]} : vector<16xi32> to vector<1xi32>
    %squeeze3A_1011 = vector.extract %slice3A_1010[0] : i32 from vector<1xi32>
    %slice3A_1012 = vector.extract_strided_slice %add3A_25 {offsets = [9], sizes = [1], strides = [1]} : vector<16xi32> to vector<1xi32>
    %squeeze3A_1013 = vector.extract %slice3A_1012[0] : i32 from vector<1xi32>
    %sub3A_1014 = arith.subi %squeeze3A_1013, %squeeze3A_1011 : i32
    %add3A_1015 = arith.constant 15 : i32
    %add3A_1016 = arith.addi %sub3A_1014, %add3A_1015 : i32
    %shift_right_arithmetic3A_1017 = arith.constant 4 : i32
    %shift_right_arithmetic3A_1018 = arith.shrsi %add3A_1016, %shift_right_arithmetic3A_1017 : i32
    %while3A_1019 = arith.constant 0 : i32
    %while3A_1020 = arith.constant 0 : i32
    %while3A_1021 = arith.subi %shift_right_arithmetic3A_1018, %while3A_1019 : i32
    %while3A_1022 = arith.addi %while3A_1019, %while3A_1021 : i32
    %while3A_1023 = arith.constant 1 : i32
    %while3A_1024 = arith.divsi %while3A_1021, %while3A_1023 : i32
    %while3A_1025 = arith.muli %while3A_1024, %while3A_1023 : i32
    %while3A_1026 = arith.addi %while3A_1019, %while3A_1025 : i32
    %while3A_1027 = arith.constant 1 : i32
    %while3A_1028 = scf.for %while3A_1248 = %while3A_1019 to %while3A_1026 step %while3A_1027 iter_args(%while3A_1249 = %while3A_1020) -> (i32)  : i32 {
      %mul3A_1250 = arith.constant 16 : i32
      %mul3A_1251 = arith.muli %while3A_1248, %mul3A_1250 : i32
      %add3A_1252 = arith.addi %squeeze3A_1011, %mul3A_1251 : i32
      %add3A_1253 = vector.broadcast %add3A_1252 : i32 to vector<16xi32>
      %add3A_1254 = arith.addi %add3A_1253, %iota3A : vector<16xi32>
      %lt3A = vector.broadcast %squeeze3A_1013 : i32 to vector<16xi32>
      %lt3A_1255 = arith.cmpi slt, %add3A_1254, %lt3A : vector<16xi32>
      %and3A = arith.constant 2047 : i32
      %and3A_1256 = vector.broadcast %and3A : i32 to vector<16xi32>
      %and3A_1257 = arith.andi %add3A_1254, %and3A_1256 : vector<16xi32>
      %gather3A = tpu.vector_load_idx %arg12[%and3A_1257] : memref<2048xi32, #tpu.memory_space<vmem>>[vector<16xi32>], vector<16xi32>,
      %and3A_1258 = arith.constant 2047 : i32
      %and3A_1259 = vector.broadcast %and3A_1258 : i32 to vector<16xi32>
      %and3A_1260 = arith.andi %gather3A, %and3A_1259 : vector<16xi32>
      %min3A = arith.constant 1999 : i32
      %min3A_1261 = vector.broadcast %min3A : i32 to vector<16xi32>
      %min3A_1262 = arith.minsi %and3A_1260, %min3A_1261 : vector<16xi32>
      %shift_right_arithmetic3A_1263 = arith.constant 1 : i32
      %shift_right_arithmetic3A_1264 = vector.broadcast %shift_right_arithmetic3A_1263 : i32 to vector<16xi32>
      %shift_right_arithmetic3A_1265 = arith.shrsi %min3A_1262, %shift_right_arithmetic3A_1264 : vector<16xi32>
      %and3A_1266 = arith.constant 1 : i32
      %and3A_1267 = vector.broadcast %and3A_1266 : i32 to vector<16xi32>
      %and3A_1268 = arith.andi %min3A_1262, %and3A_1267 : vector<16xi32>
      %mul3A_1269 = arith.constant 33555 : i32
      %mul3A_1270 = vector.broadcast %mul3A_1269 : i32 to vector<16xi32>
      %mul3A_1271 = arith.muli %min3A_1262, %mul3A_1270 : vector<16xi32>
      %shift_right_arithmetic3A_1272 = arith.constant 25 : i32
      %shift_right_arithmetic3A_1273 = vector.broadcast %shift_right_arithmetic3A_1272 : i32 to vector<16xi32>
      %shift_right_arithmetic3A_1274 = arith.shrsi %mul3A_1271, %shift_right_arithmetic3A_1273 : vector<16xi32>
      %gather3A_1275 = tpu.vector_load_idx %arg7[%shift_right_arithmetic3A_1265] : memref<1000xi32, #tpu.memory_space<vmem>>[vector<16xi32>], vector<16xi32>,
      %gather3A_1276 = tpu.vector_load_idx %arg8[%shift_right_arithmetic3A_1265] : memref<1000xi32, #tpu.memory_space<vmem>>[vector<16xi32>], vector<16xi32>,
      %convert_element_type3A = arith.sitofp %gather3A_1276 : vector<16xi32> to vector<16xf32>
      %mul3A_1277 = arith.constant 2 : i32
      %mul3A_1278 = vector.broadcast %mul3A_1277 : i32 to vector<16xi32>
      %mul3A_1279 = arith.muli %shift_right_arithmetic3A_1274, %mul3A_1278 : vector<16xi32>
      %add3A_1280 = arith.addi %mul3A_1279, %and3A_1268 : vector<16xi32>
      %shift_left3A = arith.constant 9 : i32
      %shift_left3A_1281 = vector.broadcast %shift_left3A : i32 to vector<16xi32>
      %shift_left3A_1282 = arith.shli %add3A_1280, %shift_left3A_1281 : vector<16xi32>
      %shift_right_arithmetic3A_1283 = arith.constant 9 : i32
      %shift_right_arithmetic3A_1284 = vector.broadcast %shift_right_arithmetic3A_1283 : i32 to vector<16xi32>
      %shift_right_arithmetic3A_1285 = arith.shrsi %gather3A_1275, %shift_right_arithmetic3A_1284 : vector<16xi32>
      %add3A_1286 = arith.addi %shift_left3A_1282, %shift_right_arithmetic3A_1285 : vector<16xi32>
      %and3A_1287 = arith.constant 63 : i32
      %and3A_1288 = vector.broadcast %and3A_1287 : i32 to vector<16xi32>
      %and3A_1289 = arith.andi %add3A_1286, %and3A_1288 : vector<16xi32>
      %and3A_1290 = arith.constant 511 : i32
      %and3A_1291 = vector.broadcast %and3A_1290 : i32 to vector<16xi32>
      %and3A_1292 = arith.andi %gather3A_1275, %and3A_1291 : vector<16xi32>
      %gather3A_1293 = tpu.vector_load_idx %arg16[%and3A_1289, %and3A_1292] : memref<64x512xf32, #tpu.memory_space<vmem>>[vector<16xi32>, vector<16xi32>], vector<16xf32>,
      %mul3A_1294 = arith.mulf %gather3A_1293, %convert_element_type3A : vector<16xf32>
      tpu.vector_store_idx %arg9[%min3A_1262], %mul3A_1294 masked %lt3A_1255 : memref<2000xf32, #tpu.memory_space<vmem>>[vector<16xi32>], vector<16xf32>, vector<16xi1>
      %while3A_1295 = arith.constant 0 : i32
      scf.yield %while3A_1295 : i32
    }
    %while3A_1029 = arith.constant 1 : i32
    %while3A_1030 = scf.for %while3A_1248 = %while3A_1026 to %while3A_1022 step %while3A_1029 iter_args(%while3A_1249 = %while3A_1028) -> (i32)  : i32 {
      %mul3A_1250 = arith.constant 16 : i32
      %mul3A_1251 = arith.muli %while3A_1248, %mul3A_1250 : i32
      %add3A_1252 = arith.addi %squeeze3A_1011, %mul3A_1251 : i32
      %add3A_1253 = vector.broadcast %add3A_1252 : i32 to vector<16xi32>
      %add3A_1254 = arith.addi %add3A_1253, %iota3A : vector<16xi32>
      %lt3A = vector.broadcast %squeeze3A_1013 : i32 to vector<16xi32>
      %lt3A_1255 = arith.cmpi slt, %add3A_1254, %lt3A : vector<16xi32>
      %and3A = arith.constant 2047 : i32
      %and3A_1256 = vector.broadcast %and3A : i32 to vector<16xi32>
      %and3A_1257 = arith.andi %add3A_1254, %and3A_1256 : vector<16xi32>
      %gather3A = tpu.vector_load_idx %arg12[%and3A_1257] : memref<2048xi32, #tpu.memory_space<vmem>>[vector<16xi32>], vector<16xi32>,
      %and3A_1258 = arith.constant 2047 : i32
      %and3A_1259 = vector.broadcast %and3A_1258 : i32 to vector<16xi32>
      %and3A_1260 = arith.andi %gather3A, %and3A_1259 : vector<16xi32>
      %min3A = arith.constant 1999 : i32
      %min3A_1261 = vector.broadcast %min3A : i32 to vector<16xi32>
      %min3A_1262 = arith.minsi %and3A_1260, %min3A_1261 : vector<16xi32>
      %shift_right_arithmetic3A_1263 = arith.constant 1 : i32
      %shift_right_arithmetic3A_1264 = vector.broadcast %shift_right_arithmetic3A_1263 : i32 to vector<16xi32>
      %shift_right_arithmetic3A_1265 = arith.shrsi %min3A_1262, %shift_right_arithmetic3A_1264 : vector<16xi32>
      %and3A_1266 = arith.constant 1 : i32
      %and3A_1267 = vector.broadcast %and3A_1266 : i32 to vector<16xi32>
      %and3A_1268 = arith.andi %min3A_1262, %and3A_1267 : vector<16xi32>
      %mul3A_1269 = arith.constant 33555 : i32
      %mul3A_1270 = vector.broadcast %mul3A_1269 : i32 to vector<16xi32>
      %mul3A_1271 = arith.muli %min3A_1262, %mul3A_1270 : vector<16xi32>
      %shift_right_arithmetic3A_1272 = arith.constant 25 : i32
      %shift_right_arithmetic3A_1273 = vector.broadcast %shift_right_arithmetic3A_1272 : i32 to vector<16xi32>
      %shift_right_arithmetic3A_1274 = arith.shrsi %mul3A_1271, %shift_right_arithmetic3A_1273 : vector<16xi32>
      %gather3A_1275 = tpu.vector_load_idx %arg7[%shift_right_arithmetic3A_1265] : memref<1000xi32, #tpu.memory_space<vmem>>[vector<16xi32>], vector<16xi32>,
      %gather3A_1276 = tpu.vector_load_idx %arg8[%shift_right_arithmetic3A_1265] : memref<1000xi32, #tpu.memory_space<vmem>>[vector<16xi32>], vector<16xi32>,
      %convert_element_type3A = arith.sitofp %gather3A_1276 : vector<16xi32> to vector<16xf32>
      %mul3A_1277 = arith.constant 2 : i32
      %mul3A_1278 = vector.broadcast %mul3A_1277 : i32 to vector<16xi32>
      %mul3A_1279 = arith.muli %shift_right_arithmetic3A_1274, %mul3A_1278 : vector<16xi32>
      %add3A_1280 = arith.addi %mul3A_1279, %and3A_1268 : vector<16xi32>
      %shift_left3A = arith.constant 9 : i32
      %shift_left3A_1281 = vector.broadcast %shift_left3A : i32 to vector<16xi32>
      %shift_left3A_1282 = arith.shli %add3A_1280, %shift_left3A_1281 : vector<16xi32>
      %shift_right_arithmetic3A_1283 = arith.constant 9 : i32
      %shift_right_arithmetic3A_1284 = vector.broadcast %shift_right_arithmetic3A_1283 : i32 to vector<16xi32>
      %shift_right_arithmetic3A_1285 = arith.shrsi %gather3A_1275, %shift_right_arithmetic3A_1284 : vector<16xi32>
      %add3A_1286 = arith.addi %shift_left3A_1282, %shift_right_arithmetic3A_1285 : vector<16xi32>
      %and3A_1287 = arith.constant 63 : i32
      %and3A_1288 = vector.broadcast %and3A_1287 : i32 to vector<16xi32>
      %and3A_1289 = arith.andi %add3A_1286, %and3A_1288 : vector<16xi32>
      %and3A_1290 = arith.constant 511 : i32
      %and3A_1291 = vector.broadcast %and3A_1290 : i32 to vector<16xi32>
      %and3A_1292 = arith.andi %gather3A_1275, %and3A_1291 : vector<16xi32>
      %gather3A_1293 = tpu.vector_load_idx %arg16[%and3A_1289, %and3A_1292] : memref<64x512xf32, #tpu.memory_space<vmem>>[vector<16xi32>, vector<16xi32>], vector<16xf32>,
      %mul3A_1294 = arith.mulf %gather3A_1293, %convert_element_type3A : vector<16xf32>
      tpu.vector_store_idx %arg9[%min3A_1262], %mul3A_1294 masked %lt3A_1255 : memref<2000xf32, #tpu.memory_space<vmem>>[vector<16xi32>], vector<16xf32>, vector<16xi1>
      %while3A_1295 = arith.constant 0 : i32
      scf.yield %while3A_1295 : i32
    }
    %dma_wait3A_1031 = tpu.memref_reshape %arg2 : memref<64x2x512x512xf32, #tpu.memory_space<hbm>> -> memref<65536x512xf32, #tpu.memory_space<hbm>>
    %dma_wait3A_1032 = arith.constant 0 : i32
    %dma_wait3A_1033 = tpu.memref_slice %dma_wait3A_1031[%multiple_of3A_1003, %dma_wait3A_1032] : memref<65536x512xf32, #tpu.memory_space<hbm>> -> memref<64x512xf32, #tpu.memory_space<hbm>>
    %dma_wait3A_1034 = tpu.memref_reshape %arg2 : memref<64x2x512x512xf32, #tpu.memory_space<hbm>> -> memref<65536x512xf32, #tpu.memory_space<hbm>>
    %dma_wait3A_1035 = arith.constant 0 : i32
    %dma_wait3A_1036 = tpu.memref_slice %dma_wait3A_1034[%multiple_of3A_1003, %dma_wait3A_1035] : memref<65536x512xf32, #tpu.memory_space<hbm>> -> memref<64x512xf32, #tpu.memory_space<hbm>>
    tpu.wait_dma2 semaphore(%arg17 : memref<!tpu.dma_semaphore, #tpu.memory_space<semaphore_mem>>) src(%dma_wait3A_1036 : memref<64x512xf32, #tpu.memory_space<hbm>>) dst(%arg15 : memref<64x512xf32, #tpu.memory_space<vmem>>)
    %mul3A_1037 = arith.constant 2048 : i32
    %mul3A_1038 = arith.muli %add3A, %mul3A_1037 : i32
    %add3A_1039 = arith.constant 1728 : i32
    %add3A_1040 = arith.addi %mul3A_1038, %add3A_1039 : i32
    %multiple_of3A_1041 = tpu.assume_multiple %add3A_1040, 64 : i32
    %dma_start3A_1042 = tpu.memref_reshape %arg2 : memref<64x2x512x512xf32, #tpu.memory_space<hbm>> -> memref<65536x512xf32, #tpu.memory_space<hbm>>
    %dma_start3A_1043 = arith.constant 0 : i32
    %dma_start3A_1044 = tpu.memref_slice %dma_start3A_1042[%multiple_of3A_1041, %dma_start3A_1043] : memref<65536x512xf32, #tpu.memory_space<hbm>> -> memref<64x512xf32, #tpu.memory_space<hbm>>
    %dma_start3A_1045 = tpu.memref_reshape %arg2 : memref<64x2x512x512xf32, #tpu.memory_space<hbm>> -> memref<65536x512xf32, #tpu.memory_space<hbm>>
    %dma_start3A_1046 = arith.constant 0 : i32
    %dma_start3A_1047 = tpu.memref_slice %dma_start3A_1045[%multiple_of3A_1041, %dma_start3A_1046] : memref<65536x512xf32, #tpu.memory_space<hbm>> -> memref<64x512xf32, #tpu.memory_space<hbm>>
    tpu.enqueue_dma source(%dma_start3A_1047 : memref<64x512xf32, #tpu.memory_space<hbm>>) target(%arg16 : memref<64x512xf32, #tpu.memory_space<vmem>>) target_semaphore(%arg18 : memref<!tpu.dma_semaphore, #tpu.memory_space<semaphore_mem>>)
    %slice3A_1048 = vector.extract_strided_slice %add3A_23 {offsets = [10], sizes = [1], strides = [1]} : vector<16xi32> to vector<1xi32>
    %squeeze3A_1049 = vector.extract %slice3A_1048[0] : i32 from vector<1xi32>
    %slice3A_1050 = vector.extract_strided_slice %add3A_25 {offsets = [10], sizes = [1], strides = [1]} : vector<16xi32> to vector<1xi32>
    %squeeze3A_1051 = vector.extract %slice3A_1050[0] : i32 from vector<1xi32>
    %sub3A_1052 = arith.subi %squeeze3A_1051, %squeeze3A_1049 : i32
    %add3A_1053 = arith.constant 15 : i32
    %add3A_1054 = arith.addi %sub3A_1052, %add3A_1053 : i32
    %shift_right_arithmetic3A_1055 = arith.constant 4 : i32
    %shift_right_arithmetic3A_1056 = arith.shrsi %add3A_1054, %shift_right_arithmetic3A_1055 : i32
    %while3A_1057 = arith.constant 0 : i32
    %while3A_1058 = arith.constant 0 : i32
    %while3A_1059 = arith.subi %shift_right_arithmetic3A_1056, %while3A_1057 : i32
    %while3A_1060 = arith.addi %while3A_1057, %while3A_1059 : i32
    %while3A_1061 = arith.constant 1 : i32
    %while3A_1062 = arith.divsi %while3A_1059, %while3A_1061 : i32
    %while3A_1063 = arith.muli %while3A_1062, %while3A_1061 : i32
    %while3A_1064 = arith.addi %while3A_1057, %while3A_1063 : i32
    %while3A_1065 = arith.constant 1 : i32
    %while3A_1066 = scf.for %while3A_1248 = %while3A_1057 to %while3A_1064 step %while3A_1065 iter_args(%while3A_1249 = %while3A_1058) -> (i32)  : i32 {
      %mul3A_1250 = arith.constant 16 : i32
      %mul3A_1251 = arith.muli %while3A_1248, %mul3A_1250 : i32
      %add3A_1252 = arith.addi %squeeze3A_1049, %mul3A_1251 : i32
      %add3A_1253 = vector.broadcast %add3A_1252 : i32 to vector<16xi32>
      %add3A_1254 = arith.addi %add3A_1253, %iota3A : vector<16xi32>
      %lt3A = vector.broadcast %squeeze3A_1051 : i32 to vector<16xi32>
      %lt3A_1255 = arith.cmpi slt, %add3A_1254, %lt3A : vector<16xi32>
      %and3A = arith.constant 2047 : i32
      %and3A_1256 = vector.broadcast %and3A : i32 to vector<16xi32>
      %and3A_1257 = arith.andi %add3A_1254, %and3A_1256 : vector<16xi32>
      %gather3A = tpu.vector_load_idx %arg12[%and3A_1257] : memref<2048xi32, #tpu.memory_space<vmem>>[vector<16xi32>], vector<16xi32>,
      %and3A_1258 = arith.constant 2047 : i32
      %and3A_1259 = vector.broadcast %and3A_1258 : i32 to vector<16xi32>
      %and3A_1260 = arith.andi %gather3A, %and3A_1259 : vector<16xi32>
      %min3A = arith.constant 1999 : i32
      %min3A_1261 = vector.broadcast %min3A : i32 to vector<16xi32>
      %min3A_1262 = arith.minsi %and3A_1260, %min3A_1261 : vector<16xi32>
      %shift_right_arithmetic3A_1263 = arith.constant 1 : i32
      %shift_right_arithmetic3A_1264 = vector.broadcast %shift_right_arithmetic3A_1263 : i32 to vector<16xi32>
      %shift_right_arithmetic3A_1265 = arith.shrsi %min3A_1262, %shift_right_arithmetic3A_1264 : vector<16xi32>
      %and3A_1266 = arith.constant 1 : i32
      %and3A_1267 = vector.broadcast %and3A_1266 : i32 to vector<16xi32>
      %and3A_1268 = arith.andi %min3A_1262, %and3A_1267 : vector<16xi32>
      %mul3A_1269 = arith.constant 33555 : i32
      %mul3A_1270 = vector.broadcast %mul3A_1269 : i32 to vector<16xi32>
      %mul3A_1271 = arith.muli %min3A_1262, %mul3A_1270 : vector<16xi32>
      %shift_right_arithmetic3A_1272 = arith.constant 25 : i32
      %shift_right_arithmetic3A_1273 = vector.broadcast %shift_right_arithmetic3A_1272 : i32 to vector<16xi32>
      %shift_right_arithmetic3A_1274 = arith.shrsi %mul3A_1271, %shift_right_arithmetic3A_1273 : vector<16xi32>
      %gather3A_1275 = tpu.vector_load_idx %arg7[%shift_right_arithmetic3A_1265] : memref<1000xi32, #tpu.memory_space<vmem>>[vector<16xi32>], vector<16xi32>,
      %gather3A_1276 = tpu.vector_load_idx %arg8[%shift_right_arithmetic3A_1265] : memref<1000xi32, #tpu.memory_space<vmem>>[vector<16xi32>], vector<16xi32>,
      %convert_element_type3A = arith.sitofp %gather3A_1276 : vector<16xi32> to vector<16xf32>
      %mul3A_1277 = arith.constant 2 : i32
      %mul3A_1278 = vector.broadcast %mul3A_1277 : i32 to vector<16xi32>
      %mul3A_1279 = arith.muli %shift_right_arithmetic3A_1274, %mul3A_1278 : vector<16xi32>
      %add3A_1280 = arith.addi %mul3A_1279, %and3A_1268 : vector<16xi32>
      %shift_left3A = arith.constant 9 : i32
      %shift_left3A_1281 = vector.broadcast %shift_left3A : i32 to vector<16xi32>
      %shift_left3A_1282 = arith.shli %add3A_1280, %shift_left3A_1281 : vector<16xi32>
      %shift_right_arithmetic3A_1283 = arith.constant 9 : i32
      %shift_right_arithmetic3A_1284 = vector.broadcast %shift_right_arithmetic3A_1283 : i32 to vector<16xi32>
      %shift_right_arithmetic3A_1285 = arith.shrsi %gather3A_1275, %shift_right_arithmetic3A_1284 : vector<16xi32>
      %add3A_1286 = arith.addi %shift_left3A_1282, %shift_right_arithmetic3A_1285 : vector<16xi32>
      %and3A_1287 = arith.constant 63 : i32
      %and3A_1288 = vector.broadcast %and3A_1287 : i32 to vector<16xi32>
      %and3A_1289 = arith.andi %add3A_1286, %and3A_1288 : vector<16xi32>
      %and3A_1290 = arith.constant 511 : i32
      %and3A_1291 = vector.broadcast %and3A_1290 : i32 to vector<16xi32>
      %and3A_1292 = arith.andi %gather3A_1275, %and3A_1291 : vector<16xi32>
      %gather3A_1293 = tpu.vector_load_idx %arg15[%and3A_1289, %and3A_1292] : memref<64x512xf32, #tpu.memory_space<vmem>>[vector<16xi32>, vector<16xi32>], vector<16xf32>,
      %mul3A_1294 = arith.mulf %gather3A_1293, %convert_element_type3A : vector<16xf32>
      tpu.vector_store_idx %arg9[%min3A_1262], %mul3A_1294 masked %lt3A_1255 : memref<2000xf32, #tpu.memory_space<vmem>>[vector<16xi32>], vector<16xf32>, vector<16xi1>
      %while3A_1295 = arith.constant 0 : i32
      scf.yield %while3A_1295 : i32
    }
    %while3A_1067 = arith.constant 1 : i32
    %while3A_1068 = scf.for %while3A_1248 = %while3A_1064 to %while3A_1060 step %while3A_1067 iter_args(%while3A_1249 = %while3A_1066) -> (i32)  : i32 {
      %mul3A_1250 = arith.constant 16 : i32
      %mul3A_1251 = arith.muli %while3A_1248, %mul3A_1250 : i32
      %add3A_1252 = arith.addi %squeeze3A_1049, %mul3A_1251 : i32
      %add3A_1253 = vector.broadcast %add3A_1252 : i32 to vector<16xi32>
      %add3A_1254 = arith.addi %add3A_1253, %iota3A : vector<16xi32>
      %lt3A = vector.broadcast %squeeze3A_1051 : i32 to vector<16xi32>
      %lt3A_1255 = arith.cmpi slt, %add3A_1254, %lt3A : vector<16xi32>
      %and3A = arith.constant 2047 : i32
      %and3A_1256 = vector.broadcast %and3A : i32 to vector<16xi32>
      %and3A_1257 = arith.andi %add3A_1254, %and3A_1256 : vector<16xi32>
      %gather3A = tpu.vector_load_idx %arg12[%and3A_1257] : memref<2048xi32, #tpu.memory_space<vmem>>[vector<16xi32>], vector<16xi32>,
      %and3A_1258 = arith.constant 2047 : i32
      %and3A_1259 = vector.broadcast %and3A_1258 : i32 to vector<16xi32>
      %and3A_1260 = arith.andi %gather3A, %and3A_1259 : vector<16xi32>
      %min3A = arith.constant 1999 : i32
      %min3A_1261 = vector.broadcast %min3A : i32 to vector<16xi32>
      %min3A_1262 = arith.minsi %and3A_1260, %min3A_1261 : vector<16xi32>
      %shift_right_arithmetic3A_1263 = arith.constant 1 : i32
      %shift_right_arithmetic3A_1264 = vector.broadcast %shift_right_arithmetic3A_1263 : i32 to vector<16xi32>
      %shift_right_arithmetic3A_1265 = arith.shrsi %min3A_1262, %shift_right_arithmetic3A_1264 : vector<16xi32>
      %and3A_1266 = arith.constant 1 : i32
      %and3A_1267 = vector.broadcast %and3A_1266 : i32 to vector<16xi32>
      %and3A_1268 = arith.andi %min3A_1262, %and3A_1267 : vector<16xi32>
      %mul3A_1269 = arith.constant 33555 : i32
      %mul3A_1270 = vector.broadcast %mul3A_1269 : i32 to vector<16xi32>
      %mul3A_1271 = arith.muli %min3A_1262, %mul3A_1270 : vector<16xi32>
      %shift_right_arithmetic3A_1272 = arith.constant 25 : i32
      %shift_right_arithmetic3A_1273 = vector.broadcast %shift_right_arithmetic3A_1272 : i32 to vector<16xi32>
      %shift_right_arithmetic3A_1274 = arith.shrsi %mul3A_1271, %shift_right_arithmetic3A_1273 : vector<16xi32>
      %gather3A_1275 = tpu.vector_load_idx %arg7[%shift_right_arithmetic3A_1265] : memref<1000xi32, #tpu.memory_space<vmem>>[vector<16xi32>], vector<16xi32>,
      %gather3A_1276 = tpu.vector_load_idx %arg8[%shift_right_arithmetic3A_1265] : memref<1000xi32, #tpu.memory_space<vmem>>[vector<16xi32>], vector<16xi32>,
      %convert_element_type3A = arith.sitofp %gather3A_1276 : vector<16xi32> to vector<16xf32>
      %mul3A_1277 = arith.constant 2 : i32
      %mul3A_1278 = vector.broadcast %mul3A_1277 : i32 to vector<16xi32>
      %mul3A_1279 = arith.muli %shift_right_arithmetic3A_1274, %mul3A_1278 : vector<16xi32>
      %add3A_1280 = arith.addi %mul3A_1279, %and3A_1268 : vector<16xi32>
      %shift_left3A = arith.constant 9 : i32
      %shift_left3A_1281 = vector.broadcast %shift_left3A : i32 to vector<16xi32>
      %shift_left3A_1282 = arith.shli %add3A_1280, %shift_left3A_1281 : vector<16xi32>
      %shift_right_arithmetic3A_1283 = arith.constant 9 : i32
      %shift_right_arithmetic3A_1284 = vector.broadcast %shift_right_arithmetic3A_1283 : i32 to vector<16xi32>
      %shift_right_arithmetic3A_1285 = arith.shrsi %gather3A_1275, %shift_right_arithmetic3A_1284 : vector<16xi32>
      %add3A_1286 = arith.addi %shift_left3A_1282, %shift_right_arithmetic3A_1285 : vector<16xi32>
      %and3A_1287 = arith.constant 63 : i32
      %and3A_1288 = vector.broadcast %and3A_1287 : i32 to vector<16xi32>
      %and3A_1289 = arith.andi %add3A_1286, %and3A_1288 : vector<16xi32>
      %and3A_1290 = arith.constant 511 : i32
      %and3A_1291 = vector.broadcast %and3A_1290 : i32 to vector<16xi32>
      %and3A_1292 = arith.andi %gather3A_1275, %and3A_1291 : vector<16xi32>
      %gather3A_1293 = tpu.vector_load_idx %arg15[%and3A_1289, %and3A_1292] : memref<64x512xf32, #tpu.memory_space<vmem>>[vector<16xi32>, vector<16xi32>], vector<16xf32>,
      %mul3A_1294 = arith.mulf %gather3A_1293, %convert_element_type3A : vector<16xf32>
      tpu.vector_store_idx %arg9[%min3A_1262], %mul3A_1294 masked %lt3A_1255 : memref<2000xf32, #tpu.memory_space<vmem>>[vector<16xi32>], vector<16xf32>, vector<16xi1>
      %while3A_1295 = arith.constant 0 : i32
      scf.yield %while3A_1295 : i32
    }
    %dma_wait3A_1069 = tpu.memref_reshape %arg2 : memref<64x2x512x512xf32, #tpu.memory_space<hbm>> -> memref<65536x512xf32, #tpu.memory_space<hbm>>
    %dma_wait3A_1070 = arith.constant 0 : i32
    %dma_wait3A_1071 = tpu.memref_slice %dma_wait3A_1069[%multiple_of3A_1041, %dma_wait3A_1070] : memref<65536x512xf32, #tpu.memory_space<hbm>> -> memref<64x512xf32, #tpu.memory_space<hbm>>
    %dma_wait3A_1072 = tpu.memref_reshape %arg2 : memref<64x2x512x512xf32, #tpu.memory_space<hbm>> -> memref<65536x512xf32, #tpu.memory_space<hbm>>
    %dma_wait3A_1073 = arith.constant 0 : i32
    %dma_wait3A_1074 = tpu.memref_slice %dma_wait3A_1072[%multiple_of3A_1041, %dma_wait3A_1073] : memref<65536x512xf32, #tpu.memory_space<hbm>> -> memref<64x512xf32, #tpu.memory_space<hbm>>
    tpu.wait_dma2 semaphore(%arg18 : memref<!tpu.dma_semaphore, #tpu.memory_space<semaphore_mem>>) src(%dma_wait3A_1074 : memref<64x512xf32, #tpu.memory_space<hbm>>) dst(%arg16 : memref<64x512xf32, #tpu.memory_space<vmem>>)
    %mul3A_1075 = arith.constant 2048 : i32
    %mul3A_1076 = arith.muli %add3A, %mul3A_1075 : i32
    %add3A_1077 = arith.constant 1792 : i32
    %add3A_1078 = arith.addi %mul3A_1076, %add3A_1077 : i32
    %multiple_of3A_1079 = tpu.assume_multiple %add3A_1078, 64 : i32
    %dma_start3A_1080 = tpu.memref_reshape %arg2 : memref<64x2x512x512xf32, #tpu.memory_space<hbm>> -> memref<65536x512xf32, #tpu.memory_space<hbm>>
    %dma_start3A_1081 = arith.constant 0 : i32
    %dma_start3A_1082 = tpu.memref_slice %dma_start3A_1080[%multiple_of3A_1079, %dma_start3A_1081] : memref<65536x512xf32, #tpu.memory_space<hbm>> -> memref<64x512xf32, #tpu.memory_space<hbm>>
    %dma_start3A_1083 = tpu.memref_reshape %arg2 : memref<64x2x512x512xf32, #tpu.memory_space<hbm>> -> memref<65536x512xf32, #tpu.memory_space<hbm>>
    %dma_start3A_1084 = arith.constant 0 : i32
    %dma_start3A_1085 = tpu.memref_slice %dma_start3A_1083[%multiple_of3A_1079, %dma_start3A_1084] : memref<65536x512xf32, #tpu.memory_space<hbm>> -> memref<64x512xf32, #tpu.memory_space<hbm>>
    tpu.enqueue_dma source(%dma_start3A_1085 : memref<64x512xf32, #tpu.memory_space<hbm>>) target(%arg15 : memref<64x512xf32, #tpu.memory_space<vmem>>) target_semaphore(%arg17 : memref<!tpu.dma_semaphore, #tpu.memory_space<semaphore_mem>>)
    %slice3A_1086 = vector.extract_strided_slice %add3A_23 {offsets = [11], sizes = [1], strides = [1]} : vector<16xi32> to vector<1xi32>
    %squeeze3A_1087 = vector.extract %slice3A_1086[0] : i32 from vector<1xi32>
    %slice3A_1088 = vector.extract_strided_slice %add3A_25 {offsets = [11], sizes = [1], strides = [1]} : vector<16xi32> to vector<1xi32>
    %squeeze3A_1089 = vector.extract %slice3A_1088[0] : i32 from vector<1xi32>
    %sub3A_1090 = arith.subi %squeeze3A_1089, %squeeze3A_1087 : i32
    %add3A_1091 = arith.constant 15 : i32
    %add3A_1092 = arith.addi %sub3A_1090, %add3A_1091 : i32
    %shift_right_arithmetic3A_1093 = arith.constant 4 : i32
    %shift_right_arithmetic3A_1094 = arith.shrsi %add3A_1092, %shift_right_arithmetic3A_1093 : i32
    %while3A_1095 = arith.constant 0 : i32
    %while3A_1096 = arith.constant 0 : i32
    %while3A_1097 = arith.subi %shift_right_arithmetic3A_1094, %while3A_1095 : i32
    %while3A_1098 = arith.addi %while3A_1095, %while3A_1097 : i32
    %while3A_1099 = arith.constant 1 : i32
    %while3A_1100 = arith.divsi %while3A_1097, %while3A_1099 : i32
    %while3A_1101 = arith.muli %while3A_1100, %while3A_1099 : i32
    %while3A_1102 = arith.addi %while3A_1095, %while3A_1101 : i32
    %while3A_1103 = arith.constant 1 : i32
    %while3A_1104 = scf.for %while3A_1248 = %while3A_1095 to %while3A_1102 step %while3A_1103 iter_args(%while3A_1249 = %while3A_1096) -> (i32)  : i32 {
      %mul3A_1250 = arith.constant 16 : i32
      %mul3A_1251 = arith.muli %while3A_1248, %mul3A_1250 : i32
      %add3A_1252 = arith.addi %squeeze3A_1087, %mul3A_1251 : i32
      %add3A_1253 = vector.broadcast %add3A_1252 : i32 to vector<16xi32>
      %add3A_1254 = arith.addi %add3A_1253, %iota3A : vector<16xi32>
      %lt3A = vector.broadcast %squeeze3A_1089 : i32 to vector<16xi32>
      %lt3A_1255 = arith.cmpi slt, %add3A_1254, %lt3A : vector<16xi32>
      %and3A = arith.constant 2047 : i32
      %and3A_1256 = vector.broadcast %and3A : i32 to vector<16xi32>
      %and3A_1257 = arith.andi %add3A_1254, %and3A_1256 : vector<16xi32>
      %gather3A = tpu.vector_load_idx %arg12[%and3A_1257] : memref<2048xi32, #tpu.memory_space<vmem>>[vector<16xi32>], vector<16xi32>,
      %and3A_1258 = arith.constant 2047 : i32
      %and3A_1259 = vector.broadcast %and3A_1258 : i32 to vector<16xi32>
      %and3A_1260 = arith.andi %gather3A, %and3A_1259 : vector<16xi32>
      %min3A = arith.constant 1999 : i32
      %min3A_1261 = vector.broadcast %min3A : i32 to vector<16xi32>
      %min3A_1262 = arith.minsi %and3A_1260, %min3A_1261 : vector<16xi32>
      %shift_right_arithmetic3A_1263 = arith.constant 1 : i32
      %shift_right_arithmetic3A_1264 = vector.broadcast %shift_right_arithmetic3A_1263 : i32 to vector<16xi32>
      %shift_right_arithmetic3A_1265 = arith.shrsi %min3A_1262, %shift_right_arithmetic3A_1264 : vector<16xi32>
      %and3A_1266 = arith.constant 1 : i32
      %and3A_1267 = vector.broadcast %and3A_1266 : i32 to vector<16xi32>
      %and3A_1268 = arith.andi %min3A_1262, %and3A_1267 : vector<16xi32>
      %mul3A_1269 = arith.constant 33555 : i32
      %mul3A_1270 = vector.broadcast %mul3A_1269 : i32 to vector<16xi32>
      %mul3A_1271 = arith.muli %min3A_1262, %mul3A_1270 : vector<16xi32>
      %shift_right_arithmetic3A_1272 = arith.constant 25 : i32
      %shift_right_arithmetic3A_1273 = vector.broadcast %shift_right_arithmetic3A_1272 : i32 to vector<16xi32>
      %shift_right_arithmetic3A_1274 = arith.shrsi %mul3A_1271, %shift_right_arithmetic3A_1273 : vector<16xi32>
      %gather3A_1275 = tpu.vector_load_idx %arg7[%shift_right_arithmetic3A_1265] : memref<1000xi32, #tpu.memory_space<vmem>>[vector<16xi32>], vector<16xi32>,
      %gather3A_1276 = tpu.vector_load_idx %arg8[%shift_right_arithmetic3A_1265] : memref<1000xi32, #tpu.memory_space<vmem>>[vector<16xi32>], vector<16xi32>,
      %convert_element_type3A = arith.sitofp %gather3A_1276 : vector<16xi32> to vector<16xf32>
      %mul3A_1277 = arith.constant 2 : i32
      %mul3A_1278 = vector.broadcast %mul3A_1277 : i32 to vector<16xi32>
      %mul3A_1279 = arith.muli %shift_right_arithmetic3A_1274, %mul3A_1278 : vector<16xi32>
      %add3A_1280 = arith.addi %mul3A_1279, %and3A_1268 : vector<16xi32>
      %shift_left3A = arith.constant 9 : i32
      %shift_left3A_1281 = vector.broadcast %shift_left3A : i32 to vector<16xi32>
      %shift_left3A_1282 = arith.shli %add3A_1280, %shift_left3A_1281 : vector<16xi32>
      %shift_right_arithmetic3A_1283 = arith.constant 9 : i32
      %shift_right_arithmetic3A_1284 = vector.broadcast %shift_right_arithmetic3A_1283 : i32 to vector<16xi32>
      %shift_right_arithmetic3A_1285 = arith.shrsi %gather3A_1275, %shift_right_arithmetic3A_1284 : vector<16xi32>
      %add3A_1286 = arith.addi %shift_left3A_1282, %shift_right_arithmetic3A_1285 : vector<16xi32>
      %and3A_1287 = arith.constant 63 : i32
      %and3A_1288 = vector.broadcast %and3A_1287 : i32 to vector<16xi32>
      %and3A_1289 = arith.andi %add3A_1286, %and3A_1288 : vector<16xi32>
      %and3A_1290 = arith.constant 511 : i32
      %and3A_1291 = vector.broadcast %and3A_1290 : i32 to vector<16xi32>
      %and3A_1292 = arith.andi %gather3A_1275, %and3A_1291 : vector<16xi32>
      %gather3A_1293 = tpu.vector_load_idx %arg16[%and3A_1289, %and3A_1292] : memref<64x512xf32, #tpu.memory_space<vmem>>[vector<16xi32>, vector<16xi32>], vector<16xf32>,
      %mul3A_1294 = arith.mulf %gather3A_1293, %convert_element_type3A : vector<16xf32>
      tpu.vector_store_idx %arg9[%min3A_1262], %mul3A_1294 masked %lt3A_1255 : memref<2000xf32, #tpu.memory_space<vmem>>[vector<16xi32>], vector<16xf32>, vector<16xi1>
      %while3A_1295 = arith.constant 0 : i32
      scf.yield %while3A_1295 : i32
    }
    %while3A_1105 = arith.constant 1 : i32
    %while3A_1106 = scf.for %while3A_1248 = %while3A_1102 to %while3A_1098 step %while3A_1105 iter_args(%while3A_1249 = %while3A_1104) -> (i32)  : i32 {
      %mul3A_1250 = arith.constant 16 : i32
      %mul3A_1251 = arith.muli %while3A_1248, %mul3A_1250 : i32
      %add3A_1252 = arith.addi %squeeze3A_1087, %mul3A_1251 : i32
      %add3A_1253 = vector.broadcast %add3A_1252 : i32 to vector<16xi32>
      %add3A_1254 = arith.addi %add3A_1253, %iota3A : vector<16xi32>
      %lt3A = vector.broadcast %squeeze3A_1089 : i32 to vector<16xi32>
      %lt3A_1255 = arith.cmpi slt, %add3A_1254, %lt3A : vector<16xi32>
      %and3A = arith.constant 2047 : i32
      %and3A_1256 = vector.broadcast %and3A : i32 to vector<16xi32>
      %and3A_1257 = arith.andi %add3A_1254, %and3A_1256 : vector<16xi32>
      %gather3A = tpu.vector_load_idx %arg12[%and3A_1257] : memref<2048xi32, #tpu.memory_space<vmem>>[vector<16xi32>], vector<16xi32>,
      %and3A_1258 = arith.constant 2047 : i32
      %and3A_1259 = vector.broadcast %and3A_1258 : i32 to vector<16xi32>
      %and3A_1260 = arith.andi %gather3A, %and3A_1259 : vector<16xi32>
      %min3A = arith.constant 1999 : i32
      %min3A_1261 = vector.broadcast %min3A : i32 to vector<16xi32>
      %min3A_1262 = arith.minsi %and3A_1260, %min3A_1261 : vector<16xi32>
      %shift_right_arithmetic3A_1263 = arith.constant 1 : i32
      %shift_right_arithmetic3A_1264 = vector.broadcast %shift_right_arithmetic3A_1263 : i32 to vector<16xi32>
      %shift_right_arithmetic3A_1265 = arith.shrsi %min3A_1262, %shift_right_arithmetic3A_1264 : vector<16xi32>
      %and3A_1266 = arith.constant 1 : i32
      %and3A_1267 = vector.broadcast %and3A_1266 : i32 to vector<16xi32>
      %and3A_1268 = arith.andi %min3A_1262, %and3A_1267 : vector<16xi32>
      %mul3A_1269 = arith.constant 33555 : i32
      %mul3A_1270 = vector.broadcast %mul3A_1269 : i32 to vector<16xi32>
      %mul3A_1271 = arith.muli %min3A_1262, %mul3A_1270 : vector<16xi32>
      %shift_right_arithmetic3A_1272 = arith.constant 25 : i32
      %shift_right_arithmetic3A_1273 = vector.broadcast %shift_right_arithmetic3A_1272 : i32 to vector<16xi32>
      %shift_right_arithmetic3A_1274 = arith.shrsi %mul3A_1271, %shift_right_arithmetic3A_1273 : vector<16xi32>
      %gather3A_1275 = tpu.vector_load_idx %arg7[%shift_right_arithmetic3A_1265] : memref<1000xi32, #tpu.memory_space<vmem>>[vector<16xi32>], vector<16xi32>,
      %gather3A_1276 = tpu.vector_load_idx %arg8[%shift_right_arithmetic3A_1265] : memref<1000xi32, #tpu.memory_space<vmem>>[vector<16xi32>], vector<16xi32>,
      %convert_element_type3A = arith.sitofp %gather3A_1276 : vector<16xi32> to vector<16xf32>
      %mul3A_1277 = arith.constant 2 : i32
      %mul3A_1278 = vector.broadcast %mul3A_1277 : i32 to vector<16xi32>
      %mul3A_1279 = arith.muli %shift_right_arithmetic3A_1274, %mul3A_1278 : vector<16xi32>
      %add3A_1280 = arith.addi %mul3A_1279, %and3A_1268 : vector<16xi32>
      %shift_left3A = arith.constant 9 : i32
      %shift_left3A_1281 = vector.broadcast %shift_left3A : i32 to vector<16xi32>
      %shift_left3A_1282 = arith.shli %add3A_1280, %shift_left3A_1281 : vector<16xi32>
      %shift_right_arithmetic3A_1283 = arith.constant 9 : i32
      %shift_right_arithmetic3A_1284 = vector.broadcast %shift_right_arithmetic3A_1283 : i32 to vector<16xi32>
      %shift_right_arithmetic3A_1285 = arith.shrsi %gather3A_1275, %shift_right_arithmetic3A_1284 : vector<16xi32>
      %add3A_1286 = arith.addi %shift_left3A_1282, %shift_right_arithmetic3A_1285 : vector<16xi32>
      %and3A_1287 = arith.constant 63 : i32
      %and3A_1288 = vector.broadcast %and3A_1287 : i32 to vector<16xi32>
      %and3A_1289 = arith.andi %add3A_1286, %and3A_1288 : vector<16xi32>
      %and3A_1290 = arith.constant 511 : i32
      %and3A_1291 = vector.broadcast %and3A_1290 : i32 to vector<16xi32>
      %and3A_1292 = arith.andi %gather3A_1275, %and3A_1291 : vector<16xi32>
      %gather3A_1293 = tpu.vector_load_idx %arg16[%and3A_1289, %and3A_1292] : memref<64x512xf32, #tpu.memory_space<vmem>>[vector<16xi32>, vector<16xi32>], vector<16xf32>,
      %mul3A_1294 = arith.mulf %gather3A_1293, %convert_element_type3A : vector<16xf32>
      tpu.vector_store_idx %arg9[%min3A_1262], %mul3A_1294 masked %lt3A_1255 : memref<2000xf32, #tpu.memory_space<vmem>>[vector<16xi32>], vector<16xf32>, vector<16xi1>
      %while3A_1295 = arith.constant 0 : i32
      scf.yield %while3A_1295 : i32
    }
    %dma_wait3A_1107 = tpu.memref_reshape %arg2 : memref<64x2x512x512xf32, #tpu.memory_space<hbm>> -> memref<65536x512xf32, #tpu.memory_space<hbm>>
    %dma_wait3A_1108 = arith.constant 0 : i32
    %dma_wait3A_1109 = tpu.memref_slice %dma_wait3A_1107[%multiple_of3A_1079, %dma_wait3A_1108] : memref<65536x512xf32, #tpu.memory_space<hbm>> -> memref<64x512xf32, #tpu.memory_space<hbm>>
    %dma_wait3A_1110 = tpu.memref_reshape %arg2 : memref<64x2x512x512xf32, #tpu.memory_space<hbm>> -> memref<65536x512xf32, #tpu.memory_space<hbm>>
    %dma_wait3A_1111 = arith.constant 0 : i32
    %dma_wait3A_1112 = tpu.memref_slice %dma_wait3A_1110[%multiple_of3A_1079, %dma_wait3A_1111] : memref<65536x512xf32, #tpu.memory_space<hbm>> -> memref<64x512xf32, #tpu.memory_space<hbm>>
    tpu.wait_dma2 semaphore(%arg17 : memref<!tpu.dma_semaphore, #tpu.memory_space<semaphore_mem>>) src(%dma_wait3A_1112 : memref<64x512xf32, #tpu.memory_space<hbm>>) dst(%arg15 : memref<64x512xf32, #tpu.memory_space<vmem>>)
    %mul3A_1113 = arith.constant 2048 : i32
    %mul3A_1114 = arith.muli %add3A, %mul3A_1113 : i32
    %add3A_1115 = arith.constant 1856 : i32
    %add3A_1116 = arith.addi %mul3A_1114, %add3A_1115 : i32
    %multiple_of3A_1117 = tpu.assume_multiple %add3A_1116, 64 : i32
    %dma_start3A_1118 = tpu.memref_reshape %arg2 : memref<64x2x512x512xf32, #tpu.memory_space<hbm>> -> memref<65536x512xf32, #tpu.memory_space<hbm>>
    %dma_start3A_1119 = arith.constant 0 : i32
    %dma_start3A_1120 = tpu.memref_slice %dma_start3A_1118[%multiple_of3A_1117, %dma_start3A_1119] : memref<65536x512xf32, #tpu.memory_space<hbm>> -> memref<64x512xf32, #tpu.memory_space<hbm>>
    %dma_start3A_1121 = tpu.memref_reshape %arg2 : memref<64x2x512x512xf32, #tpu.memory_space<hbm>> -> memref<65536x512xf32, #tpu.memory_space<hbm>>
    %dma_start3A_1122 = arith.constant 0 : i32
    %dma_start3A_1123 = tpu.memref_slice %dma_start3A_1121[%multiple_of3A_1117, %dma_start3A_1122] : memref<65536x512xf32, #tpu.memory_space<hbm>> -> memref<64x512xf32, #tpu.memory_space<hbm>>
    tpu.enqueue_dma source(%dma_start3A_1123 : memref<64x512xf32, #tpu.memory_space<hbm>>) target(%arg16 : memref<64x512xf32, #tpu.memory_space<vmem>>) target_semaphore(%arg18 : memref<!tpu.dma_semaphore, #tpu.memory_space<semaphore_mem>>)
    %slice3A_1124 = vector.extract_strided_slice %add3A_23 {offsets = [12], sizes = [1], strides = [1]} : vector<16xi32> to vector<1xi32>
    %squeeze3A_1125 = vector.extract %slice3A_1124[0] : i32 from vector<1xi32>
    %slice3A_1126 = vector.extract_strided_slice %add3A_25 {offsets = [12], sizes = [1], strides = [1]} : vector<16xi32> to vector<1xi32>
    %squeeze3A_1127 = vector.extract %slice3A_1126[0] : i32 from vector<1xi32>
    %sub3A_1128 = arith.subi %squeeze3A_1127, %squeeze3A_1125 : i32
    %add3A_1129 = arith.constant 15 : i32
    %add3A_1130 = arith.addi %sub3A_1128, %add3A_1129 : i32
    %shift_right_arithmetic3A_1131 = arith.constant 4 : i32
    %shift_right_arithmetic3A_1132 = arith.shrsi %add3A_1130, %shift_right_arithmetic3A_1131 : i32
    %while3A_1133 = arith.constant 0 : i32
    %while3A_1134 = arith.constant 0 : i32
    %while3A_1135 = arith.subi %shift_right_arithmetic3A_1132, %while3A_1133 : i32
    %while3A_1136 = arith.addi %while3A_1133, %while3A_1135 : i32
    %while3A_1137 = arith.constant 1 : i32
    %while3A_1138 = arith.divsi %while3A_1135, %while3A_1137 : i32
    %while3A_1139 = arith.muli %while3A_1138, %while3A_1137 : i32
    %while3A_1140 = arith.addi %while3A_1133, %while3A_1139 : i32
    %while3A_1141 = arith.constant 1 : i32
    %while3A_1142 = scf.for %while3A_1248 = %while3A_1133 to %while3A_1140 step %while3A_1141 iter_args(%while3A_1249 = %while3A_1134) -> (i32)  : i32 {
      %mul3A_1250 = arith.constant 16 : i32
      %mul3A_1251 = arith.muli %while3A_1248, %mul3A_1250 : i32
      %add3A_1252 = arith.addi %squeeze3A_1125, %mul3A_1251 : i32
      %add3A_1253 = vector.broadcast %add3A_1252 : i32 to vector<16xi32>
      %add3A_1254 = arith.addi %add3A_1253, %iota3A : vector<16xi32>
      %lt3A = vector.broadcast %squeeze3A_1127 : i32 to vector<16xi32>
      %lt3A_1255 = arith.cmpi slt, %add3A_1254, %lt3A : vector<16xi32>
      %and3A = arith.constant 2047 : i32
      %and3A_1256 = vector.broadcast %and3A : i32 to vector<16xi32>
      %and3A_1257 = arith.andi %add3A_1254, %and3A_1256 : vector<16xi32>
      %gather3A = tpu.vector_load_idx %arg12[%and3A_1257] : memref<2048xi32, #tpu.memory_space<vmem>>[vector<16xi32>], vector<16xi32>,
      %and3A_1258 = arith.constant 2047 : i32
      %and3A_1259 = vector.broadcast %and3A_1258 : i32 to vector<16xi32>
      %and3A_1260 = arith.andi %gather3A, %and3A_1259 : vector<16xi32>
      %min3A = arith.constant 1999 : i32
      %min3A_1261 = vector.broadcast %min3A : i32 to vector<16xi32>
      %min3A_1262 = arith.minsi %and3A_1260, %min3A_1261 : vector<16xi32>
      %shift_right_arithmetic3A_1263 = arith.constant 1 : i32
      %shift_right_arithmetic3A_1264 = vector.broadcast %shift_right_arithmetic3A_1263 : i32 to vector<16xi32>
      %shift_right_arithmetic3A_1265 = arith.shrsi %min3A_1262, %shift_right_arithmetic3A_1264 : vector<16xi32>
      %and3A_1266 = arith.constant 1 : i32
      %and3A_1267 = vector.broadcast %and3A_1266 : i32 to vector<16xi32>
      %and3A_1268 = arith.andi %min3A_1262, %and3A_1267 : vector<16xi32>
      %mul3A_1269 = arith.constant 33555 : i32
      %mul3A_1270 = vector.broadcast %mul3A_1269 : i32 to vector<16xi32>
      %mul3A_1271 = arith.muli %min3A_1262, %mul3A_1270 : vector<16xi32>
      %shift_right_arithmetic3A_1272 = arith.constant 25 : i32
      %shift_right_arithmetic3A_1273 = vector.broadcast %shift_right_arithmetic3A_1272 : i32 to vector<16xi32>
      %shift_right_arithmetic3A_1274 = arith.shrsi %mul3A_1271, %shift_right_arithmetic3A_1273 : vector<16xi32>
      %gather3A_1275 = tpu.vector_load_idx %arg7[%shift_right_arithmetic3A_1265] : memref<1000xi32, #tpu.memory_space<vmem>>[vector<16xi32>], vector<16xi32>,
      %gather3A_1276 = tpu.vector_load_idx %arg8[%shift_right_arithmetic3A_1265] : memref<1000xi32, #tpu.memory_space<vmem>>[vector<16xi32>], vector<16xi32>,
      %convert_element_type3A = arith.sitofp %gather3A_1276 : vector<16xi32> to vector<16xf32>
      %mul3A_1277 = arith.constant 2 : i32
      %mul3A_1278 = vector.broadcast %mul3A_1277 : i32 to vector<16xi32>
      %mul3A_1279 = arith.muli %shift_right_arithmetic3A_1274, %mul3A_1278 : vector<16xi32>
      %add3A_1280 = arith.addi %mul3A_1279, %and3A_1268 : vector<16xi32>
      %shift_left3A = arith.constant 9 : i32
      %shift_left3A_1281 = vector.broadcast %shift_left3A : i32 to vector<16xi32>
      %shift_left3A_1282 = arith.shli %add3A_1280, %shift_left3A_1281 : vector<16xi32>
      %shift_right_arithmetic3A_1283 = arith.constant 9 : i32
      %shift_right_arithmetic3A_1284 = vector.broadcast %shift_right_arithmetic3A_1283 : i32 to vector<16xi32>
      %shift_right_arithmetic3A_1285 = arith.shrsi %gather3A_1275, %shift_right_arithmetic3A_1284 : vector<16xi32>
      %add3A_1286 = arith.addi %shift_left3A_1282, %shift_right_arithmetic3A_1285 : vector<16xi32>
      %and3A_1287 = arith.constant 63 : i32
      %and3A_1288 = vector.broadcast %and3A_1287 : i32 to vector<16xi32>
      %and3A_1289 = arith.andi %add3A_1286, %and3A_1288 : vector<16xi32>
      %and3A_1290 = arith.constant 511 : i32
      %and3A_1291 = vector.broadcast %and3A_1290 : i32 to vector<16xi32>
      %and3A_1292 = arith.andi %gather3A_1275, %and3A_1291 : vector<16xi32>
      %gather3A_1293 = tpu.vector_load_idx %arg15[%and3A_1289, %and3A_1292] : memref<64x512xf32, #tpu.memory_space<vmem>>[vector<16xi32>, vector<16xi32>], vector<16xf32>,
      %mul3A_1294 = arith.mulf %gather3A_1293, %convert_element_type3A : vector<16xf32>
      tpu.vector_store_idx %arg9[%min3A_1262], %mul3A_1294 masked %lt3A_1255 : memref<2000xf32, #tpu.memory_space<vmem>>[vector<16xi32>], vector<16xf32>, vector<16xi1>
      %while3A_1295 = arith.constant 0 : i32
      scf.yield %while3A_1295 : i32
    }
    %while3A_1143 = arith.constant 1 : i32
    %while3A_1144 = scf.for %while3A_1248 = %while3A_1140 to %while3A_1136 step %while3A_1143 iter_args(%while3A_1249 = %while3A_1142) -> (i32)  : i32 {
      %mul3A_1250 = arith.constant 16 : i32
      %mul3A_1251 = arith.muli %while3A_1248, %mul3A_1250 : i32
      %add3A_1252 = arith.addi %squeeze3A_1125, %mul3A_1251 : i32
      %add3A_1253 = vector.broadcast %add3A_1252 : i32 to vector<16xi32>
      %add3A_1254 = arith.addi %add3A_1253, %iota3A : vector<16xi32>
      %lt3A = vector.broadcast %squeeze3A_1127 : i32 to vector<16xi32>
      %lt3A_1255 = arith.cmpi slt, %add3A_1254, %lt3A : vector<16xi32>
      %and3A = arith.constant 2047 : i32
      %and3A_1256 = vector.broadcast %and3A : i32 to vector<16xi32>
      %and3A_1257 = arith.andi %add3A_1254, %and3A_1256 : vector<16xi32>
      %gather3A = tpu.vector_load_idx %arg12[%and3A_1257] : memref<2048xi32, #tpu.memory_space<vmem>>[vector<16xi32>], vector<16xi32>,
      %and3A_1258 = arith.constant 2047 : i32
      %and3A_1259 = vector.broadcast %and3A_1258 : i32 to vector<16xi32>
      %and3A_1260 = arith.andi %gather3A, %and3A_1259 : vector<16xi32>
      %min3A = arith.constant 1999 : i32
      %min3A_1261 = vector.broadcast %min3A : i32 to vector<16xi32>
      %min3A_1262 = arith.minsi %and3A_1260, %min3A_1261 : vector<16xi32>
      %shift_right_arithmetic3A_1263 = arith.constant 1 : i32
      %shift_right_arithmetic3A_1264 = vector.broadcast %shift_right_arithmetic3A_1263 : i32 to vector<16xi32>
      %shift_right_arithmetic3A_1265 = arith.shrsi %min3A_1262, %shift_right_arithmetic3A_1264 : vector<16xi32>
      %and3A_1266 = arith.constant 1 : i32
      %and3A_1267 = vector.broadcast %and3A_1266 : i32 to vector<16xi32>
      %and3A_1268 = arith.andi %min3A_1262, %and3A_1267 : vector<16xi32>
      %mul3A_1269 = arith.constant 33555 : i32
      %mul3A_1270 = vector.broadcast %mul3A_1269 : i32 to vector<16xi32>
      %mul3A_1271 = arith.muli %min3A_1262, %mul3A_1270 : vector<16xi32>
      %shift_right_arithmetic3A_1272 = arith.constant 25 : i32
      %shift_right_arithmetic3A_1273 = vector.broadcast %shift_right_arithmetic3A_1272 : i32 to vector<16xi32>
      %shift_right_arithmetic3A_1274 = arith.shrsi %mul3A_1271, %shift_right_arithmetic3A_1273 : vector<16xi32>
      %gather3A_1275 = tpu.vector_load_idx %arg7[%shift_right_arithmetic3A_1265] : memref<1000xi32, #tpu.memory_space<vmem>>[vector<16xi32>], vector<16xi32>,
      %gather3A_1276 = tpu.vector_load_idx %arg8[%shift_right_arithmetic3A_1265] : memref<1000xi32, #tpu.memory_space<vmem>>[vector<16xi32>], vector<16xi32>,
      %convert_element_type3A = arith.sitofp %gather3A_1276 : vector<16xi32> to vector<16xf32>
      %mul3A_1277 = arith.constant 2 : i32
      %mul3A_1278 = vector.broadcast %mul3A_1277 : i32 to vector<16xi32>
      %mul3A_1279 = arith.muli %shift_right_arithmetic3A_1274, %mul3A_1278 : vector<16xi32>
      %add3A_1280 = arith.addi %mul3A_1279, %and3A_1268 : vector<16xi32>
      %shift_left3A = arith.constant 9 : i32
      %shift_left3A_1281 = vector.broadcast %shift_left3A : i32 to vector<16xi32>
      %shift_left3A_1282 = arith.shli %add3A_1280, %shift_left3A_1281 : vector<16xi32>
      %shift_right_arithmetic3A_1283 = arith.constant 9 : i32
      %shift_right_arithmetic3A_1284 = vector.broadcast %shift_right_arithmetic3A_1283 : i32 to vector<16xi32>
      %shift_right_arithmetic3A_1285 = arith.shrsi %gather3A_1275, %shift_right_arithmetic3A_1284 : vector<16xi32>
      %add3A_1286 = arith.addi %shift_left3A_1282, %shift_right_arithmetic3A_1285 : vector<16xi32>
      %and3A_1287 = arith.constant 63 : i32
      %and3A_1288 = vector.broadcast %and3A_1287 : i32 to vector<16xi32>
      %and3A_1289 = arith.andi %add3A_1286, %and3A_1288 : vector<16xi32>
      %and3A_1290 = arith.constant 511 : i32
      %and3A_1291 = vector.broadcast %and3A_1290 : i32 to vector<16xi32>
      %and3A_1292 = arith.andi %gather3A_1275, %and3A_1291 : vector<16xi32>
      %gather3A_1293 = tpu.vector_load_idx %arg15[%and3A_1289, %and3A_1292] : memref<64x512xf32, #tpu.memory_space<vmem>>[vector<16xi32>, vector<16xi32>], vector<16xf32>,
      %mul3A_1294 = arith.mulf %gather3A_1293, %convert_element_type3A : vector<16xf32>
      tpu.vector_store_idx %arg9[%min3A_1262], %mul3A_1294 masked %lt3A_1255 : memref<2000xf32, #tpu.memory_space<vmem>>[vector<16xi32>], vector<16xf32>, vector<16xi1>
      %while3A_1295 = arith.constant 0 : i32
      scf.yield %while3A_1295 : i32
    }
    %dma_wait3A_1145 = tpu.memref_reshape %arg2 : memref<64x2x512x512xf32, #tpu.memory_space<hbm>> -> memref<65536x512xf32, #tpu.memory_space<hbm>>
    %dma_wait3A_1146 = arith.constant 0 : i32
    %dma_wait3A_1147 = tpu.memref_slice %dma_wait3A_1145[%multiple_of3A_1117, %dma_wait3A_1146] : memref<65536x512xf32, #tpu.memory_space<hbm>> -> memref<64x512xf32, #tpu.memory_space<hbm>>
    %dma_wait3A_1148 = tpu.memref_reshape %arg2 : memref<64x2x512x512xf32, #tpu.memory_space<hbm>> -> memref<65536x512xf32, #tpu.memory_space<hbm>>
    %dma_wait3A_1149 = arith.constant 0 : i32
    %dma_wait3A_1150 = tpu.memref_slice %dma_wait3A_1148[%multiple_of3A_1117, %dma_wait3A_1149] : memref<65536x512xf32, #tpu.memory_space<hbm>> -> memref<64x512xf32, #tpu.memory_space<hbm>>
    tpu.wait_dma2 semaphore(%arg18 : memref<!tpu.dma_semaphore, #tpu.memory_space<semaphore_mem>>) src(%dma_wait3A_1150 : memref<64x512xf32, #tpu.memory_space<hbm>>) dst(%arg16 : memref<64x512xf32, #tpu.memory_space<vmem>>)
    %mul3A_1151 = arith.constant 2048 : i32
    %mul3A_1152 = arith.muli %add3A, %mul3A_1151 : i32
    %add3A_1153 = arith.constant 1920 : i32
    %add3A_1154 = arith.addi %mul3A_1152, %add3A_1153 : i32
    %multiple_of3A_1155 = tpu.assume_multiple %add3A_1154, 64 : i32
    %dma_start3A_1156 = tpu.memref_reshape %arg2 : memref<64x2x512x512xf32, #tpu.memory_space<hbm>> -> memref<65536x512xf32, #tpu.memory_space<hbm>>
    %dma_start3A_1157 = arith.constant 0 : i32
    %dma_start3A_1158 = tpu.memref_slice %dma_start3A_1156[%multiple_of3A_1155, %dma_start3A_1157] : memref<65536x512xf32, #tpu.memory_space<hbm>> -> memref<64x512xf32, #tpu.memory_space<hbm>>
    %dma_start3A_1159 = tpu.memref_reshape %arg2 : memref<64x2x512x512xf32, #tpu.memory_space<hbm>> -> memref<65536x512xf32, #tpu.memory_space<hbm>>
    %dma_start3A_1160 = arith.constant 0 : i32
    %dma_start3A_1161 = tpu.memref_slice %dma_start3A_1159[%multiple_of3A_1155, %dma_start3A_1160] : memref<65536x512xf32, #tpu.memory_space<hbm>> -> memref<64x512xf32, #tpu.memory_space<hbm>>
    tpu.enqueue_dma source(%dma_start3A_1161 : memref<64x512xf32, #tpu.memory_space<hbm>>) target(%arg15 : memref<64x512xf32, #tpu.memory_space<vmem>>) target_semaphore(%arg17 : memref<!tpu.dma_semaphore, #tpu.memory_space<semaphore_mem>>)
    %slice3A_1162 = vector.extract_strided_slice %add3A_23 {offsets = [13], sizes = [1], strides = [1]} : vector<16xi32> to vector<1xi32>
    %squeeze3A_1163 = vector.extract %slice3A_1162[0] : i32 from vector<1xi32>
    %slice3A_1164 = vector.extract_strided_slice %add3A_25 {offsets = [13], sizes = [1], strides = [1]} : vector<16xi32> to vector<1xi32>
    %squeeze3A_1165 = vector.extract %slice3A_1164[0] : i32 from vector<1xi32>
    %sub3A_1166 = arith.subi %squeeze3A_1165, %squeeze3A_1163 : i32
    %add3A_1167 = arith.constant 15 : i32
    %add3A_1168 = arith.addi %sub3A_1166, %add3A_1167 : i32
    %shift_right_arithmetic3A_1169 = arith.constant 4 : i32
    %shift_right_arithmetic3A_1170 = arith.shrsi %add3A_1168, %shift_right_arithmetic3A_1169 : i32
    %while3A_1171 = arith.constant 0 : i32
    %while3A_1172 = arith.constant 0 : i32
    %while3A_1173 = arith.subi %shift_right_arithmetic3A_1170, %while3A_1171 : i32
    %while3A_1174 = arith.addi %while3A_1171, %while3A_1173 : i32
    %while3A_1175 = arith.constant 1 : i32
    %while3A_1176 = arith.divsi %while3A_1173, %while3A_1175 : i32
    %while3A_1177 = arith.muli %while3A_1176, %while3A_1175 : i32
    %while3A_1178 = arith.addi %while3A_1171, %while3A_1177 : i32
    %while3A_1179 = arith.constant 1 : i32
    %while3A_1180 = scf.for %while3A_1248 = %while3A_1171 to %while3A_1178 step %while3A_1179 iter_args(%while3A_1249 = %while3A_1172) -> (i32)  : i32 {
      %mul3A_1250 = arith.constant 16 : i32
      %mul3A_1251 = arith.muli %while3A_1248, %mul3A_1250 : i32
      %add3A_1252 = arith.addi %squeeze3A_1163, %mul3A_1251 : i32
      %add3A_1253 = vector.broadcast %add3A_1252 : i32 to vector<16xi32>
      %add3A_1254 = arith.addi %add3A_1253, %iota3A : vector<16xi32>
      %lt3A = vector.broadcast %squeeze3A_1165 : i32 to vector<16xi32>
      %lt3A_1255 = arith.cmpi slt, %add3A_1254, %lt3A : vector<16xi32>
      %and3A = arith.constant 2047 : i32
      %and3A_1256 = vector.broadcast %and3A : i32 to vector<16xi32>
      %and3A_1257 = arith.andi %add3A_1254, %and3A_1256 : vector<16xi32>
      %gather3A = tpu.vector_load_idx %arg12[%and3A_1257] : memref<2048xi32, #tpu.memory_space<vmem>>[vector<16xi32>], vector<16xi32>,
      %and3A_1258 = arith.constant 2047 : i32
      %and3A_1259 = vector.broadcast %and3A_1258 : i32 to vector<16xi32>
      %and3A_1260 = arith.andi %gather3A, %and3A_1259 : vector<16xi32>
      %min3A = arith.constant 1999 : i32
      %min3A_1261 = vector.broadcast %min3A : i32 to vector<16xi32>
      %min3A_1262 = arith.minsi %and3A_1260, %min3A_1261 : vector<16xi32>
      %shift_right_arithmetic3A_1263 = arith.constant 1 : i32
      %shift_right_arithmetic3A_1264 = vector.broadcast %shift_right_arithmetic3A_1263 : i32 to vector<16xi32>
      %shift_right_arithmetic3A_1265 = arith.shrsi %min3A_1262, %shift_right_arithmetic3A_1264 : vector<16xi32>
      %and3A_1266 = arith.constant 1 : i32
      %and3A_1267 = vector.broadcast %and3A_1266 : i32 to vector<16xi32>
      %and3A_1268 = arith.andi %min3A_1262, %and3A_1267 : vector<16xi32>
      %mul3A_1269 = arith.constant 33555 : i32
      %mul3A_1270 = vector.broadcast %mul3A_1269 : i32 to vector<16xi32>
      %mul3A_1271 = arith.muli %min3A_1262, %mul3A_1270 : vector<16xi32>
      %shift_right_arithmetic3A_1272 = arith.constant 25 : i32
      %shift_right_arithmetic3A_1273 = vector.broadcast %shift_right_arithmetic3A_1272 : i32 to vector<16xi32>
      %shift_right_arithmetic3A_1274 = arith.shrsi %mul3A_1271, %shift_right_arithmetic3A_1273 : vector<16xi32>
      %gather3A_1275 = tpu.vector_load_idx %arg7[%shift_right_arithmetic3A_1265] : memref<1000xi32, #tpu.memory_space<vmem>>[vector<16xi32>], vector<16xi32>,
      %gather3A_1276 = tpu.vector_load_idx %arg8[%shift_right_arithmetic3A_1265] : memref<1000xi32, #tpu.memory_space<vmem>>[vector<16xi32>], vector<16xi32>,
      %convert_element_type3A = arith.sitofp %gather3A_1276 : vector<16xi32> to vector<16xf32>
      %mul3A_1277 = arith.constant 2 : i32
      %mul3A_1278 = vector.broadcast %mul3A_1277 : i32 to vector<16xi32>
      %mul3A_1279 = arith.muli %shift_right_arithmetic3A_1274, %mul3A_1278 : vector<16xi32>
      %add3A_1280 = arith.addi %mul3A_1279, %and3A_1268 : vector<16xi32>
      %shift_left3A = arith.constant 9 : i32
      %shift_left3A_1281 = vector.broadcast %shift_left3A : i32 to vector<16xi32>
      %shift_left3A_1282 = arith.shli %add3A_1280, %shift_left3A_1281 : vector<16xi32>
      %shift_right_arithmetic3A_1283 = arith.constant 9 : i32
      %shift_right_arithmetic3A_1284 = vector.broadcast %shift_right_arithmetic3A_1283 : i32 to vector<16xi32>
      %shift_right_arithmetic3A_1285 = arith.shrsi %gather3A_1275, %shift_right_arithmetic3A_1284 : vector<16xi32>
      %add3A_1286 = arith.addi %shift_left3A_1282, %shift_right_arithmetic3A_1285 : vector<16xi32>
      %and3A_1287 = arith.constant 63 : i32
      %and3A_1288 = vector.broadcast %and3A_1287 : i32 to vector<16xi32>
      %and3A_1289 = arith.andi %add3A_1286, %and3A_1288 : vector<16xi32>
      %and3A_1290 = arith.constant 511 : i32
      %and3A_1291 = vector.broadcast %and3A_1290 : i32 to vector<16xi32>
      %and3A_1292 = arith.andi %gather3A_1275, %and3A_1291 : vector<16xi32>
      %gather3A_1293 = tpu.vector_load_idx %arg16[%and3A_1289, %and3A_1292] : memref<64x512xf32, #tpu.memory_space<vmem>>[vector<16xi32>, vector<16xi32>], vector<16xf32>,
      %mul3A_1294 = arith.mulf %gather3A_1293, %convert_element_type3A : vector<16xf32>
      tpu.vector_store_idx %arg9[%min3A_1262], %mul3A_1294 masked %lt3A_1255 : memref<2000xf32, #tpu.memory_space<vmem>>[vector<16xi32>], vector<16xf32>, vector<16xi1>
      %while3A_1295 = arith.constant 0 : i32
      scf.yield %while3A_1295 : i32
    }
    %while3A_1181 = arith.constant 1 : i32
    %while3A_1182 = scf.for %while3A_1248 = %while3A_1178 to %while3A_1174 step %while3A_1181 iter_args(%while3A_1249 = %while3A_1180) -> (i32)  : i32 {
      %mul3A_1250 = arith.constant 16 : i32
      %mul3A_1251 = arith.muli %while3A_1248, %mul3A_1250 : i32
      %add3A_1252 = arith.addi %squeeze3A_1163, %mul3A_1251 : i32
      %add3A_1253 = vector.broadcast %add3A_1252 : i32 to vector<16xi32>
      %add3A_1254 = arith.addi %add3A_1253, %iota3A : vector<16xi32>
      %lt3A = vector.broadcast %squeeze3A_1165 : i32 to vector<16xi32>
      %lt3A_1255 = arith.cmpi slt, %add3A_1254, %lt3A : vector<16xi32>
      %and3A = arith.constant 2047 : i32
      %and3A_1256 = vector.broadcast %and3A : i32 to vector<16xi32>
      %and3A_1257 = arith.andi %add3A_1254, %and3A_1256 : vector<16xi32>
      %gather3A = tpu.vector_load_idx %arg12[%and3A_1257] : memref<2048xi32, #tpu.memory_space<vmem>>[vector<16xi32>], vector<16xi32>,
      %and3A_1258 = arith.constant 2047 : i32
      %and3A_1259 = vector.broadcast %and3A_1258 : i32 to vector<16xi32>
      %and3A_1260 = arith.andi %gather3A, %and3A_1259 : vector<16xi32>
      %min3A = arith.constant 1999 : i32
      %min3A_1261 = vector.broadcast %min3A : i32 to vector<16xi32>
      %min3A_1262 = arith.minsi %and3A_1260, %min3A_1261 : vector<16xi32>
      %shift_right_arithmetic3A_1263 = arith.constant 1 : i32
      %shift_right_arithmetic3A_1264 = vector.broadcast %shift_right_arithmetic3A_1263 : i32 to vector<16xi32>
      %shift_right_arithmetic3A_1265 = arith.shrsi %min3A_1262, %shift_right_arithmetic3A_1264 : vector<16xi32>
      %and3A_1266 = arith.constant 1 : i32
      %and3A_1267 = vector.broadcast %and3A_1266 : i32 to vector<16xi32>
      %and3A_1268 = arith.andi %min3A_1262, %and3A_1267 : vector<16xi32>
      %mul3A_1269 = arith.constant 33555 : i32
      %mul3A_1270 = vector.broadcast %mul3A_1269 : i32 to vector<16xi32>
      %mul3A_1271 = arith.muli %min3A_1262, %mul3A_1270 : vector<16xi32>
      %shift_right_arithmetic3A_1272 = arith.constant 25 : i32
      %shift_right_arithmetic3A_1273 = vector.broadcast %shift_right_arithmetic3A_1272 : i32 to vector<16xi32>
      %shift_right_arithmetic3A_1274 = arith.shrsi %mul3A_1271, %shift_right_arithmetic3A_1273 : vector<16xi32>
      %gather3A_1275 = tpu.vector_load_idx %arg7[%shift_right_arithmetic3A_1265] : memref<1000xi32, #tpu.memory_space<vmem>>[vector<16xi32>], vector<16xi32>,
      %gather3A_1276 = tpu.vector_load_idx %arg8[%shift_right_arithmetic3A_1265] : memref<1000xi32, #tpu.memory_space<vmem>>[vector<16xi32>], vector<16xi32>,
      %convert_element_type3A = arith.sitofp %gather3A_1276 : vector<16xi32> to vector<16xf32>
      %mul3A_1277 = arith.constant 2 : i32
      %mul3A_1278 = vector.broadcast %mul3A_1277 : i32 to vector<16xi32>
      %mul3A_1279 = arith.muli %shift_right_arithmetic3A_1274, %mul3A_1278 : vector<16xi32>
      %add3A_1280 = arith.addi %mul3A_1279, %and3A_1268 : vector<16xi32>
      %shift_left3A = arith.constant 9 : i32
      %shift_left3A_1281 = vector.broadcast %shift_left3A : i32 to vector<16xi32>
      %shift_left3A_1282 = arith.shli %add3A_1280, %shift_left3A_1281 : vector<16xi32>
      %shift_right_arithmetic3A_1283 = arith.constant 9 : i32
      %shift_right_arithmetic3A_1284 = vector.broadcast %shift_right_arithmetic3A_1283 : i32 to vector<16xi32>
      %shift_right_arithmetic3A_1285 = arith.shrsi %gather3A_1275, %shift_right_arithmetic3A_1284 : vector<16xi32>
      %add3A_1286 = arith.addi %shift_left3A_1282, %shift_right_arithmetic3A_1285 : vector<16xi32>
      %and3A_1287 = arith.constant 63 : i32
      %and3A_1288 = vector.broadcast %and3A_1287 : i32 to vector<16xi32>
      %and3A_1289 = arith.andi %add3A_1286, %and3A_1288 : vector<16xi32>
      %and3A_1290 = arith.constant 511 : i32
      %and3A_1291 = vector.broadcast %and3A_1290 : i32 to vector<16xi32>
      %and3A_1292 = arith.andi %gather3A_1275, %and3A_1291 : vector<16xi32>
      %gather3A_1293 = tpu.vector_load_idx %arg16[%and3A_1289, %and3A_1292] : memref<64x512xf32, #tpu.memory_space<vmem>>[vector<16xi32>, vector<16xi32>], vector<16xf32>,
      %mul3A_1294 = arith.mulf %gather3A_1293, %convert_element_type3A : vector<16xf32>
      tpu.vector_store_idx %arg9[%min3A_1262], %mul3A_1294 masked %lt3A_1255 : memref<2000xf32, #tpu.memory_space<vmem>>[vector<16xi32>], vector<16xf32>, vector<16xi1>
      %while3A_1295 = arith.constant 0 : i32
      scf.yield %while3A_1295 : i32
    }
    %dma_wait3A_1183 = tpu.memref_reshape %arg2 : memref<64x2x512x512xf32, #tpu.memory_space<hbm>> -> memref<65536x512xf32, #tpu.memory_space<hbm>>
    %dma_wait3A_1184 = arith.constant 0 : i32
    %dma_wait3A_1185 = tpu.memref_slice %dma_wait3A_1183[%multiple_of3A_1155, %dma_wait3A_1184] : memref<65536x512xf32, #tpu.memory_space<hbm>> -> memref<64x512xf32, #tpu.memory_space<hbm>>
    %dma_wait3A_1186 = tpu.memref_reshape %arg2 : memref<64x2x512x512xf32, #tpu.memory_space<hbm>> -> memref<65536x512xf32, #tpu.memory_space<hbm>>
    %dma_wait3A_1187 = arith.constant 0 : i32
    %dma_wait3A_1188 = tpu.memref_slice %dma_wait3A_1186[%multiple_of3A_1155, %dma_wait3A_1187] : memref<65536x512xf32, #tpu.memory_space<hbm>> -> memref<64x512xf32, #tpu.memory_space<hbm>>
    tpu.wait_dma2 semaphore(%arg17 : memref<!tpu.dma_semaphore, #tpu.memory_space<semaphore_mem>>) src(%dma_wait3A_1188 : memref<64x512xf32, #tpu.memory_space<hbm>>) dst(%arg15 : memref<64x512xf32, #tpu.memory_space<vmem>>)
    %mul3A_1189 = arith.constant 2048 : i32
    %mul3A_1190 = arith.muli %add3A, %mul3A_1189 : i32
    %add3A_1191 = arith.constant 1984 : i32
    %add3A_1192 = arith.addi %mul3A_1190, %add3A_1191 : i32
    %multiple_of3A_1193 = tpu.assume_multiple %add3A_1192, 64 : i32
    %dma_start3A_1194 = tpu.memref_reshape %arg2 : memref<64x2x512x512xf32, #tpu.memory_space<hbm>> -> memref<65536x512xf32, #tpu.memory_space<hbm>>
    %dma_start3A_1195 = arith.constant 0 : i32
    %dma_start3A_1196 = tpu.memref_slice %dma_start3A_1194[%multiple_of3A_1193, %dma_start3A_1195] : memref<65536x512xf32, #tpu.memory_space<hbm>> -> memref<64x512xf32, #tpu.memory_space<hbm>>
    %dma_start3A_1197 = tpu.memref_reshape %arg2 : memref<64x2x512x512xf32, #tpu.memory_space<hbm>> -> memref<65536x512xf32, #tpu.memory_space<hbm>>
    %dma_start3A_1198 = arith.constant 0 : i32
    %dma_start3A_1199 = tpu.memref_slice %dma_start3A_1197[%multiple_of3A_1193, %dma_start3A_1198] : memref<65536x512xf32, #tpu.memory_space<hbm>> -> memref<64x512xf32, #tpu.memory_space<hbm>>
    tpu.enqueue_dma source(%dma_start3A_1199 : memref<64x512xf32, #tpu.memory_space<hbm>>) target(%arg16 : memref<64x512xf32, #tpu.memory_space<vmem>>) target_semaphore(%arg18 : memref<!tpu.dma_semaphore, #tpu.memory_space<semaphore_mem>>)
    %slice3A_1200 = vector.extract_strided_slice %add3A_23 {offsets = [14], sizes = [1], strides = [1]} : vector<16xi32> to vector<1xi32>
    %squeeze3A_1201 = vector.extract %slice3A_1200[0] : i32 from vector<1xi32>
    %slice3A_1202 = vector.extract_strided_slice %add3A_25 {offsets = [14], sizes = [1], strides = [1]} : vector<16xi32> to vector<1xi32>
    %squeeze3A_1203 = vector.extract %slice3A_1202[0] : i32 from vector<1xi32>
    %sub3A_1204 = arith.subi %squeeze3A_1203, %squeeze3A_1201 : i32
    %add3A_1205 = arith.constant 15 : i32
    %add3A_1206 = arith.addi %sub3A_1204, %add3A_1205 : i32
    %shift_right_arithmetic3A_1207 = arith.constant 4 : i32
    %shift_right_arithmetic3A_1208 = arith.shrsi %add3A_1206, %shift_right_arithmetic3A_1207 : i32
    %while3A_1209 = arith.constant 0 : i32
    %while3A_1210 = arith.constant 0 : i32
    %while3A_1211 = arith.subi %shift_right_arithmetic3A_1208, %while3A_1209 : i32
    %while3A_1212 = arith.addi %while3A_1209, %while3A_1211 : i32
    %while3A_1213 = arith.constant 1 : i32
    %while3A_1214 = arith.divsi %while3A_1211, %while3A_1213 : i32
    %while3A_1215 = arith.muli %while3A_1214, %while3A_1213 : i32
    %while3A_1216 = arith.addi %while3A_1209, %while3A_1215 : i32
    %while3A_1217 = arith.constant 1 : i32
    %while3A_1218 = scf.for %while3A_1248 = %while3A_1209 to %while3A_1216 step %while3A_1217 iter_args(%while3A_1249 = %while3A_1210) -> (i32)  : i32 {
      %mul3A_1250 = arith.constant 16 : i32
      %mul3A_1251 = arith.muli %while3A_1248, %mul3A_1250 : i32
      %add3A_1252 = arith.addi %squeeze3A_1201, %mul3A_1251 : i32
      %add3A_1253 = vector.broadcast %add3A_1252 : i32 to vector<16xi32>
      %add3A_1254 = arith.addi %add3A_1253, %iota3A : vector<16xi32>
      %lt3A = vector.broadcast %squeeze3A_1203 : i32 to vector<16xi32>
      %lt3A_1255 = arith.cmpi slt, %add3A_1254, %lt3A : vector<16xi32>
      %and3A = arith.constant 2047 : i32
      %and3A_1256 = vector.broadcast %and3A : i32 to vector<16xi32>
      %and3A_1257 = arith.andi %add3A_1254, %and3A_1256 : vector<16xi32>
      %gather3A = tpu.vector_load_idx %arg12[%and3A_1257] : memref<2048xi32, #tpu.memory_space<vmem>>[vector<16xi32>], vector<16xi32>,
      %and3A_1258 = arith.constant 2047 : i32
      %and3A_1259 = vector.broadcast %and3A_1258 : i32 to vector<16xi32>
      %and3A_1260 = arith.andi %gather3A, %and3A_1259 : vector<16xi32>
      %min3A = arith.constant 1999 : i32
      %min3A_1261 = vector.broadcast %min3A : i32 to vector<16xi32>
      %min3A_1262 = arith.minsi %and3A_1260, %min3A_1261 : vector<16xi32>
      %shift_right_arithmetic3A_1263 = arith.constant 1 : i32
      %shift_right_arithmetic3A_1264 = vector.broadcast %shift_right_arithmetic3A_1263 : i32 to vector<16xi32>
      %shift_right_arithmetic3A_1265 = arith.shrsi %min3A_1262, %shift_right_arithmetic3A_1264 : vector<16xi32>
      %and3A_1266 = arith.constant 1 : i32
      %and3A_1267 = vector.broadcast %and3A_1266 : i32 to vector<16xi32>
      %and3A_1268 = arith.andi %min3A_1262, %and3A_1267 : vector<16xi32>
      %mul3A_1269 = arith.constant 33555 : i32
      %mul3A_1270 = vector.broadcast %mul3A_1269 : i32 to vector<16xi32>
      %mul3A_1271 = arith.muli %min3A_1262, %mul3A_1270 : vector<16xi32>
      %shift_right_arithmetic3A_1272 = arith.constant 25 : i32
      %shift_right_arithmetic3A_1273 = vector.broadcast %shift_right_arithmetic3A_1272 : i32 to vector<16xi32>
      %shift_right_arithmetic3A_1274 = arith.shrsi %mul3A_1271, %shift_right_arithmetic3A_1273 : vector<16xi32>
      %gather3A_1275 = tpu.vector_load_idx %arg7[%shift_right_arithmetic3A_1265] : memref<1000xi32, #tpu.memory_space<vmem>>[vector<16xi32>], vector<16xi32>,
      %gather3A_1276 = tpu.vector_load_idx %arg8[%shift_right_arithmetic3A_1265] : memref<1000xi32, #tpu.memory_space<vmem>>[vector<16xi32>], vector<16xi32>,
      %convert_element_type3A = arith.sitofp %gather3A_1276 : vector<16xi32> to vector<16xf32>
      %mul3A_1277 = arith.constant 2 : i32
      %mul3A_1278 = vector.broadcast %mul3A_1277 : i32 to vector<16xi32>
      %mul3A_1279 = arith.muli %shift_right_arithmetic3A_1274, %mul3A_1278 : vector<16xi32>
      %add3A_1280 = arith.addi %mul3A_1279, %and3A_1268 : vector<16xi32>
      %shift_left3A = arith.constant 9 : i32
      %shift_left3A_1281 = vector.broadcast %shift_left3A : i32 to vector<16xi32>
      %shift_left3A_1282 = arith.shli %add3A_1280, %shift_left3A_1281 : vector<16xi32>
      %shift_right_arithmetic3A_1283 = arith.constant 9 : i32
      %shift_right_arithmetic3A_1284 = vector.broadcast %shift_right_arithmetic3A_1283 : i32 to vector<16xi32>
      %shift_right_arithmetic3A_1285 = arith.shrsi %gather3A_1275, %shift_right_arithmetic3A_1284 : vector<16xi32>
      %add3A_1286 = arith.addi %shift_left3A_1282, %shift_right_arithmetic3A_1285 : vector<16xi32>
      %and3A_1287 = arith.constant 63 : i32
      %and3A_1288 = vector.broadcast %and3A_1287 : i32 to vector<16xi32>
      %and3A_1289 = arith.andi %add3A_1286, %and3A_1288 : vector<16xi32>
      %and3A_1290 = arith.constant 511 : i32
      %and3A_1291 = vector.broadcast %and3A_1290 : i32 to vector<16xi32>
      %and3A_1292 = arith.andi %gather3A_1275, %and3A_1291 : vector<16xi32>
      %gather3A_1293 = tpu.vector_load_idx %arg15[%and3A_1289, %and3A_1292] : memref<64x512xf32, #tpu.memory_space<vmem>>[vector<16xi32>, vector<16xi32>], vector<16xf32>,
      %mul3A_1294 = arith.mulf %gather3A_1293, %convert_element_type3A : vector<16xf32>
      tpu.vector_store_idx %arg9[%min3A_1262], %mul3A_1294 masked %lt3A_1255 : memref<2000xf32, #tpu.memory_space<vmem>>[vector<16xi32>], vector<16xf32>, vector<16xi1>
      %while3A_1295 = arith.constant 0 : i32
      scf.yield %while3A_1295 : i32
    }
    %while3A_1219 = arith.constant 1 : i32
    %while3A_1220 = scf.for %while3A_1248 = %while3A_1216 to %while3A_1212 step %while3A_1219 iter_args(%while3A_1249 = %while3A_1218) -> (i32)  : i32 {
      %mul3A_1250 = arith.constant 16 : i32
      %mul3A_1251 = arith.muli %while3A_1248, %mul3A_1250 : i32
      %add3A_1252 = arith.addi %squeeze3A_1201, %mul3A_1251 : i32
      %add3A_1253 = vector.broadcast %add3A_1252 : i32 to vector<16xi32>
      %add3A_1254 = arith.addi %add3A_1253, %iota3A : vector<16xi32>
      %lt3A = vector.broadcast %squeeze3A_1203 : i32 to vector<16xi32>
      %lt3A_1255 = arith.cmpi slt, %add3A_1254, %lt3A : vector<16xi32>
      %and3A = arith.constant 2047 : i32
      %and3A_1256 = vector.broadcast %and3A : i32 to vector<16xi32>
      %and3A_1257 = arith.andi %add3A_1254, %and3A_1256 : vector<16xi32>
      %gather3A = tpu.vector_load_idx %arg12[%and3A_1257] : memref<2048xi32, #tpu.memory_space<vmem>>[vector<16xi32>], vector<16xi32>,
      %and3A_1258 = arith.constant 2047 : i32
      %and3A_1259 = vector.broadcast %and3A_1258 : i32 to vector<16xi32>
      %and3A_1260 = arith.andi %gather3A, %and3A_1259 : vector<16xi32>
      %min3A = arith.constant 1999 : i32
      %min3A_1261 = vector.broadcast %min3A : i32 to vector<16xi32>
      %min3A_1262 = arith.minsi %and3A_1260, %min3A_1261 : vector<16xi32>
      %shift_right_arithmetic3A_1263 = arith.constant 1 : i32
      %shift_right_arithmetic3A_1264 = vector.broadcast %shift_right_arithmetic3A_1263 : i32 to vector<16xi32>
      %shift_right_arithmetic3A_1265 = arith.shrsi %min3A_1262, %shift_right_arithmetic3A_1264 : vector<16xi32>
      %and3A_1266 = arith.constant 1 : i32
      %and3A_1267 = vector.broadcast %and3A_1266 : i32 to vector<16xi32>
      %and3A_1268 = arith.andi %min3A_1262, %and3A_1267 : vector<16xi32>
      %mul3A_1269 = arith.constant 33555 : i32
      %mul3A_1270 = vector.broadcast %mul3A_1269 : i32 to vector<16xi32>
      %mul3A_1271 = arith.muli %min3A_1262, %mul3A_1270 : vector<16xi32>
      %shift_right_arithmetic3A_1272 = arith.constant 25 : i32
      %shift_right_arithmetic3A_1273 = vector.broadcast %shift_right_arithmetic3A_1272 : i32 to vector<16xi32>
      %shift_right_arithmetic3A_1274 = arith.shrsi %mul3A_1271, %shift_right_arithmetic3A_1273 : vector<16xi32>
      %gather3A_1275 = tpu.vector_load_idx %arg7[%shift_right_arithmetic3A_1265] : memref<1000xi32, #tpu.memory_space<vmem>>[vector<16xi32>], vector<16xi32>,
      %gather3A_1276 = tpu.vector_load_idx %arg8[%shift_right_arithmetic3A_1265] : memref<1000xi32, #tpu.memory_space<vmem>>[vector<16xi32>], vector<16xi32>,
      %convert_element_type3A = arith.sitofp %gather3A_1276 : vector<16xi32> to vector<16xf32>
      %mul3A_1277 = arith.constant 2 : i32
      %mul3A_1278 = vector.broadcast %mul3A_1277 : i32 to vector<16xi32>
      %mul3A_1279 = arith.muli %shift_right_arithmetic3A_1274, %mul3A_1278 : vector<16xi32>
      %add3A_1280 = arith.addi %mul3A_1279, %and3A_1268 : vector<16xi32>
      %shift_left3A = arith.constant 9 : i32
      %shift_left3A_1281 = vector.broadcast %shift_left3A : i32 to vector<16xi32>
      %shift_left3A_1282 = arith.shli %add3A_1280, %shift_left3A_1281 : vector<16xi32>
      %shift_right_arithmetic3A_1283 = arith.constant 9 : i32
      %shift_right_arithmetic3A_1284 = vector.broadcast %shift_right_arithmetic3A_1283 : i32 to vector<16xi32>
      %shift_right_arithmetic3A_1285 = arith.shrsi %gather3A_1275, %shift_right_arithmetic3A_1284 : vector<16xi32>
      %add3A_1286 = arith.addi %shift_left3A_1282, %shift_right_arithmetic3A_1285 : vector<16xi32>
      %and3A_1287 = arith.constant 63 : i32
      %and3A_1288 = vector.broadcast %and3A_1287 : i32 to vector<16xi32>
      %and3A_1289 = arith.andi %add3A_1286, %and3A_1288 : vector<16xi32>
      %and3A_1290 = arith.constant 511 : i32
      %and3A_1291 = vector.broadcast %and3A_1290 : i32 to vector<16xi32>
      %and3A_1292 = arith.andi %gather3A_1275, %and3A_1291 : vector<16xi32>
      %gather3A_1293 = tpu.vector_load_idx %arg15[%and3A_1289, %and3A_1292] : memref<64x512xf32, #tpu.memory_space<vmem>>[vector<16xi32>, vector<16xi32>], vector<16xf32>,
      %mul3A_1294 = arith.mulf %gather3A_1293, %convert_element_type3A : vector<16xf32>
      tpu.vector_store_idx %arg9[%min3A_1262], %mul3A_1294 masked %lt3A_1255 : memref<2000xf32, #tpu.memory_space<vmem>>[vector<16xi32>], vector<16xf32>, vector<16xi1>
      %while3A_1295 = arith.constant 0 : i32
      scf.yield %while3A_1295 : i32
    }
    %dma_wait3A_1221 = tpu.memref_reshape %arg2 : memref<64x2x512x512xf32, #tpu.memory_space<hbm>> -> memref<65536x512xf32, #tpu.memory_space<hbm>>
    %dma_wait3A_1222 = arith.constant 0 : i32
    %dma_wait3A_1223 = tpu.memref_slice %dma_wait3A_1221[%multiple_of3A_1193, %dma_wait3A_1222] : memref<65536x512xf32, #tpu.memory_space<hbm>> -> memref<64x512xf32, #tpu.memory_space<hbm>>
    %dma_wait3A_1224 = tpu.memref_reshape %arg2 : memref<64x2x512x512xf32, #tpu.memory_space<hbm>> -> memref<65536x512xf32, #tpu.memory_space<hbm>>
    %dma_wait3A_1225 = arith.constant 0 : i32
    %dma_wait3A_1226 = tpu.memref_slice %dma_wait3A_1224[%multiple_of3A_1193, %dma_wait3A_1225] : memref<65536x512xf32, #tpu.memory_space<hbm>> -> memref<64x512xf32, #tpu.memory_space<hbm>>
    tpu.wait_dma2 semaphore(%arg18 : memref<!tpu.dma_semaphore, #tpu.memory_space<semaphore_mem>>) src(%dma_wait3A_1226 : memref<64x512xf32, #tpu.memory_space<hbm>>) dst(%arg16 : memref<64x512xf32, #tpu.memory_space<vmem>>)
    %slice3A_1227 = vector.extract_strided_slice %add3A_23 {offsets = [15], sizes = [1], strides = [1]} : vector<16xi32> to vector<1xi32>
    %squeeze3A_1228 = vector.extract %slice3A_1227[0] : i32 from vector<1xi32>
    %slice3A_1229 = vector.extract_strided_slice %add3A_25 {offsets = [15], sizes = [1], strides = [1]} : vector<16xi32> to vector<1xi32>
    %squeeze3A_1230 = vector.extract %slice3A_1229[0] : i32 from vector<1xi32>
    %sub3A_1231 = arith.subi %squeeze3A_1230, %squeeze3A_1228 : i32
    %add3A_1232 = arith.constant 15 : i32
    %add3A_1233 = arith.addi %sub3A_1231, %add3A_1232 : i32
    %shift_right_arithmetic3A_1234 = arith.constant 4 : i32
    %shift_right_arithmetic3A_1235 = arith.shrsi %add3A_1233, %shift_right_arithmetic3A_1234 : i32
    %while3A_1236 = arith.constant 0 : i32
    %while3A_1237 = arith.constant 0 : i32
    %while3A_1238 = arith.subi %shift_right_arithmetic3A_1235, %while3A_1236 : i32
    %while3A_1239 = arith.addi %while3A_1236, %while3A_1238 : i32
    %while3A_1240 = arith.constant 1 : i32
    %while3A_1241 = arith.divsi %while3A_1238, %while3A_1240 : i32
    %while3A_1242 = arith.muli %while3A_1241, %while3A_1240 : i32
    %while3A_1243 = arith.addi %while3A_1236, %while3A_1242 : i32
    %while3A_1244 = arith.constant 1 : i32
    %while3A_1245 = scf.for %while3A_1248 = %while3A_1236 to %while3A_1243 step %while3A_1244 iter_args(%while3A_1249 = %while3A_1237) -> (i32)  : i32 {
      %mul3A_1250 = arith.constant 16 : i32
      %mul3A_1251 = arith.muli %while3A_1248, %mul3A_1250 : i32
      %add3A_1252 = arith.addi %squeeze3A_1228, %mul3A_1251 : i32
      %add3A_1253 = vector.broadcast %add3A_1252 : i32 to vector<16xi32>
      %add3A_1254 = arith.addi %add3A_1253, %iota3A : vector<16xi32>
      %lt3A = vector.broadcast %squeeze3A_1230 : i32 to vector<16xi32>
      %lt3A_1255 = arith.cmpi slt, %add3A_1254, %lt3A : vector<16xi32>
      %and3A = arith.constant 2047 : i32
      %and3A_1256 = vector.broadcast %and3A : i32 to vector<16xi32>
      %and3A_1257 = arith.andi %add3A_1254, %and3A_1256 : vector<16xi32>
      %gather3A = tpu.vector_load_idx %arg12[%and3A_1257] : memref<2048xi32, #tpu.memory_space<vmem>>[vector<16xi32>], vector<16xi32>,
      %and3A_1258 = arith.constant 2047 : i32
      %and3A_1259 = vector.broadcast %and3A_1258 : i32 to vector<16xi32>
      %and3A_1260 = arith.andi %gather3A, %and3A_1259 : vector<16xi32>
      %min3A = arith.constant 1999 : i32
      %min3A_1261 = vector.broadcast %min3A : i32 to vector<16xi32>
      %min3A_1262 = arith.minsi %and3A_1260, %min3A_1261 : vector<16xi32>
      %shift_right_arithmetic3A_1263 = arith.constant 1 : i32
      %shift_right_arithmetic3A_1264 = vector.broadcast %shift_right_arithmetic3A_1263 : i32 to vector<16xi32>
      %shift_right_arithmetic3A_1265 = arith.shrsi %min3A_1262, %shift_right_arithmetic3A_1264 : vector<16xi32>
      %and3A_1266 = arith.constant 1 : i32
      %and3A_1267 = vector.broadcast %and3A_1266 : i32 to vector<16xi32>
      %and3A_1268 = arith.andi %min3A_1262, %and3A_1267 : vector<16xi32>
      %mul3A_1269 = arith.constant 33555 : i32
      %mul3A_1270 = vector.broadcast %mul3A_1269 : i32 to vector<16xi32>
      %mul3A_1271 = arith.muli %min3A_1262, %mul3A_1270 : vector<16xi32>
      %shift_right_arithmetic3A_1272 = arith.constant 25 : i32
      %shift_right_arithmetic3A_1273 = vector.broadcast %shift_right_arithmetic3A_1272 : i32 to vector<16xi32>
      %shift_right_arithmetic3A_1274 = arith.shrsi %mul3A_1271, %shift_right_arithmetic3A_1273 : vector<16xi32>
      %gather3A_1275 = tpu.vector_load_idx %arg7[%shift_right_arithmetic3A_1265] : memref<1000xi32, #tpu.memory_space<vmem>>[vector<16xi32>], vector<16xi32>,
      %gather3A_1276 = tpu.vector_load_idx %arg8[%shift_right_arithmetic3A_1265] : memref<1000xi32, #tpu.memory_space<vmem>>[vector<16xi32>], vector<16xi32>,
      %convert_element_type3A = arith.sitofp %gather3A_1276 : vector<16xi32> to vector<16xf32>
      %mul3A_1277 = arith.constant 2 : i32
      %mul3A_1278 = vector.broadcast %mul3A_1277 : i32 to vector<16xi32>
      %mul3A_1279 = arith.muli %shift_right_arithmetic3A_1274, %mul3A_1278 : vector<16xi32>
      %add3A_1280 = arith.addi %mul3A_1279, %and3A_1268 : vector<16xi32>
      %shift_left3A = arith.constant 9 : i32
      %shift_left3A_1281 = vector.broadcast %shift_left3A : i32 to vector<16xi32>
      %shift_left3A_1282 = arith.shli %add3A_1280, %shift_left3A_1281 : vector<16xi32>
      %shift_right_arithmetic3A_1283 = arith.constant 9 : i32
      %shift_right_arithmetic3A_1284 = vector.broadcast %shift_right_arithmetic3A_1283 : i32 to vector<16xi32>
      %shift_right_arithmetic3A_1285 = arith.shrsi %gather3A_1275, %shift_right_arithmetic3A_1284 : vector<16xi32>
      %add3A_1286 = arith.addi %shift_left3A_1282, %shift_right_arithmetic3A_1285 : vector<16xi32>
      %and3A_1287 = arith.constant 63 : i32
      %and3A_1288 = vector.broadcast %and3A_1287 : i32 to vector<16xi32>
      %and3A_1289 = arith.andi %add3A_1286, %and3A_1288 : vector<16xi32>
      %and3A_1290 = arith.constant 511 : i32
      %and3A_1291 = vector.broadcast %and3A_1290 : i32 to vector<16xi32>
      %and3A_1292 = arith.andi %gather3A_1275, %and3A_1291 : vector<16xi32>
      %gather3A_1293 = tpu.vector_load_idx %arg16[%and3A_1289, %and3A_1292] : memref<64x512xf32, #tpu.memory_space<vmem>>[vector<16xi32>, vector<16xi32>], vector<16xf32>,
      %mul3A_1294 = arith.mulf %gather3A_1293, %convert_element_type3A : vector<16xf32>
      tpu.vector_store_idx %arg9[%min3A_1262], %mul3A_1294 masked %lt3A_1255 : memref<2000xf32, #tpu.memory_space<vmem>>[vector<16xi32>], vector<16xf32>, vector<16xi1>
      %while3A_1295 = arith.constant 0 : i32
      scf.yield %while3A_1295 : i32
    }
    %while3A_1246 = arith.constant 1 : i32
    %while3A_1247 = scf.for %while3A_1248 = %while3A_1243 to %while3A_1239 step %while3A_1246 iter_args(%while3A_1249 = %while3A_1245) -> (i32)  : i32 {
      %mul3A_1250 = arith.constant 16 : i32
      %mul3A_1251 = arith.muli %while3A_1248, %mul3A_1250 : i32
      %add3A_1252 = arith.addi %squeeze3A_1228, %mul3A_1251 : i32
      %add3A_1253 = vector.broadcast %add3A_1252 : i32 to vector<16xi32>
      %add3A_1254 = arith.addi %add3A_1253, %iota3A : vector<16xi32>
      %lt3A = vector.broadcast %squeeze3A_1230 : i32 to vector<16xi32>
      %lt3A_1255 = arith.cmpi slt, %add3A_1254, %lt3A : vector<16xi32>
      %and3A = arith.constant 2047 : i32
      %and3A_1256 = vector.broadcast %and3A : i32 to vector<16xi32>
      %and3A_1257 = arith.andi %add3A_1254, %and3A_1256 : vector<16xi32>
      %gather3A = tpu.vector_load_idx %arg12[%and3A_1257] : memref<2048xi32, #tpu.memory_space<vmem>>[vector<16xi32>], vector<16xi32>,
      %and3A_1258 = arith.constant 2047 : i32
      %and3A_1259 = vector.broadcast %and3A_1258 : i32 to vector<16xi32>
      %and3A_1260 = arith.andi %gather3A, %and3A_1259 : vector<16xi32>
      %min3A = arith.constant 1999 : i32
      %min3A_1261 = vector.broadcast %min3A : i32 to vector<16xi32>
      %min3A_1262 = arith.minsi %and3A_1260, %min3A_1261 : vector<16xi32>
      %shift_right_arithmetic3A_1263 = arith.constant 1 : i32
      %shift_right_arithmetic3A_1264 = vector.broadcast %shift_right_arithmetic3A_1263 : i32 to vector<16xi32>
      %shift_right_arithmetic3A_1265 = arith.shrsi %min3A_1262, %shift_right_arithmetic3A_1264 : vector<16xi32>
      %and3A_1266 = arith.constant 1 : i32
      %and3A_1267 = vector.broadcast %and3A_1266 : i32 to vector<16xi32>
      %and3A_1268 = arith.andi %min3A_1262, %and3A_1267 : vector<16xi32>
      %mul3A_1269 = arith.constant 33555 : i32
      %mul3A_1270 = vector.broadcast %mul3A_1269 : i32 to vector<16xi32>
      %mul3A_1271 = arith.muli %min3A_1262, %mul3A_1270 : vector<16xi32>
      %shift_right_arithmetic3A_1272 = arith.constant 25 : i32
      %shift_right_arithmetic3A_1273 = vector.broadcast %shift_right_arithmetic3A_1272 : i32 to vector<16xi32>
      %shift_right_arithmetic3A_1274 = arith.shrsi %mul3A_1271, %shift_right_arithmetic3A_1273 : vector<16xi32>
      %gather3A_1275 = tpu.vector_load_idx %arg7[%shift_right_arithmetic3A_1265] : memref<1000xi32, #tpu.memory_space<vmem>>[vector<16xi32>], vector<16xi32>,
      %gather3A_1276 = tpu.vector_load_idx %arg8[%shift_right_arithmetic3A_1265] : memref<1000xi32, #tpu.memory_space<vmem>>[vector<16xi32>], vector<16xi32>,
      %convert_element_type3A = arith.sitofp %gather3A_1276 : vector<16xi32> to vector<16xf32>
      %mul3A_1277 = arith.constant 2 : i32
      %mul3A_1278 = vector.broadcast %mul3A_1277 : i32 to vector<16xi32>
      %mul3A_1279 = arith.muli %shift_right_arithmetic3A_1274, %mul3A_1278 : vector<16xi32>
      %add3A_1280 = arith.addi %mul3A_1279, %and3A_1268 : vector<16xi32>
      %shift_left3A = arith.constant 9 : i32
      %shift_left3A_1281 = vector.broadcast %shift_left3A : i32 to vector<16xi32>
      %shift_left3A_1282 = arith.shli %add3A_1280, %shift_left3A_1281 : vector<16xi32>
      %shift_right_arithmetic3A_1283 = arith.constant 9 : i32
      %shift_right_arithmetic3A_1284 = vector.broadcast %shift_right_arithmetic3A_1283 : i32 to vector<16xi32>
      %shift_right_arithmetic3A_1285 = arith.shrsi %gather3A_1275, %shift_right_arithmetic3A_1284 : vector<16xi32>
      %add3A_1286 = arith.addi %shift_left3A_1282, %shift_right_arithmetic3A_1285 : vector<16xi32>
      %and3A_1287 = arith.constant 63 : i32
      %and3A_1288 = vector.broadcast %and3A_1287 : i32 to vector<16xi32>
      %and3A_1289 = arith.andi %add3A_1286, %and3A_1288 : vector<16xi32>
      %and3A_1290 = arith.constant 511 : i32
      %and3A_1291 = vector.broadcast %and3A_1290 : i32 to vector<16xi32>
      %and3A_1292 = arith.andi %gather3A_1275, %and3A_1291 : vector<16xi32>
      %gather3A_1293 = tpu.vector_load_idx %arg16[%and3A_1289, %and3A_1292] : memref<64x512xf32, #tpu.memory_space<vmem>>[vector<16xi32>, vector<16xi32>], vector<16xf32>,
      %mul3A_1294 = arith.mulf %gather3A_1293, %convert_element_type3A : vector<16xf32>
      tpu.vector_store_idx %arg9[%min3A_1262], %mul3A_1294 masked %lt3A_1255 : memref<2000xf32, #tpu.memory_space<vmem>>[vector<16xi32>], vector<16xf32>, vector<16xi1>
      %while3A_1295 = arith.constant 0 : i32
      scf.yield %while3A_1295 : i32
    }
    "tpu.region"() ({
      %run_scoped3A = tpu.sem_alloc : memref<!tpu.dma_semaphore, #tpu.memory_space<semaphore_mem>>
      %dma_start3A_1248 = arith.constant 0 : i32
      %dma_start3A_1249 = tpu.memref_slice %arg5[%add3A, %dma_start3A_1248] : memref<32x2000xf32, #tpu.memory_space<hbm>> -> memref<1x2000xf32, #tpu.memory_space<hbm>>
      %dma_start3A_1250 = tpu.memref_squeeze %dma_start3A_1249 : memref<1x2000xf32, #tpu.memory_space<hbm>> -> memref<2000xf32, #tpu.memory_space<hbm>>
      %dma_start3A_1251 = arith.constant 0 : i32
      %dma_start3A_1252 = tpu.memref_slice %arg5[%add3A, %dma_start3A_1251] : memref<32x2000xf32, #tpu.memory_space<hbm>> -> memref<1x2000xf32, #tpu.memory_space<hbm>>
      %dma_start3A_1253 = tpu.memref_squeeze %dma_start3A_1252 : memref<1x2000xf32, #tpu.memory_space<hbm>> -> memref<2000xf32, #tpu.memory_space<hbm>>
      tpu.enqueue_dma source(%arg9 : memref<2000xf32, #tpu.memory_space<vmem>>) target(%dma_start3A_1253 : memref<2000xf32, #tpu.memory_space<hbm>>) target_semaphore(%run_scoped3A : memref<!tpu.dma_semaphore, #tpu.memory_space<semaphore_mem>>)
      %dma_wait3A_1254 = arith.constant 0 : i32
      %dma_wait3A_1255 = tpu.memref_slice %arg5[%add3A, %dma_wait3A_1254] : memref<32x2000xf32, #tpu.memory_space<hbm>> -> memref<1x2000xf32, #tpu.memory_space<hbm>>
      %dma_wait3A_1256 = tpu.memref_squeeze %dma_wait3A_1255 : memref<1x2000xf32, #tpu.memory_space<hbm>> -> memref<2000xf32, #tpu.memory_space<hbm>>
      %dma_wait3A_1257 = arith.constant 0 : i32
      %dma_wait3A_1258 = tpu.memref_slice %arg5[%add3A, %dma_wait3A_1257] : memref<32x2000xf32, #tpu.memory_space<hbm>> -> memref<1x2000xf32, #tpu.memory_space<hbm>>
      %dma_wait3A_1259 = tpu.memref_squeeze %dma_wait3A_1258 : memref<1x2000xf32, #tpu.memory_space<hbm>> -> memref<2000xf32, #tpu.memory_space<hbm>>
      tpu.wait_dma2 semaphore(%run_scoped3A : memref<!tpu.dma_semaphore, #tpu.memory_space<semaphore_mem>>) src(%arg9 : memref<2000xf32, #tpu.memory_space<vmem>>) dst(%dma_wait3A_1259 : memref<2000xf32, #tpu.memory_space<hbm>>)
      tpu.yield
    }) : () -> ()
    "tpu.region"() ({
      %run_scoped3A = tpu.sem_alloc : memref<!tpu.dma_semaphore, #tpu.memory_space<semaphore_mem>>
      %dma_start3A_1248 = arith.constant 0 : i32
      %dma_start3A_1249 = tpu.memref_slice %arg6[%add3A, %dma_start3A_1248] : memref<32x2000xf32, #tpu.memory_space<hbm>> -> memref<1x2000xf32, #tpu.memory_space<hbm>>
      %dma_start3A_1250 = tpu.memref_squeeze %dma_start3A_1249 : memref<1x2000xf32, #tpu.memory_space<hbm>> -> memref<2000xf32, #tpu.memory_space<hbm>>
      %dma_start3A_1251 = arith.constant 0 : i32
      %dma_start3A_1252 = tpu.memref_slice %arg6[%add3A, %dma_start3A_1251] : memref<32x2000xf32, #tpu.memory_space<hbm>> -> memref<1x2000xf32, #tpu.memory_space<hbm>>
      %dma_start3A_1253 = tpu.memref_squeeze %dma_start3A_1252 : memref<1x2000xf32, #tpu.memory_space<hbm>> -> memref<2000xf32, #tpu.memory_space<hbm>>
      tpu.enqueue_dma source(%arg10 : memref<2000xf32, #tpu.memory_space<vmem>>) target(%dma_start3A_1253 : memref<2000xf32, #tpu.memory_space<hbm>>) target_semaphore(%run_scoped3A : memref<!tpu.dma_semaphore, #tpu.memory_space<semaphore_mem>>)
      %dma_wait3A_1254 = arith.constant 0 : i32
      %dma_wait3A_1255 = tpu.memref_slice %arg6[%add3A, %dma_wait3A_1254] : memref<32x2000xf32, #tpu.memory_space<hbm>> -> memref<1x2000xf32, #tpu.memory_space<hbm>>
      %dma_wait3A_1256 = tpu.memref_squeeze %dma_wait3A_1255 : memref<1x2000xf32, #tpu.memory_space<hbm>> -> memref<2000xf32, #tpu.memory_space<hbm>>
      %dma_wait3A_1257 = arith.constant 0 : i32
      %dma_wait3A_1258 = tpu.memref_slice %arg6[%add3A, %dma_wait3A_1257] : memref<32x2000xf32, #tpu.memory_space<hbm>> -> memref<1x2000xf32, #tpu.memory_space<hbm>>
      %dma_wait3A_1259 = tpu.memref_squeeze %dma_wait3A_1258 : memref<1x2000xf32, #tpu.memory_space<hbm>> -> memref<2000xf32, #tpu.memory_space<hbm>>
      tpu.wait_dma2 semaphore(%run_scoped3A : memref<!tpu.dma_semaphore, #tpu.memory_space<semaphore_mem>>) src(%arg10 : memref<2000xf32, #tpu.memory_space<vmem>>) dst(%dma_wait3A_1259 : memref<2000xf32, #tpu.memory_space<hbm>>)
      tpu.yield
    }) : () -> ()
    return
  }
}

module attributes {stable_mosaic.version = 14 : i64} {
  func.func @body(%arg0: memref<32x2000xf32, #tpu.memory_space<vmem>>, %arg1: memref<32x2000xf32, #tpu.memory_space<vmem>>, %arg2: memref<32x2000xf32, #tpu.memory_space<vmem>>, %arg3: memref<1x1xf32, #tpu.memory_space<smem>>) attributes {dimension_semantics = [], scalar_prefetch = 0 : i64, scratch_operands = 0 : i64, tpu.core_type = #tpu.core_type<tc>} {
    %get3A = arith.constant 0 : index
    %get3A_0 = arith.constant 0 : index
    %get3A_1 = vector.load %arg0[%get3A, %get3A_0] : memref<32x2000xf32, #tpu.memory_space<vmem>>, vector<32x2000xf32>
    %get3A_2 = arith.constant 0 : index
    %get3A_3 = arith.constant 0 : index
    %get3A_4 = vector.load %arg1[%get3A_2, %get3A_3] : memref<32x2000xf32, #tpu.memory_space<vmem>>, vector<32x2000xf32>
    %get3A_5 = arith.constant 0 : index
    %get3A_6 = arith.constant 0 : index
    %get3A_7 = vector.load %arg2[%get3A_5, %get3A_6] : memref<32x2000xf32, #tpu.memory_space<vmem>>, vector<32x2000xf32>
    %mul3A = arith.mulf %get3A_7, %get3A_4 : vector<32x2000xf32>
    %sub3A = arith.subf %get3A_1, %mul3A : vector<32x2000xf32>
    %abs3A = math.absf %sub3A : vector<32x2000xf32>
    %reduce_sum3A = vector.shape_cast %abs3A : vector<32x2000xf32> to vector<1x32x2000xf32>
    %reduce_sum3A_8 = arith.constant dense<0.000000e+00> : vector<1xf32>
    %reduce_sum3A_9 = vector.multi_reduction <add>, %reduce_sum3A, %reduce_sum3A_8 [1, 2] : vector<1x32x2000xf32> to vector<1xf32>
    %reduce_sum3A_10 = vector.shape_cast %reduce_sum3A_9 : vector<1xf32> to vector<1x1x1xf32>
    %reduce_sum3A_11 = vector.extract %reduce_sum3A_10[0, 0, 0] : f32 from vector<1x1x1xf32>
    %reduce_sum3A_12 = vector.shape_cast %get3A_4 : vector<32x2000xf32> to vector<1x32x2000xf32>
    %reduce_sum3A_13 = arith.constant dense<0.000000e+00> : vector<1xf32>
    %reduce_sum3A_14 = vector.multi_reduction <add>, %reduce_sum3A_12, %reduce_sum3A_13 [1, 2] : vector<1x32x2000xf32> to vector<1xf32>
    %reduce_sum3A_15 = vector.shape_cast %reduce_sum3A_14 : vector<1xf32> to vector<1x1x1xf32>
    %reduce_sum3A_16 = vector.extract %reduce_sum3A_15[0, 0, 0] : f32 from vector<1x1x1xf32>
    %add3A = arith.constant 9.99999974E-5 : f32
    %add3A_17 = arith.addf %reduce_sum3A_16, %add3A : f32
    %div3A = arith.divf %reduce_sum3A_11, %add3A_17 : f32
    %swap3A = arith.constant 0 : index
    %swap3A_18 = arith.constant 0 : index
    %swap3A_19 = memref.load %arg3[%swap3A, %swap3A_18] : memref<1x1xf32, #tpu.memory_space<smem>>
    memref.store %div3A, %arg3[%swap3A, %swap3A_18] : memref<1x1xf32, #tpu.memory_space<smem>>
    return
  }
}

</mosaic_0001>

<sc_bundles>
// kernel: kernel.4.cloned.1.call-start
scs
__scs_entry_jumppad:
0x0: {  	(pc) =	sbr.rel $0x88, $3  }
0x1: {  	(tag) =	ssettag $0x0;
	lr =	simm.s32 $0x1  }
0x2: {  	[smem:$0x3F9D] =	sst lr;
	_ =	strace $0xD0000000  }
0x3: {  	_ = 	snop  }
0x4: {  	_ = 	snop  }
0x5: {  	_ = 	snop  }
0x6: {  	_ = 	snop  }
0x7: {  	_ = 	snop  }
__scs_overlays_trampoline_lowered:
0x8: {  	[smem:$0x3FAC] =	sst s0  }
0x9: {  	[smem:$0x3FAD] =	sst s1  }
0xa: {  	[smem:$0x3FAE] =	sst s2  }
0xb: {  	[smem:$0x3FAF] =	sst s3  }
0xc: {  	[smem:$0x3FB0] =	sst s4  }
0xd: {  	[smem:$0x3FB1] =	sst s5  }
0xe: {  	[smem:$0x3FB2] =	sst s6  }
0xf: {  	[smem:$0x3FB3] =	sst s7  }
0x10: {  	[smem:$0x3FB4] =	sst s8  }
0x11: {  	[smem:$0x3FB5] =	sst s9;
	s0 =	simm.s32 @!p0 $0x0  }
0x12: {  	s1 =	sld [smem:$0x3F9B];
	s0 =	simm.s32 @p0 $0x1  }
0x13: {  	[smem:$0x3FB6] =	sst s0;
	s0 =	simm.s32 @!p1 $0x0  }
0x14: {  	s2 =	sld [smem:$0x3F9A];
	s0 =	simm.s32 @p1 $0x1  }
0x15: {  	[smem:$0x3FB7] =	sst s0;
	s0 =	simm.s32 @!p2 $0x0  }
0x16: {  	s3 =	sld [smem:$0x3FDB];
	s0 =	simm.s32 @p2 $0x1  }
0x17: {  	s4 =	simm.s32 $0x1BF5;
	[smem:$0x3FB9] =	sst s0  }
0x18: {  	s0 =	sld [smem:$0x3F9C];
	_ =	swait.ge [sflag:s4], $0x0  }
0x19: {  	s7 =	sld [smem:$0x3F9D]  }
0x1a: {  	s8 =	sadd.s32 $0xFFFFE003, lr  }
0x1b: {  	s9 =	sadd.s32 $0xFFFFFEF7, lr;
	s5 =	simm.s32 $0xFFFFFFFF;
	p2 =	slt.u32 s8, $0xFFFFF086  }
0x1c: {  	p1 =	slt.u32 s9, $0xF7A;
	s5 =	simm.s32 @!p2 $0x0  }
0x1d: {  	s5 =	simm.s32 @p1 $0x1;
	p0 =	seq.s32 s7, s2  }
0x1e: {  	s7 =	smul.u32 @!p0 $0xF7A, s2;
	p2 =	seq.s32 @!p0 s5, $0x0  }
0x1f: {  	s9 =	smul.u32 $0xF7A, s1;
	s8 =	simm.s32 @!p0 $0x1BF5;
	p2 =	por !p2, p0  }
0x20: {  	[sflag:s8] =	ssyncset.s32 @!p0 $0xFFFFF086;
	s6 =	sadd.s32 @!p0 s3, s7;
	s7 =	simm.s32 @!p0 $0x108  }
0x21: {  	s3 =	sadd.s32 s3, s9;
	s6 =	sadd.s32 @!p0 $0x88, s6;
	s7 =	simm.s32 @p2 $0x1082  }
0x22: {  	[simem:s7], [sflag:s8] =	dma.local @!p0 [hbm:s6], $0xF7A  }
0x23: {  	s9 =	sor.u32 $0xD0000000, s2;
	s6 =	simm.s32 $0x108;
	_ =	swait.ge @!p0 [sflag:s8], $0x0  }
0x24: {  	s3 =	sadd.s32 $0x88, s3;
	s6 =	simm.s32 @!p1 $0x1082;
	[sflag:s4] =	ssyncset.s32 $0xFFFFF086  }
0x25: {  	[simem:s6], [sflag:s4] =	dma.local [hbm:s3], $0xF7A  }
0x26: {  	[smem:$0x3F9D] =	sst s1;
	(tag) =	ssettag s2;
	_ =	strace s9  }
0x27: {  	s1 =	sld [smem:$0x3FAD]  }
0x28: {  	s2 =	sld [smem:$0x3FAE]  }
0x29: {  	s4 =	sld [smem:$0x3FB0]  }
0x2a: {  	p0 =	seq.s32 s5, $0x0;
	s5 =	sld [smem:$0x3FB1]  }
0x2b: {  	s6 =	sld [smem:$0x3FB2]  }
0x2c: {  	s7 =	sld [smem:$0x3FB3]  }
0x2d: {  	s3 =	simm.s32 $0x108;
	s8 =	sld [smem:$0x3FB4]  }
0x2e: {  	s3 =	simm.s32 @!p0 $0x1082;
	s9 =	sld [smem:$0x3FB5]  }
0x2f: {  	lr =	sadd.s32 s0, s3;
	s0 =	sld [smem:$0x3FAC]  }
0x30: {  	s3 =	sld [smem:$0x3FAF]  }
0x31: {  	[smem:$0x3FB8] =	sst s10  }
0x32: {  	s10 =	sld [smem:$0x3FB6];
	_ =	sdelay $0x3  }
0x33: {  	p0 =	seq.s32 s10, $0x1;
	s10 =	sld [smem:$0x3FB8];
	_ =	sdelay $0x3  }
0x34: {  	[smem:$0x3FB8] =	sst s10  }
0x35: {  	s10 =	sld [smem:$0x3FB7];
	_ =	sdelay $0x3  }
0x36: {  	p1 =	seq.s32 s10, $0x1;
	s10 =	sld [smem:$0x3FB8];
	_ =	sdelay $0x3  }
0x37: {  	[smem:$0x3FB8] =	sst s10  }
0x38: {  	s10 =	sld [smem:$0x3FB9]  }
0x39: {  	_ = 	snop;
	(pc) =	sbr.ind lr, $3  }
0x3a: {  	_ = 	snop  }
0x3b: {  	_ = 	snop  }
0x3c: {  	p2 =	seq.s32 s10, $0x1;
	s10 =	sld [smem:$0x3FB8]  }
0x3d: {  	_ =	shalt  }
0x3e: {  	_ =	shalt  }
0x3f: {  	_ =	shalt  }
0x40: {  	_ =	shalt  }
0x41: {  	_ =	shalt  }
0x42: {  	_ =	shalt  }
0x43: {  	_ =	shalt  }
0x44: {  	_ =	shalt  }
0x45: {  	_ =	shalt  }
0x46: {  	_ =	shalt  }
0x47: {  	_ =	shalt  }
0x48: {  	_ =	shalt  }
0x49: {  	_ =	shalt  }
0x4a: {  	_ =	shalt  }
0x4b: {  	_ =	shalt  }
0x4c: {  	_ =	shalt  }
0x4d: {  	_ =	shalt  }
0x4e: {  	_ =	shalt  }
0x4f: {  	_ =	shalt  }
0x50: {  	_ =	shalt  }
0x51: {  	_ =	shalt  }
0x52: {  	_ =	shalt  }
0x53: {  	_ =	shalt  }
0x54: {  	_ =	shalt  }
0x55: {  	_ =	shalt  }
0x56: {  	_ =	shalt  }
0x57: {  	_ =	shalt  }
0x58: {  	_ =	shalt  }
0x59: {  	_ =	shalt  }
0x5a: {  	_ =	shalt  }
0x5b: {  	_ =	shalt  }
0x5c: {  	_ =	shalt  }
0x5d: {  	_ =	shalt  }
0x5e: {  	_ =	shalt  }
0x5f: {  	_ =	shalt  }
0x60: {  	_ =	shalt  }
0x61: {  	_ =	shalt  }
0x62: {  	_ =	shalt  }
0x63: {  	_ =	shalt  }
0x64: {  	_ =	shalt  }
0x65: {  	_ =	shalt  }
0x66: {  	_ =	shalt  }
0x67: {  	_ =	shalt  }
0x68: {  	_ =	shalt  }
0x69: {  	_ =	shalt  }
0x6a: {  	_ =	shalt  }
0x6b: {  	_ =	shalt  }
0x6c: {  	_ =	shalt  }
0x6d: {  	_ =	shalt  }
0x6e: {  	_ =	shalt  }
0x6f: {  	_ =	shalt  }
0x70: {  	_ =	shalt  }
0x71: {  	_ =	shalt  }
0x72: {  	_ =	shalt  }
0x73: {  	_ =	shalt  }
0x74: {  	_ =	shalt  }
0x75: {  	_ =	shalt  }
0x76: {  	_ =	shalt  }
0x77: {  	_ =	shalt  }
0x78: {  	_ =	shalt  }
0x79: {  	_ =	shalt  }
0x7a: {  	_ =	shalt  }
0x7b: {  	_ =	shalt  }
0x7c: {  	_ =	shalt  }
0x7d: {  	_ =	shalt  }
0x7e: {  	_ =	shalt  }
0x7f: {  	_ =	shalt  }
0x80: {  	_ =	shalt  }
0x81: {  	_ =	shalt  }
0x82: {  	_ =	shalt  }
0x83: {  	_ =	shalt  }
0x84: {  	_ =	shalt  }
0x85: {  	_ =	shalt  }
0x86: {  	_ =	shalt  }
0x87: {  	_ =	shalt  }
.Lfunc_end0:
.L_simem_size_0:
called_computation_lowered:
.L_overlay_start_0:
0x88: {  	s2 =	sld [smem:$0x3FD9]  }
0x89: {  	s3 =	sld [smem:$0x3FFE];
	_ =	sdelay $0x1  }
0x8a: {  	s1 =	srdreg.scid  }
0x8b: {  	s0 =	sand.u32 $0x1, s1  }
0x8c: {  	s17 =	sshll.u32 s0, $0xA;
	s2 =	sadd.s32 s3, s2  }
0x8d: {  	s2 =	sadd.s32 s2, s17  }
0x8e: {  	[smem:$0x3FC4] =	sst s2  }
0x8f: {  	_ = 	snop  }
0x90: {  	s2 =	sld [smem:$0x3FC9];
	(tm) =	ssettm $0x1  }
0x91: {  	s18 =	sld [smem:$0x3FFB];
	_ =	sdelay $0x3  }
0x92: {  	_ =	strace s18  }
0x93: {  	s3 =	sld [smem:$0x3FFC];
	_ =	sdelay $0x3  }
0x94: {  	_ =	strace s3  }
0x95: {  	s3 =	sld [smem:$0x3FFD];
	_ =	sdelay $0x3  }
0x96: {  	_ =	strace s3  }
0x97: {  	_ =	strace $0x8FFFFFFF  }
0x98: {  	s19 =	sld [smem:$0x3FDB];
	_ =	sdelay $0x1  }
0x99: {  	s4 =	simm.s32 $_scs_section_size  }
0x9a: {  	s5 =	simm.s32 $_size__tile_overlayer_lowered;
	s6 =	simm.s32 $_tile_overlayer_lowered  }
0x9b: {  	s22 =	simm.s32 $0x1BFF;
	s21 =	sshll.u32 s6, $0x1;
	s3 =	sadd.s32 s4, s19  }
0x9c: {  	s7 =	simm.s32 $0x0;
	s20 =	sshll.u32 s5, $0x1;
	s5 =	sadd.s32 s21, s3  }
0x9d: {  	[timem:s7], [sflag:s22] =	dma.local [hbm:s5], s20  }
0x9e: {  	_ =	swait.ge [sflag:s22], s20  }
0x9f: {  	s4 =	ssub.s32 $0x0, s20;
	[sflag:s22] =	ssyncset.done $0x0  }
0xa0: {  	[sflag:s22] =	ssyncadd.s32 s4;
	_ =	sdelay $0x1  }
0xa1: {  	s23 =	simm.s32 $0x1B8B  }
0xa2: {  	_ =	swait.ge [sflag:s23], $0x1  }
0xa3: {  	[sflag:s23] =	ssyncset.done $0x0  }
0xa4: {  	s25 =	simm.s32 $0x1B8E;
	s24 =	sld [smem:$0x3FFE];
	[sflag:s23] =	ssyncadd.s32 $0xFFFFFFFF  }
0xa5: {  	s26 =	simm.s32 $execute0_lowered;
	[smem:$0x3FD2] =	sst s25  }
0xa6: {  	s5 =	sshll.u32 s26, $0x1;
	_ =	strace $0x80000046;
	[dreg:$0x1] =	wrdreg $0xFFFFFFFF  }
0xa7: {  	s28 =	simm.s32 $_size_execute0_lowered;
	s3 =	sadd.s32 s3, s5;
	[dreg:$0x0] =	wrdreg $0x0  }
0xa8: {  	s5 =	sshll.u32 s28, $0x1;
	[dreg:$0x2] =	wrdreg s3  }
0xa9: {  	[dreg:$0x3] =	wrdreg s5  }
0xaa: {  	[dreg:$0x4] =	wrdreg $0xC0  }
0xab: {  	_ =	task [dreg:s7], $0x5FFFF  }
0xac: {  	[dreg:$0x1] =	wrdreg $0xFFFFFFFF  }
0xad: {  	[dreg:$0x0] =	wrdreg $0x60  }
0xae: {  	[dreg:$0x2] =	wrdreg s2  }
0xaf: {  	[dreg:$0x3] =	wrdreg s24  }
0xb0: {  	[dreg:$0x4] =	wrdreg $0x9  }
0xb1: {  	_ =	task.clear_ibuf [dreg:s7], $0x5FFFF;
	_ =	strace $0x90000046  }
0xb2: {  	s29 =	simm.s32 $0x9;
	_ =	strace $0x80000048  }
0xb3: {  	_ =	swait.ge [sflag:s29], $0x1  }
0xb4: {  	[sflag:s29] =	ssyncadd.s32 $0xFFFFFFFF  }
0xb5: {  	_ =	strace $0x90000048  }
0xb6: {  	_ =	sfence  }
0xb7: {  	s30 =	sld [smem:$0x0];
	_ =	sdelay $0x2  }
0xb8: {  	s31 =	sshll.u32 s1, $0xD;
	s1 =	sshrl.u32 s1, $0x2  }
0xb9: {  	s3 =	sand.u32 $0x4000, s31;
	s1 =	sadd.s32 s1, s30  }
0xba: {  	s0 =	sor.u32 s3, s0;
	s1 =	sshll.u32 s1, $0x11  }
0xbb: {  	s0 =	sor.u32 s1, s0  }
0xbc: {  	s0 =	sadd.s32 $0x8F2B, s0  }
0xbd: {  	[sflag:s0] =	ssyncadd.remote.s32 $0x1  }
0xbe: {  	_ =	sfence.sel $0xFFFF  }
0xbf: {  	[dreg:$0x0] =	wrdreg $0xFFFFFFFF;
	(pc) =	sbr.abs _section_cstart, $3  }
0xc0: {  	[dreg:$0x1] =	wrdreg $0xFFFFFFFF  }
0xc1: {  	_ =	task.clear_ibuf [dreg:s7], $0x2FFFF;
	_ =	strace $0x9FFFFFFF  }
0xc2: {  	(tm) =	ssettm $0x7FFFFFFF  }
0xc3: {  	_ =	shalt  }
tec
execute0_lowered:
.L_overlay_start_1:
0x0: {  	(tag) =	ssettag $0x1  }
0x1: {  	s0 =	srdreg.scid  }
0x2: {  	s1 =	rddreg [dreg:$0x0];
	s6 =	stileid.u32;
	s0 =	sand.u32 $0x1, s0  }
0x3: {  	s3 =	rddreg [dreg:$0x1];
	s2 =	sshll.u32 s0, $0x4;
	s0 =	ssub.s32 $0x2, s0  }
0x4: {  	s4 =	sor.u32 s6, s2;
	s2 =	simm.s32 $0x0;
	s28 =	sshrl.u32 s0, $0x1  }
0x5: {  	s5 =	sshrl.u32 s4, $0x3;
	s4 =	sshll.u32 s4, $0x11;
	s0 =	ssub.s32 s0, s28  }
0x6: {  	[smem:$0x7FF] =	sst s2;
	s4 =	sadd.s32 s1, s4;
	s0 =	smax.u32 s0, $0x1  }
0x7: {  	_ =	strace $0x80000047;
	s8 =	sadd.s32 $0x2000, s4;
	[dreg:$0x18] =	wrdreg s0  }
0x8: {  	s9 =	sadd.s32 $0x3000, s4;
	[dreg:$0x6] =	wrdreg s8  }
0x9: {  	s10 =	sadd.s32 $0x4000, s4;
	[dreg:$0x7] =	wrdreg s9  }
0xa: {  	s11 =	sadd.s32 $0x5000, s4;
	[dreg:$0x8] =	wrdreg s10  }
0xb: {  	s12 =	sadd.s32 $0x6000, s4;
	[dreg:$0x9] =	wrdreg s11  }
0xc: {  	s13 =	sadd.s32 $0x7000, s4;
	[dreg:$0xa] =	wrdreg s12  }
0xd: {  	s6 =	sshll.u32 s6, $0x7;
	s14 =	sadd.s32 $0x8000, s4;
	[dreg:$0xb] =	wrdreg s13  }
0xe: {  	s6 =	sand.u32 $0x380, s6;
	s15 =	sadd.s32 $0x9000, s4;
	[dreg:$0xc] =	wrdreg s14  }
0xf: {  	s7 =	sshll.u32 s5, $0xD;
	s16 =	sadd.s32 $0xA000, s4;
	[dreg:$0xd] =	wrdreg s15  }
0x10: {  	s5 =	sshll.u32 s5, $0xE;
	s17 =	sadd.s32 $0xB000, s4;
	[dreg:$0xe] =	wrdreg s16  }
0x11: {  	s7 =	sor.u32 s6, s7;
	s18 =	sadd.s32 $0xC000, s4;
	[dreg:$0xf] =	wrdreg s17  }
0x12: {  	s5 =	sor.u32 s6, s5;
	s19 =	sadd.s32 $0xD000, s4;
	[dreg:$0x10] =	wrdreg s18  }
0x13: {  	s20 =	sadd.s32 $0xE000, s4;
	s21 =	sadd.s32 $0xF000, s4;
	[dreg:$0x11] =	wrdreg s19  }
0x14: {  	s22 =	sadd.s32 $0x10000, s4;
	s23 =	sadd.s32 $0x11000, s4;
	[dreg:$0x12] =	wrdreg s20  }
0x15: {  	s28 =	sadd.s32 $0x13000, s4;
	s30 =	sadd.s32 $0x15000, s4;
	[dreg:$0x13] =	wrdreg s21  }
0x16: {  	s31 =	sadd.s32 $0x16000, s4;
	s1 =	sadd.s32 $0x17000, s4;
	[dreg:$0x14] =	wrdreg s22  }
0x17: {  	s0 =	sadd.s32 $0x18000, s4;
	s7 =	sshrl.u32 s7, $0x3;
	[dreg:$0x15] =	wrdreg s23  }
0x18: {  	s5 =	sshrl.u32 s5, $0x3;
	[dreg:$0x1a] =	wrdreg s28;
	s8 =	sadd.s32 $0x1D000, s4  }
0x19: {  	s9 =	sadd.s32 $0x1E000, s4;
	s10 =	sadd.s32 $0x1F000, s4;
	s11 =	simm.s32 $0x80  }
0x1a: {  	s12 =	simm.s32 $0x400;
	s13 =	simm.s32 $0x3;
	s14 =	simm.s32 $0x2800  }
0x1b: {  	s15 =	simm.s32 $0x2880;
	s16 =	simm.s32 $0x2000;
	s17 =	simm.s32 $0x2900  }
0x1c: {  	s18 =	simm.s32 $0x1;
	s19 =	simm.s32 $0xA900;
	s20 =	simm.s32 $0x800  }
0x1d: {  	s21 =	simm.s32 $0x2;
	s26 =	sadd.s32 s7, s3;
	s7 =	sadd.s32 $0x1000, s4  }
0x1e: {  	s22 =	simm.s32 $0x1000;
	s29 =	sadd.s32 $0x1E00, s26;
	[dreg:$0x5] =	wrdreg s7  }
0x1f: {  	s3 =	sadd.s32 s5, s3;
	s6 =	sadd.s32 $0xE00, s26;
	[dreg:$0x3] =	wrdreg s29  }
.Ltmp0:
0x20: {  	s24 =	sadd.s32 $0x2E00, s3;
	[dreg:$0x4] =	wrdreg s6;
	(pc) =	sbr.rel .LBB2_1-.Ltmp0, $4  }
0x21: {  	s23 =	simm.s32 $0x0;
	s25 =	sadd.s32 $0x4E00, s3;
	[dreg:$0x16] =	wrdreg s24  }
0x22: {  	v0 =	vlaneseq.u32;
	s5 =	sadd.s32 $0x1A000, s4;
	s26 =	sadd.s32 $0x12000, s4;
	[dreg:$0x17] =	wrdreg s25  }
0x23: {  	v2 =	vand.u32 $0x1, v0;
	s3 =	sadd.s32 $0x19000, s4;
	[dreg:$0x19] =	wrdreg s26;
	s29 =	sadd.s32 $0x14000, s4  }
0x24: {  	v1 =	vimm.s32 $0x0;
	v2 =	vmul.u32 $0x200, v2;
	s7 =	sadd.s32 $0x1C000, s4;
	s6 =	sadd.s32 $0x1B000, s4;
	[dreg:$0x1b] =	wrdreg s29  }
.LBB2_100:
0x25: {  	s24 =	rddreg [dreg:$0x16]  }
0x26: {  	[hbm4b:s24+s11] =	stream.strided.scatter [tilespmem:s20], [sflag:$0x3], $0x800, s12, s11, $0x38;
	[tilespmem:$0x12900] =	vst v63  }
0x27: {  	_ =	swait.ge [sflag:s13], $0x800  }
0x28: {  	[sflag:s13] =	ssyncset.done $0x0  }
0x29: {  	s28 =	rddreg [dreg:$0x17];
	[sflag:s13] =	ssyncadd.s32 $0xFFFFF800  }
0x2a: {  	[hbm4b:s28+s11] =	stream.strided.scatter [tilespmem:s22], [sflag:$0x3], $0x800, s12, s11, $0x38;
	[tilespmem:$0x12900] =	vst v63  }
0x2b: {  	_ =	swait.ge [sflag:s13], $0x800  }
0x2c: {  	s23 =	sadd.s32 $0x1, s23;
	s29 =	rddreg [dreg:$0x18]  }
0x2d: {  	p0 =	sne.s32 s23, s29  }
.Ltmp1:
0x2e: {  	_ = 	snop;
	(pc) =	sbr.rel @!p0 .LBB2_101-.Ltmp1, $3  }
0x2f: {  	_ =	sdelay $0x1  }
0x30: {  	[sflag:s13] =	ssyncset.done $0x0  }
0x31: {  	[sflag:s13] =	ssyncadd.s32 $0xFFFFF800  }
.LBB2_1:
0x32: {  	s24 =	rddreg [dreg:$0x3]  }
0x33: {  	[tilespmem:s2], [sflag:$0x3] =	stream.strided.gather [hbm4b:s24+s11], $0x400, s12, s11, $0x38;
	[tilespmem:$0x12900] =	vst v63  }
0x34: {  	_ =	swait.ge [sflag:s13], $0x400  }
0x35: {  	[sflag:s13] =	ssyncset.done $0x0  }
0x36: {  	s28 =	rddreg [dreg:$0x4];
	[sflag:s13] =	ssyncadd.s32 $0xFFFFFC00  }
0x37: {  	v3 =	vor.u32 s2, v0;
	[tilespmem:s12], [sflag:$0x3] =	stream.strided.gather [hbm4b:s28+s11], $0x400, s12, s11, $0x38;
	[tilespmem:$0x12900] =	vst v63  }
0x38: {  	v4 =	vshrl.u32 v3, $0x1;
	_ =	swait.ge [sflag:s13], $0x400  }
0x39: {  	[sflag:s13] =	ssyncset.done $0x0  }
0x3a: {  	[sflag:s13] =	ssyncadd.s32 $0xFFFFFC00  }
0x3b: {  	[tilespmem:$0x2800] =	vst v1  }
0x3c: {  	[tilespmem:$0x2810] =	vst v1  }
0x3d: {  	v3 =	vmul.u32 $0x8313, v3;
	v5 =	vld.idx.msk [tilespmem:v4+s2+$0x0], $0xffff;
	_ =	sdelay $0x1  }
0x3e: {  	v3 =	vshrl.u32 v3, $0x18  }
0x3f: {  	v3 =	vand.u32 $0x7E, v3  }
0x40: {  	v3 =	vshll.u32 v3, $0x9  }
0x41: {  	v3 =	vor.u32 v2, v3;
	v5 =	vshra.s32 v5, $0x9  }
0x42: {  	v3 =	vadd.s32 v3, v5  }
0x43: {  	v3 =	vshra.s32 v3, $0x6  }
0x44: {  	(xrf1) =	vunique.msk.u32 $0xffff, v3;
	_ =	sdelay $0x6  }
0x45: {  	s29 =	simm.s32 $0x10  }
0x46: {  	v5 =	vor.u32 s29, v0  }
0x47: {  	v4 =	vld.idx.msk [tilespmem:v4+s12+$0x0], $0xffff;
	v6 =	vmul.u32 $0x8313, v5;
	_ =	sdelay $0x4  }
0x48: {  	s24 =	simm.s32 $0x1800;
	v4 =	vcvt.s32.f32 v4;
	v7 =	vshrl.u32 v6, $0x18;
	_, v6, vm0 =	vpop (xrf1)  }
0x49: {  	[tilespmem:s24+$0x0] =	vst v3  }
0x4a: {  	[tilespmem:s22+$0x0] =	vst v4;
	v4 =	vshrl.u32 v5, $0x1;
	_ =	sdelay $0x1  }
0x4b: {  	s26 =	simm.s32 $0x20;
	s25 =	simm.s32 $0x1000;
	v5 =	vand.u32 $0x7E, v7  }
.LBB2_2:
0x4c: {  	s24 =	sadd.s32 $0x10, s24  }
0x4d: {  	[tilespmem:v3+s14+$0x0] =	vst.idx.add.s32.msk vm0, v6;
	s25 =	sadd.s32 $0x10, s25;
	s28 =	smov.u32 s26;
	s29 =	sadd.s32 $0x10, s26  }
0x4e: {  	p0 =	sne.s32 s26, $0x7C0;
	v3 =	vld.idx.msk [tilespmem:v4+s2+$0x0], $0xffff;
	_ =	sdelay $0x1  }
0x4f: {  	v4 =	vld.idx.msk [tilespmem:v4+s12+$0x0], $0xffff;
	_ =	sdelay $0x2  }
0x50: {  	v5 =	vshll.u32 v5, $0x9  }
0x51: {  	v5 =	vor.u32 v2, v5;
	v3 =	vshra.s32 v3, $0x9  }
0x52: {  	v3 =	vadd.s32 v5, v3  }
0x53: {  	v4 =	vcvt.s32.f32 v4;
	v3 =	vshra.s32 v3, $0x6  }
0x54: {  	[tilespmem:s24+$0x0] =	vst v3;
	(xrf1) =	vunique.msk.u32 $0xffff, v3  }
0x55: {  	[tilespmem:s25+$0x0] =	vst v4;
	_ =	sdelay $0xc  }
0x56: {  	_, v6, vm0 =	vpop (xrf1)  }
.Ltmp2:
0x57: {  	v5 =	vor.u32 s28, v0;
	(pc) =	sbr.rel @p0 .LBB2_2-.Ltmp2, $3  }
0x58: {  	v4 =	vshrl.u32 v5, $0x1;
	v5 =	vmul.u32 $0x8313, v5;
	_ =	sdelay $0x1  }
0x59: {  	v5 =	vshrl.u32 v5, $0x18  }
0x5a: {  	s26 =	smov.u32 s29;
	v5 =	vand.u32 $0x7E, v5  }
0x5b: {  	_ =	sdelay $0x4  }
0x5c: {  	[tilespmem:v3+s14+$0x0] =	vst.idx.add.s32.msk vm0, v6  }
0x5d: {  	v3 =	vld.idx.msk [tilespmem:v4+s2+$0x0], $0xffff;
	_ =	sdelay $0x3  }
0x5e: {  	v5 =	vshll.u32 v5, $0x9  }
0x5f: {  	v5 =	vor.u32 v2, v5;
	v3 =	vshra.s32 v3, $0x9  }
0x60: {  	v3 =	vadd.s32 v5, v3  }
0x61: {  	v3 =	vshra.s32 v3, $0x6  }
0x62: {  	(xrf1) =	vunique.msk.u32 $0xffff, v3;
	_ =	sdelay $0xb  }
0x63: {  	v4 =	vld.idx.msk [tilespmem:v4+s12+$0x0], $0xffff;
	_ =	sdelay $0x1  }
0x64: {  	_, v5, vm15 =	vpop (xrf1);
	_ =	sdelay $0x2  }
0x65: {  	s24 =	sadd.s32 $0x10, s24;
	v4 =	vcvt.s32.f32 v4  }
0x66: {  	s25 =	sadd.s32 $0x10, s25;
	[tilespmem:s24+$0x0] =	vst v3  }
0x67: {  	[tilespmem:s25+$0x0] =	vst v4  }
0x68: {  	[tilespmem:v3+s14+$0x0] =	vst.idx.add.s32.msk vm15, v5  }
0x69: {  	v3 =	vld [tilespmem:$0x2800]  }
0x6a: {  	v8 =	vld [tilespmem:$0x2810];
	_ =	sdelay $0x3  }
0x6b: {  	(xrf0) =	vadd.scan.msk.s32 $0xffff, v3  }
0x6c: {  	(xrf0) =	vadd.scan.msk.s32 $0xffff, v8;
	_ =	sdelay $0x4  }
0x6d: {  	v7, _, _ =	vpop (xrf0)  }
0x6e: {  	v4, _, _ =	vpop (xrf0);
	v5 =	vbroadcast v7, $0xF  }
0x6f: {  	v6 =	vsub.s32 v7, v3;
	v3 =	vsub.s32 v4, v8  }
0x70: {  	[tilespmem:$0x2880] =	vst v6;
	v3 =	vadd.s32 v5, v3  }
0x71: {  	s25 =	simm.s32 $0x1800;
	[tilespmem:$0x2890] =	vst v3  }
0x72: {  	v8 =	vld [tilespmem:s25+$0x0]  }
0x73: {  	s26 =	simm.s32 $0x10;
	s24 =	simm.s32 $0x0  }
.LBB2_4:
0x74: {  	p0 =	sne.s32 s26, $0x7C0;
	_ =	sdelay $0x2  }
0x75: {  	(xrf1) =	vunique.msk.u32 $0xffff, v8;
	_ =	sdelay $0x8  }
0x76: {  	v9 =	vld.idx.msk [tilespmem:v8+s15+$0x0], $0xffff;
	_ =	sdelay $0x4  }
0x77: {  	_, v10, vm0 =	vpop (xrf1)  }
0x78: {  	v9 =	vadd.s32 v9, v10  }
0x79: {  	v10 =	vadd.s32 $0xFFFFFFFF, v9;
	_ =	sdelay $0x3  }
.Ltmp3:
0x7a: {  	v11 =	vor.u32 s24, v0;
	s24 =	smov.u32 s26;
	(pc) =	sbr.rel @p0 .LBB2_4-.Ltmp3, $4  }
0x7b: {  	[tilespmem:v10+s16+$0x0] =	vst.idx.msk $0xffff, v11  }
0x7c: {  	s25 =	sadd.s32 $0x10, s25;
	[tilespmem:v8+s15+$0x0] =	vst.idx.msk vm0, v9  }
0x7d: {  	v8 =	vld [tilespmem:s25+$0x0]  }
0x7e: {  	s26 =	sadd.s32 $0x10, s26  }
0x7f: {  	_ =	sdelay $0x2  }
0x80: {  	(xrf1) =	vunique.msk.u32 $0xffff, v8;
	_ =	sdelay $0x6  }
0x81: {  	(v2sf) =	vpush v7, $0xF;
	_ =	sdelay $0x2  }
0x82: {  	v9 =	vld.idx.msk [tilespmem:v8+s15+$0x0], $0xffff;
	_ =	sdelay $0x3  }
0x83: {  	_, v10, vm0 =	vpop (xrf1)  }
0x84: {  	v9 =	vadd.s32 v9, v10  }
0x85: {  	v10 =	vadd.s32 $0xFFFFFFFF, v9;
	_ =	sdelay $0x3  }
0x86: {  	v11 =	vor.u32 s24, v0  }
0x87: {  	[tilespmem:v10+s16+$0x0] =	vst.idx.msk $0xffff, v11  }
0x88: {  	s24 =	spop (v2sf);
	[tilespmem:v8+s15+$0x0] =	vst.idx.msk vm0, v9  }
0x89: {  	[tilespmem:s17], [sflag:$0x1] =	stream.linear.gather [hbm4b:s4+s2], $0x8000, $0x38;
	[tilespmem:$0x12900] =	vst v63  }
0x8a: {  	_ =	swait.ge [sflag:s18], $0x8000  }
0x8b: {  	(v2sf) =	vpush v6, $0x0  }
0x8c: {  	(v2sf) =	vpush v7, $0x0;
	_ =	sdelay $0xa  }
0x8d: {  	[sflag:s18] =	ssyncset.done $0x0  }
0x8e: {  	s26 =	rddreg [dreg:$0x5];
	[sflag:s18] =	ssyncadd.s32 $0xFFFF8000  }
0x8f: {  	[tilespmem:s19], [sflag:$0x2] =	stream.linear.gather [hbm4b:s26+s2], $0x8000, $0x38;
	[tilespmem:$0x12900] =	vst v63  }
0x90: {  	s25 =	spop (v2sf)  }
0x91: {  	s29 =	spop (v2sf)  }
0x92: {  	s26 =	ssub.s32 s29, s25  }
0x93: {  	s26 =	sadd.s32 $0xF, s26  }
0x94: {  	s26 =	sshra.s32 s26, $0x4  }
0x95: {  	p0 =	slt.s32 s26, $0x1  }
.Ltmp4:
0x96: {  	_ = 	snop;
	(pc) =	sbr.rel @p0 .LBB2_8-.Ltmp4, $1  }
0x97: {  	_ =	sdelay $0x3  }
0x98: {  	v8 =	vbroadcast v7, $0x0  }
.LBB2_7:
0x99: {  	v9 =	vadd.s32 s25, v0  }
0x9a: {  	v10 =	vand.u32 $0x7FF, v9;
	_ =	sdelay $0x4  }
0x9b: {  	v10 =	vld.idx.msk [tilespmem:v10+s16+$0x0], $0xffff;
	_ =	sdelay $0x4  }
0x9c: {  	v10 =	vand.u32 $0x7FF, v10  }
0x9d: {  	v10 =	vmin.u32 v10, $0x7CF  }
0x9e: {  	v11 =	vshrl.u32 v10, $0x1;
	_ =	sdelay $0x4  }
0x9f: {  	v12 =	vld.idx.msk [tilespmem:v11+s2+$0x0], $0xffff;
	_ =	sdelay $0x4  }
0xa0: {  	v13 =	vshll.u32 v12, $0x3  }
0xa1: {  	v14 =	vshrl.u32 v12, $0x2;
	v12 =	vand.u32 $0x707F, v12;
	v13 =	vand.u32 $0xC00, v13  }
0xa2: {  	v63 =	vand.u32 $0x380, v14;
	v12 =	vor.u32 v13, v12  }
0xa3: {  	v12 =	vor.u32 v63, v12;
	_ =	sdelay $0x2  }
0xa4: {  	v11 =	vld.idx.msk [tilespmem:v11+s12+$0x0], $0xffff;
	_ =	sdelay $0x1  }
0xa5: {  	v12 =	vld.idx.msk [tilespmem:v12+s17+$0x0], $0xffff  }
0xa6: {  	vm0 =	vlt.s32 v9, v8  }
0xa7: {  	p0 =	sne.s32 s26, $0x1  }
.Ltmp5:
0xa8: {  	v9 =	vcvt.s32.f32 v11;
	(pc) =	sbr.rel @p0 .LBB2_7-.Ltmp5, $3  }
0xa9: {  	_ = 	snop  }
0xaa: {  	v9 =	vmul.f32 v9, v12;
	_ =	sdelay $0x1  }
0xab: {  	s25 =	sadd.s32 $0x10, s25;
	s26 =	sadd.s32 $0xFFFFFFFF, s26;
	[tilespmem:v10+s20+$0x0] =	vst.idx.msk vm0, v9  }
.LBB2_8:
0xac: {  	_ =	swait.ge [sflag:s21], $0x8000  }
0xad: {  	(v2sf) =	vpush v6, $0x1  }
0xae: {  	(v2sf) =	vpush v7, $0x1;
	_ =	sdelay $0xa  }
0xaf: {  	[sflag:s21] =	ssyncset.done $0x0  }
0xb0: {  	s25 =	rddreg [dreg:$0x6];
	[sflag:s21] =	ssyncadd.s32 $0xFFFF8000  }
0xb1: {  	[tilespmem:s17], [sflag:$0x1] =	stream.linear.gather [hbm4b:s25+s2], $0x8000, $0x38;
	[tilespmem:$0x12900] =	vst v63  }
0xb2: {  	s25 =	spop (v2sf)  }
0xb3: {  	s26 =	spop (v2sf)  }
0xb4: {  	s26 =	ssub.s32 s26, s25  }
0xb5: {  	s26 =	sadd.s32 $0xF, s26  }
0xb6: {  	s26 =	sshra.s32 s26, $0x4  }
0xb7: {  	p0 =	slt.s32 s26, $0x1  }
.Ltmp6:
0xb8: {  	_ = 	snop;
	(pc) =	sbr.rel @p0 .LBB2_11-.Ltmp6, $1  }
0xb9: {  	_ =	sdelay $0x3  }
0xba: {  	v8 =	vbroadcast v7, $0x1  }
.LBB2_10:
0xbb: {  	v9 =	vadd.s32 s25, v0  }
0xbc: {  	v10 =	vand.u32 $0x7FF, v9;
	_ =	sdelay $0x4  }
0xbd: {  	v10 =	vld.idx.msk [tilespmem:v10+s16+$0x0], $0xffff;
	_ =	sdelay $0x4  }
0xbe: {  	v10 =	vand.u32 $0x7FF, v10  }
0xbf: {  	v10 =	vmin.u32 v10, $0x7CF  }
0xc0: {  	v11 =	vshrl.u32 v10, $0x1;
	_ =	sdelay $0x4  }
0xc1: {  	v12 =	vld.idx.msk [tilespmem:v11+s2+$0x0], $0xffff;
	_ =	sdelay $0x4  }
0xc2: {  	v13 =	vshll.u32 v12, $0x3  }
0xc3: {  	v14 =	vshrl.u32 v12, $0x2;
	v12 =	vand.u32 $0x707F, v12;
	v13 =	vand.u32 $0xC00, v13  }
0xc4: {  	v63 =	vand.u32 $0x380, v14;
	v12 =	vor.u32 v13, v12  }
0xc5: {  	v12 =	vor.u32 v63, v12;
	_ =	sdelay $0x2  }
0xc6: {  	v11 =	vld.idx.msk [tilespmem:v11+s12+$0x0], $0xffff;
	_ =	sdelay $0x1  }
0xc7: {  	v12 =	vld.idx.msk [tilespmem:v12+s19+$0x0], $0xffff  }
0xc8: {  	vm0 =	vlt.s32 v9, v8  }
0xc9: {  	p0 =	sne.s32 s26, $0x1  }
.Ltmp7:
0xca: {  	v9 =	vcvt.s32.f32 v11;
	(pc) =	sbr.rel @p0 .LBB2_10-.Ltmp7, $3  }
0xcb: {  	_ = 	snop  }
0xcc: {  	v9 =	vmul.f32 v9, v12;
	_ =	sdelay $0x1  }
0xcd: {  	s25 =	sadd.s32 $0x10, s25;
	s26 =	sadd.s32 $0xFFFFFFFF, s26;
	[tilespmem:v10+s20+$0x0] =	vst.idx.msk vm0, v9  }
.LBB2_11:
0xce: {  	_ =	swait.ge [sflag:s18], $0x8000  }
0xcf: {  	(v2sf) =	vpush v6, $0x2  }
0xd0: {  	(v2sf) =	vpush v7, $0x2;
	_ =	sdelay $0xa  }
0xd1: {  	[sflag:s18] =	ssyncset.done $0x0  }
0xd2: {  	s25 =	rddreg [dreg:$0x7];
	[sflag:s18] =	ssyncadd.s32 $0xFFFF8000  }
0xd3: {  	[tilespmem:s19], [sflag:$0x2] =	stream.linear.gather [hbm4b:s25+s2], $0x8000, $0x38;
	[tilespmem:$0x12900] =	vst v63  }
0xd4: {  	s25 =	spop (v2sf)  }
0xd5: {  	s26 =	spop (v2sf)  }
0xd6: {  	s26 =	ssub.s32 s26, s25  }
0xd7: {  	s26 =	sadd.s32 $0xF, s26  }
0xd8: {  	s26 =	sshra.s32 s26, $0x4  }
0xd9: {  	p0 =	slt.s32 s26, $0x1  }
.Ltmp8:
0xda: {  	_ = 	snop;
	(pc) =	sbr.rel @p0 .LBB2_14-.Ltmp8, $1  }
0xdb: {  	_ =	sdelay $0x3  }
0xdc: {  	v8 =	vbroadcast v7, $0x2  }
.LBB2_13:
0xdd: {  	v9 =	vadd.s32 s25, v0  }
0xde: {  	v10 =	vand.u32 $0x7FF, v9;
	_ =	sdelay $0x4  }
0xdf: {  	v10 =	vld.idx.msk [tilespmem:v10+s16+$0x0], $0xffff;
	_ =	sdelay $0x4  }
0xe0: {  	v10 =	vand.u32 $0x7FF, v10  }
0xe1: {  	v10 =	vmin.u32 v10, $0x7CF  }
0xe2: {  	v11 =	vshrl.u32 v10, $0x1;
	_ =	sdelay $0x4  }
0xe3: {  	v12 =	vld.idx.msk [tilespmem:v11+s2+$0x0], $0xffff;
	_ =	sdelay $0x4  }
0xe4: {  	v13 =	vshll.u32 v12, $0x3  }
0xe5: {  	v14 =	vshrl.u32 v12, $0x2;
	v12 =	vand.u32 $0x707F, v12;
	v13 =	vand.u32 $0xC00, v13  }
0xe6: {  	v63 =	vand.u32 $0x380, v14;
	v12 =	vor.u32 v13, v12  }
0xe7: {  	v12 =	vor.u32 v63, v12;
	_ =	sdelay $0x2  }
0xe8: {  	v11 =	vld.idx.msk [tilespmem:v11+s12+$0x0], $0xffff;
	_ =	sdelay $0x1  }
0xe9: {  	v12 =	vld.idx.msk [tilespmem:v12+s17+$0x0], $0xffff  }
0xea: {  	vm0 =	vlt.s32 v9, v8  }
0xeb: {  	p0 =	sne.s32 s26, $0x1  }
.Ltmp9:
0xec: {  	v9 =	vcvt.s32.f32 v11;
	(pc) =	sbr.rel @p0 .LBB2_13-.Ltmp9, $3  }
0xed: {  	_ = 	snop  }
0xee: {  	v9 =	vmul.f32 v9, v12;
	_ =	sdelay $0x1  }
0xef: {  	s25 =	sadd.s32 $0x10, s25;
	s26 =	sadd.s32 $0xFFFFFFFF, s26;
	[tilespmem:v10+s20+$0x0] =	vst.idx.msk vm0, v9  }
.LBB2_14:
0xf0: {  	_ =	swait.ge [sflag:s21], $0x8000  }
0xf1: {  	(v2sf) =	vpush v6, $0x3  }
0xf2: {  	(v2sf) =	vpush v7, $0x3;
	_ =	sdelay $0xa  }
0xf3: {  	[sflag:s21] =	ssyncset.done $0x0  }
0xf4: {  	s25 =	rddreg [dreg:$0x8];
	[sflag:s21] =	ssyncadd.s32 $0xFFFF8000  }
0xf5: {  	[tilespmem:s17], [sflag:$0x1] =	stream.linear.gather [hbm4b:s25+s2], $0x8000, $0x38;
	[tilespmem:$0x12900] =	vst v63  }
0xf6: {  	s25 =	spop (v2sf)  }
0xf7: {  	s26 =	spop (v2sf)  }
0xf8: {  	s26 =	ssub.s32 s26, s25  }
0xf9: {  	s26 =	sadd.s32 $0xF, s26  }
0xfa: {  	s26 =	sshra.s32 s26, $0x4  }
0xfb: {  	p0 =	slt.s32 s26, $0x1  }
.Ltmp10:
0xfc: {  	_ = 	snop;
	(pc) =	sbr.rel @p0 .LBB2_17-.Ltmp10, $1  }
0xfd: {  	_ =	sdelay $0x3  }
0xfe: {  	v8 =	vbroadcast v7, $0x3  }
.LBB2_16:
0xff: {  	v9 =	vadd.s32 s25, v0  }
0x100: {  	v10 =	vand.u32 $0x7FF, v9;
	_ =	sdelay $0x4  }
0x101: {  	v10 =	vld.idx.msk [tilespmem:v10+s16+$0x0], $0xffff;
	_ =	sdelay $0x4  }
0x102: {  	v10 =	vand.u32 $0x7FF, v10  }
0x103: {  	v10 =	vmin.u32 v10, $0x7CF  }
0x104: {  	v11 =	vshrl.u32 v10, $0x1;
	_ =	sdelay $0x4  }
0x105: {  	v12 =	vld.idx.msk [tilespmem:v11+s2+$0x0], $0xffff;
	_ =	sdelay $0x4  }
0x106: {  	v13 =	vshll.u32 v12, $0x3  }
0x107: {  	v14 =	vshrl.u32 v12, $0x2;
	v12 =	vand.u32 $0x707F, v12;
	v13 =	vand.u32 $0xC00, v13  }
0x108: {  	v63 =	vand.u32 $0x380, v14;
	v12 =	vor.u32 v13, v12  }
0x109: {  	v12 =	vor.u32 v63, v12;
	_ =	sdelay $0x2  }
0x10a: {  	v11 =	vld.idx.msk [tilespmem:v11+s12+$0x0], $0xffff;
	_ =	sdelay $0x1  }
0x10b: {  	v12 =	vld.idx.msk [tilespmem:v12+s19+$0x0], $0xffff  }
0x10c: {  	vm0 =	vlt.s32 v9, v8  }
0x10d: {  	p0 =	sne.s32 s26, $0x1  }
.Ltmp11:
0x10e: {  	v9 =	vcvt.s32.f32 v11;
	(pc) =	sbr.rel @p0 .LBB2_16-.Ltmp11, $3  }
0x10f: {  	_ = 	snop  }
0x110: {  	v9 =	vmul.f32 v9, v12;
	_ =	sdelay $0x1  }
0x111: {  	s25 =	sadd.s32 $0x10, s25;
	s26 =	sadd.s32 $0xFFFFFFFF, s26;
	[tilespmem:v10+s20+$0x0] =	vst.idx.msk vm0, v9  }
.LBB2_17:
0x112: {  	_ =	swait.ge [sflag:s18], $0x8000  }
0x113: {  	(v2sf) =	vpush v6, $0x4  }
0x114: {  	(v2sf) =	vpush v7, $0x4;
	_ =	sdelay $0xa  }
0x115: {  	[sflag:s18] =	ssyncset.done $0x0  }
0x116: {  	s25 =	rddreg [dreg:$0x9];
	[sflag:s18] =	ssyncadd.s32 $0xFFFF8000  }
0x117: {  	[tilespmem:s19], [sflag:$0x2] =	stream.linear.gather [hbm4b:s25+s2], $0x8000, $0x38;
	[tilespmem:$0x12900] =	vst v63  }
0x118: {  	s25 =	spop (v2sf)  }
0x119: {  	s26 =	spop (v2sf)  }
0x11a: {  	s26 =	ssub.s32 s26, s25  }
0x11b: {  	s26 =	sadd.s32 $0xF, s26  }
0x11c: {  	s26 =	sshra.s32 s26, $0x4  }
0x11d: {  	p0 =	slt.s32 s26, $0x1  }
.Ltmp12:
0x11e: {  	_ = 	snop;
	(pc) =	sbr.rel @p0 .LBB2_20-.Ltmp12, $1  }
0x11f: {  	_ =	sdelay $0x3  }
0x120: {  	v8 =	vbroadcast v7, $0x4  }
.LBB2_19:
0x121: {  	v9 =	vadd.s32 s25, v0  }
0x122: {  	v10 =	vand.u32 $0x7FF, v9;
	_ =	sdelay $0x4  }
0x123: {  	v10 =	vld.idx.msk [tilespmem:v10+s16+$0x0], $0xffff;
	_ =	sdelay $0x4  }
0x124: {  	v10 =	vand.u32 $0x7FF, v10  }
0x125: {  	v10 =	vmin.u32 v10, $0x7CF  }
0x126: {  	v11 =	vshrl.u32 v10, $0x1;
	_ =	sdelay $0x4  }
0x127: {  	v12 =	vld.idx.msk [tilespmem:v11+s2+$0x0], $0xffff;
	_ =	sdelay $0x4  }
0x128: {  	v13 =	vshll.u32 v12, $0x3  }
0x129: {  	v14 =	vshrl.u32 v12, $0x2;
	v12 =	vand.u32 $0x707F, v12;
	v13 =	vand.u32 $0xC00, v13  }
0x12a: {  	v63 =	vand.u32 $0x380, v14;
	v12 =	vor.u32 v13, v12  }
0x12b: {  	v12 =	vor.u32 v63, v12;
	_ =	sdelay $0x2  }
0x12c: {  	v11 =	vld.idx.msk [tilespmem:v11+s12+$0x0], $0xffff;
	_ =	sdelay $0x1  }
0x12d: {  	v12 =	vld.idx.msk [tilespmem:v12+s17+$0x0], $0xffff  }
0x12e: {  	vm0 =	vlt.s32 v9, v8  }
0x12f: {  	p0 =	sne.s32 s26, $0x1  }
.Ltmp13:
0x130: {  	v9 =	vcvt.s32.f32 v11;
	(pc) =	sbr.rel @p0 .LBB2_19-.Ltmp13, $3  }
0x131: {  	_ = 	snop  }
0x132: {  	v9 =	vmul.f32 v9, v12;
	_ =	sdelay $0x1  }
0x133: {  	s25 =	sadd.s32 $0x10, s25;
	s26 =	sadd.s32 $0xFFFFFFFF, s26;
	[tilespmem:v10+s20+$0x0] =	vst.idx.msk vm0, v9  }
.LBB2_20:
0x134: {  	_ =	swait.ge [sflag:s21], $0x8000  }
0x135: {  	(v2sf) =	vpush v6, $0x5  }
0x136: {  	(v2sf) =	vpush v7, $0x5;
	_ =	sdelay $0xa  }
0x137: {  	[sflag:s21] =	ssyncset.done $0x0  }
0x138: {  	s25 =	rddreg [dreg:$0xa];
	[sflag:s21] =	ssyncadd.s32 $0xFFFF8000  }
0x139: {  	[tilespmem:s17], [sflag:$0x1] =	stream.linear.gather [hbm4b:s25+s2], $0x8000, $0x38;
	[tilespmem:$0x12900] =	vst v63  }
0x13a: {  	s25 =	spop (v2sf)  }
0x13b: {  	s26 =	spop (v2sf)  }
0x13c: {  	s26 =	ssub.s32 s26, s25  }
0x13d: {  	s26 =	sadd.s32 $0xF, s26  }
0x13e: {  	s26 =	sshra.s32 s26, $0x4  }
0x13f: {  	p0 =	slt.s32 s26, $0x1  }
.Ltmp14:
0x140: {  	_ = 	snop;
	(pc) =	sbr.rel @p0 .LBB2_23-.Ltmp14, $1  }
0x141: {  	_ =	sdelay $0x3  }
0x142: {  	v8 =	vbroadcast v7, $0x5  }
.LBB2_22:
0x143: {  	v9 =	vadd.s32 s25, v0  }
0x144: {  	v10 =	vand.u32 $0x7FF, v9;
	_ =	sdelay $0x4  }
0x145: {  	v10 =	vld.idx.msk [tilespmem:v10+s16+$0x0], $0xffff;
	_ =	sdelay $0x4  }
0x146: {  	v10 =	vand.u32 $0x7FF, v10  }
0x147: {  	v10 =	vmin.u32 v10, $0x7CF  }
0x148: {  	v11 =	vshrl.u32 v10, $0x1;
	_ =	sdelay $0x4  }
0x149: {  	v12 =	vld.idx.msk [tilespmem:v11+s2+$0x0], $0xffff;
	_ =	sdelay $0x4  }
0x14a: {  	v13 =	vshll.u32 v12, $0x3  }
0x14b: {  	v14 =	vshrl.u32 v12, $0x2;
	v12 =	vand.u32 $0x707F, v12;
	v13 =	vand.u32 $0xC00, v13  }
0x14c: {  	v63 =	vand.u32 $0x380, v14;
	v12 =	vor.u32 v13, v12  }
0x14d: {  	v12 =	vor.u32 v63, v12;
	_ =	sdelay $0x2  }
0x14e: {  	v11 =	vld.idx.msk [tilespmem:v11+s12+$0x0], $0xffff;
	_ =	sdelay $0x1  }
0x14f: {  	v12 =	vld.idx.msk [tilespmem:v12+s19+$0x0], $0xffff  }
0x150: {  	vm0 =	vlt.s32 v9, v8  }
0x151: {  	p0 =	sne.s32 s26, $0x1  }
.Ltmp15:
0x152: {  	v9 =	vcvt.s32.f32 v11;
	(pc) =	sbr.rel @p0 .LBB2_22-.Ltmp15, $3  }
0x153: {  	_ = 	snop  }
0x154: {  	v9 =	vmul.f32 v9, v12;
	_ =	sdelay $0x1  }
0x155: {  	s25 =	sadd.s32 $0x10, s25;
	s26 =	sadd.s32 $0xFFFFFFFF, s26;
	[tilespmem:v10+s20+$0x0] =	vst.idx.msk vm0, v9  }
.LBB2_23:
0x156: {  	_ =	swait.ge [sflag:s18], $0x8000  }
0x157: {  	(v2sf) =	vpush v6, $0x6  }
0x158: {  	(v2sf) =	vpush v7, $0x6;
	_ =	sdelay $0xa  }
0x159: {  	[sflag:s18] =	ssyncset.done $0x0  }
0x15a: {  	s25 =	rddreg [dreg:$0xb];
	[sflag:s18] =	ssyncadd.s32 $0xFFFF8000  }
0x15b: {  	[tilespmem:s19], [sflag:$0x2] =	stream.linear.gather [hbm4b:s25+s2], $0x8000, $0x38;
	[tilespmem:$0x12900] =	vst v63  }
0x15c: {  	s25 =	spop (v2sf)  }
0x15d: {  	s26 =	spop (v2sf)  }
0x15e: {  	s26 =	ssub.s32 s26, s25  }
0x15f: {  	s26 =	sadd.s32 $0xF, s26  }
0x160: {  	s26 =	sshra.s32 s26, $0x4  }
0x161: {  	p0 =	slt.s32 s26, $0x1  }
.Ltmp16:
0x162: {  	_ = 	snop;
	(pc) =	sbr.rel @p0 .LBB2_26-.Ltmp16, $1  }
0x163: {  	_ =	sdelay $0x3  }
0x164: {  	v8 =	vbroadcast v7, $0x6  }
.LBB2_25:
0x165: {  	v9 =	vadd.s32 s25, v0  }
0x166: {  	v10 =	vand.u32 $0x7FF, v9;
	_ =	sdelay $0x4  }
0x167: {  	v10 =	vld.idx.msk [tilespmem:v10+s16+$0x0], $0xffff;
	_ =	sdelay $0x4  }
0x168: {  	v10 =	vand.u32 $0x7FF, v10  }
0x169: {  	v10 =	vmin.u32 v10, $0x7CF  }
0x16a: {  	v11 =	vshrl.u32 v10, $0x1;
	_ =	sdelay $0x4  }
0x16b: {  	v12 =	vld.idx.msk [tilespmem:v11+s2+$0x0], $0xffff;
	_ =	sdelay $0x4  }
0x16c: {  	v13 =	vshll.u32 v12, $0x3  }
0x16d: {  	v14 =	vshrl.u32 v12, $0x2;
	v12 =	vand.u32 $0x707F, v12;
	v13 =	vand.u32 $0xC00, v13  }
0x16e: {  	v63 =	vand.u32 $0x380, v14;
	v12 =	vor.u32 v13, v12  }
0x16f: {  	v12 =	vor.u32 v63, v12;
	_ =	sdelay $0x2  }
0x170: {  	v11 =	vld.idx.msk [tilespmem:v11+s12+$0x0], $0xffff;
	_ =	sdelay $0x1  }
0x171: {  	v12 =	vld.idx.msk [tilespmem:v12+s17+$0x0], $0xffff  }
0x172: {  	vm0 =	vlt.s32 v9, v8  }
0x173: {  	p0 =	sne.s32 s26, $0x1  }
.Ltmp17:
0x174: {  	v9 =	vcvt.s32.f32 v11;
	(pc) =	sbr.rel @p0 .LBB2_25-.Ltmp17, $3  }
0x175: {  	_ = 	snop  }
0x176: {  	v9 =	vmul.f32 v9, v12;
	_ =	sdelay $0x1  }
0x177: {  	s25 =	sadd.s32 $0x10, s25;
	s26 =	sadd.s32 $0xFFFFFFFF, s26;
	[tilespmem:v10+s20+$0x0] =	vst.idx.msk vm0, v9  }
.LBB2_26:
0x178: {  	_ =	swait.ge [sflag:s21], $0x8000  }
0x179: {  	(v2sf) =	vpush v6, $0x7  }
0x17a: {  	(v2sf) =	vpush v7, $0x7;
	_ =	sdelay $0xa  }
0x17b: {  	[sflag:s21] =	ssyncset.done $0x0  }
0x17c: {  	s25 =	rddreg [dreg:$0xc];
	[sflag:s21] =	ssyncadd.s32 $0xFFFF8000  }
0x17d: {  	[tilespmem:s17], [sflag:$0x1] =	stream.linear.gather [hbm4b:s25+s2], $0x8000, $0x38;
	[tilespmem:$0x12900] =	vst v63  }
0x17e: {  	s25 =	spop (v2sf)  }
0x17f: {  	s26 =	spop (v2sf)  }
0x180: {  	s26 =	ssub.s32 s26, s25  }
0x181: {  	s26 =	sadd.s32 $0xF, s26  }
0x182: {  	s26 =	sshra.s32 s26, $0x4  }
0x183: {  	p0 =	slt.s32 s26, $0x1  }
.Ltmp18:
0x184: {  	_ = 	snop;
	(pc) =	sbr.rel @p0 .LBB2_29-.Ltmp18, $1  }
0x185: {  	_ =	sdelay $0x3  }
0x186: {  	v8 =	vbroadcast v7, $0x7  }
.LBB2_28:
0x187: {  	v9 =	vadd.s32 s25, v0  }
0x188: {  	v10 =	vand.u32 $0x7FF, v9;
	_ =	sdelay $0x4  }
0x189: {  	v10 =	vld.idx.msk [tilespmem:v10+s16+$0x0], $0xffff;
	_ =	sdelay $0x4  }
0x18a: {  	v10 =	vand.u32 $0x7FF, v10  }
0x18b: {  	v10 =	vmin.u32 v10, $0x7CF  }
0x18c: {  	v11 =	vshrl.u32 v10, $0x1;
	_ =	sdelay $0x4  }
0x18d: {  	v12 =	vld.idx.msk [tilespmem:v11+s2+$0x0], $0xffff;
	_ =	sdelay $0x4  }
0x18e: {  	v13 =	vshll.u32 v12, $0x3  }
0x18f: {  	v14 =	vshrl.u32 v12, $0x2;
	v12 =	vand.u32 $0x707F, v12;
	v13 =	vand.u32 $0xC00, v13  }
0x190: {  	v63 =	vand.u32 $0x380, v14;
	v12 =	vor.u32 v13, v12  }
0x191: {  	v12 =	vor.u32 v63, v12;
	_ =	sdelay $0x2  }
0x192: {  	v11 =	vld.idx.msk [tilespmem:v11+s12+$0x0], $0xffff;
	_ =	sdelay $0x1  }
0x193: {  	v12 =	vld.idx.msk [tilespmem:v12+s19+$0x0], $0xffff  }
0x194: {  	vm0 =	vlt.s32 v9, v8  }
0x195: {  	p0 =	sne.s32 s26, $0x1  }
.Ltmp19:
0x196: {  	v9 =	vcvt.s32.f32 v11;
	(pc) =	sbr.rel @p0 .LBB2_28-.Ltmp19, $3  }
0x197: {  	_ = 	snop  }
0x198: {  	v9 =	vmul.f32 v9, v12;
	_ =	sdelay $0x1  }
0x199: {  	s25 =	sadd.s32 $0x10, s25;
	s26 =	sadd.s32 $0xFFFFFFFF, s26;
	[tilespmem:v10+s20+$0x0] =	vst.idx.msk vm0, v9  }
.LBB2_29:
0x19a: {  	_ =	swait.ge [sflag:s18], $0x8000  }
0x19b: {  	(v2sf) =	vpush v6, $0x8  }
0x19c: {  	(v2sf) =	vpush v7, $0x8;
	_ =	sdelay $0xa  }
0x19d: {  	[sflag:s18] =	ssyncset.done $0x0  }
0x19e: {  	s25 =	rddreg [dreg:$0xd];
	[sflag:s18] =	ssyncadd.s32 $0xFFFF8000  }
0x19f: {  	[tilespmem:s19], [sflag:$0x2] =	stream.linear.gather [hbm4b:s25+s2], $0x8000, $0x38;
	[tilespmem:$0x12900] =	vst v63  }
0x1a0: {  	s25 =	spop (v2sf)  }
0x1a1: {  	s26 =	spop (v2sf)  }
0x1a2: {  	s26 =	ssub.s32 s26, s25  }
0x1a3: {  	s26 =	sadd.s32 $0xF, s26  }
0x1a4: {  	s26 =	sshra.s32 s26, $0x4  }
0x1a5: {  	p0 =	slt.s32 s26, $0x1  }
.Ltmp20:
0x1a6: {  	_ = 	snop;
	(pc) =	sbr.rel @p0 .LBB2_32-.Ltmp20, $1  }
0x1a7: {  	_ =	sdelay $0x3  }
0x1a8: {  	v8 =	vbroadcast v7, $0x8  }
.LBB2_31:
0x1a9: {  	v9 =	vadd.s32 s25, v0  }
0x1aa: {  	v10 =	vand.u32 $0x7FF, v9;
	_ =	sdelay $0x4  }
0x1ab: {  	v10 =	vld.idx.msk [tilespmem:v10+s16+$0x0], $0xffff;
	_ =	sdelay $0x4  }
0x1ac: {  	v10 =	vand.u32 $0x7FF, v10  }
0x1ad: {  	v10 =	vmin.u32 v10, $0x7CF  }
0x1ae: {  	v11 =	vshrl.u32 v10, $0x1;
	_ =	sdelay $0x4  }
0x1af: {  	v12 =	vld.idx.msk [tilespmem:v11+s2+$0x0], $0xffff;
	_ =	sdelay $0x4  }
0x1b0: {  	v13 =	vshll.u32 v12, $0x3  }
0x1b1: {  	v14 =	vshrl.u32 v12, $0x2;
	v12 =	vand.u32 $0x707F, v12;
	v13 =	vand.u32 $0xC00, v13  }
0x1b2: {  	v63 =	vand.u32 $0x380, v14;
	v12 =	vor.u32 v13, v12  }
0x1b3: {  	v12 =	vor.u32 v63, v12;
	_ =	sdelay $0x2  }
0x1b4: {  	v11 =	vld.idx.msk [tilespmem:v11+s12+$0x0], $0xffff;
	_ =	sdelay $0x1  }
0x1b5: {  	v12 =	vld.idx.msk [tilespmem:v12+s17+$0x0], $0xffff  }
0x1b6: {  	vm0 =	vlt.s32 v9, v8  }
0x1b7: {  	p0 =	sne.s32 s26, $0x1  }
.Ltmp21:
0x1b8: {  	v9 =	vcvt.s32.f32 v11;
	(pc) =	sbr.rel @p0 .LBB2_31-.Ltmp21, $3  }
0x1b9: {  	_ = 	snop  }
0x1ba: {  	v9 =	vmul.f32 v9, v12;
	_ =	sdelay $0x1  }
0x1bb: {  	s25 =	sadd.s32 $0x10, s25;
	s26 =	sadd.s32 $0xFFFFFFFF, s26;
	[tilespmem:v10+s20+$0x0] =	vst.idx.msk vm0, v9  }
.LBB2_32:
0x1bc: {  	_ =	swait.ge [sflag:s21], $0x8000  }
0x1bd: {  	(v2sf) =	vpush v6, $0x9  }
0x1be: {  	(v2sf) =	vpush v7, $0x9;
	_ =	sdelay $0xa  }
0x1bf: {  	[sflag:s21] =	ssyncset.done $0x0  }
0x1c0: {  	s25 =	rddreg [dreg:$0xe];
	[sflag:s21] =	ssyncadd.s32 $0xFFFF8000  }
0x1c1: {  	[tilespmem:s17], [sflag:$0x1] =	stream.linear.gather [hbm4b:s25+s2], $0x8000, $0x38;
	[tilespmem:$0x12900] =	vst v63  }
0x1c2: {  	s25 =	spop (v2sf)  }
0x1c3: {  	s26 =	spop (v2sf)  }
0x1c4: {  	s26 =	ssub.s32 s26, s25  }
0x1c5: {  	s26 =	sadd.s32 $0xF, s26  }
0x1c6: {  	s26 =	sshra.s32 s26, $0x4  }
0x1c7: {  	p0 =	slt.s32 s26, $0x1  }
.Ltmp22:
0x1c8: {  	_ = 	snop;
	(pc) =	sbr.rel @p0 .LBB2_35-.Ltmp22, $1  }
0x1c9: {  	_ =	sdelay $0x3  }
0x1ca: {  	v8 =	vbroadcast v7, $0x9  }
.LBB2_34:
0x1cb: {  	v9 =	vadd.s32 s25, v0  }
0x1cc: {  	v10 =	vand.u32 $0x7FF, v9;
	_ =	sdelay $0x4  }
0x1cd: {  	v10 =	vld.idx.msk [tilespmem:v10+s16+$0x0], $0xffff;
	_ =	sdelay $0x4  }
0x1ce: {  	v10 =	vand.u32 $0x7FF, v10  }
0x1cf: {  	v10 =	vmin.u32 v10, $0x7CF  }
0x1d0: {  	v11 =	vshrl.u32 v10, $0x1;
	_ =	sdelay $0x4  }
0x1d1: {  	v12 =	vld.idx.msk [tilespmem:v11+s2+$0x0], $0xffff;
	_ =	sdelay $0x4  }
0x1d2: {  	v13 =	vshll.u32 v12, $0x3  }
0x1d3: {  	v14 =	vshrl.u32 v12, $0x2;
	v12 =	vand.u32 $0x707F, v12;
	v13 =	vand.u32 $0xC00, v13  }
0x1d4: {  	v63 =	vand.u32 $0x380, v14;
	v12 =	vor.u32 v13, v12  }
0x1d5: {  	v12 =	vor.u32 v63, v12;
	_ =	sdelay $0x2  }
0x1d6: {  	v11 =	vld.idx.msk [tilespmem:v11+s12+$0x0], $0xffff;
	_ =	sdelay $0x1  }
0x1d7: {  	v12 =	vld.idx.msk [tilespmem:v12+s19+$0x0], $0xffff  }
0x1d8: {  	vm0 =	vlt.s32 v9, v8  }
0x1d9: {  	p0 =	sne.s32 s26, $0x1  }
.Ltmp23:
0x1da: {  	v9 =	vcvt.s32.f32 v11;
	(pc) =	sbr.rel @p0 .LBB2_34-.Ltmp23, $3  }
0x1db: {  	_ = 	snop  }
0x1dc: {  	v9 =	vmul.f32 v9, v12;
	_ =	sdelay $0x1  }
0x1dd: {  	s25 =	sadd.s32 $0x10, s25;
	s26 =	sadd.s32 $0xFFFFFFFF, s26;
	[tilespmem:v10+s20+$0x0] =	vst.idx.msk vm0, v9  }
.LBB2_35:
0x1de: {  	_ =	swait.ge [sflag:s18], $0x8000  }
0x1df: {  	(v2sf) =	vpush v6, $0xA  }
0x1e0: {  	(v2sf) =	vpush v7, $0xA;
	_ =	sdelay $0xa  }
0x1e1: {  	[sflag:s18] =	ssyncset.done $0x0  }
0x1e2: {  	s25 =	rddreg [dreg:$0xf];
	[sflag:s18] =	ssyncadd.s32 $0xFFFF8000  }
0x1e3: {  	[tilespmem:s19], [sflag:$0x2] =	stream.linear.gather [hbm4b:s25+s2], $0x8000, $0x38;
	[tilespmem:$0x12900] =	vst v63  }
0x1e4: {  	s25 =	spop (v2sf)  }
0x1e5: {  	s26 =	spop (v2sf)  }
0x1e6: {  	s26 =	ssub.s32 s26, s25  }
0x1e7: {  	s26 =	sadd.s32 $0xF, s26  }
0x1e8: {  	s26 =	sshra.s32 s26, $0x4  }
0x1e9: {  	p0 =	slt.s32 s26, $0x1  }
.Ltmp24:
0x1ea: {  	_ = 	snop;
	(pc) =	sbr.rel @p0 .LBB2_38-.Ltmp24, $1  }
0x1eb: {  	_ =	sdelay $0x3  }
0x1ec: {  	v8 =	vbroadcast v7, $0xA  }
.LBB2_37:
0x1ed: {  	v9 =	vadd.s32 s25, v0  }
0x1ee: {  	v10 =	vand.u32 $0x7FF, v9;
	_ =	sdelay $0x4  }
0x1ef: {  	v10 =	vld.idx.msk [tilespmem:v10+s16+$0x0], $0xffff;
	_ =	sdelay $0x4  }
0x1f0: {  	v10 =	vand.u32 $0x7FF, v10  }
0x1f1: {  	v10 =	vmin.u32 v10, $0x7CF  }
0x1f2: {  	v11 =	vshrl.u32 v10, $0x1;
	_ =	sdelay $0x4  }
0x1f3: {  	v12 =	vld.idx.msk [tilespmem:v11+s2+$0x0], $0xffff;
	_ =	sdelay $0x4  }
0x1f4: {  	v13 =	vshll.u32 v12, $0x3  }
0x1f5: {  	v14 =	vshrl.u32 v12, $0x2;
	v12 =	vand.u32 $0x707F, v12;
	v13 =	vand.u32 $0xC00, v13  }
0x1f6: {  	v63 =	vand.u32 $0x380, v14;
	v12 =	vor.u32 v13, v12  }
0x1f7: {  	v12 =	vor.u32 v63, v12;
	_ =	sdelay $0x2  }
0x1f8: {  	v11 =	vld.idx.msk [tilespmem:v11+s12+$0x0], $0xffff;
	_ =	sdelay $0x1  }
0x1f9: {  	v12 =	vld.idx.msk [tilespmem:v12+s17+$0x0], $0xffff  }
0x1fa: {  	vm0 =	vlt.s32 v9, v8  }
0x1fb: {  	p0 =	sne.s32 s26, $0x1  }
.Ltmp25:
0x1fc: {  	v9 =	vcvt.s32.f32 v11;
	(pc) =	sbr.rel @p0 .LBB2_37-.Ltmp25, $3  }
0x1fd: {  	_ = 	snop  }
0x1fe: {  	v9 =	vmul.f32 v9, v12;
	_ =	sdelay $0x1  }
0x1ff: {  	s25 =	sadd.s32 $0x10, s25;
	s26 =	sadd.s32 $0xFFFFFFFF, s26;
	[tilespmem:v10+s20+$0x0] =	vst.idx.msk vm0, v9  }
.LBB2_38:
0x200: {  	_ =	swait.ge [sflag:s21], $0x8000  }
0x201: {  	(v2sf) =	vpush v6, $0xB  }
0x202: {  	(v2sf) =	vpush v7, $0xB;
	_ =	sdelay $0xa  }
0x203: {  	[sflag:s21] =	ssyncset.done $0x0  }
0x204: {  	s25 =	rddreg [dreg:$0x10];
	[sflag:s21] =	ssyncadd.s32 $0xFFFF8000  }
0x205: {  	[tilespmem:s17], [sflag:$0x1] =	stream.linear.gather [hbm4b:s25+s2], $0x8000, $0x38;
	[tilespmem:$0x12900] =	vst v63  }
0x206: {  	s25 =	spop (v2sf)  }
0x207: {  	s26 =	spop (v2sf)  }
0x208: {  	s26 =	ssub.s32 s26, s25  }
0x209: {  	s26 =	sadd.s32 $0xF, s26  }
0x20a: {  	s26 =	sshra.s32 s26, $0x4  }
0x20b: {  	p0 =	slt.s32 s26, $0x1  }
.Ltmp26:
0x20c: {  	_ = 	snop;
	(pc) =	sbr.rel @p0 .LBB2_41-.Ltmp26, $1  }
0x20d: {  	_ =	sdelay $0x3  }
0x20e: {  	v8 =	vbroadcast v7, $0xB  }
.LBB2_40:
0x20f: {  	v9 =	vadd.s32 s25, v0  }
0x210: {  	v10 =	vand.u32 $0x7FF, v9;
	_ =	sdelay $0x4  }
0x211: {  	v10 =	vld.idx.msk [tilespmem:v10+s16+$0x0], $0xffff;
	_ =	sdelay $0x4  }
0x212: {  	v10 =	vand.u32 $0x7FF, v10  }
0x213: {  	v10 =	vmin.u32 v10, $0x7CF  }
0x214: {  	v11 =	vshrl.u32 v10, $0x1;
	_ =	sdelay $0x4  }
0x215: {  	v12 =	vld.idx.msk [tilespmem:v11+s2+$0x0], $0xffff;
	_ =	sdelay $0x4  }
0x216: {  	v13 =	vshll.u32 v12, $0x3  }
0x217: {  	v14 =	vshrl.u32 v12, $0x2;
	v12 =	vand.u32 $0x707F, v12;
	v13 =	vand.u32 $0xC00, v13  }
0x218: {  	v63 =	vand.u32 $0x380, v14;
	v12 =	vor.u32 v13, v12  }
0x219: {  	v12 =	vor.u32 v63, v12;
	_ =	sdelay $0x2  }
0x21a: {  	v11 =	vld.idx.msk [tilespmem:v11+s12+$0x0], $0xffff;
	_ =	sdelay $0x1  }
0x21b: {  	v12 =	vld.idx.msk [tilespmem:v12+s19+$0x0], $0xffff  }
0x21c: {  	vm0 =	vlt.s32 v9, v8  }
0x21d: {  	p0 =	sne.s32 s26, $0x1  }
.Ltmp27:
0x21e: {  	v9 =	vcvt.s32.f32 v11;
	(pc) =	sbr.rel @p0 .LBB2_40-.Ltmp27, $3  }
0x21f: {  	_ = 	snop  }
0x220: {  	v9 =	vmul.f32 v9, v12;
	_ =	sdelay $0x1  }
0x221: {  	s25 =	sadd.s32 $0x10, s25;
	s26 =	sadd.s32 $0xFFFFFFFF, s26;
	[tilespmem:v10+s20+$0x0] =	vst.idx.msk vm0, v9  }
.LBB2_41:
0x222: {  	_ =	swait.ge [sflag:s18], $0x8000  }
0x223: {  	(v2sf) =	vpush v6, $0xC  }
0x224: {  	(v2sf) =	vpush v7, $0xC;
	_ =	sdelay $0xa  }
0x225: {  	[sflag:s18] =	ssyncset.done $0x0  }
0x226: {  	s25 =	rddreg [dreg:$0x11];
	[sflag:s18] =	ssyncadd.s32 $0xFFFF8000  }
0x227: {  	[tilespmem:s19], [sflag:$0x2] =	stream.linear.gather [hbm4b:s25+s2], $0x8000, $0x38;
	[tilespmem:$0x12900] =	vst v63  }
0x228: {  	s25 =	spop (v2sf)  }
0x229: {  	s26 =	spop (v2sf)  }
0x22a: {  	s26 =	ssub.s32 s26, s25  }
0x22b: {  	s26 =	sadd.s32 $0xF, s26  }
0x22c: {  	s26 =	sshra.s32 s26, $0x4  }
0x22d: {  	p0 =	slt.s32 s26, $0x1  }
.Ltmp28:
0x22e: {  	_ = 	snop;
	(pc) =	sbr.rel @p0 .LBB2_44-.Ltmp28, $1  }
0x22f: {  	_ =	sdelay $0x3  }
0x230: {  	v8 =	vbroadcast v7, $0xC  }
.LBB2_43:
0x231: {  	v9 =	vadd.s32 s25, v0  }
0x232: {  	v10 =	vand.u32 $0x7FF, v9;
	_ =	sdelay $0x4  }
0x233: {  	v10 =	vld.idx.msk [tilespmem:v10+s16+$0x0], $0xffff;
	_ =	sdelay $0x4  }
0x234: {  	v10 =	vand.u32 $0x7FF, v10  }
0x235: {  	v10 =	vmin.u32 v10, $0x7CF  }
0x236: {  	v11 =	vshrl.u32 v10, $0x1;
	_ =	sdelay $0x4  }
0x237: {  	v12 =	vld.idx.msk [tilespmem:v11+s2+$0x0], $0xffff;
	_ =	sdelay $0x4  }
0x238: {  	v13 =	vshll.u32 v12, $0x3  }
0x239: {  	v14 =	vshrl.u32 v12, $0x2;
	v12 =	vand.u32 $0x707F, v12;
	v13 =	vand.u32 $0xC00, v13  }
0x23a: {  	v63 =	vand.u32 $0x380, v14;
	v12 =	vor.u32 v13, v12  }
0x23b: {  	v12 =	vor.u32 v63, v12;
	_ =	sdelay $0x2  }
0x23c: {  	v11 =	vld.idx.msk [tilespmem:v11+s12+$0x0], $0xffff;
	_ =	sdelay $0x1  }
0x23d: {  	v12 =	vld.idx.msk [tilespmem:v12+s17+$0x0], $0xffff  }
0x23e: {  	vm0 =	vlt.s32 v9, v8  }
0x23f: {  	p0 =	sne.s32 s26, $0x1  }
.Ltmp29:
0x240: {  	v9 =	vcvt.s32.f32 v11;
	(pc) =	sbr.rel @p0 .LBB2_43-.Ltmp29, $3  }
0x241: {  	_ = 	snop  }
0x242: {  	v9 =	vmul.f32 v9, v12;
	_ =	sdelay $0x1  }
0x243: {  	s25 =	sadd.s32 $0x10, s25;
	s26 =	sadd.s32 $0xFFFFFFFF, s26;
	[tilespmem:v10+s20+$0x0] =	vst.idx.msk vm0, v9  }
.LBB2_44:
0x244: {  	_ =	swait.ge [sflag:s21], $0x8000  }
0x245: {  	(v2sf) =	vpush v6, $0xD  }
0x246: {  	(v2sf) =	vpush v7, $0xD;
	_ =	sdelay $0xa  }
0x247: {  	[sflag:s21] =	ssyncset.done $0x0  }
0x248: {  	s25 =	rddreg [dreg:$0x12];
	[sflag:s21] =	ssyncadd.s32 $0xFFFF8000  }
0x249: {  	[tilespmem:s17], [sflag:$0x1] =	stream.linear.gather [hbm4b:s25+s2], $0x8000, $0x38;
	[tilespmem:$0x12900] =	vst v63  }
0x24a: {  	s25 =	spop (v2sf)  }
0x24b: {  	s26 =	spop (v2sf)  }
0x24c: {  	s26 =	ssub.s32 s26, s25  }
0x24d: {  	s26 =	sadd.s32 $0xF, s26  }
0x24e: {  	s26 =	sshra.s32 s26, $0x4  }
0x24f: {  	p0 =	slt.s32 s26, $0x1  }
.Ltmp30:
0x250: {  	_ = 	snop;
	(pc) =	sbr.rel @p0 .LBB2_47-.Ltmp30, $1  }
0x251: {  	_ =	sdelay $0x3  }
0x252: {  	v8 =	vbroadcast v7, $0xD  }
.LBB2_46:
0x253: {  	v9 =	vadd.s32 s25, v0  }
0x254: {  	v10 =	vand.u32 $0x7FF, v9;
	_ =	sdelay $0x4  }
0x255: {  	v10 =	vld.idx.msk [tilespmem:v10+s16+$0x0], $0xffff;
	_ =	sdelay $0x4  }
0x256: {  	v10 =	vand.u32 $0x7FF, v10  }
0x257: {  	v10 =	vmin.u32 v10, $0x7CF  }
0x258: {  	v11 =	vshrl.u32 v10, $0x1;
	_ =	sdelay $0x4  }
0x259: {  	v12 =	vld.idx.msk [tilespmem:v11+s2+$0x0], $0xffff;
	_ =	sdelay $0x4  }
0x25a: {  	v13 =	vshll.u32 v12, $0x3  }
0x25b: {  	v14 =	vshrl.u32 v12, $0x2;
	v12 =	vand.u32 $0x707F, v12;
	v13 =	vand.u32 $0xC00, v13  }
0x25c: {  	v63 =	vand.u32 $0x380, v14;
	v12 =	vor.u32 v13, v12  }
0x25d: {  	v12 =	vor.u32 v63, v12;
	_ =	sdelay $0x2  }
0x25e: {  	v11 =	vld.idx.msk [tilespmem:v11+s12+$0x0], $0xffff;
	_ =	sdelay $0x1  }
0x25f: {  	v12 =	vld.idx.msk [tilespmem:v12+s19+$0x0], $0xffff  }
0x260: {  	vm0 =	vlt.s32 v9, v8  }
0x261: {  	p0 =	sne.s32 s26, $0x1  }
.Ltmp31:
0x262: {  	v9 =	vcvt.s32.f32 v11;
	(pc) =	sbr.rel @p0 .LBB2_46-.Ltmp31, $3  }
0x263: {  	_ = 	snop  }
0x264: {  	v9 =	vmul.f32 v9, v12;
	_ =	sdelay $0x1  }
0x265: {  	s25 =	sadd.s32 $0x10, s25;
	s26 =	sadd.s32 $0xFFFFFFFF, s26;
	[tilespmem:v10+s20+$0x0] =	vst.idx.msk vm0, v9  }
.LBB2_47:
0x266: {  	_ =	swait.ge [sflag:s18], $0x8000  }
0x267: {  	(v2sf) =	vpush v6, $0xE  }
0x268: {  	(v2sf) =	vpush v7, $0xE;
	_ =	sdelay $0xa  }
0x269: {  	[sflag:s18] =	ssyncset.done $0x0  }
0x26a: {  	s25 =	rddreg [dreg:$0x13];
	[sflag:s18] =	ssyncadd.s32 $0xFFFF8000  }
0x26b: {  	[tilespmem:s19], [sflag:$0x2] =	stream.linear.gather [hbm4b:s25+s2], $0x8000, $0x38;
	[tilespmem:$0x12900] =	vst v63  }
0x26c: {  	s25 =	spop (v2sf)  }
0x26d: {  	s26 =	spop (v2sf)  }
0x26e: {  	s26 =	ssub.s32 s26, s25  }
0x26f: {  	s26 =	sadd.s32 $0xF, s26  }
0x270: {  	s26 =	sshra.s32 s26, $0x4  }
0x271: {  	p0 =	slt.s32 s26, $0x1  }
.Ltmp32:
0x272: {  	_ = 	snop;
	(pc) =	sbr.rel @p0 .LBB2_50-.Ltmp32, $1  }
0x273: {  	_ =	sdelay $0x3  }
0x274: {  	v7 =	vbroadcast v7, $0xE  }
.LBB2_49:
0x275: {  	v8 =	vadd.s32 s25, v0  }
0x276: {  	v9 =	vand.u32 $0x7FF, v8;
	_ =	sdelay $0x4  }
0x277: {  	v9 =	vld.idx.msk [tilespmem:v9+s16+$0x0], $0xffff;
	_ =	sdelay $0x4  }
0x278: {  	v9 =	vand.u32 $0x7FF, v9  }
0x279: {  	v9 =	vmin.u32 v9, $0x7CF  }
0x27a: {  	v10 =	vshrl.u32 v9, $0x1;
	_ =	sdelay $0x4  }
0x27b: {  	v11 =	vld.idx.msk [tilespmem:v10+s2+$0x0], $0xffff;
	_ =	sdelay $0x4  }
0x27c: {  	v12 =	vshll.u32 v11, $0x3  }
0x27d: {  	v13 =	vshrl.u32 v11, $0x2;
	v11 =	vand.u32 $0x707F, v11;
	v12 =	vand.u32 $0xC00, v12  }
0x27e: {  	v63 =	vand.u32 $0x380, v13;
	v11 =	vor.u32 v12, v11  }
0x27f: {  	v11 =	vor.u32 v63, v11;
	_ =	sdelay $0x2  }
0x280: {  	v10 =	vld.idx.msk [tilespmem:v10+s12+$0x0], $0xffff;
	_ =	sdelay $0x1  }
0x281: {  	v11 =	vld.idx.msk [tilespmem:v11+s17+$0x0], $0xffff  }
0x282: {  	vm0 =	vlt.s32 v8, v7  }
0x283: {  	p0 =	sne.s32 s26, $0x1  }
.Ltmp33:
0x284: {  	v8 =	vcvt.s32.f32 v10;
	(pc) =	sbr.rel @p0 .LBB2_49-.Ltmp33, $3  }
0x285: {  	_ = 	snop  }
0x286: {  	v8 =	vmul.f32 v8, v11;
	_ =	sdelay $0x1  }
0x287: {  	s25 =	sadd.s32 $0x10, s25;
	s26 =	sadd.s32 $0xFFFFFFFF, s26;
	[tilespmem:v9+s20+$0x0] =	vst.idx.msk vm0, v8  }
.LBB2_50:
0x288: {  	_ =	swait.ge [sflag:s21], $0x8000  }
0x289: {  	(v2sf) =	vpush v6, $0xF;
	_ =	sdelay $0xb  }
0x28a: {  	[sflag:s21] =	ssyncset.done $0x0  }
0x28b: {  	s25 =	rddreg [dreg:$0x14];
	[sflag:s21] =	ssyncadd.s32 $0xFFFF8000  }
0x28c: {  	[tilespmem:s17], [sflag:$0x1] =	stream.linear.gather [hbm4b:s25+s2], $0x8000, $0x38;
	[tilespmem:$0x12900] =	vst v63  }
0x28d: {  	s25 =	spop (v2sf)  }
0x28e: {  	s24 =	ssub.s32 s24, s25  }
0x28f: {  	s24 =	sadd.s32 $0xF, s24  }
0x290: {  	s24 =	sshra.s32 s24, $0x4  }
0x291: {  	p0 =	slt.s32 s24, $0x1  }
.Ltmp34:
0x292: {  	_ = 	snop;
	(pc) =	sbr.rel @p0 .LBB2_52-.Ltmp34, $1  }
0x293: {  	_ =	sdelay $0x3  }
.LBB2_51:
0x294: {  	v6 =	vadd.s32 s25, v0  }
0x295: {  	v7 =	vand.u32 $0x7FF, v6;
	_ =	sdelay $0x4  }
0x296: {  	v7 =	vld.idx.msk [tilespmem:v7+s16+$0x0], $0xffff;
	_ =	sdelay $0x4  }
0x297: {  	v7 =	vand.u32 $0x7FF, v7  }
0x298: {  	v7 =	vmin.u32 v7, $0x7CF  }
0x299: {  	v8 =	vshrl.u32 v7, $0x1;
	_ =	sdelay $0x4  }
0x29a: {  	v9 =	vld.idx.msk [tilespmem:v8+s2+$0x0], $0xffff;
	_ =	sdelay $0x4  }
0x29b: {  	v10 =	vshll.u32 v9, $0x3  }
0x29c: {  	v11 =	vshrl.u32 v9, $0x2;
	v9 =	vand.u32 $0x707F, v9;
	v10 =	vand.u32 $0xC00, v10  }
0x29d: {  	v63 =	vand.u32 $0x380, v11;
	v9 =	vor.u32 v10, v9  }
0x29e: {  	v9 =	vor.u32 v63, v9;
	_ =	sdelay $0x2  }
0x29f: {  	v8 =	vld.idx.msk [tilespmem:v8+s12+$0x0], $0xffff;
	_ =	sdelay $0x1  }
0x2a0: {  	v9 =	vld.idx.msk [tilespmem:v9+s19+$0x0], $0xffff  }
0x2a1: {  	vm0 =	vlt.s32 v6, v5  }
0x2a2: {  	p0 =	sne.s32 s24, $0x1  }
.Ltmp35:
0x2a3: {  	v6 =	vcvt.s32.f32 v8;
	(pc) =	sbr.rel @p0 .LBB2_51-.Ltmp35, $3  }
0x2a4: {  	_ = 	snop  }
0x2a5: {  	v6 =	vmul.f32 v6, v9;
	_ =	sdelay $0x1  }
0x2a6: {  	s25 =	sadd.s32 $0x10, s25;
	s24 =	sadd.s32 $0xFFFFFFFF, s24;
	[tilespmem:v7+s20+$0x0] =	vst.idx.msk vm0, v6  }
.LBB2_52:
0x2a7: {  	_ =	swait.ge [sflag:s18], $0x8000  }
0x2a8: {  	v4 =	vadd.s32 v5, v4;
	(v2sf) =	vpush v3, $0x0  }
0x2a9: {  	(v2sf) =	vpush v4, $0x0;
	_ =	sdelay $0xa  }
0x2aa: {  	[sflag:s18] =	ssyncset.done $0x0  }
0x2ab: {  	s24 =	rddreg [dreg:$0x15];
	[sflag:s18] =	ssyncadd.s32 $0xFFFF8000  }
0x2ac: {  	[tilespmem:s19], [sflag:$0x2] =	stream.linear.gather [hbm4b:s24+s2], $0x8000, $0x38;
	[tilespmem:$0x12900] =	vst v63  }
0x2ad: {  	s24 =	spop (v2sf)  }
0x2ae: {  	s25 =	spop (v2sf)  }
0x2af: {  	s25 =	ssub.s32 s25, s24  }
0x2b0: {  	s25 =	sadd.s32 $0xF, s25  }
0x2b1: {  	s25 =	sshra.s32 s25, $0x4  }
0x2b2: {  	p0 =	slt.s32 s25, $0x1  }
.Ltmp36:
0x2b3: {  	_ = 	snop;
	(pc) =	sbr.rel @p0 .LBB2_55-.Ltmp36, $1  }
0x2b4: {  	_ =	sdelay $0x3  }
0x2b5: {  	v5 =	vbroadcast v4, $0x0  }
.LBB2_54:
0x2b6: {  	v6 =	vadd.s32 s24, v0  }
0x2b7: {  	v7 =	vand.u32 $0x7FF, v6;
	_ =	sdelay $0x4  }
0x2b8: {  	v7 =	vld.idx.msk [tilespmem:v7+s16+$0x0], $0xffff;
	_ =	sdelay $0x4  }
0x2b9: {  	v7 =	vand.u32 $0x7FF, v7  }
0x2ba: {  	v7 =	vmin.u32 v7, $0x7CF  }
0x2bb: {  	v8 =	vshrl.u32 v7, $0x1;
	_ =	sdelay $0x4  }
0x2bc: {  	v9 =	vld.idx.msk [tilespmem:v8+s2+$0x0], $0xffff;
	_ =	sdelay $0x4  }
0x2bd: {  	v10 =	vshll.u32 v9, $0x3  }
0x2be: {  	v11 =	vshrl.u32 v9, $0x2;
	v9 =	vand.u32 $0x707F, v9;
	v10 =	vand.u32 $0xC00, v10  }
0x2bf: {  	v63 =	vand.u32 $0x380, v11;
	v9 =	vor.u32 v10, v9  }
0x2c0: {  	v9 =	vor.u32 v63, v9;
	_ =	sdelay $0x2  }
0x2c1: {  	v8 =	vld.idx.msk [tilespmem:v8+s12+$0x0], $0xffff;
	_ =	sdelay $0x1  }
0x2c2: {  	v9 =	vld.idx.msk [tilespmem:v9+s17+$0x0], $0xffff  }
0x2c3: {  	vm0 =	vlt.s32 v6, v5  }
0x2c4: {  	p0 =	sne.s32 s25, $0x1  }
.Ltmp37:
0x2c5: {  	v6 =	vcvt.s32.f32 v8;
	(pc) =	sbr.rel @p0 .LBB2_54-.Ltmp37, $3  }
0x2c6: {  	_ = 	snop  }
0x2c7: {  	v6 =	vmul.f32 v6, v9;
	_ =	sdelay $0x1  }
0x2c8: {  	s24 =	sadd.s32 $0x10, s24;
	s25 =	sadd.s32 $0xFFFFFFFF, s25;
	[tilespmem:v7+s20+$0x0] =	vst.idx.msk vm0, v6  }
.LBB2_55:
0x2c9: {  	_ =	swait.ge [sflag:s21], $0x8000  }
0x2ca: {  	(v2sf) =	vpush v3, $0x1  }
0x2cb: {  	(v2sf) =	vpush v4, $0x1;
	_ =	sdelay $0xa  }
0x2cc: {  	[sflag:s21] =	ssyncset.done $0x0  }
0x2cd: {  	s24 =	rddreg [dreg:$0x19];
	[sflag:s21] =	ssyncadd.s32 $0xFFFF8000  }
0x2ce: {  	[tilespmem:s17], [sflag:$0x1] =	stream.linear.gather [hbm4b:s24+s2], $0x8000, $0x38;
	[tilespmem:$0x12900] =	vst v63  }
0x2cf: {  	s24 =	spop (v2sf)  }
0x2d0: {  	s25 =	spop (v2sf)  }
0x2d1: {  	s25 =	ssub.s32 s25, s24  }
0x2d2: {  	s25 =	sadd.s32 $0xF, s25  }
0x2d3: {  	s25 =	sshra.s32 s25, $0x4  }
0x2d4: {  	p0 =	slt.s32 s25, $0x1  }
.Ltmp38:
0x2d5: {  	_ = 	snop;
	(pc) =	sbr.rel @p0 .LBB2_58-.Ltmp38, $1  }
0x2d6: {  	_ =	sdelay $0x3  }
0x2d7: {  	v5 =	vbroadcast v4, $0x1  }
.LBB2_57:
0x2d8: {  	v6 =	vadd.s32 s24, v0  }
0x2d9: {  	v7 =	vand.u32 $0x7FF, v6;
	_ =	sdelay $0x4  }
0x2da: {  	v7 =	vld.idx.msk [tilespmem:v7+s16+$0x0], $0xffff;
	_ =	sdelay $0x4  }
0x2db: {  	v7 =	vand.u32 $0x7FF, v7  }
0x2dc: {  	v7 =	vmin.u32 v7, $0x7CF  }
0x2dd: {  	v8 =	vshrl.u32 v7, $0x1;
	_ =	sdelay $0x4  }
0x2de: {  	v9 =	vld.idx.msk [tilespmem:v8+s2+$0x0], $0xffff;
	_ =	sdelay $0x4  }
0x2df: {  	v10 =	vshll.u32 v9, $0x3  }
0x2e0: {  	v11 =	vshrl.u32 v9, $0x2;
	v9 =	vand.u32 $0x707F, v9;
	v10 =	vand.u32 $0xC00, v10  }
0x2e1: {  	v63 =	vand.u32 $0x380, v11;
	v9 =	vor.u32 v10, v9  }
0x2e2: {  	v9 =	vor.u32 v63, v9;
	_ =	sdelay $0x2  }
0x2e3: {  	v8 =	vld.idx.msk [tilespmem:v8+s12+$0x0], $0xffff;
	_ =	sdelay $0x1  }
0x2e4: {  	v9 =	vld.idx.msk [tilespmem:v9+s19+$0x0], $0xffff  }
0x2e5: {  	vm0 =	vlt.s32 v6, v5  }
0x2e6: {  	p0 =	sne.s32 s25, $0x1  }
.Ltmp39:
0x2e7: {  	v6 =	vcvt.s32.f32 v8;
	(pc) =	sbr.rel @p0 .LBB2_57-.Ltmp39, $3  }
0x2e8: {  	_ = 	snop  }
0x2e9: {  	v6 =	vmul.f32 v6, v9;
	_ =	sdelay $0x1  }
0x2ea: {  	s24 =	sadd.s32 $0x10, s24;
	s25 =	sadd.s32 $0xFFFFFFFF, s25;
	[tilespmem:v7+s20+$0x0] =	vst.idx.msk vm0, v6  }
.LBB2_58:
0x2eb: {  	_ =	swait.ge [sflag:s18], $0x8000  }
0x2ec: {  	(v2sf) =	vpush v3, $0x2  }
0x2ed: {  	(v2sf) =	vpush v4, $0x2;
	_ =	sdelay $0xa  }
0x2ee: {  	[sflag:s18] =	ssyncset.done $0x0  }
0x2ef: {  	s24 =	rddreg [dreg:$0x1a];
	[sflag:s18] =	ssyncadd.s32 $0xFFFF8000  }
0x2f0: {  	[tilespmem:s19], [sflag:$0x2] =	stream.linear.gather [hbm4b:s24+s2], $0x8000, $0x38;
	[tilespmem:$0x12900] =	vst v63  }
0x2f1: {  	s24 =	spop (v2sf)  }
0x2f2: {  	s25 =	spop (v2sf)  }
0x2f3: {  	s25 =	ssub.s32 s25, s24  }
0x2f4: {  	s25 =	sadd.s32 $0xF, s25  }
0x2f5: {  	s25 =	sshra.s32 s25, $0x4  }
0x2f6: {  	p0 =	slt.s32 s25, $0x1  }
.Ltmp40:
0x2f7: {  	_ = 	snop;
	(pc) =	sbr.rel @p0 .LBB2_61-.Ltmp40, $1  }
0x2f8: {  	_ =	sdelay $0x3  }
0x2f9: {  	v5 =	vbroadcast v4, $0x2  }
.LBB2_60:
0x2fa: {  	v6 =	vadd.s32 s24, v0  }
0x2fb: {  	v7 =	vand.u32 $0x7FF, v6;
	_ =	sdelay $0x4  }
0x2fc: {  	v7 =	vld.idx.msk [tilespmem:v7+s16+$0x0], $0xffff;
	_ =	sdelay $0x4  }
0x2fd: {  	v7 =	vand.u32 $0x7FF, v7  }
0x2fe: {  	v7 =	vmin.u32 v7, $0x7CF  }
0x2ff: {  	v8 =	vshrl.u32 v7, $0x1;
	_ =	sdelay $0x4  }
0x300: {  	v9 =	vld.idx.msk [tilespmem:v8+s2+$0x0], $0xffff;
	_ =	sdelay $0x4  }
0x301: {  	v10 =	vshll.u32 v9, $0x3  }
0x302: {  	v11 =	vshrl.u32 v9, $0x2;
	v9 =	vand.u32 $0x707F, v9;
	v10 =	vand.u32 $0xC00, v10  }
0x303: {  	v63 =	vand.u32 $0x380, v11;
	v9 =	vor.u32 v10, v9  }
0x304: {  	v9 =	vor.u32 v63, v9;
	_ =	sdelay $0x2  }
0x305: {  	v8 =	vld.idx.msk [tilespmem:v8+s12+$0x0], $0xffff;
	_ =	sdelay $0x1  }
0x306: {  	v9 =	vld.idx.msk [tilespmem:v9+s17+$0x0], $0xffff  }
0x307: {  	vm0 =	vlt.s32 v6, v5  }
0x308: {  	p0 =	sne.s32 s25, $0x1  }
.Ltmp41:
0x309: {  	v6 =	vcvt.s32.f32 v8;
	(pc) =	sbr.rel @p0 .LBB2_60-.Ltmp41, $3  }
0x30a: {  	_ = 	snop  }
0x30b: {  	v6 =	vmul.f32 v6, v9;
	_ =	sdelay $0x1  }
0x30c: {  	s24 =	sadd.s32 $0x10, s24;
	s25 =	sadd.s32 $0xFFFFFFFF, s25;
	[tilespmem:v7+s20+$0x0] =	vst.idx.msk vm0, v6  }
.LBB2_61:
0x30d: {  	_ =	swait.ge [sflag:s21], $0x8000  }
0x30e: {  	(v2sf) =	vpush v3, $0x3  }
0x30f: {  	(v2sf) =	vpush v4, $0x3;
	_ =	sdelay $0xa  }
0x310: {  	[sflag:s21] =	ssyncset.done $0x0  }
0x311: {  	s24 =	rddreg [dreg:$0x1b];
	[sflag:s21] =	ssyncadd.s32 $0xFFFF8000  }
0x312: {  	[tilespmem:s17], [sflag:$0x1] =	stream.linear.gather [hbm4b:s24+s2], $0x8000, $0x38;
	[tilespmem:$0x12900] =	vst v63  }
0x313: {  	s24 =	spop (v2sf)  }
0x314: {  	s25 =	spop (v2sf)  }
0x315: {  	s25 =	ssub.s32 s25, s24  }
0x316: {  	s25 =	sadd.s32 $0xF, s25  }
0x317: {  	s25 =	sshra.s32 s25, $0x4  }
0x318: {  	p0 =	slt.s32 s25, $0x1  }
.Ltmp42:
0x319: {  	_ = 	snop;
	(pc) =	sbr.rel @p0 .LBB2_64-.Ltmp42, $1  }
0x31a: {  	_ =	sdelay $0x3  }
0x31b: {  	v5 =	vbroadcast v4, $0x3  }
.LBB2_63:
0x31c: {  	v6 =	vadd.s32 s24, v0  }
0x31d: {  	v7 =	vand.u32 $0x7FF, v6;
	_ =	sdelay $0x4  }
0x31e: {  	v7 =	vld.idx.msk [tilespmem:v7+s16+$0x0], $0xffff;
	_ =	sdelay $0x4  }
0x31f: {  	v7 =	vand.u32 $0x7FF, v7  }
0x320: {  	v7 =	vmin.u32 v7, $0x7CF  }
0x321: {  	v8 =	vshrl.u32 v7, $0x1;
	_ =	sdelay $0x4  }
0x322: {  	v9 =	vld.idx.msk [tilespmem:v8+s2+$0x0], $0xffff;
	_ =	sdelay $0x4  }
0x323: {  	v10 =	vshll.u32 v9, $0x3  }
0x324: {  	v11 =	vshrl.u32 v9, $0x2;
	v9 =	vand.u32 $0x707F, v9;
	v10 =	vand.u32 $0xC00, v10  }
0x325: {  	v63 =	vand.u32 $0x380, v11;
	v9 =	vor.u32 v10, v9  }
0x326: {  	v9 =	vor.u32 v63, v9;
	_ =	sdelay $0x2  }
0x327: {  	v8 =	vld.idx.msk [tilespmem:v8+s12+$0x0], $0xffff;
	_ =	sdelay $0x1  }
0x328: {  	v9 =	vld.idx.msk [tilespmem:v9+s19+$0x0], $0xffff  }
0x329: {  	vm0 =	vlt.s32 v6, v5  }
0x32a: {  	p0 =	sne.s32 s25, $0x1  }
.Ltmp43:
0x32b: {  	v6 =	vcvt.s32.f32 v8;
	(pc) =	sbr.rel @p0 .LBB2_63-.Ltmp43, $3  }
0x32c: {  	_ = 	snop  }
0x32d: {  	v6 =	vmul.f32 v6, v9;
	_ =	sdelay $0x1  }
0x32e: {  	s24 =	sadd.s32 $0x10, s24;
	s25 =	sadd.s32 $0xFFFFFFFF, s25;
	[tilespmem:v7+s20+$0x0] =	vst.idx.msk vm0, v6  }
.LBB2_64:
0x32f: {  	_ =	swait.ge [sflag:s18], $0x8000  }
0x330: {  	(v2sf) =	vpush v3, $0x4  }
0x331: {  	(v2sf) =	vpush v4, $0x4;
	_ =	sdelay $0xd  }
0x332: {  	s24 =	spop (v2sf)  }
0x333: {  	s25 =	spop (v2sf)  }
0x334: {  	s25 =	ssub.s32 s25, s24  }
0x335: {  	s25 =	sadd.s32 $0xF, s25  }
0x336: {  	s25 =	sshra.s32 s25, $0x4  }
0x337: {  	p0 =	slt.s32 s25, $0x1  }
.Ltmp44:
0x338: {  	_ = 	snop;
	(pc) =	sbr.rel @p0 .LBB2_67-.Ltmp44, $4  }
0x339: {  	_ = 	snop  }
0x33a: {  	[sflag:s18] =	ssyncset.done $0x0  }
0x33b: {  	[sflag:s18] =	ssyncadd.s32 $0xFFFF8000  }
0x33c: {  	[tilespmem:s19], [sflag:$0x2] =	stream.linear.gather [hbm4b:s30+s2], $0x8000, $0x38;
	[tilespmem:$0x12900] =	vst v63  }
0x33d: {  	v5 =	vbroadcast v4, $0x4  }
.LBB2_66:
0x33e: {  	v6 =	vadd.s32 s24, v0  }
0x33f: {  	v7 =	vand.u32 $0x7FF, v6;
	_ =	sdelay $0x4  }
0x340: {  	v7 =	vld.idx.msk [tilespmem:v7+s16+$0x0], $0xffff;
	_ =	sdelay $0x4  }
0x341: {  	v7 =	vand.u32 $0x7FF, v7  }
0x342: {  	v7 =	vmin.u32 v7, $0x7CF  }
0x343: {  	v8 =	vshrl.u32 v7, $0x1;
	_ =	sdelay $0x4  }
0x344: {  	v9 =	vld.idx.msk [tilespmem:v8+s2+$0x0], $0xffff;
	_ =	sdelay $0x4  }
0x345: {  	v10 =	vshll.u32 v9, $0x3  }
0x346: {  	v11 =	vshrl.u32 v9, $0x2;
	v9 =	vand.u32 $0x707F, v9;
	v10 =	vand.u32 $0xC00, v10  }
0x347: {  	v63 =	vand.u32 $0x380, v11;
	v9 =	vor.u32 v10, v9  }
0x348: {  	v9 =	vor.u32 v63, v9;
	_ =	sdelay $0x2  }
0x349: {  	v8 =	vld.idx.msk [tilespmem:v8+s12+$0x0], $0xffff;
	_ =	sdelay $0x1  }
0x34a: {  	v9 =	vld.idx.msk [tilespmem:v9+s17+$0x0], $0xffff  }
0x34b: {  	vm0 =	vlt.s32 v6, v5  }
0x34c: {  	p0 =	sne.s32 s25, $0x1  }
.Ltmp45:
0x34d: {  	v6 =	vcvt.s32.f32 v8;
	(pc) =	sbr.rel @p0 .LBB2_66-.Ltmp45, $3  }
0x34e: {  	_ = 	snop  }
0x34f: {  	v6 =	vmul.f32 v6, v9;
	_ =	sdelay $0x1  }
0x350: {  	s24 =	sadd.s32 $0x10, s24;
	s25 =	sadd.s32 $0xFFFFFFFF, s25;
	[tilespmem:v7+s20+$0x0] =	vst.idx.msk vm0, v6  }
.LBB2_67:
0x351: {  	_ =	swait.ge [sflag:s21], $0x8000  }
0x352: {  	(v2sf) =	vpush v3, $0x5  }
0x353: {  	(v2sf) =	vpush v4, $0x5;
	_ =	sdelay $0xd  }
0x354: {  	s24 =	spop (v2sf)  }
0x355: {  	s25 =	spop (v2sf)  }
0x356: {  	s25 =	ssub.s32 s25, s24  }
0x357: {  	s25 =	sadd.s32 $0xF, s25  }
0x358: {  	s25 =	sshra.s32 s25, $0x4  }
0x359: {  	p0 =	slt.s32 s25, $0x1  }
.Ltmp46:
0x35a: {  	_ = 	snop;
	(pc) =	sbr.rel @p0 .LBB2_70-.Ltmp46, $4  }
0x35b: {  	_ = 	snop  }
0x35c: {  	[sflag:s21] =	ssyncset.done $0x0  }
0x35d: {  	[sflag:s21] =	ssyncadd.s32 $0xFFFF8000  }
0x35e: {  	[tilespmem:s17], [sflag:$0x1] =	stream.linear.gather [hbm4b:s31+s2], $0x8000, $0x38;
	[tilespmem:$0x12900] =	vst v63  }
0x35f: {  	v5 =	vbroadcast v4, $0x5  }
.LBB2_69:
0x360: {  	v6 =	vadd.s32 s24, v0  }
0x361: {  	v7 =	vand.u32 $0x7FF, v6;
	_ =	sdelay $0x4  }
0x362: {  	v7 =	vld.idx.msk [tilespmem:v7+s16+$0x0], $0xffff;
	_ =	sdelay $0x4  }
0x363: {  	v7 =	vand.u32 $0x7FF, v7  }
0x364: {  	v7 =	vmin.u32 v7, $0x7CF  }
0x365: {  	v8 =	vshrl.u32 v7, $0x1;
	_ =	sdelay $0x4  }
0x366: {  	v9 =	vld.idx.msk [tilespmem:v8+s2+$0x0], $0xffff;
	_ =	sdelay $0x4  }
0x367: {  	v10 =	vshll.u32 v9, $0x3  }
0x368: {  	v11 =	vshrl.u32 v9, $0x2;
	v9 =	vand.u32 $0x707F, v9;
	v10 =	vand.u32 $0xC00, v10  }
0x369: {  	v63 =	vand.u32 $0x380, v11;
	v9 =	vor.u32 v10, v9  }
0x36a: {  	v9 =	vor.u32 v63, v9;
	_ =	sdelay $0x2  }
0x36b: {  	v8 =	vld.idx.msk [tilespmem:v8+s12+$0x0], $0xffff;
	_ =	sdelay $0x1  }
0x36c: {  	v9 =	vld.idx.msk [tilespmem:v9+s19+$0x0], $0xffff  }
0x36d: {  	vm0 =	vlt.s32 v6, v5  }
0x36e: {  	p0 =	sne.s32 s25, $0x1  }
.Ltmp47:
0x36f: {  	v6 =	vcvt.s32.f32 v8;
	(pc) =	sbr.rel @p0 .LBB2_69-.Ltmp47, $3  }
0x370: {  	_ = 	snop  }
0x371: {  	v6 =	vmul.f32 v6, v9;
	_ =	sdelay $0x1  }
0x372: {  	s24 =	sadd.s32 $0x10, s24;
	s25 =	sadd.s32 $0xFFFFFFFF, s25;
	[tilespmem:v7+s20+$0x0] =	vst.idx.msk vm0, v6  }
.LBB2_70:
0x373: {  	_ =	swait.ge [sflag:s18], $0x8000  }
0x374: {  	(v2sf) =	vpush v3, $0x6  }
0x375: {  	(v2sf) =	vpush v4, $0x6;
	_ =	sdelay $0xd  }
0x376: {  	s24 =	spop (v2sf)  }
0x377: {  	s25 =	spop (v2sf)  }
0x378: {  	s25 =	ssub.s32 s25, s24  }
0x379: {  	s25 =	sadd.s32 $0xF, s25  }
0x37a: {  	s25 =	sshra.s32 s25, $0x4  }
0x37b: {  	p0 =	slt.s32 s25, $0x1  }
.Ltmp48:
0x37c: {  	_ = 	snop;
	(pc) =	sbr.rel @p0 .LBB2_73-.Ltmp48, $4  }
0x37d: {  	_ = 	snop  }
0x37e: {  	[sflag:s18] =	ssyncset.done $0x0  }
0x37f: {  	[sflag:s18] =	ssyncadd.s32 $0xFFFF8000  }
0x380: {  	[tilespmem:s19], [sflag:$0x2] =	stream.linear.gather [hbm4b:s1+s2], $0x8000, $0x38;
	[tilespmem:$0x12900] =	vst v63  }
0x381: {  	v5 =	vbroadcast v4, $0x6  }
.LBB2_72:
0x382: {  	v6 =	vadd.s32 s24, v0  }
0x383: {  	v7 =	vand.u32 $0x7FF, v6;
	_ =	sdelay $0x4  }
0x384: {  	v7 =	vld.idx.msk [tilespmem:v7+s16+$0x0], $0xffff;
	_ =	sdelay $0x4  }
0x385: {  	v7 =	vand.u32 $0x7FF, v7  }
0x386: {  	v7 =	vmin.u32 v7, $0x7CF  }
0x387: {  	v8 =	vshrl.u32 v7, $0x1;
	_ =	sdelay $0x4  }
0x388: {  	v9 =	vld.idx.msk [tilespmem:v8+s2+$0x0], $0xffff;
	_ =	sdelay $0x4  }
0x389: {  	v10 =	vshll.u32 v9, $0x3  }
0x38a: {  	v11 =	vshrl.u32 v9, $0x2;
	v9 =	vand.u32 $0x707F, v9;
	v10 =	vand.u32 $0xC00, v10  }
0x38b: {  	v63 =	vand.u32 $0x380, v11;
	v9 =	vor.u32 v10, v9  }
0x38c: {  	v9 =	vor.u32 v63, v9;
	_ =	sdelay $0x2  }
0x38d: {  	v8 =	vld.idx.msk [tilespmem:v8+s12+$0x0], $0xffff;
	_ =	sdelay $0x1  }
0x38e: {  	v9 =	vld.idx.msk [tilespmem:v9+s17+$0x0], $0xffff  }
0x38f: {  	vm0 =	vlt.s32 v6, v5  }
0x390: {  	p0 =	sne.s32 s25, $0x1  }
.Ltmp49:
0x391: {  	v6 =	vcvt.s32.f32 v8;
	(pc) =	sbr.rel @p0 .LBB2_72-.Ltmp49, $3  }
0x392: {  	_ = 	snop  }
0x393: {  	v6 =	vmul.f32 v6, v9;
	_ =	sdelay $0x1  }
0x394: {  	s24 =	sadd.s32 $0x10, s24;
	s25 =	sadd.s32 $0xFFFFFFFF, s25;
	[tilespmem:v7+s20+$0x0] =	vst.idx.msk vm0, v6  }
.LBB2_73:
0x395: {  	_ =	swait.ge [sflag:s21], $0x8000  }
0x396: {  	(v2sf) =	vpush v3, $0x7  }
0x397: {  	(v2sf) =	vpush v4, $0x7;
	_ =	sdelay $0xd  }
0x398: {  	s24 =	spop (v2sf)  }
0x399: {  	s25 =	spop (v2sf)  }
0x39a: {  	s25 =	ssub.s32 s25, s24  }
0x39b: {  	s25 =	sadd.s32 $0xF, s25  }
0x39c: {  	s25 =	sshra.s32 s25, $0x4  }
0x39d: {  	p0 =	slt.s32 s25, $0x1  }
.Ltmp50:
0x39e: {  	_ = 	snop;
	(pc) =	sbr.rel @p0 .LBB2_76-.Ltmp50, $4  }
0x39f: {  	_ = 	snop  }
0x3a0: {  	[sflag:s21] =	ssyncset.done $0x0  }
0x3a1: {  	[sflag:s21] =	ssyncadd.s32 $0xFFFF8000  }
0x3a2: {  	[tilespmem:s17], [sflag:$0x1] =	stream.linear.gather [hbm4b:s0+s2], $0x8000, $0x38;
	[tilespmem:$0x12900] =	vst v63  }
0x3a3: {  	v5 =	vbroadcast v4, $0x7  }
.LBB2_75:
0x3a4: {  	v6 =	vadd.s32 s24, v0  }
0x3a5: {  	v7 =	vand.u32 $0x7FF, v6;
	_ =	sdelay $0x4  }
0x3a6: {  	v7 =	vld.idx.msk [tilespmem:v7+s16+$0x0], $0xffff;
	_ =	sdelay $0x4  }
0x3a7: {  	v7 =	vand.u32 $0x7FF, v7  }
0x3a8: {  	v7 =	vmin.u32 v7, $0x7CF  }
0x3a9: {  	v8 =	vshrl.u32 v7, $0x1;
	_ =	sdelay $0x4  }
0x3aa: {  	v9 =	vld.idx.msk [tilespmem:v8+s2+$0x0], $0xffff;
	_ =	sdelay $0x4  }
0x3ab: {  	v10 =	vshll.u32 v9, $0x3  }
0x3ac: {  	v11 =	vshrl.u32 v9, $0x2;
	v9 =	vand.u32 $0x707F, v9;
	v10 =	vand.u32 $0xC00, v10  }
0x3ad: {  	v63 =	vand.u32 $0x380, v11;
	v9 =	vor.u32 v10, v9  }
0x3ae: {  	v9 =	vor.u32 v63, v9;
	_ =	sdelay $0x2  }
0x3af: {  	v8 =	vld.idx.msk [tilespmem:v8+s12+$0x0], $0xffff;
	_ =	sdelay $0x1  }
0x3b0: {  	v9 =	vld.idx.msk [tilespmem:v9+s19+$0x0], $0xffff  }
0x3b1: {  	vm0 =	vlt.s32 v6, v5  }
0x3b2: {  	p0 =	sne.s32 s25, $0x1  }
.Ltmp51:
0x3b3: {  	v6 =	vcvt.s32.f32 v8;
	(pc) =	sbr.rel @p0 .LBB2_75-.Ltmp51, $3  }
0x3b4: {  	_ = 	snop  }
0x3b5: {  	v6 =	vmul.f32 v6, v9;
	_ =	sdelay $0x1  }
0x3b6: {  	s24 =	sadd.s32 $0x10, s24;
	s25 =	sadd.s32 $0xFFFFFFFF, s25;
	[tilespmem:v7+s20+$0x0] =	vst.idx.msk vm0, v6  }
.LBB2_76:
0x3b7: {  	_ =	swait.ge [sflag:s18], $0x8000  }
0x3b8: {  	(v2sf) =	vpush v3, $0x8  }
0x3b9: {  	(v2sf) =	vpush v4, $0x8;
	_ =	sdelay $0xd  }
0x3ba: {  	s24 =	spop (v2sf)  }
0x3bb: {  	s25 =	spop (v2sf)  }
0x3bc: {  	s25 =	ssub.s32 s25, s24  }
0x3bd: {  	s25 =	sadd.s32 $0xF, s25  }
0x3be: {  	s25 =	sshra.s32 s25, $0x4  }
0x3bf: {  	p0 =	slt.s32 s25, $0x1  }
.Ltmp52:
0x3c0: {  	_ = 	snop;
	(pc) =	sbr.rel @p0 .LBB2_79-.Ltmp52, $4  }
0x3c1: {  	_ = 	snop  }
0x3c2: {  	[sflag:s18] =	ssyncset.done $0x0  }
0x3c3: {  	[sflag:s18] =	ssyncadd.s32 $0xFFFF8000  }
0x3c4: {  	[tilespmem:s19], [sflag:$0x2] =	stream.linear.gather [hbm4b:s3+s2], $0x8000, $0x38;
	[tilespmem:$0x12900] =	vst v63  }
0x3c5: {  	v5 =	vbroadcast v4, $0x8  }
.LBB2_78:
0x3c6: {  	v6 =	vadd.s32 s24, v0  }
0x3c7: {  	v7 =	vand.u32 $0x7FF, v6;
	_ =	sdelay $0x4  }
0x3c8: {  	v7 =	vld.idx.msk [tilespmem:v7+s16+$0x0], $0xffff;
	_ =	sdelay $0x4  }
0x3c9: {  	v7 =	vand.u32 $0x7FF, v7  }
0x3ca: {  	v7 =	vmin.u32 v7, $0x7CF  }
0x3cb: {  	v8 =	vshrl.u32 v7, $0x1;
	_ =	sdelay $0x4  }
0x3cc: {  	v9 =	vld.idx.msk [tilespmem:v8+s2+$0x0], $0xffff;
	_ =	sdelay $0x4  }
0x3cd: {  	v10 =	vshll.u32 v9, $0x3  }
0x3ce: {  	v11 =	vshrl.u32 v9, $0x2;
	v9 =	vand.u32 $0x707F, v9;
	v10 =	vand.u32 $0xC00, v10  }
0x3cf: {  	v63 =	vand.u32 $0x380, v11;
	v9 =	vor.u32 v10, v9  }
0x3d0: {  	v9 =	vor.u32 v63, v9;
	_ =	sdelay $0x2  }
0x3d1: {  	v8 =	vld.idx.msk [tilespmem:v8+s12+$0x0], $0xffff;
	_ =	sdelay $0x1  }
0x3d2: {  	v9 =	vld.idx.msk [tilespmem:v9+s17+$0x0], $0xffff  }
0x3d3: {  	vm0 =	vlt.s32 v6, v5  }
0x3d4: {  	p0 =	sne.s32 s25, $0x1  }
.Ltmp53:
0x3d5: {  	v6 =	vcvt.s32.f32 v8;
	(pc) =	sbr.rel @p0 .LBB2_78-.Ltmp53, $3  }
0x3d6: {  	_ = 	snop  }
0x3d7: {  	v6 =	vmul.f32 v6, v9;
	_ =	sdelay $0x1  }
0x3d8: {  	s24 =	sadd.s32 $0x10, s24;
	s25 =	sadd.s32 $0xFFFFFFFF, s25;
	[tilespmem:v7+s20+$0x0] =	vst.idx.msk vm0, v6  }
.LBB2_79:
0x3d9: {  	_ =	swait.ge [sflag:s21], $0x8000  }
0x3da: {  	(v2sf) =	vpush v3, $0x9  }
0x3db: {  	(v2sf) =	vpush v4, $0x9;
	_ =	sdelay $0xd  }
0x3dc: {  	s24 =	spop (v2sf)  }
0x3dd: {  	s25 =	spop (v2sf)  }
0x3de: {  	s25 =	ssub.s32 s25, s24  }
0x3df: {  	s25 =	sadd.s32 $0xF, s25  }
0x3e0: {  	s25 =	sshra.s32 s25, $0x4  }
0x3e1: {  	p0 =	slt.s32 s25, $0x1  }
.Ltmp54:
0x3e2: {  	_ = 	snop;
	(pc) =	sbr.rel @p0 .LBB2_82-.Ltmp54, $4  }
0x3e3: {  	_ = 	snop  }
0x3e4: {  	[sflag:s21] =	ssyncset.done $0x0  }
0x3e5: {  	[sflag:s21] =	ssyncadd.s32 $0xFFFF8000  }
0x3e6: {  	[tilespmem:s17], [sflag:$0x1] =	stream.linear.gather [hbm4b:s5+s2], $0x8000, $0x38;
	[tilespmem:$0x12900] =	vst v63  }
0x3e7: {  	v5 =	vbroadcast v4, $0x9  }
.LBB2_81:
0x3e8: {  	v6 =	vadd.s32 s24, v0  }
0x3e9: {  	v7 =	vand.u32 $0x7FF, v6;
	_ =	sdelay $0x4  }
0x3ea: {  	v7 =	vld.idx.msk [tilespmem:v7+s16+$0x0], $0xffff;
	_ =	sdelay $0x4  }
0x3eb: {  	v7 =	vand.u32 $0x7FF, v7  }
0x3ec: {  	v7 =	vmin.u32 v7, $0x7CF  }
0x3ed: {  	v8 =	vshrl.u32 v7, $0x1;
	_ =	sdelay $0x4  }
0x3ee: {  	v9 =	vld.idx.msk [tilespmem:v8+s2+$0x0], $0xffff;
	_ =	sdelay $0x4  }
0x3ef: {  	v10 =	vshll.u32 v9, $0x3  }
0x3f0: {  	v11 =	vshrl.u32 v9, $0x2;
	v9 =	vand.u32 $0x707F, v9;
	v10 =	vand.u32 $0xC00, v10  }
0x3f1: {  	v63 =	vand.u32 $0x380, v11;
	v9 =	vor.u32 v10, v9  }
0x3f2: {  	v9 =	vor.u32 v63, v9;
	_ =	sdelay $0x2  }
0x3f3: {  	v8 =	vld.idx.msk [tilespmem:v8+s12+$0x0], $0xffff;
	_ =	sdelay $0x1  }
0x3f4: {  	v9 =	vld.idx.msk [tilespmem:v9+s19+$0x0], $0xffff  }
0x3f5: {  	vm0 =	vlt.s32 v6, v5  }
0x3f6: {  	p0 =	sne.s32 s25, $0x1  }
.Ltmp55:
0x3f7: {  	v6 =	vcvt.s32.f32 v8;
	(pc) =	sbr.rel @p0 .LBB2_81-.Ltmp55, $3  }
0x3f8: {  	_ = 	snop  }
0x3f9: {  	v6 =	vmul.f32 v6, v9;
	_ =	sdelay $0x1  }
0x3fa: {  	s24 =	sadd.s32 $0x10, s24;
	s25 =	sadd.s32 $0xFFFFFFFF, s25;
	[tilespmem:v7+s20+$0x0] =	vst.idx.msk vm0, v6  }
.LBB2_82:
0x3fb: {  	_ =	swait.ge [sflag:s18], $0x8000  }
0x3fc: {  	(v2sf) =	vpush v3, $0xA  }
0x3fd: {  	(v2sf) =	vpush v4, $0xA;
	_ =	sdelay $0xd  }
0x3fe: {  	s24 =	spop (v2sf)  }
0x3ff: {  	s25 =	spop (v2sf)  }
0x400: {  	s25 =	ssub.s32 s25, s24  }
0x401: {  	s25 =	sadd.s32 $0xF, s25  }
0x402: {  	s25 =	sshra.s32 s25, $0x4  }
0x403: {  	p0 =	slt.s32 s25, $0x1  }
.Ltmp56:
0x404: {  	_ = 	snop;
	(pc) =	sbr.rel @p0 .LBB2_85-.Ltmp56, $4  }
0x405: {  	_ = 	snop  }
0x406: {  	[sflag:s18] =	ssyncset.done $0x0  }
0x407: {  	[sflag:s18] =	ssyncadd.s32 $0xFFFF8000  }
0x408: {  	[tilespmem:s19], [sflag:$0x2] =	stream.linear.gather [hbm4b:s6+s2], $0x8000, $0x38;
	[tilespmem:$0x12900] =	vst v63  }
0x409: {  	v5 =	vbroadcast v4, $0xA  }
.LBB2_84:
0x40a: {  	v6 =	vadd.s32 s24, v0  }
0x40b: {  	v7 =	vand.u32 $0x7FF, v6;
	_ =	sdelay $0x4  }
0x40c: {  	v7 =	vld.idx.msk [tilespmem:v7+s16+$0x0], $0xffff;
	_ =	sdelay $0x4  }
0x40d: {  	v7 =	vand.u32 $0x7FF, v7  }
0x40e: {  	v7 =	vmin.u32 v7, $0x7CF  }
0x40f: {  	v8 =	vshrl.u32 v7, $0x1;
	_ =	sdelay $0x4  }
0x410: {  	v9 =	vld.idx.msk [tilespmem:v8+s2+$0x0], $0xffff;
	_ =	sdelay $0x4  }
0x411: {  	v10 =	vshll.u32 v9, $0x3  }
0x412: {  	v11 =	vshrl.u32 v9, $0x2;
	v9 =	vand.u32 $0x707F, v9;
	v10 =	vand.u32 $0xC00, v10  }
0x413: {  	v63 =	vand.u32 $0x380, v11;
	v9 =	vor.u32 v10, v9  }
0x414: {  	v9 =	vor.u32 v63, v9;
	_ =	sdelay $0x2  }
0x415: {  	v8 =	vld.idx.msk [tilespmem:v8+s12+$0x0], $0xffff;
	_ =	sdelay $0x1  }
0x416: {  	v9 =	vld.idx.msk [tilespmem:v9+s17+$0x0], $0xffff  }
0x417: {  	vm0 =	vlt.s32 v6, v5  }
0x418: {  	p0 =	sne.s32 s25, $0x1  }
.Ltmp57:
0x419: {  	v6 =	vcvt.s32.f32 v8;
	(pc) =	sbr.rel @p0 .LBB2_84-.Ltmp57, $3  }
0x41a: {  	_ = 	snop  }
0x41b: {  	v6 =	vmul.f32 v6, v9;
	_ =	sdelay $0x1  }
0x41c: {  	s24 =	sadd.s32 $0x10, s24;
	s25 =	sadd.s32 $0xFFFFFFFF, s25;
	[tilespmem:v7+s20+$0x0] =	vst.idx.msk vm0, v6  }
.LBB2_85:
0x41d: {  	_ =	swait.ge [sflag:s21], $0x8000  }
0x41e: {  	(v2sf) =	vpush v3, $0xB  }
0x41f: {  	(v2sf) =	vpush v4, $0xB;
	_ =	sdelay $0xd  }
0x420: {  	s24 =	spop (v2sf)  }
0x421: {  	s25 =	spop (v2sf)  }
0x422: {  	s25 =	ssub.s32 s25, s24  }
0x423: {  	s25 =	sadd.s32 $0xF, s25  }
0x424: {  	s25 =	sshra.s32 s25, $0x4  }
0x425: {  	p0 =	slt.s32 s25, $0x1  }
.Ltmp58:
0x426: {  	_ = 	snop;
	(pc) =	sbr.rel @p0 .LBB2_88-.Ltmp58, $4  }
0x427: {  	_ = 	snop  }
0x428: {  	[sflag:s21] =	ssyncset.done $0x0  }
0x429: {  	[sflag:s21] =	ssyncadd.s32 $0xFFFF8000  }
0x42a: {  	[tilespmem:s17], [sflag:$0x1] =	stream.linear.gather [hbm4b:s7+s2], $0x8000, $0x38;
	[tilespmem:$0x12900] =	vst v63  }
0x42b: {  	v5 =	vbroadcast v4, $0xB  }
.LBB2_87:
0x42c: {  	v6 =	vadd.s32 s24, v0  }
0x42d: {  	v7 =	vand.u32 $0x7FF, v6;
	_ =	sdelay $0x4  }
0x42e: {  	v7 =	vld.idx.msk [tilespmem:v7+s16+$0x0], $0xffff;
	_ =	sdelay $0x4  }
0x42f: {  	v7 =	vand.u32 $0x7FF, v7  }
0x430: {  	v7 =	vmin.u32 v7, $0x7CF  }
0x431: {  	v8 =	vshrl.u32 v7, $0x1;
	_ =	sdelay $0x4  }
0x432: {  	v9 =	vld.idx.msk [tilespmem:v8+s2+$0x0], $0xffff;
	_ =	sdelay $0x4  }
0x433: {  	v10 =	vshll.u32 v9, $0x3  }
0x434: {  	v11 =	vshrl.u32 v9, $0x2;
	v9 =	vand.u32 $0x707F, v9;
	v10 =	vand.u32 $0xC00, v10  }
0x435: {  	v63 =	vand.u32 $0x380, v11;
	v9 =	vor.u32 v10, v9  }
0x436: {  	v9 =	vor.u32 v63, v9;
	_ =	sdelay $0x2  }
0x437: {  	v8 =	vld.idx.msk [tilespmem:v8+s12+$0x0], $0xffff;
	_ =	sdelay $0x1  }
0x438: {  	v9 =	vld.idx.msk [tilespmem:v9+s19+$0x0], $0xffff  }
0x439: {  	vm0 =	vlt.s32 v6, v5  }
0x43a: {  	p0 =	sne.s32 s25, $0x1  }
.Ltmp59:
0x43b: {  	v6 =	vcvt.s32.f32 v8;
	(pc) =	sbr.rel @p0 .LBB2_87-.Ltmp59, $3  }
0x43c: {  	_ = 	snop  }
0x43d: {  	v6 =	vmul.f32 v6, v9;
	_ =	sdelay $0x1  }
0x43e: {  	s24 =	sadd.s32 $0x10, s24;
	s25 =	sadd.s32 $0xFFFFFFFF, s25;
	[tilespmem:v7+s20+$0x0] =	vst.idx.msk vm0, v6  }
.LBB2_88:
0x43f: {  	_ =	swait.ge [sflag:s18], $0x8000  }
0x440: {  	(v2sf) =	vpush v3, $0xC  }
0x441: {  	(v2sf) =	vpush v4, $0xC;
	_ =	sdelay $0xd  }
0x442: {  	s24 =	spop (v2sf)  }
0x443: {  	s25 =	spop (v2sf)  }
0x444: {  	s25 =	ssub.s32 s25, s24  }
0x445: {  	s25 =	sadd.s32 $0xF, s25  }
0x446: {  	s25 =	sshra.s32 s25, $0x4  }
0x447: {  	p0 =	slt.s32 s25, $0x1  }
.Ltmp60:
0x448: {  	_ = 	snop;
	(pc) =	sbr.rel @p0 .LBB2_91-.Ltmp60, $4  }
0x449: {  	_ = 	snop  }
0x44a: {  	[sflag:s18] =	ssyncset.done $0x0  }
0x44b: {  	[sflag:s18] =	ssyncadd.s32 $0xFFFF8000  }
0x44c: {  	[tilespmem:s19], [sflag:$0x2] =	stream.linear.gather [hbm4b:s8+s2], $0x8000, $0x38;
	[tilespmem:$0x12900] =	vst v63  }
0x44d: {  	v5 =	vbroadcast v4, $0xC  }
.LBB2_90:
0x44e: {  	v6 =	vadd.s32 s24, v0  }
0x44f: {  	v7 =	vand.u32 $0x7FF, v6;
	_ =	sdelay $0x4  }
0x450: {  	v7 =	vld.idx.msk [tilespmem:v7+s16+$0x0], $0xffff;
	_ =	sdelay $0x4  }
0x451: {  	v7 =	vand.u32 $0x7FF, v7  }
0x452: {  	v7 =	vmin.u32 v7, $0x7CF  }
0x453: {  	v8 =	vshrl.u32 v7, $0x1;
	_ =	sdelay $0x4  }
0x454: {  	v9 =	vld.idx.msk [tilespmem:v8+s2+$0x0], $0xffff;
	_ =	sdelay $0x4  }
0x455: {  	v10 =	vshll.u32 v9, $0x3  }
0x456: {  	v11 =	vshrl.u32 v9, $0x2;
	v9 =	vand.u32 $0x707F, v9;
	v10 =	vand.u32 $0xC00, v10  }
0x457: {  	v63 =	vand.u32 $0x380, v11;
	v9 =	vor.u32 v10, v9  }
0x458: {  	v9 =	vor.u32 v63, v9;
	_ =	sdelay $0x2  }
0x459: {  	v8 =	vld.idx.msk [tilespmem:v8+s12+$0x0], $0xffff;
	_ =	sdelay $0x1  }
0x45a: {  	v9 =	vld.idx.msk [tilespmem:v9+s17+$0x0], $0xffff  }
0x45b: {  	vm0 =	vlt.s32 v6, v5  }
0x45c: {  	p0 =	sne.s32 s25, $0x1  }
.Ltmp61:
0x45d: {  	v6 =	vcvt.s32.f32 v8;
	(pc) =	sbr.rel @p0 .LBB2_90-.Ltmp61, $3  }
0x45e: {  	_ = 	snop  }
0x45f: {  	v6 =	vmul.f32 v6, v9;
	_ =	sdelay $0x1  }
0x460: {  	s24 =	sadd.s32 $0x10, s24;
	s25 =	sadd.s32 $0xFFFFFFFF, s25;
	[tilespmem:v7+s20+$0x0] =	vst.idx.msk vm0, v6  }
.LBB2_91:
0x461: {  	_ =	swait.ge [sflag:s21], $0x8000  }
0x462: {  	(v2sf) =	vpush v3, $0xD  }
0x463: {  	(v2sf) =	vpush v4, $0xD;
	_ =	sdelay $0xd  }
0x464: {  	s24 =	spop (v2sf)  }
0x465: {  	s25 =	spop (v2sf)  }
0x466: {  	s25 =	ssub.s32 s25, s24  }
0x467: {  	s25 =	sadd.s32 $0xF, s25  }
0x468: {  	s25 =	sshra.s32 s25, $0x4  }
0x469: {  	p0 =	slt.s32 s25, $0x1  }
.Ltmp62:
0x46a: {  	_ = 	snop;
	(pc) =	sbr.rel @p0 .LBB2_94-.Ltmp62, $4  }
0x46b: {  	_ = 	snop  }
0x46c: {  	[sflag:s21] =	ssyncset.done $0x0  }
0x46d: {  	[sflag:s21] =	ssyncadd.s32 $0xFFFF8000  }
0x46e: {  	[tilespmem:s17], [sflag:$0x1] =	stream.linear.gather [hbm4b:s9+s2], $0x8000, $0x38;
	[tilespmem:$0x12900] =	vst v63  }
0x46f: {  	v5 =	vbroadcast v4, $0xD  }
.LBB2_93:
0x470: {  	v6 =	vadd.s32 s24, v0  }
0x471: {  	v7 =	vand.u32 $0x7FF, v6;
	_ =	sdelay $0x4  }
0x472: {  	v7 =	vld.idx.msk [tilespmem:v7+s16+$0x0], $0xffff;
	_ =	sdelay $0x4  }
0x473: {  	v7 =	vand.u32 $0x7FF, v7  }
0x474: {  	v7 =	vmin.u32 v7, $0x7CF  }
0x475: {  	v8 =	vshrl.u32 v7, $0x1;
	_ =	sdelay $0x4  }
0x476: {  	v9 =	vld.idx.msk [tilespmem:v8+s2+$0x0], $0xffff;
	_ =	sdelay $0x4  }
0x477: {  	v10 =	vshll.u32 v9, $0x3  }
0x478: {  	v11 =	vshrl.u32 v9, $0x2;
	v9 =	vand.u32 $0x707F, v9;
	v10 =	vand.u32 $0xC00, v10  }
0x479: {  	v63 =	vand.u32 $0x380, v11;
	v9 =	vor.u32 v10, v9  }
0x47a: {  	v9 =	vor.u32 v63, v9;
	_ =	sdelay $0x2  }
0x47b: {  	v8 =	vld.idx.msk [tilespmem:v8+s12+$0x0], $0xffff;
	_ =	sdelay $0x1  }
0x47c: {  	v9 =	vld.idx.msk [tilespmem:v9+s19+$0x0], $0xffff  }
0x47d: {  	vm0 =	vlt.s32 v6, v5  }
0x47e: {  	p0 =	sne.s32 s25, $0x1  }
.Ltmp63:
0x47f: {  	v6 =	vcvt.s32.f32 v8;
	(pc) =	sbr.rel @p0 .LBB2_93-.Ltmp63, $3  }
0x480: {  	_ = 	snop  }
0x481: {  	v6 =	vmul.f32 v6, v9;
	_ =	sdelay $0x1  }
0x482: {  	s24 =	sadd.s32 $0x10, s24;
	s25 =	sadd.s32 $0xFFFFFFFF, s25;
	[tilespmem:v7+s20+$0x0] =	vst.idx.msk vm0, v6  }
.LBB2_94:
0x483: {  	_ =	swait.ge [sflag:s18], $0x8000  }
0x484: {  	(v2sf) =	vpush v3, $0xE  }
0x485: {  	(v2sf) =	vpush v4, $0xE;
	_ =	sdelay $0xd  }
0x486: {  	s24 =	spop (v2sf)  }
0x487: {  	s25 =	spop (v2sf)  }
0x488: {  	s25 =	ssub.s32 s25, s24  }
0x489: {  	s25 =	sadd.s32 $0xF, s25  }
0x48a: {  	s25 =	sshra.s32 s25, $0x4  }
0x48b: {  	p0 =	slt.s32 s25, $0x1  }
.Ltmp64:
0x48c: {  	_ = 	snop;
	(pc) =	sbr.rel @p0 .LBB2_97-.Ltmp64, $4  }
0x48d: {  	_ = 	snop  }
0x48e: {  	[sflag:s18] =	ssyncset.done $0x0  }
0x48f: {  	[sflag:s18] =	ssyncadd.s32 $0xFFFF8000  }
0x490: {  	[tilespmem:s19], [sflag:$0x2] =	stream.linear.gather [hbm4b:s10+s2], $0x8000, $0x38;
	[tilespmem:$0x12900] =	vst v63  }
0x491: {  	v5 =	vbroadcast v4, $0xE  }
.LBB2_96:
0x492: {  	v6 =	vadd.s32 s24, v0  }
0x493: {  	v7 =	vand.u32 $0x7FF, v6;
	_ =	sdelay $0x4  }
0x494: {  	v7 =	vld.idx.msk [tilespmem:v7+s16+$0x0], $0xffff;
	_ =	sdelay $0x4  }
0x495: {  	v7 =	vand.u32 $0x7FF, v7  }
0x496: {  	v7 =	vmin.u32 v7, $0x7CF  }
0x497: {  	v8 =	vshrl.u32 v7, $0x1;
	_ =	sdelay $0x4  }
0x498: {  	v9 =	vld.idx.msk [tilespmem:v8+s2+$0x0], $0xffff;
	_ =	sdelay $0x4  }
0x499: {  	v10 =	vshll.u32 v9, $0x3  }
0x49a: {  	v11 =	vshrl.u32 v9, $0x2;
	v9 =	vand.u32 $0x707F, v9;
	v10 =	vand.u32 $0xC00, v10  }
0x49b: {  	v63 =	vand.u32 $0x380, v11;
	v9 =	vor.u32 v10, v9  }
0x49c: {  	v9 =	vor.u32 v63, v9;
	_ =	sdelay $0x2  }
0x49d: {  	v8 =	vld.idx.msk [tilespmem:v8+s12+$0x0], $0xffff;
	_ =	sdelay $0x1  }
0x49e: {  	v9 =	vld.idx.msk [tilespmem:v9+s17+$0x0], $0xffff  }
0x49f: {  	vm0 =	vlt.s32 v6, v5  }
0x4a0: {  	p0 =	sne.s32 s25, $0x1  }
.Ltmp65:
0x4a1: {  	v6 =	vcvt.s32.f32 v8;
	(pc) =	sbr.rel @p0 .LBB2_96-.Ltmp65, $3  }
0x4a2: {  	_ = 	snop  }
0x4a3: {  	v6 =	vmul.f32 v6, v9;
	_ =	sdelay $0x1  }
0x4a4: {  	s24 =	sadd.s32 $0x10, s24;
	s25 =	sadd.s32 $0xFFFFFFFF, s25;
	[tilespmem:v7+s20+$0x0] =	vst.idx.msk vm0, v6  }
.LBB2_97:
0x4a5: {  	_ =	swait.ge [sflag:s21], $0x8000  }
0x4a6: {  	(v2sf) =	vpush v3, $0xF  }
0x4a7: {  	(v2sf) =	vpush v4, $0xF;
	_ =	sdelay $0xd  }
0x4a8: {  	s24 =	spop (v2sf)  }
0x4a9: {  	s25 =	spop (v2sf)  }
0x4aa: {  	s25 =	ssub.s32 s25, s24  }
0x4ab: {  	s25 =	sadd.s32 $0xF, s25  }
0x4ac: {  	s25 =	sshra.s32 s25, $0x4  }
0x4ad: {  	p0 =	slt.s32 s25, $0x1  }
.Ltmp66:
0x4ae: {  	_ = 	snop;
	(pc) =	sbr.rel @p0 .LBB2_100-.Ltmp66, $3  }
0x4af: {  	_ =	sdelay $0x1  }
0x4b0: {  	[sflag:s21] =	ssyncset.done $0x0  }
0x4b1: {  	[sflag:s21] =	ssyncadd.s32 $0xFFFF8000  }
0x4b2: {  	v3 =	vbroadcast v4, $0xF  }
.LBB2_99:
0x4b3: {  	v4 =	vadd.s32 s24, v0  }
0x4b4: {  	v5 =	vand.u32 $0x7FF, v4;
	_ =	sdelay $0x4  }
0x4b5: {  	v5 =	vld.idx.msk [tilespmem:v5+s16+$0x0], $0xffff;
	_ =	sdelay $0x4  }
0x4b6: {  	v5 =	vand.u32 $0x7FF, v5  }
0x4b7: {  	v5 =	vmin.u32 v5, $0x7CF  }
0x4b8: {  	v6 =	vshrl.u32 v5, $0x1;
	_ =	sdelay $0x4  }
0x4b9: {  	v7 =	vld.idx.msk [tilespmem:v6+s2+$0x0], $0xffff;
	_ =	sdelay $0x4  }
0x4ba: {  	v8 =	vshll.u32 v7, $0x3  }
0x4bb: {  	v9 =	vshrl.u32 v7, $0x2;
	v7 =	vand.u32 $0x707F, v7;
	v8 =	vand.u32 $0xC00, v8  }
0x4bc: {  	v63 =	vand.u32 $0x380, v9;
	v7 =	vor.u32 v8, v7  }
0x4bd: {  	v7 =	vor.u32 v63, v7;
	_ =	sdelay $0x2  }
0x4be: {  	v6 =	vld.idx.msk [tilespmem:v6+s12+$0x0], $0xffff;
	_ =	sdelay $0x1  }
0x4bf: {  	v7 =	vld.idx.msk [tilespmem:v7+s19+$0x0], $0xffff  }
0x4c0: {  	vm0 =	vlt.s32 v4, v3  }
0x4c1: {  	p0 =	sne.s32 s25, $0x1  }
.Ltmp67:
0x4c2: {  	v4 =	vcvt.s32.f32 v6;
	(pc) =	sbr.rel @p0 .LBB2_99-.Ltmp67, $3  }
0x4c3: {  	_ = 	snop  }
0x4c4: {  	v4 =	vmul.f32 v4, v7;
	_ =	sdelay $0x1  }
0x4c5: {  	s24 =	sadd.s32 $0x10, s24;
	s25 =	sadd.s32 $0xFFFFFFFF, s25;
	[tilespmem:v5+s20+$0x0] =	vst.idx.msk vm0, v4  }
.Ltmp68:
0x4c6: {  	_ = 	snop;
	(pc) =	sbr.rel .LBB2_100-.Ltmp68, $1  }
0x4c7: {  	_ =	sdelay $0x3  }
.LBB2_101:
0x4c8: {  	_ =	sfence.sel $0x180000  }
0x4c9: {  	[bflag:$0x0] =	sbarrier.arrive $0xFFFF  }
0x4ca: {  	_ =	strace $0x90000047  }
0x4cb: {  	s0 =	stileid.u32;
	[bflag:$0x2] =	sbarrier.arrive $0xFFFF  }
0x4cc: {  	p0 =	sne.s32 s0, $0x0;
	s0 =	rddreg [dreg:$0x2]  }
0x4cd: {  	s0 =	sadd.s32 @!p0 $0x100000, s0  }
0x4ce: {  	[sflag:s0] =	ssyncadd.tile.s32 @!p0 $0x1;
	_ =	shalt  }
.Lfunc_end2:
_tile_overlayer_lowered:
.L_overlay_start_2:
0x4cf: {  	(tag) =	ssettag $0x2  }
0x4d0: {  	s0 =	rddreg [dreg:$0x0];
	s2 =	stileid.u32  }
0x4d1: {  	s1 =	rddreg [dreg:$0x1];
	p0 =	sne.s32 s2, $0x0  }
0x4d2: {  	s3 =	rddreg [dreg:$0x2];
	[bflag:$0x3] =	sbarrier.arrive $0xFFFF;
	s2 =	simm.s32 @!p0 $0x1C03  }
0x4d3: {  	[timem:s3], [sflag:s2] =	dma.local @!p0 [hbm:s0], s1  }
0x4d4: {  	s0 =	simm.s32 @!p0 $0x3  }
0x4d5: {  	_ =	swait.ge @!p0 [sflag:s0], s1  }
0x4d6: {  	s1 =	ssub.s32 @!p0 $0x0, s1;
	[sflag:s0] =	ssyncset.done @!p0 $0x0  }
0x4d7: {  	[sflag:s0] =	ssyncadd.s32 @!p0 s1  }
0x4d8: {  	[bflag:$0x3] =	sbarrier.arrive $0xFFFF  }
0x4d9: {  	_ =	shalt  }

</sc_bundles>
